<compile_context>
chip_gen: v7x
topology: tpu7x:2x2x1
jax: 0.10.2.dev20260603
libtpu: 0.0.44.dev20260713+nightly
codegen_flags: <defaults>
</compile_context>

<pallas_src>
import jax
import jax.numpy as jnp
from jax import lax
from jax.experimental import pallas as pl
from jax.experimental.pallas import tpu as pltpu
from jax.experimental.pallas import tpu_sc as plsc

_E = 16
_D = 768
_DFF = 2048
_T = 2048
_BM = 128
_NTILES = 32
_TPAD = _NTILES * _BM
_NBUF = 3

_SCB_W = 32
_SCB_TOK = _T // _SCB_W



def _router_body(x_ref, wr_ref, out_ref):
    out_ref[...] = jax.lax.dot_general(
        x_ref[...], wr_ref[...], (((1,), (1,)), ((), ())),
        preferred_element_type=jnp.float32)


def _router_logits(x, w_router):
    return pl.pallas_call(
        _router_body,
        out_shape=jax.ShapeDtypeStruct((_T, _E), jnp.float32),
    )(x, w_router)



def _sca1_body(logits_hbm, eid_hbm, rank_hbm, wden_hbm, cnt_hbm,
               lv_ref, eid_ref, rank_ref, wv_ref, cnt_ref):
    wid = lax.axis_index("s") * 2 + lax.axis_index("c")
    base = wid * _SCB_TOK
    pltpu.sync_copy(logits_hbm.at[pl.ds(base, _SCB_TOK)], lv_ref)

    lane = lax.iota(jnp.int32, 16)
    cnt = jnp.zeros((16,), jnp.int32)
    for g in range(_SCB_TOK // 16):
        acc_e = jnp.zeros((16,), jnp.int32)
        acc_r = jnp.zeros((16,), jnp.int32)
        acc_w = jnp.zeros((16,), jnp.float32)
        for j in range(16):
            lv = lv_ref[g * 16 + j, :]
            m = jnp.max(lv)
            e_splat = plsc.all_reduce_ffs(lv == m)
            wgt = jnp.sum(jnp.exp(lv - m))
            onehot = (lane == e_splat).astype(jnp.int32)
            rank = jnp.sum(cnt * onehot)
            cnt = cnt + onehot
            sel = lane == j
            acc_e = jnp.where(sel, e_splat, acc_e)
            acc_r = jnp.where(sel, rank, acc_r)
            acc_w = jnp.where(sel, wgt, acc_w)
        eid_ref[pl.ds(g * 16, 16)] = acc_e
        rank_ref[pl.ds(g * 16, 16)] = acc_r
        wv_ref[pl.ds(g * 16, 16)] = acc_w

    cnt_ref[...] = cnt
    pltpu.sync_copy(eid_ref, eid_hbm.at[pl.ds(base, _SCB_TOK)])
    pltpu.sync_copy(rank_ref, rank_hbm.at[pl.ds(base, _SCB_TOK)])
    pltpu.sync_copy(wv_ref, wden_hbm.at[pl.ds(base, _SCB_TOK)])
    pltpu.sync_copy(cnt_ref, cnt_hbm.at[wid])


def _sc_route(logits):
    f = pl.kernel(
        _sca1_body,
        out_type=(
            jax.ShapeDtypeStruct((_T,), jnp.int32),
            jax.ShapeDtypeStruct((_T,), jnp.int32),
            jax.ShapeDtypeStruct((_T,), jnp.float32),
            jax.ShapeDtypeStruct((_SCB_W, _E), jnp.int32),
        ),
        mesh=plsc.VectorSubcoreMesh(
            core_axis_name="c", subcore_axis_name="s"),
        compiler_params=pltpu.CompilerParams(needs_layout_passes=False),
        scratch_types=[
            pltpu.VMEM((_SCB_TOK, _E), jnp.float32),
            pltpu.VMEM((_SCB_TOK,), jnp.int32),
            pltpu.VMEM((_SCB_TOK,), jnp.int32),
            pltpu.VMEM((_SCB_TOK,), jnp.float32),
            pltpu.VMEM((_E,), jnp.int32),
        ],
    )
    return f(logits)



def _sca2_body(x_hbm, eid_hbm, rank_hbm, off_hbm,
               xpad_hbm, pos_hbm,
               eid_ref, rank_ref, posv_ref, off_ref, xrow_ref,
               sem):
    wid = lax.axis_index("s") * 2 + lax.axis_index("c")
    base = wid * _SCB_TOK
    pltpu.sync_copy(eid_hbm.at[pl.ds(base, _SCB_TOK)], eid_ref)
    pltpu.sync_copy(rank_hbm.at[pl.ds(base, _SCB_TOK)], rank_ref)
    pltpu.sync_copy(off_hbm.at[wid], off_ref)

    for g in range(_SCB_TOK // 16):
        ev = eid_ref[pl.ds(g * 16, 16)]
        offg = plsc.load_gather(off_ref, [ev])
        posv_ref[pl.ds(g * 16, 16)] = offg + rank_ref[pl.ds(g * 16, 16)]

    pltpu.sync_copy(x_hbm.at[pl.ds(base, _SCB_TOK)], xrow_ref)
    cp = pltpu.make_async_copy(xrow_ref, xpad_hbm.at[posv_ref], sem)
    cp.start()
    cp.wait()
    pltpu.sync_copy(posv_ref, pos_hbm.at[pl.ds(base, _SCB_TOK)])


def _sc_dispatch(x, eid, rank, off):
    f = pl.kernel(
        _sca2_body,
        out_type=(
            jax.ShapeDtypeStruct((_TPAD, _D), jnp.float32),
            jax.ShapeDtypeStruct((_T,), jnp.int32),
        ),
        mesh=plsc.VectorSubcoreMesh(
            core_axis_name="c", subcore_axis_name="s"),
        compiler_params=pltpu.CompilerParams(needs_layout_passes=False),
        scratch_types=[
            pltpu.VMEM((_SCB_TOK,), jnp.int32),
            pltpu.VMEM((_SCB_TOK,), jnp.int32),
            pltpu.VMEM((_SCB_TOK,), jnp.int32),
            pltpu.VMEM((_E,), jnp.int32),
            pltpu.VMEM((_SCB_TOK, _D), jnp.float32),
            pltpu.SemaphoreType.DMA,
        ],
    )
    return f(x, eid, rank, off)



def _scb_body(ypad_hbm, pos_hbm, out_hbm, posv_ref, rows_ref, sem):
    wid = lax.axis_index("s") * 2 + lax.axis_index("c")
    base = wid * _SCB_TOK
    pltpu.sync_copy(pos_hbm.at[pl.ds(base, _SCB_TOK)], posv_ref)
    cp = pltpu.make_async_copy(ypad_hbm.at[posv_ref], rows_ref, sem)
    cp.start()
    cp.wait()
    pltpu.sync_copy(rows_ref, out_hbm.at[pl.ds(base, _SCB_TOK)])


def _sc_combine(y_padded, pos):
    f = pl.kernel(
        _scb_body,
        out_type=jax.ShapeDtypeStruct((_T, _D), jnp.float32),
        mesh=plsc.VectorSubcoreMesh(
            core_axis_name="c", subcore_axis_name="s"),
        compiler_params=pltpu.CompilerParams(needs_layout_passes=False),
        scratch_types=[
            pltpu.VMEM((_SCB_TOK,), jnp.int32),
            pltpu.VMEM((_SCB_TOK, _D), jnp.float32),
            pltpu.SemaphoreType.DMA,
        ],
    )
    return f(y_padded, pos)



def _gemm_body(eot_ref, fetch_ref, chidx_ref, chexp_ref, chexists_ref,
               valid_ref, x_ref, wg_hbm, wu_hbm, wd_hbm, y_ref,
               wgb, wub, wdb, semg, semu, semd):
    s = pl.program_id(0)
    c = chidx_ref[s]
    b = jax.lax.rem(c, _NBUF)

    def start_fetch(slot, e):
        pltpu.make_async_copy(wg_hbm.at[e], wgb.at[slot], semg.at[slot]).start()
        pltpu.make_async_copy(wu_hbm.at[e], wub.at[slot], semu.at[slot]).start()
        pltpu.make_async_copy(wd_hbm.at[e], wdb.at[slot], semd.at[slot]).start()

    @pl.when(s == 0)
    def _():
        for c0 in range(_NBUF - 1):
            @pl.when(chexists_ref[c0] == 1)
            def _():
                start_fetch(c0, chexp_ref[c0])

    @pl.when(fetch_ref[s] == 1)
    def _():
        e = eot_ref[s]
        pltpu.make_async_copy(wg_hbm.at[e], wgb.at[b], semg.at[b]).wait()
        pltpu.make_async_copy(wu_hbm.at[e], wub.at[b], semu.at[b]).wait()
        pltpu.make_async_copy(wd_hbm.at[e], wdb.at[b], semd.at[b]).wait()
        c2 = c + _NBUF - 1

        @pl.when(chexists_ref[c2] == 1)
        def _():
            start_fetch(jax.lax.rem(c2, _NBUF), chexp_ref[c2])

    @pl.when(valid_ref[s] == 1)
    def _():
        x = x_ref[...].astype(jnp.bfloat16)
        g = jax.lax.dot_general(x, wgb[b].astype(jnp.bfloat16),
                                (((1,), (1,)), ((), ())),
                                preferred_element_type=jnp.float32)
        u = jax.lax.dot_general(x, wub[b].astype(jnp.bfloat16),
                                (((1,), (1,)), ((), ())),
                                preferred_element_type=jnp.float32)
        h = (g * jax.nn.sigmoid(g) * u).astype(jnp.bfloat16)
        y_ref[...] = jax.lax.dot_general(
            h, wdb[b].astype(jnp.bfloat16), (((1,), (1,)), ((), ())),
            preferred_element_type=jnp.float32)


def _grouped_gemm(eot, fetch, chidx, chexp, chexists, valid,
                  x_padded, w_gate, w_up, w_down):
    grid_spec = pltpu.PrefetchScalarGridSpec(
        num_scalar_prefetch=6,
        grid=(_NTILES,),
        in_specs=[
            pl.BlockSpec((_BM, _D), lambda s, *_: (s, 0)),
            pl.BlockSpec(memory_space=pltpu.HBM),
            pl.BlockSpec(memory_space=pltpu.HBM),
            pl.BlockSpec(memory_space=pltpu.HBM),
        ],
        out_specs=pl.BlockSpec((_BM, _D), lambda s, *_: (s, 0)),
        scratch_shapes=[
            pltpu.VMEM((_NBUF, _DFF, _D), jnp.float32),
            pltpu.VMEM((_NBUF, _DFF, _D), jnp.float32),
            pltpu.VMEM((_NBUF, _D, _DFF), jnp.float32),
            pltpu.SemaphoreType.DMA((_NBUF,)),
            pltpu.SemaphoreType.DMA((_NBUF,)),
            pltpu.SemaphoreType.DMA((_NBUF,)),
        ],
    )
    return pl.pallas_call(
        _gemm_body,
        grid_spec=grid_spec,
        out_shape=jax.ShapeDtypeStruct((_TPAD, _D), jnp.float32),
        compiler_params=pltpu.CompilerParams(
            vmem_limit_bytes=100 * 1024 * 1024),
    )(eot, fetch, chidx, chexp, chexists, valid,
      x_padded, w_gate, w_up, w_down)


def kernel(inputs, W_router, W_gate, W_up, W_down):
    x = inputs
    logits = _router_logits(x, W_router)

    eid, rank, w_den, cnt_tile = _sc_route(logits)
    w_tok = 1.0 / w_den

    counts = jnp.sum(cnt_tile, axis=0)
    padded = ((counts + _BM - 1) // _BM) * _BM
    base = jnp.cumsum(padded) - padded
    prior = jnp.cumsum(cnt_tile, axis=0) - cnt_tile
    off = (base[None, :] + prior).astype(jnp.int32)

    x_padded, pos = _sc_dispatch(x, eid, rank, off)
    s_idx = jnp.arange(_NTILES)
    tile_start = base // _BM
    tile_end = (base + padded) // _BM
    in_range = (s_idx[:, None] >= tile_start[None]) & (s_idx[:, None] < tile_end[None])
    eot = jnp.sum(jnp.arange(_E)[None] * in_range, axis=1).astype(jnp.int32)
    valid = jnp.any(in_range, axis=1).astype(jnp.int32)
    eot = jnp.where(valid == 1, eot, jnp.max(eot * valid)).astype(jnp.int32)
    change = jnp.concatenate([jnp.ones((1,), jnp.int32),
                              (eot[1:] != eot[:-1]).astype(jnp.int32)])
    chidx = (jnp.cumsum(change) - 1).astype(jnp.int32)
    nz = (counts > 0).astype(jnp.int32)
    crank = jnp.cumsum(nz) - nz
    c_idx = jnp.arange(_E + _NBUF)
    match = (c_idx[:, None] == crank[None, :]) & (nz[None, :] == 1)
    chexp = jnp.sum(jnp.where(match, jnp.arange(_E)[None, :], 0),
                    axis=1).astype(jnp.int32)
    chexists = (c_idx < jnp.sum(nz)).astype(jnp.int32)

    y_padded = _grouped_gemm(eot, change, chidx, chexp, chexists, valid,
                             x_padded, W_gate, W_up, W_down)
    return _sc_combine(y_padded, pos) * w_tok[:, None]

# --- scband reference (transcript-rebuilt; emitter-appended) ---
"""Pipeline reference for scband-expert-parallel-mo-e-59622736003407 (READ-ONLY COPY).

The authoritative reference and input builder live on the scoring server;
editing this copy changes nothing except your own understanding.
"""

import jax, jax.numpy as jnp
import numpy as np

E = 16
TOP_K = 1
D = 768
D_FF = 2048
T = 2048


def setup_inputs(seed: int = 0) -> dict:
    key = jax.random.key(seed)
    ks = jax.random.split(key, 5)
    x = jax.random.normal(ks[0], (T, D), dtype=jnp.float32)
    W_router = jax.random.normal(ks[1], (E, D), dtype=jnp.float32) * 0.02
    W_gate = jax.random.normal(ks[2], (E, D_FF, D), dtype=jnp.float32) * 0.02
    W_up = jax.random.normal(ks[3], (E, D_FF, D), dtype=jnp.float32) * 0.02
    W_down = jax.random.normal(ks[4], (E, D, D_FF), dtype=jnp.float32) * 0.02
    return {"inputs": x, "W_router": W_router, "W_gate": W_gate, "W_up": W_up, "W_down": W_down}


def reference(inputs, W_router, W_gate, W_up, W_down):
    # Router (nn.Linear without bias)
    router_logits = inputs @ W_router.T  # [T, E]
    # softmax_topk order: softmax over all experts in fp32, then top-k
    all_probs = jax.nn.softmax(router_logits.astype(jnp.float32), axis=-1)
    weights, selected_experts = jax.lax.top_k(all_probs, TOP_K)  # [T, K]
    flat_sel = selected_experts.reshape(-1)  # [T*K]
    flat_w = weights.reshape(-1)
    token_ids = np.repeat(np.arange(T), TOP_K)
    out = jnp.zeros((T, D), dtype=jnp.float32)
    # Group tokens by expert (single-rank emulation of all-to-all dispatch),
    # process each through its SwiGLU expert, scatter-add weighted results back.
    tok_idx = jnp.asarray(token_ids)
    toks = inputs[tok_idx]  # gather dispatched tokens
    for e in range(E):
        mask = (flat_sel == e).astype(jnp.float32)
        h = jax.nn.silu(toks @ W_gate[e].T) * (toks @ W_up[e].T)
        y = h @ W_down[e].T
        out = out.at[tok_idx].add(y * (flat_w * mask)[:, None])
    return out

if __name__ == "__main__":
    import jax
    _d = setup_inputs()
    print(jax.jit(kernel)(*tuple(_d.values())))

</pallas_src>

<mosaic_0001>
#map = affine_map<(d0, d1) -> (0, 0)>
#map1 = affine_map<(d0, d1) -> (0)>
module attributes {stable_mosaic.version = 14 : i64} {
  func.func @_sca1_body(%arg0: i32, %arg1: i32, %arg2: memref<2048x16xf32, #tpu.memory_space<hbm>>, %arg3: memref<2048xi32, #tpu.memory_space<hbm>>, %arg4: memref<2048xi32, #tpu.memory_space<hbm>>, %arg5: memref<2048xf32, #tpu.memory_space<hbm>>, %arg6: memref<32x16xi32, #tpu.memory_space<hbm>>, %arg7: memref<64x16xf32, #tpu.memory_space<vmem>>, %arg8: memref<64xi32, #tpu.memory_space<vmem>>, %arg9: memref<64xi32, #tpu.memory_space<vmem>>, %arg10: memref<64xf32, #tpu.memory_space<vmem>>, %arg11: memref<16xi32, #tpu.memory_space<vmem>>) attributes {dimension_semantics = [#tpu.dimension_semantics<core_parallel>, #tpu.dimension_semantics<subcore_parallel>], iteration_bounds = array<i64: 2, 16>, scalar_prefetch = 0 : i64, scratch_operands = 5 : i64, tpu.core_type = #tpu.core_type<sc_vector_subcore>, window_params = [{transform_indices = #map}, {transform_indices = #map1}, {transform_indices = #map1}, {transform_indices = #map1}, {transform_indices = #map}]} {
    %mul3A = arith.constant 2 : i32
    %mul3A_0 = arith.muli %arg1, %mul3A : i32
    %add3A = arith.addi %mul3A_0, %arg0 : i32
    %mul3A_1 = arith.constant 64 : i32
    %mul3A_2 = arith.muli %add3A, %mul3A_1 : i32
    "tpu.region"() ({
      %run_scoped3A = tpu.sem_alloc : memref<!tpu.dma_semaphore, #tpu.memory_space<semaphore_mem>>
      %dma_start3A = arith.constant 0 : i32
      %dma_start3A_2220 = tpu.memref_slice %arg2[%mul3A_2, %dma_start3A] : memref<2048x16xf32, #tpu.memory_space<hbm>> -> memref<64x16xf32, #tpu.memory_space<hbm>>
      %dma_start3A_2221 = arith.constant 0 : i32
      %dma_start3A_2222 = tpu.memref_slice %arg2[%mul3A_2, %dma_start3A_2221] : memref<2048x16xf32, #tpu.memory_space<hbm>> -> memref<64x16xf32, #tpu.memory_space<hbm>>
      tpu.enqueue_dma source(%dma_start3A_2222 : memref<64x16xf32, #tpu.memory_space<hbm>>) target(%arg7 : memref<64x16xf32, #tpu.memory_space<vmem>>) target_semaphore(%run_scoped3A : memref<!tpu.dma_semaphore, #tpu.memory_space<semaphore_mem>>)
      %dma_wait3A = arith.constant 0 : i32
      %dma_wait3A_2223 = tpu.memref_slice %arg2[%mul3A_2, %dma_wait3A] : memref<2048x16xf32, #tpu.memory_space<hbm>> -> memref<64x16xf32, #tpu.memory_space<hbm>>
      %dma_wait3A_2224 = arith.constant 0 : i32
      %dma_wait3A_2225 = tpu.memref_slice %arg2[%mul3A_2, %dma_wait3A_2224] : memref<2048x16xf32, #tpu.memory_space<hbm>> -> memref<64x16xf32, #tpu.memory_space<hbm>>
      tpu.wait_dma2 semaphore(%run_scoped3A : memref<!tpu.dma_semaphore, #tpu.memory_space<semaphore_mem>>) src(%dma_wait3A_2225 : memref<64x16xf32, #tpu.memory_space<hbm>>) dst(%arg7 : memref<64x16xf32, #tpu.memory_space<vmem>>)
      tpu.yield
    }) : () -> ()
    %iota3A = tpu.iota {dimensions = array<i32: 0>} : vector<16xi32>
    %broadcast_in_dim3A = arith.constant 0 : i32
    %broadcast_in_dim3A_3 = vector.broadcast %broadcast_in_dim3A : i32 to vector<16xi32>
    %broadcast_in_dim3A_4 = arith.constant 0 : i32
    %broadcast_in_dim3A_5 = vector.broadcast %broadcast_in_dim3A_4 : i32 to vector<16xi32>
    %broadcast_in_dim3A_6 = arith.constant 0 : i32
    %broadcast_in_dim3A_7 = vector.broadcast %broadcast_in_dim3A_6 : i32 to vector<16xi32>
    %broadcast_in_dim3A_8 = arith.constant 0.000000e+00 : f32
    %broadcast_in_dim3A_9 = vector.broadcast %broadcast_in_dim3A_8 : f32 to vector<16xf32>
    %get3A = arith.constant 0 : i32
    %get3A_10 = arith.index_cast %get3A : i32 to index
    %get3A_11 = arith.constant 0 : index
    %get3A_12 = tpu.vector_load %arg7[%get3A_10, %get3A_11] {strides = array<i32>} : memref<64x16xf32, #tpu.memory_space<vmem>>, vector<16xf32>,
    %reduce_max3A = arith.constant true
    %reduce_max3A_13 = vector.broadcast %reduce_max3A : i1 to vector<16xi1>
    %reduce_max3A_14 = tpu.scan <max>, %get3A_12 masked %reduce_max3A_13 : vector<16xf32>, vector<16xi1> -> vector<16xf32>
    %reduce_max3A_15 = vector.extract %reduce_max3A_14[15] : f32 from vector<16xf32>
    %eq3A = vector.broadcast %reduce_max3A_15 : f32 to vector<16xf32>
    %eq3A_16 = arith.cmpf oeq, %get3A_12, %eq3A : vector<16xf32>
    %all_reduce_ffs3A = tpu.all_reduce %eq3A_16 {dim = 0 : i64, kind = #tpu.reduction_kind<find_first_set>} : vector<16xi1> -> vector<16xi32>
    %sub3A = vector.broadcast %reduce_max3A_15 : f32 to vector<16xf32>
    %sub3A_17 = arith.subf %get3A_12, %sub3A : vector<16xf32>
    %exp3A = math.exp %sub3A_17 : vector<16xf32>
    %reduce_sum3A = arith.constant true
    %reduce_sum3A_18 = vector.broadcast %reduce_sum3A : i1 to vector<16xi1>
    %reduce_sum3A_19 = tpu.scan <sum>, %exp3A masked %reduce_sum3A_18 : vector<16xf32>, vector<16xi1> -> vector<16xf32>
    %reduce_sum3A_20 = vector.extract %reduce_sum3A_19[15] : f32 from vector<16xf32>
    %eq3A_21 = arith.cmpi eq, %iota3A, %all_reduce_ffs3A : vector<16xi32>
    %convert_element_type3A = arith.extui %eq3A_21 : vector<16xi1> to vector<16xi32>
    %mul3A_22 = arith.muli %broadcast_in_dim3A_3, %convert_element_type3A : vector<16xi32>
    %reduce_sum3A_23 = arith.constant true
    %reduce_sum3A_24 = vector.broadcast %reduce_sum3A_23 : i1 to vector<16xi1>
    %reduce_sum3A_25 = tpu.scan <sum>, %mul3A_22 masked %reduce_sum3A_24 : vector<16xi32>, vector<16xi1> -> vector<16xi32>
    %reduce_sum3A_26 = vector.extract %reduce_sum3A_25[15] : i32 from vector<16xi32>
    %add3A_27 = arith.addi %broadcast_in_dim3A_3, %convert_element_type3A : vector<16xi32>
    %eq3A_28 = arith.constant 0 : i32
    %eq3A_29 = vector.broadcast %eq3A_28 : i32 to vector<16xi32>
    %eq3A_30 = arith.cmpi eq, %iota3A, %eq3A_29 : vector<16xi32>
    %select_n3A = arith.select %eq3A_30, %all_reduce_ffs3A, %broadcast_in_dim3A_5 : vector<16xi1>, vector<16xi32>
    %broadcast_in_dim3A_31 = vector.broadcast %reduce_sum3A_26 : i32 to vector<16xi32>
    %select_n3A_32 = arith.select %eq3A_30, %broadcast_in_dim3A_31, %broadcast_in_dim3A_7 : vector<16xi1>, vector<16xi32>
    %broadcast_in_dim3A_33 = vector.broadcast %reduce_sum3A_20 : f32 to vector<16xf32>
    %select_n3A_34 = arith.select %eq3A_30, %broadcast_in_dim3A_33, %broadcast_in_dim3A_9 : vector<16xi1>, vector<16xf32>
    %get3A_35 = arith.constant 1 : i32
    %get3A_36 = arith.index_cast %get3A_35 : i32 to index
    %get3A_37 = arith.constant 0 : index
    %get3A_38 = tpu.vector_load %arg7[%get3A_36, %get3A_37] {strides = array<i32>} : memref<64x16xf32, #tpu.memory_space<vmem>>, vector<16xf32>,
    %reduce_max3A_39 = arith.constant true
    %reduce_max3A_40 = vector.broadcast %reduce_max3A_39 : i1 to vector<16xi1>
    %reduce_max3A_41 = tpu.scan <max>, %get3A_38 masked %reduce_max3A_40 : vector<16xf32>, vector<16xi1> -> vector<16xf32>
    %reduce_max3A_42 = vector.extract %reduce_max3A_41[15] : f32 from vector<16xf32>
    %eq3A_43 = vector.broadcast %reduce_max3A_42 : f32 to vector<16xf32>
    %eq3A_44 = arith.cmpf oeq, %get3A_38, %eq3A_43 : vector<16xf32>
    %all_reduce_ffs3A_45 = tpu.all_reduce %eq3A_44 {dim = 0 : i64, kind = #tpu.reduction_kind<find_first_set>} : vector<16xi1> -> vector<16xi32>
    %sub3A_46 = vector.broadcast %reduce_max3A_42 : f32 to vector<16xf32>
    %sub3A_47 = arith.subf %get3A_38, %sub3A_46 : vector<16xf32>
    %exp3A_48 = math.exp %sub3A_47 : vector<16xf32>
    %reduce_sum3A_49 = arith.constant true
    %reduce_sum3A_50 = vector.broadcast %reduce_sum3A_49 : i1 to vector<16xi1>
    %reduce_sum3A_51 = tpu.scan <sum>, %exp3A_48 masked %reduce_sum3A_50 : vector<16xf32>, vector<16xi1> -> vector<16xf32>
    %reduce_sum3A_52 = vector.extract %reduce_sum3A_51[15] : f32 from vector<16xf32>
    %eq3A_53 = arith.cmpi eq, %iota3A, %all_reduce_ffs3A_45 : vector<16xi32>
    %convert_element_type3A_54 = arith.extui %eq3A_53 : vector<16xi1> to vector<16xi32>
    %mul3A_55 = arith.muli %add3A_27, %convert_element_type3A_54 : vector<16xi32>
    %reduce_sum3A_56 = arith.constant true
    %reduce_sum3A_57 = vector.broadcast %reduce_sum3A_56 : i1 to vector<16xi1>
    %reduce_sum3A_58 = tpu.scan <sum>, %mul3A_55 masked %reduce_sum3A_57 : vector<16xi32>, vector<16xi1> -> vector<16xi32>
    %reduce_sum3A_59 = vector.extract %reduce_sum3A_58[15] : i32 from vector<16xi32>
    %add3A_60 = arith.addi %add3A_27, %convert_element_type3A_54 : vector<16xi32>
    %eq3A_61 = arith.constant 1 : i32
    %eq3A_62 = vector.broadcast %eq3A_61 : i32 to vector<16xi32>
    %eq3A_63 = arith.cmpi eq, %iota3A, %eq3A_62 : vector<16xi32>
    %select_n3A_64 = arith.select %eq3A_63, %all_reduce_ffs3A_45, %select_n3A : vector<16xi1>, vector<16xi32>
    %broadcast_in_dim3A_65 = vector.broadcast %reduce_sum3A_59 : i32 to vector<16xi32>
    %select_n3A_66 = arith.select %eq3A_63, %broadcast_in_dim3A_65, %select_n3A_32 : vector<16xi1>, vector<16xi32>
    %broadcast_in_dim3A_67 = vector.broadcast %reduce_sum3A_52 : f32 to vector<16xf32>
    %select_n3A_68 = arith.select %eq3A_63, %broadcast_in_dim3A_67, %select_n3A_34 : vector<16xi1>, vector<16xf32>
    %get3A_69 = arith.constant 2 : i32
    %get3A_70 = arith.index_cast %get3A_69 : i32 to index
    %get3A_71 = arith.constant 0 : index
    %get3A_72 = tpu.vector_load %arg7[%get3A_70, %get3A_71] {strides = array<i32>} : memref<64x16xf32, #tpu.memory_space<vmem>>, vector<16xf32>,
    %reduce_max3A_73 = arith.constant true
    %reduce_max3A_74 = vector.broadcast %reduce_max3A_73 : i1 to vector<16xi1>
    %reduce_max3A_75 = tpu.scan <max>, %get3A_72 masked %reduce_max3A_74 : vector<16xf32>, vector<16xi1> -> vector<16xf32>
    %reduce_max3A_76 = vector.extract %reduce_max3A_75[15] : f32 from vector<16xf32>
    %eq3A_77 = vector.broadcast %reduce_max3A_76 : f32 to vector<16xf32>
    %eq3A_78 = arith.cmpf oeq, %get3A_72, %eq3A_77 : vector<16xf32>
    %all_reduce_ffs3A_79 = tpu.all_reduce %eq3A_78 {dim = 0 : i64, kind = #tpu.reduction_kind<find_first_set>} : vector<16xi1> -> vector<16xi32>
    %sub3A_80 = vector.broadcast %reduce_max3A_76 : f32 to vector<16xf32>
    %sub3A_81 = arith.subf %get3A_72, %sub3A_80 : vector<16xf32>
    %exp3A_82 = math.exp %sub3A_81 : vector<16xf32>
    %reduce_sum3A_83 = arith.constant true
    %reduce_sum3A_84 = vector.broadcast %reduce_sum3A_83 : i1 to vector<16xi1>
    %reduce_sum3A_85 = tpu.scan <sum>, %exp3A_82 masked %reduce_sum3A_84 : vector<16xf32>, vector<16xi1> -> vector<16xf32>
    %reduce_sum3A_86 = vector.extract %reduce_sum3A_85[15] : f32 from vector<16xf32>
    %eq3A_87 = arith.cmpi eq, %iota3A, %all_reduce_ffs3A_79 : vector<16xi32>
    %convert_element_type3A_88 = arith.extui %eq3A_87 : vector<16xi1> to vector<16xi32>
    %mul3A_89 = arith.muli %add3A_60, %convert_element_type3A_88 : vector<16xi32>
    %reduce_sum3A_90 = arith.constant true
    %reduce_sum3A_91 = vector.broadcast %reduce_sum3A_90 : i1 to vector<16xi1>
    %reduce_sum3A_92 = tpu.scan <sum>, %mul3A_89 masked %reduce_sum3A_91 : vector<16xi32>, vector<16xi1> -> vector<16xi32>
    %reduce_sum3A_93 = vector.extract %reduce_sum3A_92[15] : i32 from vector<16xi32>
    %add3A_94 = arith.addi %add3A_60, %convert_element_type3A_88 : vector<16xi32>
    %eq3A_95 = arith.constant 2 : i32
    %eq3A_96 = vector.broadcast %eq3A_95 : i32 to vector<16xi32>
    %eq3A_97 = arith.cmpi eq, %iota3A, %eq3A_96 : vector<16xi32>
    %select_n3A_98 = arith.select %eq3A_97, %all_reduce_ffs3A_79, %select_n3A_64 : vector<16xi1>, vector<16xi32>
    %broadcast_in_dim3A_99 = vector.broadcast %reduce_sum3A_93 : i32 to vector<16xi32>
    %select_n3A_100 = arith.select %eq3A_97, %broadcast_in_dim3A_99, %select_n3A_66 : vector<16xi1>, vector<16xi32>
    %broadcast_in_dim3A_101 = vector.broadcast %reduce_sum3A_86 : f32 to vector<16xf32>
    %select_n3A_102 = arith.select %eq3A_97, %broadcast_in_dim3A_101, %select_n3A_68 : vector<16xi1>, vector<16xf32>
    %get3A_103 = arith.constant 3 : i32
    %get3A_104 = arith.index_cast %get3A_103 : i32 to index
    %get3A_105 = arith.constant 0 : index
    %get3A_106 = tpu.vector_load %arg7[%get3A_104, %get3A_105] {strides = array<i32>} : memref<64x16xf32, #tpu.memory_space<vmem>>, vector<16xf32>,
    %reduce_max3A_107 = arith.constant true
    %reduce_max3A_108 = vector.broadcast %reduce_max3A_107 : i1 to vector<16xi1>
    %reduce_max3A_109 = tpu.scan <max>, %get3A_106 masked %reduce_max3A_108 : vector<16xf32>, vector<16xi1> -> vector<16xf32>
    %reduce_max3A_110 = vector.extract %reduce_max3A_109[15] : f32 from vector<16xf32>
    %eq3A_111 = vector.broadcast %reduce_max3A_110 : f32 to vector<16xf32>
    %eq3A_112 = arith.cmpf oeq, %get3A_106, %eq3A_111 : vector<16xf32>
    %all_reduce_ffs3A_113 = tpu.all_reduce %eq3A_112 {dim = 0 : i64, kind = #tpu.reduction_kind<find_first_set>} : vector<16xi1> -> vector<16xi32>
    %sub3A_114 = vector.broadcast %reduce_max3A_110 : f32 to vector<16xf32>
    %sub3A_115 = arith.subf %get3A_106, %sub3A_114 : vector<16xf32>
    %exp3A_116 = math.exp %sub3A_115 : vector<16xf32>
    %reduce_sum3A_117 = arith.constant true
    %reduce_sum3A_118 = vector.broadcast %reduce_sum3A_117 : i1 to vector<16xi1>
    %reduce_sum3A_119 = tpu.scan <sum>, %exp3A_116 masked %reduce_sum3A_118 : vector<16xf32>, vector<16xi1> -> vector<16xf32>
    %reduce_sum3A_120 = vector.extract %reduce_sum3A_119[15] : f32 from vector<16xf32>
    %eq3A_121 = arith.cmpi eq, %iota3A, %all_reduce_ffs3A_113 : vector<16xi32>
    %convert_element_type3A_122 = arith.extui %eq3A_121 : vector<16xi1> to vector<16xi32>
    %mul3A_123 = arith.muli %add3A_94, %convert_element_type3A_122 : vector<16xi32>
    %reduce_sum3A_124 = arith.constant true
    %reduce_sum3A_125 = vector.broadcast %reduce_sum3A_124 : i1 to vector<16xi1>
    %reduce_sum3A_126 = tpu.scan <sum>, %mul3A_123 masked %reduce_sum3A_125 : vector<16xi32>, vector<16xi1> -> vector<16xi32>
    %reduce_sum3A_127 = vector.extract %reduce_sum3A_126[15] : i32 from vector<16xi32>
    %add3A_128 = arith.addi %add3A_94, %convert_element_type3A_122 : vector<16xi32>
    %eq3A_129 = arith.constant 3 : i32
    %eq3A_130 = vector.broadcast %eq3A_129 : i32 to vector<16xi32>
    %eq3A_131 = arith.cmpi eq, %iota3A, %eq3A_130 : vector<16xi32>
    %select_n3A_132 = arith.select %eq3A_131, %all_reduce_ffs3A_113, %select_n3A_98 : vector<16xi1>, vector<16xi32>
    %broadcast_in_dim3A_133 = vector.broadcast %reduce_sum3A_127 : i32 to vector<16xi32>
    %select_n3A_134 = arith.select %eq3A_131, %broadcast_in_dim3A_133, %select_n3A_100 : vector<16xi1>, vector<16xi32>
    %broadcast_in_dim3A_135 = vector.broadcast %reduce_sum3A_120 : f32 to vector<16xf32>
    %select_n3A_136 = arith.select %eq3A_131, %broadcast_in_dim3A_135, %select_n3A_102 : vector<16xi1>, vector<16xf32>
    %get3A_137 = arith.constant 4 : i32
    %get3A_138 = arith.index_cast %get3A_137 : i32 to index
    %get3A_139 = arith.constant 0 : index
    %get3A_140 = tpu.vector_load %arg7[%get3A_138, %get3A_139] {strides = array<i32>} : memref<64x16xf32, #tpu.memory_space<vmem>>, vector<16xf32>,
    %reduce_max3A_141 = arith.constant true
    %reduce_max3A_142 = vector.broadcast %reduce_max3A_141 : i1 to vector<16xi1>
    %reduce_max3A_143 = tpu.scan <max>, %get3A_140 masked %reduce_max3A_142 : vector<16xf32>, vector<16xi1> -> vector<16xf32>
    %reduce_max3A_144 = vector.extract %reduce_max3A_143[15] : f32 from vector<16xf32>
    %eq3A_145 = vector.broadcast %reduce_max3A_144 : f32 to vector<16xf32>
    %eq3A_146 = arith.cmpf oeq, %get3A_140, %eq3A_145 : vector<16xf32>
    %all_reduce_ffs3A_147 = tpu.all_reduce %eq3A_146 {dim = 0 : i64, kind = #tpu.reduction_kind<find_first_set>} : vector<16xi1> -> vector<16xi32>
    %sub3A_148 = vector.broadcast %reduce_max3A_144 : f32 to vector<16xf32>
    %sub3A_149 = arith.subf %get3A_140, %sub3A_148 : vector<16xf32>
    %exp3A_150 = math.exp %sub3A_149 : vector<16xf32>
    %reduce_sum3A_151 = arith.constant true
    %reduce_sum3A_152 = vector.broadcast %reduce_sum3A_151 : i1 to vector<16xi1>
    %reduce_sum3A_153 = tpu.scan <sum>, %exp3A_150 masked %reduce_sum3A_152 : vector<16xf32>, vector<16xi1> -> vector<16xf32>
    %reduce_sum3A_154 = vector.extract %reduce_sum3A_153[15] : f32 from vector<16xf32>
    %eq3A_155 = arith.cmpi eq, %iota3A, %all_reduce_ffs3A_147 : vector<16xi32>
    %convert_element_type3A_156 = arith.extui %eq3A_155 : vector<16xi1> to vector<16xi32>
    %mul3A_157 = arith.muli %add3A_128, %convert_element_type3A_156 : vector<16xi32>
    %reduce_sum3A_158 = arith.constant true
    %reduce_sum3A_159 = vector.broadcast %reduce_sum3A_158 : i1 to vector<16xi1>
    %reduce_sum3A_160 = tpu.scan <sum>, %mul3A_157 masked %reduce_sum3A_159 : vector<16xi32>, vector<16xi1> -> vector<16xi32>
    %reduce_sum3A_161 = vector.extract %reduce_sum3A_160[15] : i32 from vector<16xi32>
    %add3A_162 = arith.addi %add3A_128, %convert_element_type3A_156 : vector<16xi32>
    %eq3A_163 = arith.constant 4 : i32
    %eq3A_164 = vector.broadcast %eq3A_163 : i32 to vector<16xi32>
    %eq3A_165 = arith.cmpi eq, %iota3A, %eq3A_164 : vector<16xi32>
    %select_n3A_166 = arith.select %eq3A_165, %all_reduce_ffs3A_147, %select_n3A_132 : vector<16xi1>, vector<16xi32>
    %broadcast_in_dim3A_167 = vector.broadcast %reduce_sum3A_161 : i32 to vector<16xi32>
    %select_n3A_168 = arith.select %eq3A_165, %broadcast_in_dim3A_167, %select_n3A_134 : vector<16xi1>, vector<16xi32>
    %broadcast_in_dim3A_169 = vector.broadcast %reduce_sum3A_154 : f32 to vector<16xf32>
    %select_n3A_170 = arith.select %eq3A_165, %broadcast_in_dim3A_169, %select_n3A_136 : vector<16xi1>, vector<16xf32>
    %get3A_171 = arith.constant 5 : i32
    %get3A_172 = arith.index_cast %get3A_171 : i32 to index
    %get3A_173 = arith.constant 0 : index
    %get3A_174 = tpu.vector_load %arg7[%get3A_172, %get3A_173] {strides = array<i32>} : memref<64x16xf32, #tpu.memory_space<vmem>>, vector<16xf32>,
    %reduce_max3A_175 = arith.constant true
    %reduce_max3A_176 = vector.broadcast %reduce_max3A_175 : i1 to vector<16xi1>
    %reduce_max3A_177 = tpu.scan <max>, %get3A_174 masked %reduce_max3A_176 : vector<16xf32>, vector<16xi1> -> vector<16xf32>
    %reduce_max3A_178 = vector.extract %reduce_max3A_177[15] : f32 from vector<16xf32>
    %eq3A_179 = vector.broadcast %reduce_max3A_178 : f32 to vector<16xf32>
    %eq3A_180 = arith.cmpf oeq, %get3A_174, %eq3A_179 : vector<16xf32>
    %all_reduce_ffs3A_181 = tpu.all_reduce %eq3A_180 {dim = 0 : i64, kind = #tpu.reduction_kind<find_first_set>} : vector<16xi1> -> vector<16xi32>
    %sub3A_182 = vector.broadcast %reduce_max3A_178 : f32 to vector<16xf32>
    %sub3A_183 = arith.subf %get3A_174, %sub3A_182 : vector<16xf32>
    %exp3A_184 = math.exp %sub3A_183 : vector<16xf32>
    %reduce_sum3A_185 = arith.constant true
    %reduce_sum3A_186 = vector.broadcast %reduce_sum3A_185 : i1 to vector<16xi1>
    %reduce_sum3A_187 = tpu.scan <sum>, %exp3A_184 masked %reduce_sum3A_186 : vector<16xf32>, vector<16xi1> -> vector<16xf32>
    %reduce_sum3A_188 = vector.extract %reduce_sum3A_187[15] : f32 from vector<16xf32>
    %eq3A_189 = arith.cmpi eq, %iota3A, %all_reduce_ffs3A_181 : vector<16xi32>
    %convert_element_type3A_190 = arith.extui %eq3A_189 : vector<16xi1> to vector<16xi32>
    %mul3A_191 = arith.muli %add3A_162, %convert_element_type3A_190 : vector<16xi32>
    %reduce_sum3A_192 = arith.constant true
    %reduce_sum3A_193 = vector.broadcast %reduce_sum3A_192 : i1 to vector<16xi1>
    %reduce_sum3A_194 = tpu.scan <sum>, %mul3A_191 masked %reduce_sum3A_193 : vector<16xi32>, vector<16xi1> -> vector<16xi32>
    %reduce_sum3A_195 = vector.extract %reduce_sum3A_194[15] : i32 from vector<16xi32>
    %add3A_196 = arith.addi %add3A_162, %convert_element_type3A_190 : vector<16xi32>
    %eq3A_197 = arith.constant 5 : i32
    %eq3A_198 = vector.broadcast %eq3A_197 : i32 to vector<16xi32>
    %eq3A_199 = arith.cmpi eq, %iota3A, %eq3A_198 : vector<16xi32>
    %select_n3A_200 = arith.select %eq3A_199, %all_reduce_ffs3A_181, %select_n3A_166 : vector<16xi1>, vector<16xi32>
    %broadcast_in_dim3A_201 = vector.broadcast %reduce_sum3A_195 : i32 to vector<16xi32>
    %select_n3A_202 = arith.select %eq3A_199, %broadcast_in_dim3A_201, %select_n3A_168 : vector<16xi1>, vector<16xi32>
    %broadcast_in_dim3A_203 = vector.broadcast %reduce_sum3A_188 : f32 to vector<16xf32>
    %select_n3A_204 = arith.select %eq3A_199, %broadcast_in_dim3A_203, %select_n3A_170 : vector<16xi1>, vector<16xf32>
    %get3A_205 = arith.constant 6 : i32
    %get3A_206 = arith.index_cast %get3A_205 : i32 to index
    %get3A_207 = arith.constant 0 : index
    %get3A_208 = tpu.vector_load %arg7[%get3A_206, %get3A_207] {strides = array<i32>} : memref<64x16xf32, #tpu.memory_space<vmem>>, vector<16xf32>,
    %reduce_max3A_209 = arith.constant true
    %reduce_max3A_210 = vector.broadcast %reduce_max3A_209 : i1 to vector<16xi1>
    %reduce_max3A_211 = tpu.scan <max>, %get3A_208 masked %reduce_max3A_210 : vector<16xf32>, vector<16xi1> -> vector<16xf32>
    %reduce_max3A_212 = vector.extract %reduce_max3A_211[15] : f32 from vector<16xf32>
    %eq3A_213 = vector.broadcast %reduce_max3A_212 : f32 to vector<16xf32>
    %eq3A_214 = arith.cmpf oeq, %get3A_208, %eq3A_213 : vector<16xf32>
    %all_reduce_ffs3A_215 = tpu.all_reduce %eq3A_214 {dim = 0 : i64, kind = #tpu.reduction_kind<find_first_set>} : vector<16xi1> -> vector<16xi32>
    %sub3A_216 = vector.broadcast %reduce_max3A_212 : f32 to vector<16xf32>
    %sub3A_217 = arith.subf %get3A_208, %sub3A_216 : vector<16xf32>
    %exp3A_218 = math.exp %sub3A_217 : vector<16xf32>
    %reduce_sum3A_219 = arith.constant true
    %reduce_sum3A_220 = vector.broadcast %reduce_sum3A_219 : i1 to vector<16xi1>
    %reduce_sum3A_221 = tpu.scan <sum>, %exp3A_218 masked %reduce_sum3A_220 : vector<16xf32>, vector<16xi1> -> vector<16xf32>
    %reduce_sum3A_222 = vector.extract %reduce_sum3A_221[15] : f32 from vector<16xf32>
    %eq3A_223 = arith.cmpi eq, %iota3A, %all_reduce_ffs3A_215 : vector<16xi32>
    %convert_element_type3A_224 = arith.extui %eq3A_223 : vector<16xi1> to vector<16xi32>
    %mul3A_225 = arith.muli %add3A_196, %convert_element_type3A_224 : vector<16xi32>
    %reduce_sum3A_226 = arith.constant true
    %reduce_sum3A_227 = vector.broadcast %reduce_sum3A_226 : i1 to vector<16xi1>
    %reduce_sum3A_228 = tpu.scan <sum>, %mul3A_225 masked %reduce_sum3A_227 : vector<16xi32>, vector<16xi1> -> vector<16xi32>
    %reduce_sum3A_229 = vector.extract %reduce_sum3A_228[15] : i32 from vector<16xi32>
    %add3A_230 = arith.addi %add3A_196, %convert_element_type3A_224 : vector<16xi32>
    %eq3A_231 = arith.constant 6 : i32
    %eq3A_232 = vector.broadcast %eq3A_231 : i32 to vector<16xi32>
    %eq3A_233 = arith.cmpi eq, %iota3A, %eq3A_232 : vector<16xi32>
    %select_n3A_234 = arith.select %eq3A_233, %all_reduce_ffs3A_215, %select_n3A_200 : vector<16xi1>, vector<16xi32>
    %broadcast_in_dim3A_235 = vector.broadcast %reduce_sum3A_229 : i32 to vector<16xi32>
    %select_n3A_236 = arith.select %eq3A_233, %broadcast_in_dim3A_235, %select_n3A_202 : vector<16xi1>, vector<16xi32>
    %broadcast_in_dim3A_237 = vector.broadcast %reduce_sum3A_222 : f32 to vector<16xf32>
    %select_n3A_238 = arith.select %eq3A_233, %broadcast_in_dim3A_237, %select_n3A_204 : vector<16xi1>, vector<16xf32>
    %get3A_239 = arith.constant 7 : i32
    %get3A_240 = arith.index_cast %get3A_239 : i32 to index
    %get3A_241 = arith.constant 0 : index
    %get3A_242 = tpu.vector_load %arg7[%get3A_240, %get3A_241] {strides = array<i32>} : memref<64x16xf32, #tpu.memory_space<vmem>>, vector<16xf32>,
    %reduce_max3A_243 = arith.constant true
    %reduce_max3A_244 = vector.broadcast %reduce_max3A_243 : i1 to vector<16xi1>
    %reduce_max3A_245 = tpu.scan <max>, %get3A_242 masked %reduce_max3A_244 : vector<16xf32>, vector<16xi1> -> vector<16xf32>
    %reduce_max3A_246 = vector.extract %reduce_max3A_245[15] : f32 from vector<16xf32>
    %eq3A_247 = vector.broadcast %reduce_max3A_246 : f32 to vector<16xf32>
    %eq3A_248 = arith.cmpf oeq, %get3A_242, %eq3A_247 : vector<16xf32>
    %all_reduce_ffs3A_249 = tpu.all_reduce %eq3A_248 {dim = 0 : i64, kind = #tpu.reduction_kind<find_first_set>} : vector<16xi1> -> vector<16xi32>
    %sub3A_250 = vector.broadcast %reduce_max3A_246 : f32 to vector<16xf32>
    %sub3A_251 = arith.subf %get3A_242, %sub3A_250 : vector<16xf32>
    %exp3A_252 = math.exp %sub3A_251 : vector<16xf32>
    %reduce_sum3A_253 = arith.constant true
    %reduce_sum3A_254 = vector.broadcast %reduce_sum3A_253 : i1 to vector<16xi1>
    %reduce_sum3A_255 = tpu.scan <sum>, %exp3A_252 masked %reduce_sum3A_254 : vector<16xf32>, vector<16xi1> -> vector<16xf32>
    %reduce_sum3A_256 = vector.extract %reduce_sum3A_255[15] : f32 from vector<16xf32>
    %eq3A_257 = arith.cmpi eq, %iota3A, %all_reduce_ffs3A_249 : vector<16xi32>
    %convert_element_type3A_258 = arith.extui %eq3A_257 : vector<16xi1> to vector<16xi32>
    %mul3A_259 = arith.muli %add3A_230, %convert_element_type3A_258 : vector<16xi32>
    %reduce_sum3A_260 = arith.constant true
    %reduce_sum3A_261 = vector.broadcast %reduce_sum3A_260 : i1 to vector<16xi1>
    %reduce_sum3A_262 = tpu.scan <sum>, %mul3A_259 masked %reduce_sum3A_261 : vector<16xi32>, vector<16xi1> -> vector<16xi32>
    %reduce_sum3A_263 = vector.extract %reduce_sum3A_262[15] : i32 from vector<16xi32>
    %add3A_264 = arith.addi %add3A_230, %convert_element_type3A_258 : vector<16xi32>
    %eq3A_265 = arith.constant 7 : i32
    %eq3A_266 = vector.broadcast %eq3A_265 : i32 to vector<16xi32>
    %eq3A_267 = arith.cmpi eq, %iota3A, %eq3A_266 : vector<16xi32>
    %select_n3A_268 = arith.select %eq3A_267, %all_reduce_ffs3A_249, %select_n3A_234 : vector<16xi1>, vector<16xi32>
    %broadcast_in_dim3A_269 = vector.broadcast %reduce_sum3A_263 : i32 to vector<16xi32>
    %select_n3A_270 = arith.select %eq3A_267, %broadcast_in_dim3A_269, %select_n3A_236 : vector<16xi1>, vector<16xi32>
    %broadcast_in_dim3A_271 = vector.broadcast %reduce_sum3A_256 : f32 to vector<16xf32>
    %select_n3A_272 = arith.select %eq3A_267, %broadcast_in_dim3A_271, %select_n3A_238 : vector<16xi1>, vector<16xf32>
    %get3A_273 = arith.constant 8 : i32
    %get3A_274 = arith.index_cast %get3A_273 : i32 to index
    %get3A_275 = arith.constant 0 : index
    %get3A_276 = tpu.vector_load %arg7[%get3A_274, %get3A_275] {strides = array<i32>} : memref<64x16xf32, #tpu.memory_space<vmem>>, vector<16xf32>,
    %reduce_max3A_277 = arith.constant true
    %reduce_max3A_278 = vector.broadcast %reduce_max3A_277 : i1 to vector<16xi1>
    %reduce_max3A_279 = tpu.scan <max>, %get3A_276 masked %reduce_max3A_278 : vector<16xf32>, vector<16xi1> -> vector<16xf32>
    %reduce_max3A_280 = vector.extract %reduce_max3A_279[15] : f32 from vector<16xf32>
    %eq3A_281 = vector.broadcast %reduce_max3A_280 : f32 to vector<16xf32>
    %eq3A_282 = arith.cmpf oeq, %get3A_276, %eq3A_281 : vector<16xf32>
    %all_reduce_ffs3A_283 = tpu.all_reduce %eq3A_282 {dim = 0 : i64, kind = #tpu.reduction_kind<find_first_set>} : vector<16xi1> -> vector<16xi32>
    %sub3A_284 = vector.broadcast %reduce_max3A_280 : f32 to vector<16xf32>
    %sub3A_285 = arith.subf %get3A_276, %sub3A_284 : vector<16xf32>
    %exp3A_286 = math.exp %sub3A_285 : vector<16xf32>
    %reduce_sum3A_287 = arith.constant true
    %reduce_sum3A_288 = vector.broadcast %reduce_sum3A_287 : i1 to vector<16xi1>
    %reduce_sum3A_289 = tpu.scan <sum>, %exp3A_286 masked %reduce_sum3A_288 : vector<16xf32>, vector<16xi1> -> vector<16xf32>
    %reduce_sum3A_290 = vector.extract %reduce_sum3A_289[15] : f32 from vector<16xf32>
    %eq3A_291 = arith.cmpi eq, %iota3A, %all_reduce_ffs3A_283 : vector<16xi32>
    %convert_element_type3A_292 = arith.extui %eq3A_291 : vector<16xi1> to vector<16xi32>
    %mul3A_293 = arith.muli %add3A_264, %convert_element_type3A_292 : vector<16xi32>
    %reduce_sum3A_294 = arith.constant true
    %reduce_sum3A_295 = vector.broadcast %reduce_sum3A_294 : i1 to vector<16xi1>
    %reduce_sum3A_296 = tpu.scan <sum>, %mul3A_293 masked %reduce_sum3A_295 : vector<16xi32>, vector<16xi1> -> vector<16xi32>
    %reduce_sum3A_297 = vector.extract %reduce_sum3A_296[15] : i32 from vector<16xi32>
    %add3A_298 = arith.addi %add3A_264, %convert_element_type3A_292 : vector<16xi32>
    %eq3A_299 = arith.constant 8 : i32
    %eq3A_300 = vector.broadcast %eq3A_299 : i32 to vector<16xi32>
    %eq3A_301 = arith.cmpi eq, %iota3A, %eq3A_300 : vector<16xi32>
    %select_n3A_302 = arith.select %eq3A_301, %all_reduce_ffs3A_283, %select_n3A_268 : vector<16xi1>, vector<16xi32>
    %broadcast_in_dim3A_303 = vector.broadcast %reduce_sum3A_297 : i32 to vector<16xi32>
    %select_n3A_304 = arith.select %eq3A_301, %broadcast_in_dim3A_303, %select_n3A_270 : vector<16xi1>, vector<16xi32>
    %broadcast_in_dim3A_305 = vector.broadcast %reduce_sum3A_290 : f32 to vector<16xf32>
    %select_n3A_306 = arith.select %eq3A_301, %broadcast_in_dim3A_305, %select_n3A_272 : vector<16xi1>, vector<16xf32>
    %get3A_307 = arith.constant 9 : i32
    %get3A_308 = arith.index_cast %get3A_307 : i32 to index
    %get3A_309 = arith.constant 0 : index
    %get3A_310 = tpu.vector_load %arg7[%get3A_308, %get3A_309] {strides = array<i32>} : memref<64x16xf32, #tpu.memory_space<vmem>>, vector<16xf32>,
    %reduce_max3A_311 = arith.constant true
    %reduce_max3A_312 = vector.broadcast %reduce_max3A_311 : i1 to vector<16xi1>
    %reduce_max3A_313 = tpu.scan <max>, %get3A_310 masked %reduce_max3A_312 : vector<16xf32>, vector<16xi1> -> vector<16xf32>
    %reduce_max3A_314 = vector.extract %reduce_max3A_313[15] : f32 from vector<16xf32>
    %eq3A_315 = vector.broadcast %reduce_max3A_314 : f32 to vector<16xf32>
    %eq3A_316 = arith.cmpf oeq, %get3A_310, %eq3A_315 : vector<16xf32>
    %all_reduce_ffs3A_317 = tpu.all_reduce %eq3A_316 {dim = 0 : i64, kind = #tpu.reduction_kind<find_first_set>} : vector<16xi1> -> vector<16xi32>
    %sub3A_318 = vector.broadcast %reduce_max3A_314 : f32 to vector<16xf32>
    %sub3A_319 = arith.subf %get3A_310, %sub3A_318 : vector<16xf32>
    %exp3A_320 = math.exp %sub3A_319 : vector<16xf32>
    %reduce_sum3A_321 = arith.constant true
    %reduce_sum3A_322 = vector.broadcast %reduce_sum3A_321 : i1 to vector<16xi1>
    %reduce_sum3A_323 = tpu.scan <sum>, %exp3A_320 masked %reduce_sum3A_322 : vector<16xf32>, vector<16xi1> -> vector<16xf32>
    %reduce_sum3A_324 = vector.extract %reduce_sum3A_323[15] : f32 from vector<16xf32>
    %eq3A_325 = arith.cmpi eq, %iota3A, %all_reduce_ffs3A_317 : vector<16xi32>
    %convert_element_type3A_326 = arith.extui %eq3A_325 : vector<16xi1> to vector<16xi32>
    %mul3A_327 = arith.muli %add3A_298, %convert_element_type3A_326 : vector<16xi32>
    %reduce_sum3A_328 = arith.constant true
    %reduce_sum3A_329 = vector.broadcast %reduce_sum3A_328 : i1 to vector<16xi1>
    %reduce_sum3A_330 = tpu.scan <sum>, %mul3A_327 masked %reduce_sum3A_329 : vector<16xi32>, vector<16xi1> -> vector<16xi32>
    %reduce_sum3A_331 = vector.extract %reduce_sum3A_330[15] : i32 from vector<16xi32>
    %add3A_332 = arith.addi %add3A_298, %convert_element_type3A_326 : vector<16xi32>
    %eq3A_333 = arith.constant 9 : i32
    %eq3A_334 = vector.broadcast %eq3A_333 : i32 to vector<16xi32>
    %eq3A_335 = arith.cmpi eq, %iota3A, %eq3A_334 : vector<16xi32>
    %select_n3A_336 = arith.select %eq3A_335, %all_reduce_ffs3A_317, %select_n3A_302 : vector<16xi1>, vector<16xi32>
    %broadcast_in_dim3A_337 = vector.broadcast %reduce_sum3A_331 : i32 to vector<16xi32>
    %select_n3A_338 = arith.select %eq3A_335, %broadcast_in_dim3A_337, %select_n3A_304 : vector<16xi1>, vector<16xi32>
    %broadcast_in_dim3A_339 = vector.broadcast %reduce_sum3A_324 : f32 to vector<16xf32>
    %select_n3A_340 = arith.select %eq3A_335, %broadcast_in_dim3A_339, %select_n3A_306 : vector<16xi1>, vector<16xf32>
    %get3A_341 = arith.constant 10 : i32
    %get3A_342 = arith.index_cast %get3A_341 : i32 to index
    %get3A_343 = arith.constant 0 : index
    %get3A_344 = tpu.vector_load %arg7[%get3A_342, %get3A_343] {strides = array<i32>} : memref<64x16xf32, #tpu.memory_space<vmem>>, vector<16xf32>,
    %reduce_max3A_345 = arith.constant true
    %reduce_max3A_346 = vector.broadcast %reduce_max3A_345 : i1 to vector<16xi1>
    %reduce_max3A_347 = tpu.scan <max>, %get3A_344 masked %reduce_max3A_346 : vector<16xf32>, vector<16xi1> -> vector<16xf32>
    %reduce_max3A_348 = vector.extract %reduce_max3A_347[15] : f32 from vector<16xf32>
    %eq3A_349 = vector.broadcast %reduce_max3A_348 : f32 to vector<16xf32>
    %eq3A_350 = arith.cmpf oeq, %get3A_344, %eq3A_349 : vector<16xf32>
    %all_reduce_ffs3A_351 = tpu.all_reduce %eq3A_350 {dim = 0 : i64, kind = #tpu.reduction_kind<find_first_set>} : vector<16xi1> -> vector<16xi32>
    %sub3A_352 = vector.broadcast %reduce_max3A_348 : f32 to vector<16xf32>
    %sub3A_353 = arith.subf %get3A_344, %sub3A_352 : vector<16xf32>
    %exp3A_354 = math.exp %sub3A_353 : vector<16xf32>
    %reduce_sum3A_355 = arith.constant true
    %reduce_sum3A_356 = vector.broadcast %reduce_sum3A_355 : i1 to vector<16xi1>
    %reduce_sum3A_357 = tpu.scan <sum>, %exp3A_354 masked %reduce_sum3A_356 : vector<16xf32>, vector<16xi1> -> vector<16xf32>
    %reduce_sum3A_358 = vector.extract %reduce_sum3A_357[15] : f32 from vector<16xf32>
    %eq3A_359 = arith.cmpi eq, %iota3A, %all_reduce_ffs3A_351 : vector<16xi32>
    %convert_element_type3A_360 = arith.extui %eq3A_359 : vector<16xi1> to vector<16xi32>
    %mul3A_361 = arith.muli %add3A_332, %convert_element_type3A_360 : vector<16xi32>
    %reduce_sum3A_362 = arith.constant true
    %reduce_sum3A_363 = vector.broadcast %reduce_sum3A_362 : i1 to vector<16xi1>
    %reduce_sum3A_364 = tpu.scan <sum>, %mul3A_361 masked %reduce_sum3A_363 : vector<16xi32>, vector<16xi1> -> vector<16xi32>
    %reduce_sum3A_365 = vector.extract %reduce_sum3A_364[15] : i32 from vector<16xi32>
    %add3A_366 = arith.addi %add3A_332, %convert_element_type3A_360 : vector<16xi32>
    %eq3A_367 = arith.constant 10 : i32
    %eq3A_368 = vector.broadcast %eq3A_367 : i32 to vector<16xi32>
    %eq3A_369 = arith.cmpi eq, %iota3A, %eq3A_368 : vector<16xi32>
    %select_n3A_370 = arith.select %eq3A_369, %all_reduce_ffs3A_351, %select_n3A_336 : vector<16xi1>, vector<16xi32>
    %broadcast_in_dim3A_371 = vector.broadcast %reduce_sum3A_365 : i32 to vector<16xi32>
    %select_n3A_372 = arith.select %eq3A_369, %broadcast_in_dim3A_371, %select_n3A_338 : vector<16xi1>, vector<16xi32>
    %broadcast_in_dim3A_373 = vector.broadcast %reduce_sum3A_358 : f32 to vector<16xf32>
    %select_n3A_374 = arith.select %eq3A_369, %broadcast_in_dim3A_373, %select_n3A_340 : vector<16xi1>, vector<16xf32>
    %get3A_375 = arith.constant 11 : i32
    %get3A_376 = arith.index_cast %get3A_375 : i32 to index
    %get3A_377 = arith.constant 0 : index
    %get3A_378 = tpu.vector_load %arg7[%get3A_376, %get3A_377] {strides = array<i32>} : memref<64x16xf32, #tpu.memory_space<vmem>>, vector<16xf32>,
    %reduce_max3A_379 = arith.constant true
    %reduce_max3A_380 = vector.broadcast %reduce_max3A_379 : i1 to vector<16xi1>
    %reduce_max3A_381 = tpu.scan <max>, %get3A_378 masked %reduce_max3A_380 : vector<16xf32>, vector<16xi1> -> vector<16xf32>
    %reduce_max3A_382 = vector.extract %reduce_max3A_381[15] : f32 from vector<16xf32>
    %eq3A_383 = vector.broadcast %reduce_max3A_382 : f32 to vector<16xf32>
    %eq3A_384 = arith.cmpf oeq, %get3A_378, %eq3A_383 : vector<16xf32>
    %all_reduce_ffs3A_385 = tpu.all_reduce %eq3A_384 {dim = 0 : i64, kind = #tpu.reduction_kind<find_first_set>} : vector<16xi1> -> vector<16xi32>
    %sub3A_386 = vector.broadcast %reduce_max3A_382 : f32 to vector<16xf32>
    %sub3A_387 = arith.subf %get3A_378, %sub3A_386 : vector<16xf32>
    %exp3A_388 = math.exp %sub3A_387 : vector<16xf32>
    %reduce_sum3A_389 = arith.constant true
    %reduce_sum3A_390 = vector.broadcast %reduce_sum3A_389 : i1 to vector<16xi1>
    %reduce_sum3A_391 = tpu.scan <sum>, %exp3A_388 masked %reduce_sum3A_390 : vector<16xf32>, vector<16xi1> -> vector<16xf32>
    %reduce_sum3A_392 = vector.extract %reduce_sum3A_391[15] : f32 from vector<16xf32>
    %eq3A_393 = arith.cmpi eq, %iota3A, %all_reduce_ffs3A_385 : vector<16xi32>
    %convert_element_type3A_394 = arith.extui %eq3A_393 : vector<16xi1> to vector<16xi32>
    %mul3A_395 = arith.muli %add3A_366, %convert_element_type3A_394 : vector<16xi32>
    %reduce_sum3A_396 = arith.constant true
    %reduce_sum3A_397 = vector.broadcast %reduce_sum3A_396 : i1 to vector<16xi1>
    %reduce_sum3A_398 = tpu.scan <sum>, %mul3A_395 masked %reduce_sum3A_397 : vector<16xi32>, vector<16xi1> -> vector<16xi32>
    %reduce_sum3A_399 = vector.extract %reduce_sum3A_398[15] : i32 from vector<16xi32>
    %add3A_400 = arith.addi %add3A_366, %convert_element_type3A_394 : vector<16xi32>
    %eq3A_401 = arith.constant 11 : i32
    %eq3A_402 = vector.broadcast %eq3A_401 : i32 to vector<16xi32>
    %eq3A_403 = arith.cmpi eq, %iota3A, %eq3A_402 : vector<16xi32>
    %select_n3A_404 = arith.select %eq3A_403, %all_reduce_ffs3A_385, %select_n3A_370 : vector<16xi1>, vector<16xi32>
    %broadcast_in_dim3A_405 = vector.broadcast %reduce_sum3A_399 : i32 to vector<16xi32>
    %select_n3A_406 = arith.select %eq3A_403, %broadcast_in_dim3A_405, %select_n3A_372 : vector<16xi1>, vector<16xi32>
    %broadcast_in_dim3A_407 = vector.broadcast %reduce_sum3A_392 : f32 to vector<16xf32>
    %select_n3A_408 = arith.select %eq3A_403, %broadcast_in_dim3A_407, %select_n3A_374 : vector<16xi1>, vector<16xf32>
    %get3A_409 = arith.constant 12 : i32
    %get3A_410 = arith.index_cast %get3A_409 : i32 to index
    %get3A_411 = arith.constant 0 : index
    %get3A_412 = tpu.vector_load %arg7[%get3A_410, %get3A_411] {strides = array<i32>} : memref<64x16xf32, #tpu.memory_space<vmem>>, vector<16xf32>,
    %reduce_max3A_413 = arith.constant true
    %reduce_max3A_414 = vector.broadcast %reduce_max3A_413 : i1 to vector<16xi1>
    %reduce_max3A_415 = tpu.scan <max>, %get3A_412 masked %reduce_max3A_414 : vector<16xf32>, vector<16xi1> -> vector<16xf32>
    %reduce_max3A_416 = vector.extract %reduce_max3A_415[15] : f32 from vector<16xf32>
    %eq3A_417 = vector.broadcast %reduce_max3A_416 : f32 to vector<16xf32>
    %eq3A_418 = arith.cmpf oeq, %get3A_412, %eq3A_417 : vector<16xf32>
    %all_reduce_ffs3A_419 = tpu.all_reduce %eq3A_418 {dim = 0 : i64, kind = #tpu.reduction_kind<find_first_set>} : vector<16xi1> -> vector<16xi32>
    %sub3A_420 = vector.broadcast %reduce_max3A_416 : f32 to vector<16xf32>
    %sub3A_421 = arith.subf %get3A_412, %sub3A_420 : vector<16xf32>
    %exp3A_422 = math.exp %sub3A_421 : vector<16xf32>
    %reduce_sum3A_423 = arith.constant true
    %reduce_sum3A_424 = vector.broadcast %reduce_sum3A_423 : i1 to vector<16xi1>
    %reduce_sum3A_425 = tpu.scan <sum>, %exp3A_422 masked %reduce_sum3A_424 : vector<16xf32>, vector<16xi1> -> vector<16xf32>
    %reduce_sum3A_426 = vector.extract %reduce_sum3A_425[15] : f32 from vector<16xf32>
    %eq3A_427 = arith.cmpi eq, %iota3A, %all_reduce_ffs3A_419 : vector<16xi32>
    %convert_element_type3A_428 = arith.extui %eq3A_427 : vector<16xi1> to vector<16xi32>
    %mul3A_429 = arith.muli %add3A_400, %convert_element_type3A_428 : vector<16xi32>
    %reduce_sum3A_430 = arith.constant true
    %reduce_sum3A_431 = vector.broadcast %reduce_sum3A_430 : i1 to vector<16xi1>
    %reduce_sum3A_432 = tpu.scan <sum>, %mul3A_429 masked %reduce_sum3A_431 : vector<16xi32>, vector<16xi1> -> vector<16xi32>
    %reduce_sum3A_433 = vector.extract %reduce_sum3A_432[15] : i32 from vector<16xi32>
    %add3A_434 = arith.addi %add3A_400, %convert_element_type3A_428 : vector<16xi32>
    %eq3A_435 = arith.constant 12 : i32
    %eq3A_436 = vector.broadcast %eq3A_435 : i32 to vector<16xi32>
    %eq3A_437 = arith.cmpi eq, %iota3A, %eq3A_436 : vector<16xi32>
    %select_n3A_438 = arith.select %eq3A_437, %all_reduce_ffs3A_419, %select_n3A_404 : vector<16xi1>, vector<16xi32>
    %broadcast_in_dim3A_439 = vector.broadcast %reduce_sum3A_433 : i32 to vector<16xi32>
    %select_n3A_440 = arith.select %eq3A_437, %broadcast_in_dim3A_439, %select_n3A_406 : vector<16xi1>, vector<16xi32>
    %broadcast_in_dim3A_441 = vector.broadcast %reduce_sum3A_426 : f32 to vector<16xf32>
    %select_n3A_442 = arith.select %eq3A_437, %broadcast_in_dim3A_441, %select_n3A_408 : vector<16xi1>, vector<16xf32>
    %get3A_443 = arith.constant 13 : i32
    %get3A_444 = arith.index_cast %get3A_443 : i32 to index
    %get3A_445 = arith.constant 0 : index
    %get3A_446 = tpu.vector_load %arg7[%get3A_444, %get3A_445] {strides = array<i32>} : memref<64x16xf32, #tpu.memory_space<vmem>>, vector<16xf32>,
    %reduce_max3A_447 = arith.constant true
    %reduce_max3A_448 = vector.broadcast %reduce_max3A_447 : i1 to vector<16xi1>
    %reduce_max3A_449 = tpu.scan <max>, %get3A_446 masked %reduce_max3A_448 : vector<16xf32>, vector<16xi1> -> vector<16xf32>
    %reduce_max3A_450 = vector.extract %reduce_max3A_449[15] : f32 from vector<16xf32>
    %eq3A_451 = vector.broadcast %reduce_max3A_450 : f32 to vector<16xf32>
    %eq3A_452 = arith.cmpf oeq, %get3A_446, %eq3A_451 : vector<16xf32>
    %all_reduce_ffs3A_453 = tpu.all_reduce %eq3A_452 {dim = 0 : i64, kind = #tpu.reduction_kind<find_first_set>} : vector<16xi1> -> vector<16xi32>
    %sub3A_454 = vector.broadcast %reduce_max3A_450 : f32 to vector<16xf32>
    %sub3A_455 = arith.subf %get3A_446, %sub3A_454 : vector<16xf32>
    %exp3A_456 = math.exp %sub3A_455 : vector<16xf32>
    %reduce_sum3A_457 = arith.constant true
    %reduce_sum3A_458 = vector.broadcast %reduce_sum3A_457 : i1 to vector<16xi1>
    %reduce_sum3A_459 = tpu.scan <sum>, %exp3A_456 masked %reduce_sum3A_458 : vector<16xf32>, vector<16xi1> -> vector<16xf32>
    %reduce_sum3A_460 = vector.extract %reduce_sum3A_459[15] : f32 from vector<16xf32>
    %eq3A_461 = arith.cmpi eq, %iota3A, %all_reduce_ffs3A_453 : vector<16xi32>
    %convert_element_type3A_462 = arith.extui %eq3A_461 : vector<16xi1> to vector<16xi32>
    %mul3A_463 = arith.muli %add3A_434, %convert_element_type3A_462 : vector<16xi32>
    %reduce_sum3A_464 = arith.constant true
    %reduce_sum3A_465 = vector.broadcast %reduce_sum3A_464 : i1 to vector<16xi1>
    %reduce_sum3A_466 = tpu.scan <sum>, %mul3A_463 masked %reduce_sum3A_465 : vector<16xi32>, vector<16xi1> -> vector<16xi32>
    %reduce_sum3A_467 = vector.extract %reduce_sum3A_466[15] : i32 from vector<16xi32>
    %add3A_468 = arith.addi %add3A_434, %convert_element_type3A_462 : vector<16xi32>
    %eq3A_469 = arith.constant 13 : i32
    %eq3A_470 = vector.broadcast %eq3A_469 : i32 to vector<16xi32>
    %eq3A_471 = arith.cmpi eq, %iota3A, %eq3A_470 : vector<16xi32>
    %select_n3A_472 = arith.select %eq3A_471, %all_reduce_ffs3A_453, %select_n3A_438 : vector<16xi1>, vector<16xi32>
    %broadcast_in_dim3A_473 = vector.broadcast %reduce_sum3A_467 : i32 to vector<16xi32>
    %select_n3A_474 = arith.select %eq3A_471, %broadcast_in_dim3A_473, %select_n3A_440 : vector<16xi1>, vector<16xi32>
    %broadcast_in_dim3A_475 = vector.broadcast %reduce_sum3A_460 : f32 to vector<16xf32>
    %select_n3A_476 = arith.select %eq3A_471, %broadcast_in_dim3A_475, %select_n3A_442 : vector<16xi1>, vector<16xf32>
    %get3A_477 = arith.constant 14 : i32
    %get3A_478 = arith.index_cast %get3A_477 : i32 to index
    %get3A_479 = arith.constant 0 : index
    %get3A_480 = tpu.vector_load %arg7[%get3A_478, %get3A_479] {strides = array<i32>} : memref<64x16xf32, #tpu.memory_space<vmem>>, vector<16xf32>,
    %reduce_max3A_481 = arith.constant true
    %reduce_max3A_482 = vector.broadcast %reduce_max3A_481 : i1 to vector<16xi1>
    %reduce_max3A_483 = tpu.scan <max>, %get3A_480 masked %reduce_max3A_482 : vector<16xf32>, vector<16xi1> -> vector<16xf32>
    %reduce_max3A_484 = vector.extract %reduce_max3A_483[15] : f32 from vector<16xf32>
    %eq3A_485 = vector.broadcast %reduce_max3A_484 : f32 to vector<16xf32>
    %eq3A_486 = arith.cmpf oeq, %get3A_480, %eq3A_485 : vector<16xf32>
    %all_reduce_ffs3A_487 = tpu.all_reduce %eq3A_486 {dim = 0 : i64, kind = #tpu.reduction_kind<find_first_set>} : vector<16xi1> -> vector<16xi32>
    %sub3A_488 = vector.broadcast %reduce_max3A_484 : f32 to vector<16xf32>
    %sub3A_489 = arith.subf %get3A_480, %sub3A_488 : vector<16xf32>
    %exp3A_490 = math.exp %sub3A_489 : vector<16xf32>
    %reduce_sum3A_491 = arith.constant true
    %reduce_sum3A_492 = vector.broadcast %reduce_sum3A_491 : i1 to vector<16xi1>
    %reduce_sum3A_493 = tpu.scan <sum>, %exp3A_490 masked %reduce_sum3A_492 : vector<16xf32>, vector<16xi1> -> vector<16xf32>
    %reduce_sum3A_494 = vector.extract %reduce_sum3A_493[15] : f32 from vector<16xf32>
    %eq3A_495 = arith.cmpi eq, %iota3A, %all_reduce_ffs3A_487 : vector<16xi32>
    %convert_element_type3A_496 = arith.extui %eq3A_495 : vector<16xi1> to vector<16xi32>
    %mul3A_497 = arith.muli %add3A_468, %convert_element_type3A_496 : vector<16xi32>
    %reduce_sum3A_498 = arith.constant true
    %reduce_sum3A_499 = vector.broadcast %reduce_sum3A_498 : i1 to vector<16xi1>
    %reduce_sum3A_500 = tpu.scan <sum>, %mul3A_497 masked %reduce_sum3A_499 : vector<16xi32>, vector<16xi1> -> vector<16xi32>
    %reduce_sum3A_501 = vector.extract %reduce_sum3A_500[15] : i32 from vector<16xi32>
    %add3A_502 = arith.addi %add3A_468, %convert_element_type3A_496 : vector<16xi32>
    %eq3A_503 = arith.constant 14 : i32
    %eq3A_504 = vector.broadcast %eq3A_503 : i32 to vector<16xi32>
    %eq3A_505 = arith.cmpi eq, %iota3A, %eq3A_504 : vector<16xi32>
    %select_n3A_506 = arith.select %eq3A_505, %all_reduce_ffs3A_487, %select_n3A_472 : vector<16xi1>, vector<16xi32>
    %broadcast_in_dim3A_507 = vector.broadcast %reduce_sum3A_501 : i32 to vector<16xi32>
    %select_n3A_508 = arith.select %eq3A_505, %broadcast_in_dim3A_507, %select_n3A_474 : vector<16xi1>, vector<16xi32>
    %broadcast_in_dim3A_509 = vector.broadcast %reduce_sum3A_494 : f32 to vector<16xf32>
    %select_n3A_510 = arith.select %eq3A_505, %broadcast_in_dim3A_509, %select_n3A_476 : vector<16xi1>, vector<16xf32>
    %get3A_511 = arith.constant 15 : i32
    %get3A_512 = arith.index_cast %get3A_511 : i32 to index
    %get3A_513 = arith.constant 0 : index
    %get3A_514 = tpu.vector_load %arg7[%get3A_512, %get3A_513] {strides = array<i32>} : memref<64x16xf32, #tpu.memory_space<vmem>>, vector<16xf32>,
    %reduce_max3A_515 = arith.constant true
    %reduce_max3A_516 = vector.broadcast %reduce_max3A_515 : i1 to vector<16xi1>
    %reduce_max3A_517 = tpu.scan <max>, %get3A_514 masked %reduce_max3A_516 : vector<16xf32>, vector<16xi1> -> vector<16xf32>
    %reduce_max3A_518 = vector.extract %reduce_max3A_517[15] : f32 from vector<16xf32>
    %eq3A_519 = vector.broadcast %reduce_max3A_518 : f32 to vector<16xf32>
    %eq3A_520 = arith.cmpf oeq, %get3A_514, %eq3A_519 : vector<16xf32>
    %all_reduce_ffs3A_521 = tpu.all_reduce %eq3A_520 {dim = 0 : i64, kind = #tpu.reduction_kind<find_first_set>} : vector<16xi1> -> vector<16xi32>
    %sub3A_522 = vector.broadcast %reduce_max3A_518 : f32 to vector<16xf32>
    %sub3A_523 = arith.subf %get3A_514, %sub3A_522 : vector<16xf32>
    %exp3A_524 = math.exp %sub3A_523 : vector<16xf32>
    %reduce_sum3A_525 = arith.constant true
    %reduce_sum3A_526 = vector.broadcast %reduce_sum3A_525 : i1 to vector<16xi1>
    %reduce_sum3A_527 = tpu.scan <sum>, %exp3A_524 masked %reduce_sum3A_526 : vector<16xf32>, vector<16xi1> -> vector<16xf32>
    %reduce_sum3A_528 = vector.extract %reduce_sum3A_527[15] : f32 from vector<16xf32>
    %eq3A_529 = arith.cmpi eq, %iota3A, %all_reduce_ffs3A_521 : vector<16xi32>
    %convert_element_type3A_530 = arith.extui %eq3A_529 : vector<16xi1> to vector<16xi32>
    %mul3A_531 = arith.muli %add3A_502, %convert_element_type3A_530 : vector<16xi32>
    %reduce_sum3A_532 = arith.constant true
    %reduce_sum3A_533 = vector.broadcast %reduce_sum3A_532 : i1 to vector<16xi1>
    %reduce_sum3A_534 = tpu.scan <sum>, %mul3A_531 masked %reduce_sum3A_533 : vector<16xi32>, vector<16xi1> -> vector<16xi32>
    %reduce_sum3A_535 = vector.extract %reduce_sum3A_534[15] : i32 from vector<16xi32>
    %add3A_536 = arith.addi %add3A_502, %convert_element_type3A_530 : vector<16xi32>
    %eq3A_537 = arith.constant 15 : i32
    %eq3A_538 = vector.broadcast %eq3A_537 : i32 to vector<16xi32>
    %eq3A_539 = arith.cmpi eq, %iota3A, %eq3A_538 : vector<16xi32>
    %select_n3A_540 = arith.select %eq3A_539, %all_reduce_ffs3A_521, %select_n3A_506 : vector<16xi1>, vector<16xi32>
    %broadcast_in_dim3A_541 = vector.broadcast %reduce_sum3A_535 : i32 to vector<16xi32>
    %select_n3A_542 = arith.select %eq3A_539, %broadcast_in_dim3A_541, %select_n3A_508 : vector<16xi1>, vector<16xi32>
    %broadcast_in_dim3A_543 = vector.broadcast %reduce_sum3A_528 : f32 to vector<16xf32>
    %select_n3A_544 = arith.select %eq3A_539, %broadcast_in_dim3A_543, %select_n3A_510 : vector<16xi1>, vector<16xf32>
    %swap3A = arith.constant 0 : index
    %swap3A_545 = tpu.vector_load %arg8[%swap3A] {strides = array<i32>} : memref<64xi32, #tpu.memory_space<vmem>>, vector<16xi32>,
    tpu.vector_store %arg8[%swap3A], %select_n3A_540 {strides = array<i32>} : memref<64xi32, #tpu.memory_space<vmem>>, vector<16xi32>,
    %swap3A_546 = arith.constant 0 : index
    %swap3A_547 = tpu.vector_load %arg9[%swap3A_546] {strides = array<i32>} : memref<64xi32, #tpu.memory_space<vmem>>, vector<16xi32>,
    tpu.vector_store %arg9[%swap3A_546], %select_n3A_542 {strides = array<i32>} : memref<64xi32, #tpu.memory_space<vmem>>, vector<16xi32>,
    %swap3A_548 = arith.constant 0 : index
    %swap3A_549 = tpu.vector_load %arg10[%swap3A_548] {strides = array<i32>} : memref<64xf32, #tpu.memory_space<vmem>>, vector<16xf32>,
    tpu.vector_store %arg10[%swap3A_548], %select_n3A_544 {strides = array<i32>} : memref<64xf32, #tpu.memory_space<vmem>>, vector<16xf32>,
    %broadcast_in_dim3A_550 = arith.constant 0 : i32
    %broadcast_in_dim3A_551 = vector.broadcast %broadcast_in_dim3A_550 : i32 to vector<16xi32>
    %broadcast_in_dim3A_552 = arith.constant 0 : i32
    %broadcast_in_dim3A_553 = vector.broadcast %broadcast_in_dim3A_552 : i32 to vector<16xi32>
    %broadcast_in_dim3A_554 = arith.constant 0.000000e+00 : f32
    %broadcast_in_dim3A_555 = vector.broadcast %broadcast_in_dim3A_554 : f32 to vector<16xf32>
    %get3A_556 = arith.constant 16 : i32
    %get3A_557 = arith.index_cast %get3A_556 : i32 to index
    %get3A_558 = arith.constant 0 : index
    %get3A_559 = tpu.vector_load %arg7[%get3A_557, %get3A_558] {strides = array<i32>} : memref<64x16xf32, #tpu.memory_space<vmem>>, vector<16xf32>,
    %reduce_max3A_560 = arith.constant true
    %reduce_max3A_561 = vector.broadcast %reduce_max3A_560 : i1 to vector<16xi1>
    %reduce_max3A_562 = tpu.scan <max>, %get3A_559 masked %reduce_max3A_561 : vector<16xf32>, vector<16xi1> -> vector<16xf32>
    %reduce_max3A_563 = vector.extract %reduce_max3A_562[15] : f32 from vector<16xf32>
    %eq3A_564 = vector.broadcast %reduce_max3A_563 : f32 to vector<16xf32>
    %eq3A_565 = arith.cmpf oeq, %get3A_559, %eq3A_564 : vector<16xf32>
    %all_reduce_ffs3A_566 = tpu.all_reduce %eq3A_565 {dim = 0 : i64, kind = #tpu.reduction_kind<find_first_set>} : vector<16xi1> -> vector<16xi32>
    %sub3A_567 = vector.broadcast %reduce_max3A_563 : f32 to vector<16xf32>
    %sub3A_568 = arith.subf %get3A_559, %sub3A_567 : vector<16xf32>
    %exp3A_569 = math.exp %sub3A_568 : vector<16xf32>
    %reduce_sum3A_570 = arith.constant true
    %reduce_sum3A_571 = vector.broadcast %reduce_sum3A_570 : i1 to vector<16xi1>
    %reduce_sum3A_572 = tpu.scan <sum>, %exp3A_569 masked %reduce_sum3A_571 : vector<16xf32>, vector<16xi1> -> vector<16xf32>
    %reduce_sum3A_573 = vector.extract %reduce_sum3A_572[15] : f32 from vector<16xf32>
    %eq3A_574 = arith.cmpi eq, %iota3A, %all_reduce_ffs3A_566 : vector<16xi32>
    %convert_element_type3A_575 = arith.extui %eq3A_574 : vector<16xi1> to vector<16xi32>
    %mul3A_576 = arith.muli %add3A_536, %convert_element_type3A_575 : vector<16xi32>
    %reduce_sum3A_577 = arith.constant true
    %reduce_sum3A_578 = vector.broadcast %reduce_sum3A_577 : i1 to vector<16xi1>
    %reduce_sum3A_579 = tpu.scan <sum>, %mul3A_576 masked %reduce_sum3A_578 : vector<16xi32>, vector<16xi1> -> vector<16xi32>
    %reduce_sum3A_580 = vector.extract %reduce_sum3A_579[15] : i32 from vector<16xi32>
    %add3A_581 = arith.addi %add3A_536, %convert_element_type3A_575 : vector<16xi32>
    %eq3A_582 = arith.constant 0 : i32
    %eq3A_583 = vector.broadcast %eq3A_582 : i32 to vector<16xi32>
    %eq3A_584 = arith.cmpi eq, %iota3A, %eq3A_583 : vector<16xi32>
    %select_n3A_585 = arith.select %eq3A_584, %all_reduce_ffs3A_566, %broadcast_in_dim3A_551 : vector<16xi1>, vector<16xi32>
    %broadcast_in_dim3A_586 = vector.broadcast %reduce_sum3A_580 : i32 to vector<16xi32>
    %select_n3A_587 = arith.select %eq3A_584, %broadcast_in_dim3A_586, %broadcast_in_dim3A_553 : vector<16xi1>, vector<16xi32>
    %broadcast_in_dim3A_588 = vector.broadcast %reduce_sum3A_573 : f32 to vector<16xf32>
    %select_n3A_589 = arith.select %eq3A_584, %broadcast_in_dim3A_588, %broadcast_in_dim3A_555 : vector<16xi1>, vector<16xf32>
    %get3A_590 = arith.constant 17 : i32
    %get3A_591 = arith.index_cast %get3A_590 : i32 to index
    %get3A_592 = arith.constant 0 : index
    %get3A_593 = tpu.vector_load %arg7[%get3A_591, %get3A_592] {strides = array<i32>} : memref<64x16xf32, #tpu.memory_space<vmem>>, vector<16xf32>,
    %reduce_max3A_594 = arith.constant true
    %reduce_max3A_595 = vector.broadcast %reduce_max3A_594 : i1 to vector<16xi1>
    %reduce_max3A_596 = tpu.scan <max>, %get3A_593 masked %reduce_max3A_595 : vector<16xf32>, vector<16xi1> -> vector<16xf32>
    %reduce_max3A_597 = vector.extract %reduce_max3A_596[15] : f32 from vector<16xf32>
    %eq3A_598 = vector.broadcast %reduce_max3A_597 : f32 to vector<16xf32>
    %eq3A_599 = arith.cmpf oeq, %get3A_593, %eq3A_598 : vector<16xf32>
    %all_reduce_ffs3A_600 = tpu.all_reduce %eq3A_599 {dim = 0 : i64, kind = #tpu.reduction_kind<find_first_set>} : vector<16xi1> -> vector<16xi32>
    %sub3A_601 = vector.broadcast %reduce_max3A_597 : f32 to vector<16xf32>
    %sub3A_602 = arith.subf %get3A_593, %sub3A_601 : vector<16xf32>
    %exp3A_603 = math.exp %sub3A_602 : vector<16xf32>
    %reduce_sum3A_604 = arith.constant true
    %reduce_sum3A_605 = vector.broadcast %reduce_sum3A_604 : i1 to vector<16xi1>
    %reduce_sum3A_606 = tpu.scan <sum>, %exp3A_603 masked %reduce_sum3A_605 : vector<16xf32>, vector<16xi1> -> vector<16xf32>
    %reduce_sum3A_607 = vector.extract %reduce_sum3A_606[15] : f32 from vector<16xf32>
    %eq3A_608 = arith.cmpi eq, %iota3A, %all_reduce_ffs3A_600 : vector<16xi32>
    %convert_element_type3A_609 = arith.extui %eq3A_608 : vector<16xi1> to vector<16xi32>
    %mul3A_610 = arith.muli %add3A_581, %convert_element_type3A_609 : vector<16xi32>
    %reduce_sum3A_611 = arith.constant true
    %reduce_sum3A_612 = vector.broadcast %reduce_sum3A_611 : i1 to vector<16xi1>
    %reduce_sum3A_613 = tpu.scan <sum>, %mul3A_610 masked %reduce_sum3A_612 : vector<16xi32>, vector<16xi1> -> vector<16xi32>
    %reduce_sum3A_614 = vector.extract %reduce_sum3A_613[15] : i32 from vector<16xi32>
    %add3A_615 = arith.addi %add3A_581, %convert_element_type3A_609 : vector<16xi32>
    %eq3A_616 = arith.constant 1 : i32
    %eq3A_617 = vector.broadcast %eq3A_616 : i32 to vector<16xi32>
    %eq3A_618 = arith.cmpi eq, %iota3A, %eq3A_617 : vector<16xi32>
    %select_n3A_619 = arith.select %eq3A_618, %all_reduce_ffs3A_600, %select_n3A_585 : vector<16xi1>, vector<16xi32>
    %broadcast_in_dim3A_620 = vector.broadcast %reduce_sum3A_614 : i32 to vector<16xi32>
    %select_n3A_621 = arith.select %eq3A_618, %broadcast_in_dim3A_620, %select_n3A_587 : vector<16xi1>, vector<16xi32>
    %broadcast_in_dim3A_622 = vector.broadcast %reduce_sum3A_607 : f32 to vector<16xf32>
    %select_n3A_623 = arith.select %eq3A_618, %broadcast_in_dim3A_622, %select_n3A_589 : vector<16xi1>, vector<16xf32>
    %get3A_624 = arith.constant 18 : i32
    %get3A_625 = arith.index_cast %get3A_624 : i32 to index
    %get3A_626 = arith.constant 0 : index
    %get3A_627 = tpu.vector_load %arg7[%get3A_625, %get3A_626] {strides = array<i32>} : memref<64x16xf32, #tpu.memory_space<vmem>>, vector<16xf32>,
    %reduce_max3A_628 = arith.constant true
    %reduce_max3A_629 = vector.broadcast %reduce_max3A_628 : i1 to vector<16xi1>
    %reduce_max3A_630 = tpu.scan <max>, %get3A_627 masked %reduce_max3A_629 : vector<16xf32>, vector<16xi1> -> vector<16xf32>
    %reduce_max3A_631 = vector.extract %reduce_max3A_630[15] : f32 from vector<16xf32>
    %eq3A_632 = vector.broadcast %reduce_max3A_631 : f32 to vector<16xf32>
    %eq3A_633 = arith.cmpf oeq, %get3A_627, %eq3A_632 : vector<16xf32>
    %all_reduce_ffs3A_634 = tpu.all_reduce %eq3A_633 {dim = 0 : i64, kind = #tpu.reduction_kind<find_first_set>} : vector<16xi1> -> vector<16xi32>
    %sub3A_635 = vector.broadcast %reduce_max3A_631 : f32 to vector<16xf32>
    %sub3A_636 = arith.subf %get3A_627, %sub3A_635 : vector<16xf32>
    %exp3A_637 = math.exp %sub3A_636 : vector<16xf32>
    %reduce_sum3A_638 = arith.constant true
    %reduce_sum3A_639 = vector.broadcast %reduce_sum3A_638 : i1 to vector<16xi1>
    %reduce_sum3A_640 = tpu.scan <sum>, %exp3A_637 masked %reduce_sum3A_639 : vector<16xf32>, vector<16xi1> -> vector<16xf32>
    %reduce_sum3A_641 = vector.extract %reduce_sum3A_640[15] : f32 from vector<16xf32>
    %eq3A_642 = arith.cmpi eq, %iota3A, %all_reduce_ffs3A_634 : vector<16xi32>
    %convert_element_type3A_643 = arith.extui %eq3A_642 : vector<16xi1> to vector<16xi32>
    %mul3A_644 = arith.muli %add3A_615, %convert_element_type3A_643 : vector<16xi32>
    %reduce_sum3A_645 = arith.constant true
    %reduce_sum3A_646 = vector.broadcast %reduce_sum3A_645 : i1 to vector<16xi1>
    %reduce_sum3A_647 = tpu.scan <sum>, %mul3A_644 masked %reduce_sum3A_646 : vector<16xi32>, vector<16xi1> -> vector<16xi32>
    %reduce_sum3A_648 = vector.extract %reduce_sum3A_647[15] : i32 from vector<16xi32>
    %add3A_649 = arith.addi %add3A_615, %convert_element_type3A_643 : vector<16xi32>
    %eq3A_650 = arith.constant 2 : i32
    %eq3A_651 = vector.broadcast %eq3A_650 : i32 to vector<16xi32>
    %eq3A_652 = arith.cmpi eq, %iota3A, %eq3A_651 : vector<16xi32>
    %select_n3A_653 = arith.select %eq3A_652, %all_reduce_ffs3A_634, %select_n3A_619 : vector<16xi1>, vector<16xi32>
    %broadcast_in_dim3A_654 = vector.broadcast %reduce_sum3A_648 : i32 to vector<16xi32>
    %select_n3A_655 = arith.select %eq3A_652, %broadcast_in_dim3A_654, %select_n3A_621 : vector<16xi1>, vector<16xi32>
    %broadcast_in_dim3A_656 = vector.broadcast %reduce_sum3A_641 : f32 to vector<16xf32>
    %select_n3A_657 = arith.select %eq3A_652, %broadcast_in_dim3A_656, %select_n3A_623 : vector<16xi1>, vector<16xf32>
    %get3A_658 = arith.constant 19 : i32
    %get3A_659 = arith.index_cast %get3A_658 : i32 to index
    %get3A_660 = arith.constant 0 : index
    %get3A_661 = tpu.vector_load %arg7[%get3A_659, %get3A_660] {strides = array<i32>} : memref<64x16xf32, #tpu.memory_space<vmem>>, vector<16xf32>,
    %reduce_max3A_662 = arith.constant true
    %reduce_max3A_663 = vector.broadcast %reduce_max3A_662 : i1 to vector<16xi1>
    %reduce_max3A_664 = tpu.scan <max>, %get3A_661 masked %reduce_max3A_663 : vector<16xf32>, vector<16xi1> -> vector<16xf32>
    %reduce_max3A_665 = vector.extract %reduce_max3A_664[15] : f32 from vector<16xf32>
    %eq3A_666 = vector.broadcast %reduce_max3A_665 : f32 to vector<16xf32>
    %eq3A_667 = arith.cmpf oeq, %get3A_661, %eq3A_666 : vector<16xf32>
    %all_reduce_ffs3A_668 = tpu.all_reduce %eq3A_667 {dim = 0 : i64, kind = #tpu.reduction_kind<find_first_set>} : vector<16xi1> -> vector<16xi32>
    %sub3A_669 = vector.broadcast %reduce_max3A_665 : f32 to vector<16xf32>
    %sub3A_670 = arith.subf %get3A_661, %sub3A_669 : vector<16xf32>
    %exp3A_671 = math.exp %sub3A_670 : vector<16xf32>
    %reduce_sum3A_672 = arith.constant true
    %reduce_sum3A_673 = vector.broadcast %reduce_sum3A_672 : i1 to vector<16xi1>
    %reduce_sum3A_674 = tpu.scan <sum>, %exp3A_671 masked %reduce_sum3A_673 : vector<16xf32>, vector<16xi1> -> vector<16xf32>
    %reduce_sum3A_675 = vector.extract %reduce_sum3A_674[15] : f32 from vector<16xf32>
    %eq3A_676 = arith.cmpi eq, %iota3A, %all_reduce_ffs3A_668 : vector<16xi32>
    %convert_element_type3A_677 = arith.extui %eq3A_676 : vector<16xi1> to vector<16xi32>
    %mul3A_678 = arith.muli %add3A_649, %convert_element_type3A_677 : vector<16xi32>
    %reduce_sum3A_679 = arith.constant true
    %reduce_sum3A_680 = vector.broadcast %reduce_sum3A_679 : i1 to vector<16xi1>
    %reduce_sum3A_681 = tpu.scan <sum>, %mul3A_678 masked %reduce_sum3A_680 : vector<16xi32>, vector<16xi1> -> vector<16xi32>
    %reduce_sum3A_682 = vector.extract %reduce_sum3A_681[15] : i32 from vector<16xi32>
    %add3A_683 = arith.addi %add3A_649, %convert_element_type3A_677 : vector<16xi32>
    %eq3A_684 = arith.constant 3 : i32
    %eq3A_685 = vector.broadcast %eq3A_684 : i32 to vector<16xi32>
    %eq3A_686 = arith.cmpi eq, %iota3A, %eq3A_685 : vector<16xi32>
    %select_n3A_687 = arith.select %eq3A_686, %all_reduce_ffs3A_668, %select_n3A_653 : vector<16xi1>, vector<16xi32>
    %broadcast_in_dim3A_688 = vector.broadcast %reduce_sum3A_682 : i32 to vector<16xi32>
    %select_n3A_689 = arith.select %eq3A_686, %broadcast_in_dim3A_688, %select_n3A_655 : vector<16xi1>, vector<16xi32>
    %broadcast_in_dim3A_690 = vector.broadcast %reduce_sum3A_675 : f32 to vector<16xf32>
    %select_n3A_691 = arith.select %eq3A_686, %broadcast_in_dim3A_690, %select_n3A_657 : vector<16xi1>, vector<16xf32>
    %get3A_692 = arith.constant 20 : i32
    %get3A_693 = arith.index_cast %get3A_692 : i32 to index
    %get3A_694 = arith.constant 0 : index
    %get3A_695 = tpu.vector_load %arg7[%get3A_693, %get3A_694] {strides = array<i32>} : memref<64x16xf32, #tpu.memory_space<vmem>>, vector<16xf32>,
    %reduce_max3A_696 = arith.constant true
    %reduce_max3A_697 = vector.broadcast %reduce_max3A_696 : i1 to vector<16xi1>
    %reduce_max3A_698 = tpu.scan <max>, %get3A_695 masked %reduce_max3A_697 : vector<16xf32>, vector<16xi1> -> vector<16xf32>
    %reduce_max3A_699 = vector.extract %reduce_max3A_698[15] : f32 from vector<16xf32>
    %eq3A_700 = vector.broadcast %reduce_max3A_699 : f32 to vector<16xf32>
    %eq3A_701 = arith.cmpf oeq, %get3A_695, %eq3A_700 : vector<16xf32>
    %all_reduce_ffs3A_702 = tpu.all_reduce %eq3A_701 {dim = 0 : i64, kind = #tpu.reduction_kind<find_first_set>} : vector<16xi1> -> vector<16xi32>
    %sub3A_703 = vector.broadcast %reduce_max3A_699 : f32 to vector<16xf32>
    %sub3A_704 = arith.subf %get3A_695, %sub3A_703 : vector<16xf32>
    %exp3A_705 = math.exp %sub3A_704 : vector<16xf32>
    %reduce_sum3A_706 = arith.constant true
    %reduce_sum3A_707 = vector.broadcast %reduce_sum3A_706 : i1 to vector<16xi1>
    %reduce_sum3A_708 = tpu.scan <sum>, %exp3A_705 masked %reduce_sum3A_707 : vector<16xf32>, vector<16xi1> -> vector<16xf32>
    %reduce_sum3A_709 = vector.extract %reduce_sum3A_708[15] : f32 from vector<16xf32>
    %eq3A_710 = arith.cmpi eq, %iota3A, %all_reduce_ffs3A_702 : vector<16xi32>
    %convert_element_type3A_711 = arith.extui %eq3A_710 : vector<16xi1> to vector<16xi32>
    %mul3A_712 = arith.muli %add3A_683, %convert_element_type3A_711 : vector<16xi32>
    %reduce_sum3A_713 = arith.constant true
    %reduce_sum3A_714 = vector.broadcast %reduce_sum3A_713 : i1 to vector<16xi1>
    %reduce_sum3A_715 = tpu.scan <sum>, %mul3A_712 masked %reduce_sum3A_714 : vector<16xi32>, vector<16xi1> -> vector<16xi32>
    %reduce_sum3A_716 = vector.extract %reduce_sum3A_715[15] : i32 from vector<16xi32>
    %add3A_717 = arith.addi %add3A_683, %convert_element_type3A_711 : vector<16xi32>
    %eq3A_718 = arith.constant 4 : i32
    %eq3A_719 = vector.broadcast %eq3A_718 : i32 to vector<16xi32>
    %eq3A_720 = arith.cmpi eq, %iota3A, %eq3A_719 : vector<16xi32>
    %select_n3A_721 = arith.select %eq3A_720, %all_reduce_ffs3A_702, %select_n3A_687 : vector<16xi1>, vector<16xi32>
    %broadcast_in_dim3A_722 = vector.broadcast %reduce_sum3A_716 : i32 to vector<16xi32>
    %select_n3A_723 = arith.select %eq3A_720, %broadcast_in_dim3A_722, %select_n3A_689 : vector<16xi1>, vector<16xi32>
    %broadcast_in_dim3A_724 = vector.broadcast %reduce_sum3A_709 : f32 to vector<16xf32>
    %select_n3A_725 = arith.select %eq3A_720, %broadcast_in_dim3A_724, %select_n3A_691 : vector<16xi1>, vector<16xf32>
    %get3A_726 = arith.constant 21 : i32
    %get3A_727 = arith.index_cast %get3A_726 : i32 to index
    %get3A_728 = arith.constant 0 : index
    %get3A_729 = tpu.vector_load %arg7[%get3A_727, %get3A_728] {strides = array<i32>} : memref<64x16xf32, #tpu.memory_space<vmem>>, vector<16xf32>,
    %reduce_max3A_730 = arith.constant true
    %reduce_max3A_731 = vector.broadcast %reduce_max3A_730 : i1 to vector<16xi1>
    %reduce_max3A_732 = tpu.scan <max>, %get3A_729 masked %reduce_max3A_731 : vector<16xf32>, vector<16xi1> -> vector<16xf32>
    %reduce_max3A_733 = vector.extract %reduce_max3A_732[15] : f32 from vector<16xf32>
    %eq3A_734 = vector.broadcast %reduce_max3A_733 : f32 to vector<16xf32>
    %eq3A_735 = arith.cmpf oeq, %get3A_729, %eq3A_734 : vector<16xf32>
    %all_reduce_ffs3A_736 = tpu.all_reduce %eq3A_735 {dim = 0 : i64, kind = #tpu.reduction_kind<find_first_set>} : vector<16xi1> -> vector<16xi32>
    %sub3A_737 = vector.broadcast %reduce_max3A_733 : f32 to vector<16xf32>
    %sub3A_738 = arith.subf %get3A_729, %sub3A_737 : vector<16xf32>
    %exp3A_739 = math.exp %sub3A_738 : vector<16xf32>
    %reduce_sum3A_740 = arith.constant true
    %reduce_sum3A_741 = vector.broadcast %reduce_sum3A_740 : i1 to vector<16xi1>
    %reduce_sum3A_742 = tpu.scan <sum>, %exp3A_739 masked %reduce_sum3A_741 : vector<16xf32>, vector<16xi1> -> vector<16xf32>
    %reduce_sum3A_743 = vector.extract %reduce_sum3A_742[15] : f32 from vector<16xf32>
    %eq3A_744 = arith.cmpi eq, %iota3A, %all_reduce_ffs3A_736 : vector<16xi32>
    %convert_element_type3A_745 = arith.extui %eq3A_744 : vector<16xi1> to vector<16xi32>
    %mul3A_746 = arith.muli %add3A_717, %convert_element_type3A_745 : vector<16xi32>
    %reduce_sum3A_747 = arith.constant true
    %reduce_sum3A_748 = vector.broadcast %reduce_sum3A_747 : i1 to vector<16xi1>
    %reduce_sum3A_749 = tpu.scan <sum>, %mul3A_746 masked %reduce_sum3A_748 : vector<16xi32>, vector<16xi1> -> vector<16xi32>
    %reduce_sum3A_750 = vector.extract %reduce_sum3A_749[15] : i32 from vector<16xi32>
    %add3A_751 = arith.addi %add3A_717, %convert_element_type3A_745 : vector<16xi32>
    %eq3A_752 = arith.constant 5 : i32
    %eq3A_753 = vector.broadcast %eq3A_752 : i32 to vector<16xi32>
    %eq3A_754 = arith.cmpi eq, %iota3A, %eq3A_753 : vector<16xi32>
    %select_n3A_755 = arith.select %eq3A_754, %all_reduce_ffs3A_736, %select_n3A_721 : vector<16xi1>, vector<16xi32>
    %broadcast_in_dim3A_756 = vector.broadcast %reduce_sum3A_750 : i32 to vector<16xi32>
    %select_n3A_757 = arith.select %eq3A_754, %broadcast_in_dim3A_756, %select_n3A_723 : vector<16xi1>, vector<16xi32>
    %broadcast_in_dim3A_758 = vector.broadcast %reduce_sum3A_743 : f32 to vector<16xf32>
    %select_n3A_759 = arith.select %eq3A_754, %broadcast_in_dim3A_758, %select_n3A_725 : vector<16xi1>, vector<16xf32>
    %get3A_760 = arith.constant 22 : i32
    %get3A_761 = arith.index_cast %get3A_760 : i32 to index
    %get3A_762 = arith.constant 0 : index
    %get3A_763 = tpu.vector_load %arg7[%get3A_761, %get3A_762] {strides = array<i32>} : memref<64x16xf32, #tpu.memory_space<vmem>>, vector<16xf32>,
    %reduce_max3A_764 = arith.constant true
    %reduce_max3A_765 = vector.broadcast %reduce_max3A_764 : i1 to vector<16xi1>
    %reduce_max3A_766 = tpu.scan <max>, %get3A_763 masked %reduce_max3A_765 : vector<16xf32>, vector<16xi1> -> vector<16xf32>
    %reduce_max3A_767 = vector.extract %reduce_max3A_766[15] : f32 from vector<16xf32>
    %eq3A_768 = vector.broadcast %reduce_max3A_767 : f32 to vector<16xf32>
    %eq3A_769 = arith.cmpf oeq, %get3A_763, %eq3A_768 : vector<16xf32>
    %all_reduce_ffs3A_770 = tpu.all_reduce %eq3A_769 {dim = 0 : i64, kind = #tpu.reduction_kind<find_first_set>} : vector<16xi1> -> vector<16xi32>
    %sub3A_771 = vector.broadcast %reduce_max3A_767 : f32 to vector<16xf32>
    %sub3A_772 = arith.subf %get3A_763, %sub3A_771 : vector<16xf32>
    %exp3A_773 = math.exp %sub3A_772 : vector<16xf32>
    %reduce_sum3A_774 = arith.constant true
    %reduce_sum3A_775 = vector.broadcast %reduce_sum3A_774 : i1 to vector<16xi1>
    %reduce_sum3A_776 = tpu.scan <sum>, %exp3A_773 masked %reduce_sum3A_775 : vector<16xf32>, vector<16xi1> -> vector<16xf32>
    %reduce_sum3A_777 = vector.extract %reduce_sum3A_776[15] : f32 from vector<16xf32>
    %eq3A_778 = arith.cmpi eq, %iota3A, %all_reduce_ffs3A_770 : vector<16xi32>
    %convert_element_type3A_779 = arith.extui %eq3A_778 : vector<16xi1> to vector<16xi32>
    %mul3A_780 = arith.muli %add3A_751, %convert_element_type3A_779 : vector<16xi32>
    %reduce_sum3A_781 = arith.constant true
    %reduce_sum3A_782 = vector.broadcast %reduce_sum3A_781 : i1 to vector<16xi1>
    %reduce_sum3A_783 = tpu.scan <sum>, %mul3A_780 masked %reduce_sum3A_782 : vector<16xi32>, vector<16xi1> -> vector<16xi32>
    %reduce_sum3A_784 = vector.extract %reduce_sum3A_783[15] : i32 from vector<16xi32>
    %add3A_785 = arith.addi %add3A_751, %convert_element_type3A_779 : vector<16xi32>
    %eq3A_786 = arith.constant 6 : i32
    %eq3A_787 = vector.broadcast %eq3A_786 : i32 to vector<16xi32>
    %eq3A_788 = arith.cmpi eq, %iota3A, %eq3A_787 : vector<16xi32>
    %select_n3A_789 = arith.select %eq3A_788, %all_reduce_ffs3A_770, %select_n3A_755 : vector<16xi1>, vector<16xi32>
    %broadcast_in_dim3A_790 = vector.broadcast %reduce_sum3A_784 : i32 to vector<16xi32>
    %select_n3A_791 = arith.select %eq3A_788, %broadcast_in_dim3A_790, %select_n3A_757 : vector<16xi1>, vector<16xi32>
    %broadcast_in_dim3A_792 = vector.broadcast %reduce_sum3A_777 : f32 to vector<16xf32>
    %select_n3A_793 = arith.select %eq3A_788, %broadcast_in_dim3A_792, %select_n3A_759 : vector<16xi1>, vector<16xf32>
    %get3A_794 = arith.constant 23 : i32
    %get3A_795 = arith.index_cast %get3A_794 : i32 to index
    %get3A_796 = arith.constant 0 : index
    %get3A_797 = tpu.vector_load %arg7[%get3A_795, %get3A_796] {strides = array<i32>} : memref<64x16xf32, #tpu.memory_space<vmem>>, vector<16xf32>,
    %reduce_max3A_798 = arith.constant true
    %reduce_max3A_799 = vector.broadcast %reduce_max3A_798 : i1 to vector<16xi1>
    %reduce_max3A_800 = tpu.scan <max>, %get3A_797 masked %reduce_max3A_799 : vector<16xf32>, vector<16xi1> -> vector<16xf32>
    %reduce_max3A_801 = vector.extract %reduce_max3A_800[15] : f32 from vector<16xf32>
    %eq3A_802 = vector.broadcast %reduce_max3A_801 : f32 to vector<16xf32>
    %eq3A_803 = arith.cmpf oeq, %get3A_797, %eq3A_802 : vector<16xf32>
    %all_reduce_ffs3A_804 = tpu.all_reduce %eq3A_803 {dim = 0 : i64, kind = #tpu.reduction_kind<find_first_set>} : vector<16xi1> -> vector<16xi32>
    %sub3A_805 = vector.broadcast %reduce_max3A_801 : f32 to vector<16xf32>
    %sub3A_806 = arith.subf %get3A_797, %sub3A_805 : vector<16xf32>
    %exp3A_807 = math.exp %sub3A_806 : vector<16xf32>
    %reduce_sum3A_808 = arith.constant true
    %reduce_sum3A_809 = vector.broadcast %reduce_sum3A_808 : i1 to vector<16xi1>
    %reduce_sum3A_810 = tpu.scan <sum>, %exp3A_807 masked %reduce_sum3A_809 : vector<16xf32>, vector<16xi1> -> vector<16xf32>
    %reduce_sum3A_811 = vector.extract %reduce_sum3A_810[15] : f32 from vector<16xf32>
    %eq3A_812 = arith.cmpi eq, %iota3A, %all_reduce_ffs3A_804 : vector<16xi32>
    %convert_element_type3A_813 = arith.extui %eq3A_812 : vector<16xi1> to vector<16xi32>
    %mul3A_814 = arith.muli %add3A_785, %convert_element_type3A_813 : vector<16xi32>
    %reduce_sum3A_815 = arith.constant true
    %reduce_sum3A_816 = vector.broadcast %reduce_sum3A_815 : i1 to vector<16xi1>
    %reduce_sum3A_817 = tpu.scan <sum>, %mul3A_814 masked %reduce_sum3A_816 : vector<16xi32>, vector<16xi1> -> vector<16xi32>
    %reduce_sum3A_818 = vector.extract %reduce_sum3A_817[15] : i32 from vector<16xi32>
    %add3A_819 = arith.addi %add3A_785, %convert_element_type3A_813 : vector<16xi32>
    %eq3A_820 = arith.constant 7 : i32
    %eq3A_821 = vector.broadcast %eq3A_820 : i32 to vector<16xi32>
    %eq3A_822 = arith.cmpi eq, %iota3A, %eq3A_821 : vector<16xi32>
    %select_n3A_823 = arith.select %eq3A_822, %all_reduce_ffs3A_804, %select_n3A_789 : vector<16xi1>, vector<16xi32>
    %broadcast_in_dim3A_824 = vector.broadcast %reduce_sum3A_818 : i32 to vector<16xi32>
    %select_n3A_825 = arith.select %eq3A_822, %broadcast_in_dim3A_824, %select_n3A_791 : vector<16xi1>, vector<16xi32>
    %broadcast_in_dim3A_826 = vector.broadcast %reduce_sum3A_811 : f32 to vector<16xf32>
    %select_n3A_827 = arith.select %eq3A_822, %broadcast_in_dim3A_826, %select_n3A_793 : vector<16xi1>, vector<16xf32>
    %get3A_828 = arith.constant 24 : i32
    %get3A_829 = arith.index_cast %get3A_828 : i32 to index
    %get3A_830 = arith.constant 0 : index
    %get3A_831 = tpu.vector_load %arg7[%get3A_829, %get3A_830] {strides = array<i32>} : memref<64x16xf32, #tpu.memory_space<vmem>>, vector<16xf32>,
    %reduce_max3A_832 = arith.constant true
    %reduce_max3A_833 = vector.broadcast %reduce_max3A_832 : i1 to vector<16xi1>
    %reduce_max3A_834 = tpu.scan <max>, %get3A_831 masked %reduce_max3A_833 : vector<16xf32>, vector<16xi1> -> vector<16xf32>
    %reduce_max3A_835 = vector.extract %reduce_max3A_834[15] : f32 from vector<16xf32>
    %eq3A_836 = vector.broadcast %reduce_max3A_835 : f32 to vector<16xf32>
    %eq3A_837 = arith.cmpf oeq, %get3A_831, %eq3A_836 : vector<16xf32>
    %all_reduce_ffs3A_838 = tpu.all_reduce %eq3A_837 {dim = 0 : i64, kind = #tpu.reduction_kind<find_first_set>} : vector<16xi1> -> vector<16xi32>
    %sub3A_839 = vector.broadcast %reduce_max3A_835 : f32 to vector<16xf32>
    %sub3A_840 = arith.subf %get3A_831, %sub3A_839 : vector<16xf32>
    %exp3A_841 = math.exp %sub3A_840 : vector<16xf32>
    %reduce_sum3A_842 = arith.constant true
    %reduce_sum3A_843 = vector.broadcast %reduce_sum3A_842 : i1 to vector<16xi1>
    %reduce_sum3A_844 = tpu.scan <sum>, %exp3A_841 masked %reduce_sum3A_843 : vector<16xf32>, vector<16xi1> -> vector<16xf32>
    %reduce_sum3A_845 = vector.extract %reduce_sum3A_844[15] : f32 from vector<16xf32>
    %eq3A_846 = arith.cmpi eq, %iota3A, %all_reduce_ffs3A_838 : vector<16xi32>
    %convert_element_type3A_847 = arith.extui %eq3A_846 : vector<16xi1> to vector<16xi32>
    %mul3A_848 = arith.muli %add3A_819, %convert_element_type3A_847 : vector<16xi32>
    %reduce_sum3A_849 = arith.constant true
    %reduce_sum3A_850 = vector.broadcast %reduce_sum3A_849 : i1 to vector<16xi1>
    %reduce_sum3A_851 = tpu.scan <sum>, %mul3A_848 masked %reduce_sum3A_850 : vector<16xi32>, vector<16xi1> -> vector<16xi32>
    %reduce_sum3A_852 = vector.extract %reduce_sum3A_851[15] : i32 from vector<16xi32>
    %add3A_853 = arith.addi %add3A_819, %convert_element_type3A_847 : vector<16xi32>
    %eq3A_854 = arith.constant 8 : i32
    %eq3A_855 = vector.broadcast %eq3A_854 : i32 to vector<16xi32>
    %eq3A_856 = arith.cmpi eq, %iota3A, %eq3A_855 : vector<16xi32>
    %select_n3A_857 = arith.select %eq3A_856, %all_reduce_ffs3A_838, %select_n3A_823 : vector<16xi1>, vector<16xi32>
    %broadcast_in_dim3A_858 = vector.broadcast %reduce_sum3A_852 : i32 to vector<16xi32>
    %select_n3A_859 = arith.select %eq3A_856, %broadcast_in_dim3A_858, %select_n3A_825 : vector<16xi1>, vector<16xi32>
    %broadcast_in_dim3A_860 = vector.broadcast %reduce_sum3A_845 : f32 to vector<16xf32>
    %select_n3A_861 = arith.select %eq3A_856, %broadcast_in_dim3A_860, %select_n3A_827 : vector<16xi1>, vector<16xf32>
    %get3A_862 = arith.constant 25 : i32
    %get3A_863 = arith.index_cast %get3A_862 : i32 to index
    %get3A_864 = arith.constant 0 : index
    %get3A_865 = tpu.vector_load %arg7[%get3A_863, %get3A_864] {strides = array<i32>} : memref<64x16xf32, #tpu.memory_space<vmem>>, vector<16xf32>,
    %reduce_max3A_866 = arith.constant true
    %reduce_max3A_867 = vector.broadcast %reduce_max3A_866 : i1 to vector<16xi1>
    %reduce_max3A_868 = tpu.scan <max>, %get3A_865 masked %reduce_max3A_867 : vector<16xf32>, vector<16xi1> -> vector<16xf32>
    %reduce_max3A_869 = vector.extract %reduce_max3A_868[15] : f32 from vector<16xf32>
    %eq3A_870 = vector.broadcast %reduce_max3A_869 : f32 to vector<16xf32>
    %eq3A_871 = arith.cmpf oeq, %get3A_865, %eq3A_870 : vector<16xf32>
    %all_reduce_ffs3A_872 = tpu.all_reduce %eq3A_871 {dim = 0 : i64, kind = #tpu.reduction_kind<find_first_set>} : vector<16xi1> -> vector<16xi32>
    %sub3A_873 = vector.broadcast %reduce_max3A_869 : f32 to vector<16xf32>
    %sub3A_874 = arith.subf %get3A_865, %sub3A_873 : vector<16xf32>
    %exp3A_875 = math.exp %sub3A_874 : vector<16xf32>
    %reduce_sum3A_876 = arith.constant true
    %reduce_sum3A_877 = vector.broadcast %reduce_sum3A_876 : i1 to vector<16xi1>
    %reduce_sum3A_878 = tpu.scan <sum>, %exp3A_875 masked %reduce_sum3A_877 : vector<16xf32>, vector<16xi1> -> vector<16xf32>
    %reduce_sum3A_879 = vector.extract %reduce_sum3A_878[15] : f32 from vector<16xf32>
    %eq3A_880 = arith.cmpi eq, %iota3A, %all_reduce_ffs3A_872 : vector<16xi32>
    %convert_element_type3A_881 = arith.extui %eq3A_880 : vector<16xi1> to vector<16xi32>
    %mul3A_882 = arith.muli %add3A_853, %convert_element_type3A_881 : vector<16xi32>
    %reduce_sum3A_883 = arith.constant true
    %reduce_sum3A_884 = vector.broadcast %reduce_sum3A_883 : i1 to vector<16xi1>
    %reduce_sum3A_885 = tpu.scan <sum>, %mul3A_882 masked %reduce_sum3A_884 : vector<16xi32>, vector<16xi1> -> vector<16xi32>
    %reduce_sum3A_886 = vector.extract %reduce_sum3A_885[15] : i32 from vector<16xi32>
    %add3A_887 = arith.addi %add3A_853, %convert_element_type3A_881 : vector<16xi32>
    %eq3A_888 = arith.constant 9 : i32
    %eq3A_889 = vector.broadcast %eq3A_888 : i32 to vector<16xi32>
    %eq3A_890 = arith.cmpi eq, %iota3A, %eq3A_889 : vector<16xi32>
    %select_n3A_891 = arith.select %eq3A_890, %all_reduce_ffs3A_872, %select_n3A_857 : vector<16xi1>, vector<16xi32>
    %broadcast_in_dim3A_892 = vector.broadcast %reduce_sum3A_886 : i32 to vector<16xi32>
    %select_n3A_893 = arith.select %eq3A_890, %broadcast_in_dim3A_892, %select_n3A_859 : vector<16xi1>, vector<16xi32>
    %broadcast_in_dim3A_894 = vector.broadcast %reduce_sum3A_879 : f32 to vector<16xf32>
    %select_n3A_895 = arith.select %eq3A_890, %broadcast_in_dim3A_894, %select_n3A_861 : vector<16xi1>, vector<16xf32>
    %get3A_896 = arith.constant 26 : i32
    %get3A_897 = arith.index_cast %get3A_896 : i32 to index
    %get3A_898 = arith.constant 0 : index
    %get3A_899 = tpu.vector_load %arg7[%get3A_897, %get3A_898] {strides = array<i32>} : memref<64x16xf32, #tpu.memory_space<vmem>>, vector<16xf32>,
    %reduce_max3A_900 = arith.constant true
    %reduce_max3A_901 = vector.broadcast %reduce_max3A_900 : i1 to vector<16xi1>
    %reduce_max3A_902 = tpu.scan <max>, %get3A_899 masked %reduce_max3A_901 : vector<16xf32>, vector<16xi1> -> vector<16xf32>
    %reduce_max3A_903 = vector.extract %reduce_max3A_902[15] : f32 from vector<16xf32>
    %eq3A_904 = vector.broadcast %reduce_max3A_903 : f32 to vector<16xf32>
    %eq3A_905 = arith.cmpf oeq, %get3A_899, %eq3A_904 : vector<16xf32>
    %all_reduce_ffs3A_906 = tpu.all_reduce %eq3A_905 {dim = 0 : i64, kind = #tpu.reduction_kind<find_first_set>} : vector<16xi1> -> vector<16xi32>
    %sub3A_907 = vector.broadcast %reduce_max3A_903 : f32 to vector<16xf32>
    %sub3A_908 = arith.subf %get3A_899, %sub3A_907 : vector<16xf32>
    %exp3A_909 = math.exp %sub3A_908 : vector<16xf32>
    %reduce_sum3A_910 = arith.constant true
    %reduce_sum3A_911 = vector.broadcast %reduce_sum3A_910 : i1 to vector<16xi1>
    %reduce_sum3A_912 = tpu.scan <sum>, %exp3A_909 masked %reduce_sum3A_911 : vector<16xf32>, vector<16xi1> -> vector<16xf32>
    %reduce_sum3A_913 = vector.extract %reduce_sum3A_912[15] : f32 from vector<16xf32>
    %eq3A_914 = arith.cmpi eq, %iota3A, %all_reduce_ffs3A_906 : vector<16xi32>
    %convert_element_type3A_915 = arith.extui %eq3A_914 : vector<16xi1> to vector<16xi32>
    %mul3A_916 = arith.muli %add3A_887, %convert_element_type3A_915 : vector<16xi32>
    %reduce_sum3A_917 = arith.constant true
    %reduce_sum3A_918 = vector.broadcast %reduce_sum3A_917 : i1 to vector<16xi1>
    %reduce_sum3A_919 = tpu.scan <sum>, %mul3A_916 masked %reduce_sum3A_918 : vector<16xi32>, vector<16xi1> -> vector<16xi32>
    %reduce_sum3A_920 = vector.extract %reduce_sum3A_919[15] : i32 from vector<16xi32>
    %add3A_921 = arith.addi %add3A_887, %convert_element_type3A_915 : vector<16xi32>
    %eq3A_922 = arith.constant 10 : i32
    %eq3A_923 = vector.broadcast %eq3A_922 : i32 to vector<16xi32>
    %eq3A_924 = arith.cmpi eq, %iota3A, %eq3A_923 : vector<16xi32>
    %select_n3A_925 = arith.select %eq3A_924, %all_reduce_ffs3A_906, %select_n3A_891 : vector<16xi1>, vector<16xi32>
    %broadcast_in_dim3A_926 = vector.broadcast %reduce_sum3A_920 : i32 to vector<16xi32>
    %select_n3A_927 = arith.select %eq3A_924, %broadcast_in_dim3A_926, %select_n3A_893 : vector<16xi1>, vector<16xi32>
    %broadcast_in_dim3A_928 = vector.broadcast %reduce_sum3A_913 : f32 to vector<16xf32>
    %select_n3A_929 = arith.select %eq3A_924, %broadcast_in_dim3A_928, %select_n3A_895 : vector<16xi1>, vector<16xf32>
    %get3A_930 = arith.constant 27 : i32
    %get3A_931 = arith.index_cast %get3A_930 : i32 to index
    %get3A_932 = arith.constant 0 : index
    %get3A_933 = tpu.vector_load %arg7[%get3A_931, %get3A_932] {strides = array<i32>} : memref<64x16xf32, #tpu.memory_space<vmem>>, vector<16xf32>,
    %reduce_max3A_934 = arith.constant true
    %reduce_max3A_935 = vector.broadcast %reduce_max3A_934 : i1 to vector<16xi1>
    %reduce_max3A_936 = tpu.scan <max>, %get3A_933 masked %reduce_max3A_935 : vector<16xf32>, vector<16xi1> -> vector<16xf32>
    %reduce_max3A_937 = vector.extract %reduce_max3A_936[15] : f32 from vector<16xf32>
    %eq3A_938 = vector.broadcast %reduce_max3A_937 : f32 to vector<16xf32>
    %eq3A_939 = arith.cmpf oeq, %get3A_933, %eq3A_938 : vector<16xf32>
    %all_reduce_ffs3A_940 = tpu.all_reduce %eq3A_939 {dim = 0 : i64, kind = #tpu.reduction_kind<find_first_set>} : vector<16xi1> -> vector<16xi32>
    %sub3A_941 = vector.broadcast %reduce_max3A_937 : f32 to vector<16xf32>
    %sub3A_942 = arith.subf %get3A_933, %sub3A_941 : vector<16xf32>
    %exp3A_943 = math.exp %sub3A_942 : vector<16xf32>
    %reduce_sum3A_944 = arith.constant true
    %reduce_sum3A_945 = vector.broadcast %reduce_sum3A_944 : i1 to vector<16xi1>
    %reduce_sum3A_946 = tpu.scan <sum>, %exp3A_943 masked %reduce_sum3A_945 : vector<16xf32>, vector<16xi1> -> vector<16xf32>
    %reduce_sum3A_947 = vector.extract %reduce_sum3A_946[15] : f32 from vector<16xf32>
    %eq3A_948 = arith.cmpi eq, %iota3A, %all_reduce_ffs3A_940 : vector<16xi32>
    %convert_element_type3A_949 = arith.extui %eq3A_948 : vector<16xi1> to vector<16xi32>
    %mul3A_950 = arith.muli %add3A_921, %convert_element_type3A_949 : vector<16xi32>
    %reduce_sum3A_951 = arith.constant true
    %reduce_sum3A_952 = vector.broadcast %reduce_sum3A_951 : i1 to vector<16xi1>
    %reduce_sum3A_953 = tpu.scan <sum>, %mul3A_950 masked %reduce_sum3A_952 : vector<16xi32>, vector<16xi1> -> vector<16xi32>
    %reduce_sum3A_954 = vector.extract %reduce_sum3A_953[15] : i32 from vector<16xi32>
    %add3A_955 = arith.addi %add3A_921, %convert_element_type3A_949 : vector<16xi32>
    %eq3A_956 = arith.constant 11 : i32
    %eq3A_957 = vector.broadcast %eq3A_956 : i32 to vector<16xi32>
    %eq3A_958 = arith.cmpi eq, %iota3A, %eq3A_957 : vector<16xi32>
    %select_n3A_959 = arith.select %eq3A_958, %all_reduce_ffs3A_940, %select_n3A_925 : vector<16xi1>, vector<16xi32>
    %broadcast_in_dim3A_960 = vector.broadcast %reduce_sum3A_954 : i32 to vector<16xi32>
    %select_n3A_961 = arith.select %eq3A_958, %broadcast_in_dim3A_960, %select_n3A_927 : vector<16xi1>, vector<16xi32>
    %broadcast_in_dim3A_962 = vector.broadcast %reduce_sum3A_947 : f32 to vector<16xf32>
    %select_n3A_963 = arith.select %eq3A_958, %broadcast_in_dim3A_962, %select_n3A_929 : vector<16xi1>, vector<16xf32>
    %get3A_964 = arith.constant 28 : i32
    %get3A_965 = arith.index_cast %get3A_964 : i32 to index
    %get3A_966 = arith.constant 0 : index
    %get3A_967 = tpu.vector_load %arg7[%get3A_965, %get3A_966] {strides = array<i32>} : memref<64x16xf32, #tpu.memory_space<vmem>>, vector<16xf32>,
    %reduce_max3A_968 = arith.constant true
    %reduce_max3A_969 = vector.broadcast %reduce_max3A_968 : i1 to vector<16xi1>
    %reduce_max3A_970 = tpu.scan <max>, %get3A_967 masked %reduce_max3A_969 : vector<16xf32>, vector<16xi1> -> vector<16xf32>
    %reduce_max3A_971 = vector.extract %reduce_max3A_970[15] : f32 from vector<16xf32>
    %eq3A_972 = vector.broadcast %reduce_max3A_971 : f32 to vector<16xf32>
    %eq3A_973 = arith.cmpf oeq, %get3A_967, %eq3A_972 : vector<16xf32>
    %all_reduce_ffs3A_974 = tpu.all_reduce %eq3A_973 {dim = 0 : i64, kind = #tpu.reduction_kind<find_first_set>} : vector<16xi1> -> vector<16xi32>
    %sub3A_975 = vector.broadcast %reduce_max3A_971 : f32 to vector<16xf32>
    %sub3A_976 = arith.subf %get3A_967, %sub3A_975 : vector<16xf32>
    %exp3A_977 = math.exp %sub3A_976 : vector<16xf32>
    %reduce_sum3A_978 = arith.constant true
    %reduce_sum3A_979 = vector.broadcast %reduce_sum3A_978 : i1 to vector<16xi1>
    %reduce_sum3A_980 = tpu.scan <sum>, %exp3A_977 masked %reduce_sum3A_979 : vector<16xf32>, vector<16xi1> -> vector<16xf32>
    %reduce_sum3A_981 = vector.extract %reduce_sum3A_980[15] : f32 from vector<16xf32>
    %eq3A_982 = arith.cmpi eq, %iota3A, %all_reduce_ffs3A_974 : vector<16xi32>
    %convert_element_type3A_983 = arith.extui %eq3A_982 : vector<16xi1> to vector<16xi32>
    %mul3A_984 = arith.muli %add3A_955, %convert_element_type3A_983 : vector<16xi32>
    %reduce_sum3A_985 = arith.constant true
    %reduce_sum3A_986 = vector.broadcast %reduce_sum3A_985 : i1 to vector<16xi1>
    %reduce_sum3A_987 = tpu.scan <sum>, %mul3A_984 masked %reduce_sum3A_986 : vector<16xi32>, vector<16xi1> -> vector<16xi32>
    %reduce_sum3A_988 = vector.extract %reduce_sum3A_987[15] : i32 from vector<16xi32>
    %add3A_989 = arith.addi %add3A_955, %convert_element_type3A_983 : vector<16xi32>
    %eq3A_990 = arith.constant 12 : i32
    %eq3A_991 = vector.broadcast %eq3A_990 : i32 to vector<16xi32>
    %eq3A_992 = arith.cmpi eq, %iota3A, %eq3A_991 : vector<16xi32>
    %select_n3A_993 = arith.select %eq3A_992, %all_reduce_ffs3A_974, %select_n3A_959 : vector<16xi1>, vector<16xi32>
    %broadcast_in_dim3A_994 = vector.broadcast %reduce_sum3A_988 : i32 to vector<16xi32>
    %select_n3A_995 = arith.select %eq3A_992, %broadcast_in_dim3A_994, %select_n3A_961 : vector<16xi1>, vector<16xi32>
    %broadcast_in_dim3A_996 = vector.broadcast %reduce_sum3A_981 : f32 to vector<16xf32>
    %select_n3A_997 = arith.select %eq3A_992, %broadcast_in_dim3A_996, %select_n3A_963 : vector<16xi1>, vector<16xf32>
    %get3A_998 = arith.constant 29 : i32
    %get3A_999 = arith.index_cast %get3A_998 : i32 to index
    %get3A_1000 = arith.constant 0 : index
    %get3A_1001 = tpu.vector_load %arg7[%get3A_999, %get3A_1000] {strides = array<i32>} : memref<64x16xf32, #tpu.memory_space<vmem>>, vector<16xf32>,
    %reduce_max3A_1002 = arith.constant true
    %reduce_max3A_1003 = vector.broadcast %reduce_max3A_1002 : i1 to vector<16xi1>
    %reduce_max3A_1004 = tpu.scan <max>, %get3A_1001 masked %reduce_max3A_1003 : vector<16xf32>, vector<16xi1> -> vector<16xf32>
    %reduce_max3A_1005 = vector.extract %reduce_max3A_1004[15] : f32 from vector<16xf32>
    %eq3A_1006 = vector.broadcast %reduce_max3A_1005 : f32 to vector<16xf32>
    %eq3A_1007 = arith.cmpf oeq, %get3A_1001, %eq3A_1006 : vector<16xf32>
    %all_reduce_ffs3A_1008 = tpu.all_reduce %eq3A_1007 {dim = 0 : i64, kind = #tpu.reduction_kind<find_first_set>} : vector<16xi1> -> vector<16xi32>
    %sub3A_1009 = vector.broadcast %reduce_max3A_1005 : f32 to vector<16xf32>
    %sub3A_1010 = arith.subf %get3A_1001, %sub3A_1009 : vector<16xf32>
    %exp3A_1011 = math.exp %sub3A_1010 : vector<16xf32>
    %reduce_sum3A_1012 = arith.constant true
    %reduce_sum3A_1013 = vector.broadcast %reduce_sum3A_1012 : i1 to vector<16xi1>
    %reduce_sum3A_1014 = tpu.scan <sum>, %exp3A_1011 masked %reduce_sum3A_1013 : vector<16xf32>, vector<16xi1> -> vector<16xf32>
    %reduce_sum3A_1015 = vector.extract %reduce_sum3A_1014[15] : f32 from vector<16xf32>
    %eq3A_1016 = arith.cmpi eq, %iota3A, %all_reduce_ffs3A_1008 : vector<16xi32>
    %convert_element_type3A_1017 = arith.extui %eq3A_1016 : vector<16xi1> to vector<16xi32>
    %mul3A_1018 = arith.muli %add3A_989, %convert_element_type3A_1017 : vector<16xi32>
    %reduce_sum3A_1019 = arith.constant true
    %reduce_sum3A_1020 = vector.broadcast %reduce_sum3A_1019 : i1 to vector<16xi1>
    %reduce_sum3A_1021 = tpu.scan <sum>, %mul3A_1018 masked %reduce_sum3A_1020 : vector<16xi32>, vector<16xi1> -> vector<16xi32>
    %reduce_sum3A_1022 = vector.extract %reduce_sum3A_1021[15] : i32 from vector<16xi32>
    %add3A_1023 = arith.addi %add3A_989, %convert_element_type3A_1017 : vector<16xi32>
    %eq3A_1024 = arith.constant 13 : i32
    %eq3A_1025 = vector.broadcast %eq3A_1024 : i32 to vector<16xi32>
    %eq3A_1026 = arith.cmpi eq, %iota3A, %eq3A_1025 : vector<16xi32>
    %select_n3A_1027 = arith.select %eq3A_1026, %all_reduce_ffs3A_1008, %select_n3A_993 : vector<16xi1>, vector<16xi32>
    %broadcast_in_dim3A_1028 = vector.broadcast %reduce_sum3A_1022 : i32 to vector<16xi32>
    %select_n3A_1029 = arith.select %eq3A_1026, %broadcast_in_dim3A_1028, %select_n3A_995 : vector<16xi1>, vector<16xi32>
    %broadcast_in_dim3A_1030 = vector.broadcast %reduce_sum3A_1015 : f32 to vector<16xf32>
    %select_n3A_1031 = arith.select %eq3A_1026, %broadcast_in_dim3A_1030, %select_n3A_997 : vector<16xi1>, vector<16xf32>
    %get3A_1032 = arith.constant 30 : i32
    %get3A_1033 = arith.index_cast %get3A_1032 : i32 to index
    %get3A_1034 = arith.constant 0 : index
    %get3A_1035 = tpu.vector_load %arg7[%get3A_1033, %get3A_1034] {strides = array<i32>} : memref<64x16xf32, #tpu.memory_space<vmem>>, vector<16xf32>,
    %reduce_max3A_1036 = arith.constant true
    %reduce_max3A_1037 = vector.broadcast %reduce_max3A_1036 : i1 to vector<16xi1>
    %reduce_max3A_1038 = tpu.scan <max>, %get3A_1035 masked %reduce_max3A_1037 : vector<16xf32>, vector<16xi1> -> vector<16xf32>
    %reduce_max3A_1039 = vector.extract %reduce_max3A_1038[15] : f32 from vector<16xf32>
    %eq3A_1040 = vector.broadcast %reduce_max3A_1039 : f32 to vector<16xf32>
    %eq3A_1041 = arith.cmpf oeq, %get3A_1035, %eq3A_1040 : vector<16xf32>
    %all_reduce_ffs3A_1042 = tpu.all_reduce %eq3A_1041 {dim = 0 : i64, kind = #tpu.reduction_kind<find_first_set>} : vector<16xi1> -> vector<16xi32>
    %sub3A_1043 = vector.broadcast %reduce_max3A_1039 : f32 to vector<16xf32>
    %sub3A_1044 = arith.subf %get3A_1035, %sub3A_1043 : vector<16xf32>
    %exp3A_1045 = math.exp %sub3A_1044 : vector<16xf32>
    %reduce_sum3A_1046 = arith.constant true
    %reduce_sum3A_1047 = vector.broadcast %reduce_sum3A_1046 : i1 to vector<16xi1>
    %reduce_sum3A_1048 = tpu.scan <sum>, %exp3A_1045 masked %reduce_sum3A_1047 : vector<16xf32>, vector<16xi1> -> vector<16xf32>
    %reduce_sum3A_1049 = vector.extract %reduce_sum3A_1048[15] : f32 from vector<16xf32>
    %eq3A_1050 = arith.cmpi eq, %iota3A, %all_reduce_ffs3A_1042 : vector<16xi32>
    %convert_element_type3A_1051 = arith.extui %eq3A_1050 : vector<16xi1> to vector<16xi32>
    %mul3A_1052 = arith.muli %add3A_1023, %convert_element_type3A_1051 : vector<16xi32>
    %reduce_sum3A_1053 = arith.constant true
    %reduce_sum3A_1054 = vector.broadcast %reduce_sum3A_1053 : i1 to vector<16xi1>
    %reduce_sum3A_1055 = tpu.scan <sum>, %mul3A_1052 masked %reduce_sum3A_1054 : vector<16xi32>, vector<16xi1> -> vector<16xi32>
    %reduce_sum3A_1056 = vector.extract %reduce_sum3A_1055[15] : i32 from vector<16xi32>
    %add3A_1057 = arith.addi %add3A_1023, %convert_element_type3A_1051 : vector<16xi32>
    %eq3A_1058 = arith.constant 14 : i32
    %eq3A_1059 = vector.broadcast %eq3A_1058 : i32 to vector<16xi32>
    %eq3A_1060 = arith.cmpi eq, %iota3A, %eq3A_1059 : vector<16xi32>
    %select_n3A_1061 = arith.select %eq3A_1060, %all_reduce_ffs3A_1042, %select_n3A_1027 : vector<16xi1>, vector<16xi32>
    %broadcast_in_dim3A_1062 = vector.broadcast %reduce_sum3A_1056 : i32 to vector<16xi32>
    %select_n3A_1063 = arith.select %eq3A_1060, %broadcast_in_dim3A_1062, %select_n3A_1029 : vector<16xi1>, vector<16xi32>
    %broadcast_in_dim3A_1064 = vector.broadcast %reduce_sum3A_1049 : f32 to vector<16xf32>
    %select_n3A_1065 = arith.select %eq3A_1060, %broadcast_in_dim3A_1064, %select_n3A_1031 : vector<16xi1>, vector<16xf32>
    %get3A_1066 = arith.constant 31 : i32
    %get3A_1067 = arith.index_cast %get3A_1066 : i32 to index
    %get3A_1068 = arith.constant 0 : index
    %get3A_1069 = tpu.vector_load %arg7[%get3A_1067, %get3A_1068] {strides = array<i32>} : memref<64x16xf32, #tpu.memory_space<vmem>>, vector<16xf32>,
    %reduce_max3A_1070 = arith.constant true
    %reduce_max3A_1071 = vector.broadcast %reduce_max3A_1070 : i1 to vector<16xi1>
    %reduce_max3A_1072 = tpu.scan <max>, %get3A_1069 masked %reduce_max3A_1071 : vector<16xf32>, vector<16xi1> -> vector<16xf32>
    %reduce_max3A_1073 = vector.extract %reduce_max3A_1072[15] : f32 from vector<16xf32>
    %eq3A_1074 = vector.broadcast %reduce_max3A_1073 : f32 to vector<16xf32>
    %eq3A_1075 = arith.cmpf oeq, %get3A_1069, %eq3A_1074 : vector<16xf32>
    %all_reduce_ffs3A_1076 = tpu.all_reduce %eq3A_1075 {dim = 0 : i64, kind = #tpu.reduction_kind<find_first_set>} : vector<16xi1> -> vector<16xi32>
    %sub3A_1077 = vector.broadcast %reduce_max3A_1073 : f32 to vector<16xf32>
    %sub3A_1078 = arith.subf %get3A_1069, %sub3A_1077 : vector<16xf32>
    %exp3A_1079 = math.exp %sub3A_1078 : vector<16xf32>
    %reduce_sum3A_1080 = arith.constant true
    %reduce_sum3A_1081 = vector.broadcast %reduce_sum3A_1080 : i1 to vector<16xi1>
    %reduce_sum3A_1082 = tpu.scan <sum>, %exp3A_1079 masked %reduce_sum3A_1081 : vector<16xf32>, vector<16xi1> -> vector<16xf32>
    %reduce_sum3A_1083 = vector.extract %reduce_sum3A_1082[15] : f32 from vector<16xf32>
    %eq3A_1084 = arith.cmpi eq, %iota3A, %all_reduce_ffs3A_1076 : vector<16xi32>
    %convert_element_type3A_1085 = arith.extui %eq3A_1084 : vector<16xi1> to vector<16xi32>
    %mul3A_1086 = arith.muli %add3A_1057, %convert_element_type3A_1085 : vector<16xi32>
    %reduce_sum3A_1087 = arith.constant true
    %reduce_sum3A_1088 = vector.broadcast %reduce_sum3A_1087 : i1 to vector<16xi1>
    %reduce_sum3A_1089 = tpu.scan <sum>, %mul3A_1086 masked %reduce_sum3A_1088 : vector<16xi32>, vector<16xi1> -> vector<16xi32>
    %reduce_sum3A_1090 = vector.extract %reduce_sum3A_1089[15] : i32 from vector<16xi32>
    %add3A_1091 = arith.addi %add3A_1057, %convert_element_type3A_1085 : vector<16xi32>
    %eq3A_1092 = arith.constant 15 : i32
    %eq3A_1093 = vector.broadcast %eq3A_1092 : i32 to vector<16xi32>
    %eq3A_1094 = arith.cmpi eq, %iota3A, %eq3A_1093 : vector<16xi32>
    %select_n3A_1095 = arith.select %eq3A_1094, %all_reduce_ffs3A_1076, %select_n3A_1061 : vector<16xi1>, vector<16xi32>
    %broadcast_in_dim3A_1096 = vector.broadcast %reduce_sum3A_1090 : i32 to vector<16xi32>
    %select_n3A_1097 = arith.select %eq3A_1094, %broadcast_in_dim3A_1096, %select_n3A_1063 : vector<16xi1>, vector<16xi32>
    %broadcast_in_dim3A_1098 = vector.broadcast %reduce_sum3A_1083 : f32 to vector<16xf32>
    %select_n3A_1099 = arith.select %eq3A_1094, %broadcast_in_dim3A_1098, %select_n3A_1065 : vector<16xi1>, vector<16xf32>
    %swap3A_1100 = arith.constant 16 : index
    %swap3A_1101 = tpu.vector_load %arg8[%swap3A_1100] {strides = array<i32>} : memref<64xi32, #tpu.memory_space<vmem>>, vector<16xi32>,
    tpu.vector_store %arg8[%swap3A_1100], %select_n3A_1095 {strides = array<i32>} : memref<64xi32, #tpu.memory_space<vmem>>, vector<16xi32>,
    %swap3A_1102 = arith.constant 16 : index
    %swap3A_1103 = tpu.vector_load %arg9[%swap3A_1102] {strides = array<i32>} : memref<64xi32, #tpu.memory_space<vmem>>, vector<16xi32>,
    tpu.vector_store %arg9[%swap3A_1102], %select_n3A_1097 {strides = array<i32>} : memref<64xi32, #tpu.memory_space<vmem>>, vector<16xi32>,
    %swap3A_1104 = arith.constant 16 : index
    %swap3A_1105 = tpu.vector_load %arg10[%swap3A_1104] {strides = array<i32>} : memref<64xf32, #tpu.memory_space<vmem>>, vector<16xf32>,
    tpu.vector_store %arg10[%swap3A_1104], %select_n3A_1099 {strides = array<i32>} : memref<64xf32, #tpu.memory_space<vmem>>, vector<16xf32>,
    %broadcast_in_dim3A_1106 = arith.constant 0 : i32
    %broadcast_in_dim3A_1107 = vector.broadcast %broadcast_in_dim3A_1106 : i32 to vector<16xi32>
    %broadcast_in_dim3A_1108 = arith.constant 0 : i32
    %broadcast_in_dim3A_1109 = vector.broadcast %broadcast_in_dim3A_1108 : i32 to vector<16xi32>
    %broadcast_in_dim3A_1110 = arith.constant 0.000000e+00 : f32
    %broadcast_in_dim3A_1111 = vector.broadcast %broadcast_in_dim3A_1110 : f32 to vector<16xf32>
    %get3A_1112 = arith.constant 32 : i32
    %get3A_1113 = arith.index_cast %get3A_1112 : i32 to index
    %get3A_1114 = arith.constant 0 : index
    %get3A_1115 = tpu.vector_load %arg7[%get3A_1113, %get3A_1114] {strides = array<i32>} : memref<64x16xf32, #tpu.memory_space<vmem>>, vector<16xf32>,
    %reduce_max3A_1116 = arith.constant true
    %reduce_max3A_1117 = vector.broadcast %reduce_max3A_1116 : i1 to vector<16xi1>
    %reduce_max3A_1118 = tpu.scan <max>, %get3A_1115 masked %reduce_max3A_1117 : vector<16xf32>, vector<16xi1> -> vector<16xf32>
    %reduce_max3A_1119 = vector.extract %reduce_max3A_1118[15] : f32 from vector<16xf32>
    %eq3A_1120 = vector.broadcast %reduce_max3A_1119 : f32 to vector<16xf32>
    %eq3A_1121 = arith.cmpf oeq, %get3A_1115, %eq3A_1120 : vector<16xf32>
    %all_reduce_ffs3A_1122 = tpu.all_reduce %eq3A_1121 {dim = 0 : i64, kind = #tpu.reduction_kind<find_first_set>} : vector<16xi1> -> vector<16xi32>
    %sub3A_1123 = vector.broadcast %reduce_max3A_1119 : f32 to vector<16xf32>
    %sub3A_1124 = arith.subf %get3A_1115, %sub3A_1123 : vector<16xf32>
    %exp3A_1125 = math.exp %sub3A_1124 : vector<16xf32>
    %reduce_sum3A_1126 = arith.constant true
    %reduce_sum3A_1127 = vector.broadcast %reduce_sum3A_1126 : i1 to vector<16xi1>
    %reduce_sum3A_1128 = tpu.scan <sum>, %exp3A_1125 masked %reduce_sum3A_1127 : vector<16xf32>, vector<16xi1> -> vector<16xf32>
    %reduce_sum3A_1129 = vector.extract %reduce_sum3A_1128[15] : f32 from vector<16xf32>
    %eq3A_1130 = arith.cmpi eq, %iota3A, %all_reduce_ffs3A_1122 : vector<16xi32>
    %convert_element_type3A_1131 = arith.extui %eq3A_1130 : vector<16xi1> to vector<16xi32>
    %mul3A_1132 = arith.muli %add3A_1091, %convert_element_type3A_1131 : vector<16xi32>
    %reduce_sum3A_1133 = arith.constant true
    %reduce_sum3A_1134 = vector.broadcast %reduce_sum3A_1133 : i1 to vector<16xi1>
    %reduce_sum3A_1135 = tpu.scan <sum>, %mul3A_1132 masked %reduce_sum3A_1134 : vector<16xi32>, vector<16xi1> -> vector<16xi32>
    %reduce_sum3A_1136 = vector.extract %reduce_sum3A_1135[15] : i32 from vector<16xi32>
    %add3A_1137 = arith.addi %add3A_1091, %convert_element_type3A_1131 : vector<16xi32>
    %eq3A_1138 = arith.constant 0 : i32
    %eq3A_1139 = vector.broadcast %eq3A_1138 : i32 to vector<16xi32>
    %eq3A_1140 = arith.cmpi eq, %iota3A, %eq3A_1139 : vector<16xi32>
    %select_n3A_1141 = arith.select %eq3A_1140, %all_reduce_ffs3A_1122, %broadcast_in_dim3A_1107 : vector<16xi1>, vector<16xi32>
    %broadcast_in_dim3A_1142 = vector.broadcast %reduce_sum3A_1136 : i32 to vector<16xi32>
    %select_n3A_1143 = arith.select %eq3A_1140, %broadcast_in_dim3A_1142, %broadcast_in_dim3A_1109 : vector<16xi1>, vector<16xi32>
    %broadcast_in_dim3A_1144 = vector.broadcast %reduce_sum3A_1129 : f32 to vector<16xf32>
    %select_n3A_1145 = arith.select %eq3A_1140, %broadcast_in_dim3A_1144, %broadcast_in_dim3A_1111 : vector<16xi1>, vector<16xf32>
    %get3A_1146 = arith.constant 33 : i32
    %get3A_1147 = arith.index_cast %get3A_1146 : i32 to index
    %get3A_1148 = arith.constant 0 : index
    %get3A_1149 = tpu.vector_load %arg7[%get3A_1147, %get3A_1148] {strides = array<i32>} : memref<64x16xf32, #tpu.memory_space<vmem>>, vector<16xf32>,
    %reduce_max3A_1150 = arith.constant true
    %reduce_max3A_1151 = vector.broadcast %reduce_max3A_1150 : i1 to vector<16xi1>
    %reduce_max3A_1152 = tpu.scan <max>, %get3A_1149 masked %reduce_max3A_1151 : vector<16xf32>, vector<16xi1> -> vector<16xf32>
    %reduce_max3A_1153 = vector.extract %reduce_max3A_1152[15] : f32 from vector<16xf32>
    %eq3A_1154 = vector.broadcast %reduce_max3A_1153 : f32 to vector<16xf32>
    %eq3A_1155 = arith.cmpf oeq, %get3A_1149, %eq3A_1154 : vector<16xf32>
    %all_reduce_ffs3A_1156 = tpu.all_reduce %eq3A_1155 {dim = 0 : i64, kind = #tpu.reduction_kind<find_first_set>} : vector<16xi1> -> vector<16xi32>
    %sub3A_1157 = vector.broadcast %reduce_max3A_1153 : f32 to vector<16xf32>
    %sub3A_1158 = arith.subf %get3A_1149, %sub3A_1157 : vector<16xf32>
    %exp3A_1159 = math.exp %sub3A_1158 : vector<16xf32>
    %reduce_sum3A_1160 = arith.constant true
    %reduce_sum3A_1161 = vector.broadcast %reduce_sum3A_1160 : i1 to vector<16xi1>
    %reduce_sum3A_1162 = tpu.scan <sum>, %exp3A_1159 masked %reduce_sum3A_1161 : vector<16xf32>, vector<16xi1> -> vector<16xf32>
    %reduce_sum3A_1163 = vector.extract %reduce_sum3A_1162[15] : f32 from vector<16xf32>
    %eq3A_1164 = arith.cmpi eq, %iota3A, %all_reduce_ffs3A_1156 : vector<16xi32>
    %convert_element_type3A_1165 = arith.extui %eq3A_1164 : vector<16xi1> to vector<16xi32>
    %mul3A_1166 = arith.muli %add3A_1137, %convert_element_type3A_1165 : vector<16xi32>
    %reduce_sum3A_1167 = arith.constant true
    %reduce_sum3A_1168 = vector.broadcast %reduce_sum3A_1167 : i1 to vector<16xi1>
    %reduce_sum3A_1169 = tpu.scan <sum>, %mul3A_1166 masked %reduce_sum3A_1168 : vector<16xi32>, vector<16xi1> -> vector<16xi32>
    %reduce_sum3A_1170 = vector.extract %reduce_sum3A_1169[15] : i32 from vector<16xi32>
    %add3A_1171 = arith.addi %add3A_1137, %convert_element_type3A_1165 : vector<16xi32>
    %eq3A_1172 = arith.constant 1 : i32
    %eq3A_1173 = vector.broadcast %eq3A_1172 : i32 to vector<16xi32>
    %eq3A_1174 = arith.cmpi eq, %iota3A, %eq3A_1173 : vector<16xi32>
    %select_n3A_1175 = arith.select %eq3A_1174, %all_reduce_ffs3A_1156, %select_n3A_1141 : vector<16xi1>, vector<16xi32>
    %broadcast_in_dim3A_1176 = vector.broadcast %reduce_sum3A_1170 : i32 to vector<16xi32>
    %select_n3A_1177 = arith.select %eq3A_1174, %broadcast_in_dim3A_1176, %select_n3A_1143 : vector<16xi1>, vector<16xi32>
    %broadcast_in_dim3A_1178 = vector.broadcast %reduce_sum3A_1163 : f32 to vector<16xf32>
    %select_n3A_1179 = arith.select %eq3A_1174, %broadcast_in_dim3A_1178, %select_n3A_1145 : vector<16xi1>, vector<16xf32>
    %get3A_1180 = arith.constant 34 : i32
    %get3A_1181 = arith.index_cast %get3A_1180 : i32 to index
    %get3A_1182 = arith.constant 0 : index
    %get3A_1183 = tpu.vector_load %arg7[%get3A_1181, %get3A_1182] {strides = array<i32>} : memref<64x16xf32, #tpu.memory_space<vmem>>, vector<16xf32>,
    %reduce_max3A_1184 = arith.constant true
    %reduce_max3A_1185 = vector.broadcast %reduce_max3A_1184 : i1 to vector<16xi1>
    %reduce_max3A_1186 = tpu.scan <max>, %get3A_1183 masked %reduce_max3A_1185 : vector<16xf32>, vector<16xi1> -> vector<16xf32>
    %reduce_max3A_1187 = vector.extract %reduce_max3A_1186[15] : f32 from vector<16xf32>
    %eq3A_1188 = vector.broadcast %reduce_max3A_1187 : f32 to vector<16xf32>
    %eq3A_1189 = arith.cmpf oeq, %get3A_1183, %eq3A_1188 : vector<16xf32>
    %all_reduce_ffs3A_1190 = tpu.all_reduce %eq3A_1189 {dim = 0 : i64, kind = #tpu.reduction_kind<find_first_set>} : vector<16xi1> -> vector<16xi32>
    %sub3A_1191 = vector.broadcast %reduce_max3A_1187 : f32 to vector<16xf32>
    %sub3A_1192 = arith.subf %get3A_1183, %sub3A_1191 : vector<16xf32>
    %exp3A_1193 = math.exp %sub3A_1192 : vector<16xf32>
    %reduce_sum3A_1194 = arith.constant true
    %reduce_sum3A_1195 = vector.broadcast %reduce_sum3A_1194 : i1 to vector<16xi1>
    %reduce_sum3A_1196 = tpu.scan <sum>, %exp3A_1193 masked %reduce_sum3A_1195 : vector<16xf32>, vector<16xi1> -> vector<16xf32>
    %reduce_sum3A_1197 = vector.extract %reduce_sum3A_1196[15] : f32 from vector<16xf32>
    %eq3A_1198 = arith.cmpi eq, %iota3A, %all_reduce_ffs3A_1190 : vector<16xi32>
    %convert_element_type3A_1199 = arith.extui %eq3A_1198 : vector<16xi1> to vector<16xi32>
    %mul3A_1200 = arith.muli %add3A_1171, %convert_element_type3A_1199 : vector<16xi32>
    %reduce_sum3A_1201 = arith.constant true
    %reduce_sum3A_1202 = vector.broadcast %reduce_sum3A_1201 : i1 to vector<16xi1>
    %reduce_sum3A_1203 = tpu.scan <sum>, %mul3A_1200 masked %reduce_sum3A_1202 : vector<16xi32>, vector<16xi1> -> vector<16xi32>
    %reduce_sum3A_1204 = vector.extract %reduce_sum3A_1203[15] : i32 from vector<16xi32>
    %add3A_1205 = arith.addi %add3A_1171, %convert_element_type3A_1199 : vector<16xi32>
    %eq3A_1206 = arith.constant 2 : i32
    %eq3A_1207 = vector.broadcast %eq3A_1206 : i32 to vector<16xi32>
    %eq3A_1208 = arith.cmpi eq, %iota3A, %eq3A_1207 : vector<16xi32>
    %select_n3A_1209 = arith.select %eq3A_1208, %all_reduce_ffs3A_1190, %select_n3A_1175 : vector<16xi1>, vector<16xi32>
    %broadcast_in_dim3A_1210 = vector.broadcast %reduce_sum3A_1204 : i32 to vector<16xi32>
    %select_n3A_1211 = arith.select %eq3A_1208, %broadcast_in_dim3A_1210, %select_n3A_1177 : vector<16xi1>, vector<16xi32>
    %broadcast_in_dim3A_1212 = vector.broadcast %reduce_sum3A_1197 : f32 to vector<16xf32>
    %select_n3A_1213 = arith.select %eq3A_1208, %broadcast_in_dim3A_1212, %select_n3A_1179 : vector<16xi1>, vector<16xf32>
    %get3A_1214 = arith.constant 35 : i32
    %get3A_1215 = arith.index_cast %get3A_1214 : i32 to index
    %get3A_1216 = arith.constant 0 : index
    %get3A_1217 = tpu.vector_load %arg7[%get3A_1215, %get3A_1216] {strides = array<i32>} : memref<64x16xf32, #tpu.memory_space<vmem>>, vector<16xf32>,
    %reduce_max3A_1218 = arith.constant true
    %reduce_max3A_1219 = vector.broadcast %reduce_max3A_1218 : i1 to vector<16xi1>
    %reduce_max3A_1220 = tpu.scan <max>, %get3A_1217 masked %reduce_max3A_1219 : vector<16xf32>, vector<16xi1> -> vector<16xf32>
    %reduce_max3A_1221 = vector.extract %reduce_max3A_1220[15] : f32 from vector<16xf32>
    %eq3A_1222 = vector.broadcast %reduce_max3A_1221 : f32 to vector<16xf32>
    %eq3A_1223 = arith.cmpf oeq, %get3A_1217, %eq3A_1222 : vector<16xf32>
    %all_reduce_ffs3A_1224 = tpu.all_reduce %eq3A_1223 {dim = 0 : i64, kind = #tpu.reduction_kind<find_first_set>} : vector<16xi1> -> vector<16xi32>
    %sub3A_1225 = vector.broadcast %reduce_max3A_1221 : f32 to vector<16xf32>
    %sub3A_1226 = arith.subf %get3A_1217, %sub3A_1225 : vector<16xf32>
    %exp3A_1227 = math.exp %sub3A_1226 : vector<16xf32>
    %reduce_sum3A_1228 = arith.constant true
    %reduce_sum3A_1229 = vector.broadcast %reduce_sum3A_1228 : i1 to vector<16xi1>
    %reduce_sum3A_1230 = tpu.scan <sum>, %exp3A_1227 masked %reduce_sum3A_1229 : vector<16xf32>, vector<16xi1> -> vector<16xf32>
    %reduce_sum3A_1231 = vector.extract %reduce_sum3A_1230[15] : f32 from vector<16xf32>
    %eq3A_1232 = arith.cmpi eq, %iota3A, %all_reduce_ffs3A_1224 : vector<16xi32>
    %convert_element_type3A_1233 = arith.extui %eq3A_1232 : vector<16xi1> to vector<16xi32>
    %mul3A_1234 = arith.muli %add3A_1205, %convert_element_type3A_1233 : vector<16xi32>
    %reduce_sum3A_1235 = arith.constant true
    %reduce_sum3A_1236 = vector.broadcast %reduce_sum3A_1235 : i1 to vector<16xi1>
    %reduce_sum3A_1237 = tpu.scan <sum>, %mul3A_1234 masked %reduce_sum3A_1236 : vector<16xi32>, vector<16xi1> -> vector<16xi32>
    %reduce_sum3A_1238 = vector.extract %reduce_sum3A_1237[15] : i32 from vector<16xi32>
    %add3A_1239 = arith.addi %add3A_1205, %convert_element_type3A_1233 : vector<16xi32>
    %eq3A_1240 = arith.constant 3 : i32
    %eq3A_1241 = vector.broadcast %eq3A_1240 : i32 to vector<16xi32>
    %eq3A_1242 = arith.cmpi eq, %iota3A, %eq3A_1241 : vector<16xi32>
    %select_n3A_1243 = arith.select %eq3A_1242, %all_reduce_ffs3A_1224, %select_n3A_1209 : vector<16xi1>, vector<16xi32>
    %broadcast_in_dim3A_1244 = vector.broadcast %reduce_sum3A_1238 : i32 to vector<16xi32>
    %select_n3A_1245 = arith.select %eq3A_1242, %broadcast_in_dim3A_1244, %select_n3A_1211 : vector<16xi1>, vector<16xi32>
    %broadcast_in_dim3A_1246 = vector.broadcast %reduce_sum3A_1231 : f32 to vector<16xf32>
    %select_n3A_1247 = arith.select %eq3A_1242, %broadcast_in_dim3A_1246, %select_n3A_1213 : vector<16xi1>, vector<16xf32>
    %get3A_1248 = arith.constant 36 : i32
    %get3A_1249 = arith.index_cast %get3A_1248 : i32 to index
    %get3A_1250 = arith.constant 0 : index
    %get3A_1251 = tpu.vector_load %arg7[%get3A_1249, %get3A_1250] {strides = array<i32>} : memref<64x16xf32, #tpu.memory_space<vmem>>, vector<16xf32>,
    %reduce_max3A_1252 = arith.constant true
    %reduce_max3A_1253 = vector.broadcast %reduce_max3A_1252 : i1 to vector<16xi1>
    %reduce_max3A_1254 = tpu.scan <max>, %get3A_1251 masked %reduce_max3A_1253 : vector<16xf32>, vector<16xi1> -> vector<16xf32>
    %reduce_max3A_1255 = vector.extract %reduce_max3A_1254[15] : f32 from vector<16xf32>
    %eq3A_1256 = vector.broadcast %reduce_max3A_1255 : f32 to vector<16xf32>
    %eq3A_1257 = arith.cmpf oeq, %get3A_1251, %eq3A_1256 : vector<16xf32>
    %all_reduce_ffs3A_1258 = tpu.all_reduce %eq3A_1257 {dim = 0 : i64, kind = #tpu.reduction_kind<find_first_set>} : vector<16xi1> -> vector<16xi32>
    %sub3A_1259 = vector.broadcast %reduce_max3A_1255 : f32 to vector<16xf32>
    %sub3A_1260 = arith.subf %get3A_1251, %sub3A_1259 : vector<16xf32>
    %exp3A_1261 = math.exp %sub3A_1260 : vector<16xf32>
    %reduce_sum3A_1262 = arith.constant true
    %reduce_sum3A_1263 = vector.broadcast %reduce_sum3A_1262 : i1 to vector<16xi1>
    %reduce_sum3A_1264 = tpu.scan <sum>, %exp3A_1261 masked %reduce_sum3A_1263 : vector<16xf32>, vector<16xi1> -> vector<16xf32>
    %reduce_sum3A_1265 = vector.extract %reduce_sum3A_1264[15] : f32 from vector<16xf32>
    %eq3A_1266 = arith.cmpi eq, %iota3A, %all_reduce_ffs3A_1258 : vector<16xi32>
    %convert_element_type3A_1267 = arith.extui %eq3A_1266 : vector<16xi1> to vector<16xi32>
    %mul3A_1268 = arith.muli %add3A_1239, %convert_element_type3A_1267 : vector<16xi32>
    %reduce_sum3A_1269 = arith.constant true
    %reduce_sum3A_1270 = vector.broadcast %reduce_sum3A_1269 : i1 to vector<16xi1>
    %reduce_sum3A_1271 = tpu.scan <sum>, %mul3A_1268 masked %reduce_sum3A_1270 : vector<16xi32>, vector<16xi1> -> vector<16xi32>
    %reduce_sum3A_1272 = vector.extract %reduce_sum3A_1271[15] : i32 from vector<16xi32>
    %add3A_1273 = arith.addi %add3A_1239, %convert_element_type3A_1267 : vector<16xi32>
    %eq3A_1274 = arith.constant 4 : i32
    %eq3A_1275 = vector.broadcast %eq3A_1274 : i32 to vector<16xi32>
    %eq3A_1276 = arith.cmpi eq, %iota3A, %eq3A_1275 : vector<16xi32>
    %select_n3A_1277 = arith.select %eq3A_1276, %all_reduce_ffs3A_1258, %select_n3A_1243 : vector<16xi1>, vector<16xi32>
    %broadcast_in_dim3A_1278 = vector.broadcast %reduce_sum3A_1272 : i32 to vector<16xi32>
    %select_n3A_1279 = arith.select %eq3A_1276, %broadcast_in_dim3A_1278, %select_n3A_1245 : vector<16xi1>, vector<16xi32>
    %broadcast_in_dim3A_1280 = vector.broadcast %reduce_sum3A_1265 : f32 to vector<16xf32>
    %select_n3A_1281 = arith.select %eq3A_1276, %broadcast_in_dim3A_1280, %select_n3A_1247 : vector<16xi1>, vector<16xf32>
    %get3A_1282 = arith.constant 37 : i32
    %get3A_1283 = arith.index_cast %get3A_1282 : i32 to index
    %get3A_1284 = arith.constant 0 : index
    %get3A_1285 = tpu.vector_load %arg7[%get3A_1283, %get3A_1284] {strides = array<i32>} : memref<64x16xf32, #tpu.memory_space<vmem>>, vector<16xf32>,
    %reduce_max3A_1286 = arith.constant true
    %reduce_max3A_1287 = vector.broadcast %reduce_max3A_1286 : i1 to vector<16xi1>
    %reduce_max3A_1288 = tpu.scan <max>, %get3A_1285 masked %reduce_max3A_1287 : vector<16xf32>, vector<16xi1> -> vector<16xf32>
    %reduce_max3A_1289 = vector.extract %reduce_max3A_1288[15] : f32 from vector<16xf32>
    %eq3A_1290 = vector.broadcast %reduce_max3A_1289 : f32 to vector<16xf32>
    %eq3A_1291 = arith.cmpf oeq, %get3A_1285, %eq3A_1290 : vector<16xf32>
    %all_reduce_ffs3A_1292 = tpu.all_reduce %eq3A_1291 {dim = 0 : i64, kind = #tpu.reduction_kind<find_first_set>} : vector<16xi1> -> vector<16xi32>
    %sub3A_1293 = vector.broadcast %reduce_max3A_1289 : f32 to vector<16xf32>
    %sub3A_1294 = arith.subf %get3A_1285, %sub3A_1293 : vector<16xf32>
    %exp3A_1295 = math.exp %sub3A_1294 : vector<16xf32>
    %reduce_sum3A_1296 = arith.constant true
    %reduce_sum3A_1297 = vector.broadcast %reduce_sum3A_1296 : i1 to vector<16xi1>
    %reduce_sum3A_1298 = tpu.scan <sum>, %exp3A_1295 masked %reduce_sum3A_1297 : vector<16xf32>, vector<16xi1> -> vector<16xf32>
    %reduce_sum3A_1299 = vector.extract %reduce_sum3A_1298[15] : f32 from vector<16xf32>
    %eq3A_1300 = arith.cmpi eq, %iota3A, %all_reduce_ffs3A_1292 : vector<16xi32>
    %convert_element_type3A_1301 = arith.extui %eq3A_1300 : vector<16xi1> to vector<16xi32>
    %mul3A_1302 = arith.muli %add3A_1273, %convert_element_type3A_1301 : vector<16xi32>
    %reduce_sum3A_1303 = arith.constant true
    %reduce_sum3A_1304 = vector.broadcast %reduce_sum3A_1303 : i1 to vector<16xi1>
    %reduce_sum3A_1305 = tpu.scan <sum>, %mul3A_1302 masked %reduce_sum3A_1304 : vector<16xi32>, vector<16xi1> -> vector<16xi32>
    %reduce_sum3A_1306 = vector.extract %reduce_sum3A_1305[15] : i32 from vector<16xi32>
    %add3A_1307 = arith.addi %add3A_1273, %convert_element_type3A_1301 : vector<16xi32>
    %eq3A_1308 = arith.constant 5 : i32
    %eq3A_1309 = vector.broadcast %eq3A_1308 : i32 to vector<16xi32>
    %eq3A_1310 = arith.cmpi eq, %iota3A, %eq3A_1309 : vector<16xi32>
    %select_n3A_1311 = arith.select %eq3A_1310, %all_reduce_ffs3A_1292, %select_n3A_1277 : vector<16xi1>, vector<16xi32>
    %broadcast_in_dim3A_1312 = vector.broadcast %reduce_sum3A_1306 : i32 to vector<16xi32>
    %select_n3A_1313 = arith.select %eq3A_1310, %broadcast_in_dim3A_1312, %select_n3A_1279 : vector<16xi1>, vector<16xi32>
    %broadcast_in_dim3A_1314 = vector.broadcast %reduce_sum3A_1299 : f32 to vector<16xf32>
    %select_n3A_1315 = arith.select %eq3A_1310, %broadcast_in_dim3A_1314, %select_n3A_1281 : vector<16xi1>, vector<16xf32>
    %get3A_1316 = arith.constant 38 : i32
    %get3A_1317 = arith.index_cast %get3A_1316 : i32 to index
    %get3A_1318 = arith.constant 0 : index
    %get3A_1319 = tpu.vector_load %arg7[%get3A_1317, %get3A_1318] {strides = array<i32>} : memref<64x16xf32, #tpu.memory_space<vmem>>, vector<16xf32>,
    %reduce_max3A_1320 = arith.constant true
    %reduce_max3A_1321 = vector.broadcast %reduce_max3A_1320 : i1 to vector<16xi1>
    %reduce_max3A_1322 = tpu.scan <max>, %get3A_1319 masked %reduce_max3A_1321 : vector<16xf32>, vector<16xi1> -> vector<16xf32>
    %reduce_max3A_1323 = vector.extract %reduce_max3A_1322[15] : f32 from vector<16xf32>
    %eq3A_1324 = vector.broadcast %reduce_max3A_1323 : f32 to vector<16xf32>
    %eq3A_1325 = arith.cmpf oeq, %get3A_1319, %eq3A_1324 : vector<16xf32>
    %all_reduce_ffs3A_1326 = tpu.all_reduce %eq3A_1325 {dim = 0 : i64, kind = #tpu.reduction_kind<find_first_set>} : vector<16xi1> -> vector<16xi32>
    %sub3A_1327 = vector.broadcast %reduce_max3A_1323 : f32 to vector<16xf32>
    %sub3A_1328 = arith.subf %get3A_1319, %sub3A_1327 : vector<16xf32>
    %exp3A_1329 = math.exp %sub3A_1328 : vector<16xf32>
    %reduce_sum3A_1330 = arith.constant true
    %reduce_sum3A_1331 = vector.broadcast %reduce_sum3A_1330 : i1 to vector<16xi1>
    %reduce_sum3A_1332 = tpu.scan <sum>, %exp3A_1329 masked %reduce_sum3A_1331 : vector<16xf32>, vector<16xi1> -> vector<16xf32>
    %reduce_sum3A_1333 = vector.extract %reduce_sum3A_1332[15] : f32 from vector<16xf32>
    %eq3A_1334 = arith.cmpi eq, %iota3A, %all_reduce_ffs3A_1326 : vector<16xi32>
    %convert_element_type3A_1335 = arith.extui %eq3A_1334 : vector<16xi1> to vector<16xi32>
    %mul3A_1336 = arith.muli %add3A_1307, %convert_element_type3A_1335 : vector<16xi32>
    %reduce_sum3A_1337 = arith.constant true
    %reduce_sum3A_1338 = vector.broadcast %reduce_sum3A_1337 : i1 to vector<16xi1>
    %reduce_sum3A_1339 = tpu.scan <sum>, %mul3A_1336 masked %reduce_sum3A_1338 : vector<16xi32>, vector<16xi1> -> vector<16xi32>
    %reduce_sum3A_1340 = vector.extract %reduce_sum3A_1339[15] : i32 from vector<16xi32>
    %add3A_1341 = arith.addi %add3A_1307, %convert_element_type3A_1335 : vector<16xi32>
    %eq3A_1342 = arith.constant 6 : i32
    %eq3A_1343 = vector.broadcast %eq3A_1342 : i32 to vector<16xi32>
    %eq3A_1344 = arith.cmpi eq, %iota3A, %eq3A_1343 : vector<16xi32>
    %select_n3A_1345 = arith.select %eq3A_1344, %all_reduce_ffs3A_1326, %select_n3A_1311 : vector<16xi1>, vector<16xi32>
    %broadcast_in_dim3A_1346 = vector.broadcast %reduce_sum3A_1340 : i32 to vector<16xi32>
    %select_n3A_1347 = arith.select %eq3A_1344, %broadcast_in_dim3A_1346, %select_n3A_1313 : vector<16xi1>, vector<16xi32>
    %broadcast_in_dim3A_1348 = vector.broadcast %reduce_sum3A_1333 : f32 to vector<16xf32>
    %select_n3A_1349 = arith.select %eq3A_1344, %broadcast_in_dim3A_1348, %select_n3A_1315 : vector<16xi1>, vector<16xf32>
    %get3A_1350 = arith.constant 39 : i32
    %get3A_1351 = arith.index_cast %get3A_1350 : i32 to index
    %get3A_1352 = arith.constant 0 : index
    %get3A_1353 = tpu.vector_load %arg7[%get3A_1351, %get3A_1352] {strides = array<i32>} : memref<64x16xf32, #tpu.memory_space<vmem>>, vector<16xf32>,
    %reduce_max3A_1354 = arith.constant true
    %reduce_max3A_1355 = vector.broadcast %reduce_max3A_1354 : i1 to vector<16xi1>
    %reduce_max3A_1356 = tpu.scan <max>, %get3A_1353 masked %reduce_max3A_1355 : vector<16xf32>, vector<16xi1> -> vector<16xf32>
    %reduce_max3A_1357 = vector.extract %reduce_max3A_1356[15] : f32 from vector<16xf32>
    %eq3A_1358 = vector.broadcast %reduce_max3A_1357 : f32 to vector<16xf32>
    %eq3A_1359 = arith.cmpf oeq, %get3A_1353, %eq3A_1358 : vector<16xf32>
    %all_reduce_ffs3A_1360 = tpu.all_reduce %eq3A_1359 {dim = 0 : i64, kind = #tpu.reduction_kind<find_first_set>} : vector<16xi1> -> vector<16xi32>
    %sub3A_1361 = vector.broadcast %reduce_max3A_1357 : f32 to vector<16xf32>
    %sub3A_1362 = arith.subf %get3A_1353, %sub3A_1361 : vector<16xf32>
    %exp3A_1363 = math.exp %sub3A_1362 : vector<16xf32>
    %reduce_sum3A_1364 = arith.constant true
    %reduce_sum3A_1365 = vector.broadcast %reduce_sum3A_1364 : i1 to vector<16xi1>
    %reduce_sum3A_1366 = tpu.scan <sum>, %exp3A_1363 masked %reduce_sum3A_1365 : vector<16xf32>, vector<16xi1> -> vector<16xf32>
    %reduce_sum3A_1367 = vector.extract %reduce_sum3A_1366[15] : f32 from vector<16xf32>
    %eq3A_1368 = arith.cmpi eq, %iota3A, %all_reduce_ffs3A_1360 : vector<16xi32>
    %convert_element_type3A_1369 = arith.extui %eq3A_1368 : vector<16xi1> to vector<16xi32>
    %mul3A_1370 = arith.muli %add3A_1341, %convert_element_type3A_1369 : vector<16xi32>
    %reduce_sum3A_1371 = arith.constant true
    %reduce_sum3A_1372 = vector.broadcast %reduce_sum3A_1371 : i1 to vector<16xi1>
    %reduce_sum3A_1373 = tpu.scan <sum>, %mul3A_1370 masked %reduce_sum3A_1372 : vector<16xi32>, vector<16xi1> -> vector<16xi32>
    %reduce_sum3A_1374 = vector.extract %reduce_sum3A_1373[15] : i32 from vector<16xi32>
    %add3A_1375 = arith.addi %add3A_1341, %convert_element_type3A_1369 : vector<16xi32>
    %eq3A_1376 = arith.constant 7 : i32
    %eq3A_1377 = vector.broadcast %eq3A_1376 : i32 to vector<16xi32>
    %eq3A_1378 = arith.cmpi eq, %iota3A, %eq3A_1377 : vector<16xi32>
    %select_n3A_1379 = arith.select %eq3A_1378, %all_reduce_ffs3A_1360, %select_n3A_1345 : vector<16xi1>, vector<16xi32>
    %broadcast_in_dim3A_1380 = vector.broadcast %reduce_sum3A_1374 : i32 to vector<16xi32>
    %select_n3A_1381 = arith.select %eq3A_1378, %broadcast_in_dim3A_1380, %select_n3A_1347 : vector<16xi1>, vector<16xi32>
    %broadcast_in_dim3A_1382 = vector.broadcast %reduce_sum3A_1367 : f32 to vector<16xf32>
    %select_n3A_1383 = arith.select %eq3A_1378, %broadcast_in_dim3A_1382, %select_n3A_1349 : vector<16xi1>, vector<16xf32>
    %get3A_1384 = arith.constant 40 : i32
    %get3A_1385 = arith.index_cast %get3A_1384 : i32 to index
    %get3A_1386 = arith.constant 0 : index
    %get3A_1387 = tpu.vector_load %arg7[%get3A_1385, %get3A_1386] {strides = array<i32>} : memref<64x16xf32, #tpu.memory_space<vmem>>, vector<16xf32>,
    %reduce_max3A_1388 = arith.constant true
    %reduce_max3A_1389 = vector.broadcast %reduce_max3A_1388 : i1 to vector<16xi1>
    %reduce_max3A_1390 = tpu.scan <max>, %get3A_1387 masked %reduce_max3A_1389 : vector<16xf32>, vector<16xi1> -> vector<16xf32>
    %reduce_max3A_1391 = vector.extract %reduce_max3A_1390[15] : f32 from vector<16xf32>
    %eq3A_1392 = vector.broadcast %reduce_max3A_1391 : f32 to vector<16xf32>
    %eq3A_1393 = arith.cmpf oeq, %get3A_1387, %eq3A_1392 : vector<16xf32>
    %all_reduce_ffs3A_1394 = tpu.all_reduce %eq3A_1393 {dim = 0 : i64, kind = #tpu.reduction_kind<find_first_set>} : vector<16xi1> -> vector<16xi32>
    %sub3A_1395 = vector.broadcast %reduce_max3A_1391 : f32 to vector<16xf32>
    %sub3A_1396 = arith.subf %get3A_1387, %sub3A_1395 : vector<16xf32>
    %exp3A_1397 = math.exp %sub3A_1396 : vector<16xf32>
    %reduce_sum3A_1398 = arith.constant true
    %reduce_sum3A_1399 = vector.broadcast %reduce_sum3A_1398 : i1 to vector<16xi1>
    %reduce_sum3A_1400 = tpu.scan <sum>, %exp3A_1397 masked %reduce_sum3A_1399 : vector<16xf32>, vector<16xi1> -> vector<16xf32>
    %reduce_sum3A_1401 = vector.extract %reduce_sum3A_1400[15] : f32 from vector<16xf32>
    %eq3A_1402 = arith.cmpi eq, %iota3A, %all_reduce_ffs3A_1394 : vector<16xi32>
    %convert_element_type3A_1403 = arith.extui %eq3A_1402 : vector<16xi1> to vector<16xi32>
    %mul3A_1404 = arith.muli %add3A_1375, %convert_element_type3A_1403 : vector<16xi32>
    %reduce_sum3A_1405 = arith.constant true
    %reduce_sum3A_1406 = vector.broadcast %reduce_sum3A_1405 : i1 to vector<16xi1>
    %reduce_sum3A_1407 = tpu.scan <sum>, %mul3A_1404 masked %reduce_sum3A_1406 : vector<16xi32>, vector<16xi1> -> vector<16xi32>
    %reduce_sum3A_1408 = vector.extract %reduce_sum3A_1407[15] : i32 from vector<16xi32>
    %add3A_1409 = arith.addi %add3A_1375, %convert_element_type3A_1403 : vector<16xi32>
    %eq3A_1410 = arith.constant 8 : i32
    %eq3A_1411 = vector.broadcast %eq3A_1410 : i32 to vector<16xi32>
    %eq3A_1412 = arith.cmpi eq, %iota3A, %eq3A_1411 : vector<16xi32>
    %select_n3A_1413 = arith.select %eq3A_1412, %all_reduce_ffs3A_1394, %select_n3A_1379 : vector<16xi1>, vector<16xi32>
    %broadcast_in_dim3A_1414 = vector.broadcast %reduce_sum3A_1408 : i32 to vector<16xi32>
    %select_n3A_1415 = arith.select %eq3A_1412, %broadcast_in_dim3A_1414, %select_n3A_1381 : vector<16xi1>, vector<16xi32>
    %broadcast_in_dim3A_1416 = vector.broadcast %reduce_sum3A_1401 : f32 to vector<16xf32>
    %select_n3A_1417 = arith.select %eq3A_1412, %broadcast_in_dim3A_1416, %select_n3A_1383 : vector<16xi1>, vector<16xf32>
    %get3A_1418 = arith.constant 41 : i32
    %get3A_1419 = arith.index_cast %get3A_1418 : i32 to index
    %get3A_1420 = arith.constant 0 : index
    %get3A_1421 = tpu.vector_load %arg7[%get3A_1419, %get3A_1420] {strides = array<i32>} : memref<64x16xf32, #tpu.memory_space<vmem>>, vector<16xf32>,
    %reduce_max3A_1422 = arith.constant true
    %reduce_max3A_1423 = vector.broadcast %reduce_max3A_1422 : i1 to vector<16xi1>
    %reduce_max3A_1424 = tpu.scan <max>, %get3A_1421 masked %reduce_max3A_1423 : vector<16xf32>, vector<16xi1> -> vector<16xf32>
    %reduce_max3A_1425 = vector.extract %reduce_max3A_1424[15] : f32 from vector<16xf32>
    %eq3A_1426 = vector.broadcast %reduce_max3A_1425 : f32 to vector<16xf32>
    %eq3A_1427 = arith.cmpf oeq, %get3A_1421, %eq3A_1426 : vector<16xf32>
    %all_reduce_ffs3A_1428 = tpu.all_reduce %eq3A_1427 {dim = 0 : i64, kind = #tpu.reduction_kind<find_first_set>} : vector<16xi1> -> vector<16xi32>
    %sub3A_1429 = vector.broadcast %reduce_max3A_1425 : f32 to vector<16xf32>
    %sub3A_1430 = arith.subf %get3A_1421, %sub3A_1429 : vector<16xf32>
    %exp3A_1431 = math.exp %sub3A_1430 : vector<16xf32>
    %reduce_sum3A_1432 = arith.constant true
    %reduce_sum3A_1433 = vector.broadcast %reduce_sum3A_1432 : i1 to vector<16xi1>
    %reduce_sum3A_1434 = tpu.scan <sum>, %exp3A_1431 masked %reduce_sum3A_1433 : vector<16xf32>, vector<16xi1> -> vector<16xf32>
    %reduce_sum3A_1435 = vector.extract %reduce_sum3A_1434[15] : f32 from vector<16xf32>
    %eq3A_1436 = arith.cmpi eq, %iota3A, %all_reduce_ffs3A_1428 : vector<16xi32>
    %convert_element_type3A_1437 = arith.extui %eq3A_1436 : vector<16xi1> to vector<16xi32>
    %mul3A_1438 = arith.muli %add3A_1409, %convert_element_type3A_1437 : vector<16xi32>
    %reduce_sum3A_1439 = arith.constant true
    %reduce_sum3A_1440 = vector.broadcast %reduce_sum3A_1439 : i1 to vector<16xi1>
    %reduce_sum3A_1441 = tpu.scan <sum>, %mul3A_1438 masked %reduce_sum3A_1440 : vector<16xi32>, vector<16xi1> -> vector<16xi32>
    %reduce_sum3A_1442 = vector.extract %reduce_sum3A_1441[15] : i32 from vector<16xi32>
    %add3A_1443 = arith.addi %add3A_1409, %convert_element_type3A_1437 : vector<16xi32>
    %eq3A_1444 = arith.constant 9 : i32
    %eq3A_1445 = vector.broadcast %eq3A_1444 : i32 to vector<16xi32>
    %eq3A_1446 = arith.cmpi eq, %iota3A, %eq3A_1445 : vector<16xi32>
    %select_n3A_1447 = arith.select %eq3A_1446, %all_reduce_ffs3A_1428, %select_n3A_1413 : vector<16xi1>, vector<16xi32>
    %broadcast_in_dim3A_1448 = vector.broadcast %reduce_sum3A_1442 : i32 to vector<16xi32>
    %select_n3A_1449 = arith.select %eq3A_1446, %broadcast_in_dim3A_1448, %select_n3A_1415 : vector<16xi1>, vector<16xi32>
    %broadcast_in_dim3A_1450 = vector.broadcast %reduce_sum3A_1435 : f32 to vector<16xf32>
    %select_n3A_1451 = arith.select %eq3A_1446, %broadcast_in_dim3A_1450, %select_n3A_1417 : vector<16xi1>, vector<16xf32>
    %get3A_1452 = arith.constant 42 : i32
    %get3A_1453 = arith.index_cast %get3A_1452 : i32 to index
    %get3A_1454 = arith.constant 0 : index
    %get3A_1455 = tpu.vector_load %arg7[%get3A_1453, %get3A_1454] {strides = array<i32>} : memref<64x16xf32, #tpu.memory_space<vmem>>, vector<16xf32>,
    %reduce_max3A_1456 = arith.constant true
    %reduce_max3A_1457 = vector.broadcast %reduce_max3A_1456 : i1 to vector<16xi1>
    %reduce_max3A_1458 = tpu.scan <max>, %get3A_1455 masked %reduce_max3A_1457 : vector<16xf32>, vector<16xi1> -> vector<16xf32>
    %reduce_max3A_1459 = vector.extract %reduce_max3A_1458[15] : f32 from vector<16xf32>
    %eq3A_1460 = vector.broadcast %reduce_max3A_1459 : f32 to vector<16xf32>
    %eq3A_1461 = arith.cmpf oeq, %get3A_1455, %eq3A_1460 : vector<16xf32>
    %all_reduce_ffs3A_1462 = tpu.all_reduce %eq3A_1461 {dim = 0 : i64, kind = #tpu.reduction_kind<find_first_set>} : vector<16xi1> -> vector<16xi32>
    %sub3A_1463 = vector.broadcast %reduce_max3A_1459 : f32 to vector<16xf32>
    %sub3A_1464 = arith.subf %get3A_1455, %sub3A_1463 : vector<16xf32>
    %exp3A_1465 = math.exp %sub3A_1464 : vector<16xf32>
    %reduce_sum3A_1466 = arith.constant true
    %reduce_sum3A_1467 = vector.broadcast %reduce_sum3A_1466 : i1 to vector<16xi1>
    %reduce_sum3A_1468 = tpu.scan <sum>, %exp3A_1465 masked %reduce_sum3A_1467 : vector<16xf32>, vector<16xi1> -> vector<16xf32>
    %reduce_sum3A_1469 = vector.extract %reduce_sum3A_1468[15] : f32 from vector<16xf32>
    %eq3A_1470 = arith.cmpi eq, %iota3A, %all_reduce_ffs3A_1462 : vector<16xi32>
    %convert_element_type3A_1471 = arith.extui %eq3A_1470 : vector<16xi1> to vector<16xi32>
    %mul3A_1472 = arith.muli %add3A_1443, %convert_element_type3A_1471 : vector<16xi32>
    %reduce_sum3A_1473 = arith.constant true
    %reduce_sum3A_1474 = vector.broadcast %reduce_sum3A_1473 : i1 to vector<16xi1>
    %reduce_sum3A_1475 = tpu.scan <sum>, %mul3A_1472 masked %reduce_sum3A_1474 : vector<16xi32>, vector<16xi1> -> vector<16xi32>
    %reduce_sum3A_1476 = vector.extract %reduce_sum3A_1475[15] : i32 from vector<16xi32>
    %add3A_1477 = arith.addi %add3A_1443, %convert_element_type3A_1471 : vector<16xi32>
    %eq3A_1478 = arith.constant 10 : i32
    %eq3A_1479 = vector.broadcast %eq3A_1478 : i32 to vector<16xi32>
    %eq3A_1480 = arith.cmpi eq, %iota3A, %eq3A_1479 : vector<16xi32>
    %select_n3A_1481 = arith.select %eq3A_1480, %all_reduce_ffs3A_1462, %select_n3A_1447 : vector<16xi1>, vector<16xi32>
    %broadcast_in_dim3A_1482 = vector.broadcast %reduce_sum3A_1476 : i32 to vector<16xi32>
    %select_n3A_1483 = arith.select %eq3A_1480, %broadcast_in_dim3A_1482, %select_n3A_1449 : vector<16xi1>, vector<16xi32>
    %broadcast_in_dim3A_1484 = vector.broadcast %reduce_sum3A_1469 : f32 to vector<16xf32>
    %select_n3A_1485 = arith.select %eq3A_1480, %broadcast_in_dim3A_1484, %select_n3A_1451 : vector<16xi1>, vector<16xf32>
    %get3A_1486 = arith.constant 43 : i32
    %get3A_1487 = arith.index_cast %get3A_1486 : i32 to index
    %get3A_1488 = arith.constant 0 : index
    %get3A_1489 = tpu.vector_load %arg7[%get3A_1487, %get3A_1488] {strides = array<i32>} : memref<64x16xf32, #tpu.memory_space<vmem>>, vector<16xf32>,
    %reduce_max3A_1490 = arith.constant true
    %reduce_max3A_1491 = vector.broadcast %reduce_max3A_1490 : i1 to vector<16xi1>
    %reduce_max3A_1492 = tpu.scan <max>, %get3A_1489 masked %reduce_max3A_1491 : vector<16xf32>, vector<16xi1> -> vector<16xf32>
    %reduce_max3A_1493 = vector.extract %reduce_max3A_1492[15] : f32 from vector<16xf32>
    %eq3A_1494 = vector.broadcast %reduce_max3A_1493 : f32 to vector<16xf32>
    %eq3A_1495 = arith.cmpf oeq, %get3A_1489, %eq3A_1494 : vector<16xf32>
    %all_reduce_ffs3A_1496 = tpu.all_reduce %eq3A_1495 {dim = 0 : i64, kind = #tpu.reduction_kind<find_first_set>} : vector<16xi1> -> vector<16xi32>
    %sub3A_1497 = vector.broadcast %reduce_max3A_1493 : f32 to vector<16xf32>
    %sub3A_1498 = arith.subf %get3A_1489, %sub3A_1497 : vector<16xf32>
    %exp3A_1499 = math.exp %sub3A_1498 : vector<16xf32>
    %reduce_sum3A_1500 = arith.constant true
    %reduce_sum3A_1501 = vector.broadcast %reduce_sum3A_1500 : i1 to vector<16xi1>
    %reduce_sum3A_1502 = tpu.scan <sum>, %exp3A_1499 masked %reduce_sum3A_1501 : vector<16xf32>, vector<16xi1> -> vector<16xf32>
    %reduce_sum3A_1503 = vector.extract %reduce_sum3A_1502[15] : f32 from vector<16xf32>
    %eq3A_1504 = arith.cmpi eq, %iota3A, %all_reduce_ffs3A_1496 : vector<16xi32>
    %convert_element_type3A_1505 = arith.extui %eq3A_1504 : vector<16xi1> to vector<16xi32>
    %mul3A_1506 = arith.muli %add3A_1477, %convert_element_type3A_1505 : vector<16xi32>
    %reduce_sum3A_1507 = arith.constant true
    %reduce_sum3A_1508 = vector.broadcast %reduce_sum3A_1507 : i1 to vector<16xi1>
    %reduce_sum3A_1509 = tpu.scan <sum>, %mul3A_1506 masked %reduce_sum3A_1508 : vector<16xi32>, vector<16xi1> -> vector<16xi32>
    %reduce_sum3A_1510 = vector.extract %reduce_sum3A_1509[15] : i32 from vector<16xi32>
    %add3A_1511 = arith.addi %add3A_1477, %convert_element_type3A_1505 : vector<16xi32>
    %eq3A_1512 = arith.constant 11 : i32
    %eq3A_1513 = vector.broadcast %eq3A_1512 : i32 to vector<16xi32>
    %eq3A_1514 = arith.cmpi eq, %iota3A, %eq3A_1513 : vector<16xi32>
    %select_n3A_1515 = arith.select %eq3A_1514, %all_reduce_ffs3A_1496, %select_n3A_1481 : vector<16xi1>, vector<16xi32>
    %broadcast_in_dim3A_1516 = vector.broadcast %reduce_sum3A_1510 : i32 to vector<16xi32>
    %select_n3A_1517 = arith.select %eq3A_1514, %broadcast_in_dim3A_1516, %select_n3A_1483 : vector<16xi1>, vector<16xi32>
    %broadcast_in_dim3A_1518 = vector.broadcast %reduce_sum3A_1503 : f32 to vector<16xf32>
    %select_n3A_1519 = arith.select %eq3A_1514, %broadcast_in_dim3A_1518, %select_n3A_1485 : vector<16xi1>, vector<16xf32>
    %get3A_1520 = arith.constant 44 : i32
    %get3A_1521 = arith.index_cast %get3A_1520 : i32 to index
    %get3A_1522 = arith.constant 0 : index
    %get3A_1523 = tpu.vector_load %arg7[%get3A_1521, %get3A_1522] {strides = array<i32>} : memref<64x16xf32, #tpu.memory_space<vmem>>, vector<16xf32>,
    %reduce_max3A_1524 = arith.constant true
    %reduce_max3A_1525 = vector.broadcast %reduce_max3A_1524 : i1 to vector<16xi1>
    %reduce_max3A_1526 = tpu.scan <max>, %get3A_1523 masked %reduce_max3A_1525 : vector<16xf32>, vector<16xi1> -> vector<16xf32>
    %reduce_max3A_1527 = vector.extract %reduce_max3A_1526[15] : f32 from vector<16xf32>
    %eq3A_1528 = vector.broadcast %reduce_max3A_1527 : f32 to vector<16xf32>
    %eq3A_1529 = arith.cmpf oeq, %get3A_1523, %eq3A_1528 : vector<16xf32>
    %all_reduce_ffs3A_1530 = tpu.all_reduce %eq3A_1529 {dim = 0 : i64, kind = #tpu.reduction_kind<find_first_set>} : vector<16xi1> -> vector<16xi32>
    %sub3A_1531 = vector.broadcast %reduce_max3A_1527 : f32 to vector<16xf32>
    %sub3A_1532 = arith.subf %get3A_1523, %sub3A_1531 : vector<16xf32>
    %exp3A_1533 = math.exp %sub3A_1532 : vector<16xf32>
    %reduce_sum3A_1534 = arith.constant true
    %reduce_sum3A_1535 = vector.broadcast %reduce_sum3A_1534 : i1 to vector<16xi1>
    %reduce_sum3A_1536 = tpu.scan <sum>, %exp3A_1533 masked %reduce_sum3A_1535 : vector<16xf32>, vector<16xi1> -> vector<16xf32>
    %reduce_sum3A_1537 = vector.extract %reduce_sum3A_1536[15] : f32 from vector<16xf32>
    %eq3A_1538 = arith.cmpi eq, %iota3A, %all_reduce_ffs3A_1530 : vector<16xi32>
    %convert_element_type3A_1539 = arith.extui %eq3A_1538 : vector<16xi1> to vector<16xi32>
    %mul3A_1540 = arith.muli %add3A_1511, %convert_element_type3A_1539 : vector<16xi32>
    %reduce_sum3A_1541 = arith.constant true
    %reduce_sum3A_1542 = vector.broadcast %reduce_sum3A_1541 : i1 to vector<16xi1>
    %reduce_sum3A_1543 = tpu.scan <sum>, %mul3A_1540 masked %reduce_sum3A_1542 : vector<16xi32>, vector<16xi1> -> vector<16xi32>
    %reduce_sum3A_1544 = vector.extract %reduce_sum3A_1543[15] : i32 from vector<16xi32>
    %add3A_1545 = arith.addi %add3A_1511, %convert_element_type3A_1539 : vector<16xi32>
    %eq3A_1546 = arith.constant 12 : i32
    %eq3A_1547 = vector.broadcast %eq3A_1546 : i32 to vector<16xi32>
    %eq3A_1548 = arith.cmpi eq, %iota3A, %eq3A_1547 : vector<16xi32>
    %select_n3A_1549 = arith.select %eq3A_1548, %all_reduce_ffs3A_1530, %select_n3A_1515 : vector<16xi1>, vector<16xi32>
    %broadcast_in_dim3A_1550 = vector.broadcast %reduce_sum3A_1544 : i32 to vector<16xi32>
    %select_n3A_1551 = arith.select %eq3A_1548, %broadcast_in_dim3A_1550, %select_n3A_1517 : vector<16xi1>, vector<16xi32>
    %broadcast_in_dim3A_1552 = vector.broadcast %reduce_sum3A_1537 : f32 to vector<16xf32>
    %select_n3A_1553 = arith.select %eq3A_1548, %broadcast_in_dim3A_1552, %select_n3A_1519 : vector<16xi1>, vector<16xf32>
    %get3A_1554 = arith.constant 45 : i32
    %get3A_1555 = arith.index_cast %get3A_1554 : i32 to index
    %get3A_1556 = arith.constant 0 : index
    %get3A_1557 = tpu.vector_load %arg7[%get3A_1555, %get3A_1556] {strides = array<i32>} : memref<64x16xf32, #tpu.memory_space<vmem>>, vector<16xf32>,
    %reduce_max3A_1558 = arith.constant true
    %reduce_max3A_1559 = vector.broadcast %reduce_max3A_1558 : i1 to vector<16xi1>
    %reduce_max3A_1560 = tpu.scan <max>, %get3A_1557 masked %reduce_max3A_1559 : vector<16xf32>, vector<16xi1> -> vector<16xf32>
    %reduce_max3A_1561 = vector.extract %reduce_max3A_1560[15] : f32 from vector<16xf32>
    %eq3A_1562 = vector.broadcast %reduce_max3A_1561 : f32 to vector<16xf32>
    %eq3A_1563 = arith.cmpf oeq, %get3A_1557, %eq3A_1562 : vector<16xf32>
    %all_reduce_ffs3A_1564 = tpu.all_reduce %eq3A_1563 {dim = 0 : i64, kind = #tpu.reduction_kind<find_first_set>} : vector<16xi1> -> vector<16xi32>
    %sub3A_1565 = vector.broadcast %reduce_max3A_1561 : f32 to vector<16xf32>
    %sub3A_1566 = arith.subf %get3A_1557, %sub3A_1565 : vector<16xf32>
    %exp3A_1567 = math.exp %sub3A_1566 : vector<16xf32>
    %reduce_sum3A_1568 = arith.constant true
    %reduce_sum3A_1569 = vector.broadcast %reduce_sum3A_1568 : i1 to vector<16xi1>
    %reduce_sum3A_1570 = tpu.scan <sum>, %exp3A_1567 masked %reduce_sum3A_1569 : vector<16xf32>, vector<16xi1> -> vector<16xf32>
    %reduce_sum3A_1571 = vector.extract %reduce_sum3A_1570[15] : f32 from vector<16xf32>
    %eq3A_1572 = arith.cmpi eq, %iota3A, %all_reduce_ffs3A_1564 : vector<16xi32>
    %convert_element_type3A_1573 = arith.extui %eq3A_1572 : vector<16xi1> to vector<16xi32>
    %mul3A_1574 = arith.muli %add3A_1545, %convert_element_type3A_1573 : vector<16xi32>
    %reduce_sum3A_1575 = arith.constant true
    %reduce_sum3A_1576 = vector.broadcast %reduce_sum3A_1575 : i1 to vector<16xi1>
    %reduce_sum3A_1577 = tpu.scan <sum>, %mul3A_1574 masked %reduce_sum3A_1576 : vector<16xi32>, vector<16xi1> -> vector<16xi32>
    %reduce_sum3A_1578 = vector.extract %reduce_sum3A_1577[15] : i32 from vector<16xi32>
    %add3A_1579 = arith.addi %add3A_1545, %convert_element_type3A_1573 : vector<16xi32>
    %eq3A_1580 = arith.constant 13 : i32
    %eq3A_1581 = vector.broadcast %eq3A_1580 : i32 to vector<16xi32>
    %eq3A_1582 = arith.cmpi eq, %iota3A, %eq3A_1581 : vector<16xi32>
    %select_n3A_1583 = arith.select %eq3A_1582, %all_reduce_ffs3A_1564, %select_n3A_1549 : vector<16xi1>, vector<16xi32>
    %broadcast_in_dim3A_1584 = vector.broadcast %reduce_sum3A_1578 : i32 to vector<16xi32>
    %select_n3A_1585 = arith.select %eq3A_1582, %broadcast_in_dim3A_1584, %select_n3A_1551 : vector<16xi1>, vector<16xi32>
    %broadcast_in_dim3A_1586 = vector.broadcast %reduce_sum3A_1571 : f32 to vector<16xf32>
    %select_n3A_1587 = arith.select %eq3A_1582, %broadcast_in_dim3A_1586, %select_n3A_1553 : vector<16xi1>, vector<16xf32>
    %get3A_1588 = arith.constant 46 : i32
    %get3A_1589 = arith.index_cast %get3A_1588 : i32 to index
    %get3A_1590 = arith.constant 0 : index
    %get3A_1591 = tpu.vector_load %arg7[%get3A_1589, %get3A_1590] {strides = array<i32>} : memref<64x16xf32, #tpu.memory_space<vmem>>, vector<16xf32>,
    %reduce_max3A_1592 = arith.constant true
    %reduce_max3A_1593 = vector.broadcast %reduce_max3A_1592 : i1 to vector<16xi1>
    %reduce_max3A_1594 = tpu.scan <max>, %get3A_1591 masked %reduce_max3A_1593 : vector<16xf32>, vector<16xi1> -> vector<16xf32>
    %reduce_max3A_1595 = vector.extract %reduce_max3A_1594[15] : f32 from vector<16xf32>
    %eq3A_1596 = vector.broadcast %reduce_max3A_1595 : f32 to vector<16xf32>
    %eq3A_1597 = arith.cmpf oeq, %get3A_1591, %eq3A_1596 : vector<16xf32>
    %all_reduce_ffs3A_1598 = tpu.all_reduce %eq3A_1597 {dim = 0 : i64, kind = #tpu.reduction_kind<find_first_set>} : vector<16xi1> -> vector<16xi32>
    %sub3A_1599 = vector.broadcast %reduce_max3A_1595 : f32 to vector<16xf32>
    %sub3A_1600 = arith.subf %get3A_1591, %sub3A_1599 : vector<16xf32>
    %exp3A_1601 = math.exp %sub3A_1600 : vector<16xf32>
    %reduce_sum3A_1602 = arith.constant true
    %reduce_sum3A_1603 = vector.broadcast %reduce_sum3A_1602 : i1 to vector<16xi1>
    %reduce_sum3A_1604 = tpu.scan <sum>, %exp3A_1601 masked %reduce_sum3A_1603 : vector<16xf32>, vector<16xi1> -> vector<16xf32>
    %reduce_sum3A_1605 = vector.extract %reduce_sum3A_1604[15] : f32 from vector<16xf32>
    %eq3A_1606 = arith.cmpi eq, %iota3A, %all_reduce_ffs3A_1598 : vector<16xi32>
    %convert_element_type3A_1607 = arith.extui %eq3A_1606 : vector<16xi1> to vector<16xi32>
    %mul3A_1608 = arith.muli %add3A_1579, %convert_element_type3A_1607 : vector<16xi32>
    %reduce_sum3A_1609 = arith.constant true
    %reduce_sum3A_1610 = vector.broadcast %reduce_sum3A_1609 : i1 to vector<16xi1>
    %reduce_sum3A_1611 = tpu.scan <sum>, %mul3A_1608 masked %reduce_sum3A_1610 : vector<16xi32>, vector<16xi1> -> vector<16xi32>
    %reduce_sum3A_1612 = vector.extract %reduce_sum3A_1611[15] : i32 from vector<16xi32>
    %add3A_1613 = arith.addi %add3A_1579, %convert_element_type3A_1607 : vector<16xi32>
    %eq3A_1614 = arith.constant 14 : i32
    %eq3A_1615 = vector.broadcast %eq3A_1614 : i32 to vector<16xi32>
    %eq3A_1616 = arith.cmpi eq, %iota3A, %eq3A_1615 : vector<16xi32>
    %select_n3A_1617 = arith.select %eq3A_1616, %all_reduce_ffs3A_1598, %select_n3A_1583 : vector<16xi1>, vector<16xi32>
    %broadcast_in_dim3A_1618 = vector.broadcast %reduce_sum3A_1612 : i32 to vector<16xi32>
    %select_n3A_1619 = arith.select %eq3A_1616, %broadcast_in_dim3A_1618, %select_n3A_1585 : vector<16xi1>, vector<16xi32>
    %broadcast_in_dim3A_1620 = vector.broadcast %reduce_sum3A_1605 : f32 to vector<16xf32>
    %select_n3A_1621 = arith.select %eq3A_1616, %broadcast_in_dim3A_1620, %select_n3A_1587 : vector<16xi1>, vector<16xf32>
    %get3A_1622 = arith.constant 47 : i32
    %get3A_1623 = arith.index_cast %get3A_1622 : i32 to index
    %get3A_1624 = arith.constant 0 : index
    %get3A_1625 = tpu.vector_load %arg7[%get3A_1623, %get3A_1624] {strides = array<i32>} : memref<64x16xf32, #tpu.memory_space<vmem>>, vector<16xf32>,
    %reduce_max3A_1626 = arith.constant true
    %reduce_max3A_1627 = vector.broadcast %reduce_max3A_1626 : i1 to vector<16xi1>
    %reduce_max3A_1628 = tpu.scan <max>, %get3A_1625 masked %reduce_max3A_1627 : vector<16xf32>, vector<16xi1> -> vector<16xf32>
    %reduce_max3A_1629 = vector.extract %reduce_max3A_1628[15] : f32 from vector<16xf32>
    %eq3A_1630 = vector.broadcast %reduce_max3A_1629 : f32 to vector<16xf32>
    %eq3A_1631 = arith.cmpf oeq, %get3A_1625, %eq3A_1630 : vector<16xf32>
    %all_reduce_ffs3A_1632 = tpu.all_reduce %eq3A_1631 {dim = 0 : i64, kind = #tpu.reduction_kind<find_first_set>} : vector<16xi1> -> vector<16xi32>
    %sub3A_1633 = vector.broadcast %reduce_max3A_1629 : f32 to vector<16xf32>
    %sub3A_1634 = arith.subf %get3A_1625, %sub3A_1633 : vector<16xf32>
    %exp3A_1635 = math.exp %sub3A_1634 : vector<16xf32>
    %reduce_sum3A_1636 = arith.constant true
    %reduce_sum3A_1637 = vector.broadcast %reduce_sum3A_1636 : i1 to vector<16xi1>
    %reduce_sum3A_1638 = tpu.scan <sum>, %exp3A_1635 masked %reduce_sum3A_1637 : vector<16xf32>, vector<16xi1> -> vector<16xf32>
    %reduce_sum3A_1639 = vector.extract %reduce_sum3A_1638[15] : f32 from vector<16xf32>
    %eq3A_1640 = arith.cmpi eq, %iota3A, %all_reduce_ffs3A_1632 : vector<16xi32>
    %convert_element_type3A_1641 = arith.extui %eq3A_1640 : vector<16xi1> to vector<16xi32>
    %mul3A_1642 = arith.muli %add3A_1613, %convert_element_type3A_1641 : vector<16xi32>
    %reduce_sum3A_1643 = arith.constant true
    %reduce_sum3A_1644 = vector.broadcast %reduce_sum3A_1643 : i1 to vector<16xi1>
    %reduce_sum3A_1645 = tpu.scan <sum>, %mul3A_1642 masked %reduce_sum3A_1644 : vector<16xi32>, vector<16xi1> -> vector<16xi32>
    %reduce_sum3A_1646 = vector.extract %reduce_sum3A_1645[15] : i32 from vector<16xi32>
    %add3A_1647 = arith.addi %add3A_1613, %convert_element_type3A_1641 : vector<16xi32>
    %eq3A_1648 = arith.constant 15 : i32
    %eq3A_1649 = vector.broadcast %eq3A_1648 : i32 to vector<16xi32>
    %eq3A_1650 = arith.cmpi eq, %iota3A, %eq3A_1649 : vector<16xi32>
    %select_n3A_1651 = arith.select %eq3A_1650, %all_reduce_ffs3A_1632, %select_n3A_1617 : vector<16xi1>, vector<16xi32>
    %broadcast_in_dim3A_1652 = vector.broadcast %reduce_sum3A_1646 : i32 to vector<16xi32>
    %select_n3A_1653 = arith.select %eq3A_1650, %broadcast_in_dim3A_1652, %select_n3A_1619 : vector<16xi1>, vector<16xi32>
    %broadcast_in_dim3A_1654 = vector.broadcast %reduce_sum3A_1639 : f32 to vector<16xf32>
    %select_n3A_1655 = arith.select %eq3A_1650, %broadcast_in_dim3A_1654, %select_n3A_1621 : vector<16xi1>, vector<16xf32>
    %swap3A_1656 = arith.constant 32 : index
    %swap3A_1657 = tpu.vector_load %arg8[%swap3A_1656] {strides = array<i32>} : memref<64xi32, #tpu.memory_space<vmem>>, vector<16xi32>,
    tpu.vector_store %arg8[%swap3A_1656], %select_n3A_1651 {strides = array<i32>} : memref<64xi32, #tpu.memory_space<vmem>>, vector<16xi32>,
    %swap3A_1658 = arith.constant 32 : index
    %swap3A_1659 = tpu.vector_load %arg9[%swap3A_1658] {strides = array<i32>} : memref<64xi32, #tpu.memory_space<vmem>>, vector<16xi32>,
    tpu.vector_store %arg9[%swap3A_1658], %select_n3A_1653 {strides = array<i32>} : memref<64xi32, #tpu.memory_space<vmem>>, vector<16xi32>,
    %swap3A_1660 = arith.constant 32 : index
    %swap3A_1661 = tpu.vector_load %arg10[%swap3A_1660] {strides = array<i32>} : memref<64xf32, #tpu.memory_space<vmem>>, vector<16xf32>,
    tpu.vector_store %arg10[%swap3A_1660], %select_n3A_1655 {strides = array<i32>} : memref<64xf32, #tpu.memory_space<vmem>>, vector<16xf32>,
    %broadcast_in_dim3A_1662 = arith.constant 0 : i32
    %broadcast_in_dim3A_1663 = vector.broadcast %broadcast_in_dim3A_1662 : i32 to vector<16xi32>
    %broadcast_in_dim3A_1664 = arith.constant 0 : i32
    %broadcast_in_dim3A_1665 = vector.broadcast %broadcast_in_dim3A_1664 : i32 to vector<16xi32>
    %broadcast_in_dim3A_1666 = arith.constant 0.000000e+00 : f32
    %broadcast_in_dim3A_1667 = vector.broadcast %broadcast_in_dim3A_1666 : f32 to vector<16xf32>
    %get3A_1668 = arith.constant 48 : i32
    %get3A_1669 = arith.index_cast %get3A_1668 : i32 to index
    %get3A_1670 = arith.constant 0 : index
    %get3A_1671 = tpu.vector_load %arg7[%get3A_1669, %get3A_1670] {strides = array<i32>} : memref<64x16xf32, #tpu.memory_space<vmem>>, vector<16xf32>,
    %reduce_max3A_1672 = arith.constant true
    %reduce_max3A_1673 = vector.broadcast %reduce_max3A_1672 : i1 to vector<16xi1>
    %reduce_max3A_1674 = tpu.scan <max>, %get3A_1671 masked %reduce_max3A_1673 : vector<16xf32>, vector<16xi1> -> vector<16xf32>
    %reduce_max3A_1675 = vector.extract %reduce_max3A_1674[15] : f32 from vector<16xf32>
    %eq3A_1676 = vector.broadcast %reduce_max3A_1675 : f32 to vector<16xf32>
    %eq3A_1677 = arith.cmpf oeq, %get3A_1671, %eq3A_1676 : vector<16xf32>
    %all_reduce_ffs3A_1678 = tpu.all_reduce %eq3A_1677 {dim = 0 : i64, kind = #tpu.reduction_kind<find_first_set>} : vector<16xi1> -> vector<16xi32>
    %sub3A_1679 = vector.broadcast %reduce_max3A_1675 : f32 to vector<16xf32>
    %sub3A_1680 = arith.subf %get3A_1671, %sub3A_1679 : vector<16xf32>
    %exp3A_1681 = math.exp %sub3A_1680 : vector<16xf32>
    %reduce_sum3A_1682 = arith.constant true
    %reduce_sum3A_1683 = vector.broadcast %reduce_sum3A_1682 : i1 to vector<16xi1>
    %reduce_sum3A_1684 = tpu.scan <sum>, %exp3A_1681 masked %reduce_sum3A_1683 : vector<16xf32>, vector<16xi1> -> vector<16xf32>
    %reduce_sum3A_1685 = vector.extract %reduce_sum3A_1684[15] : f32 from vector<16xf32>
    %eq3A_1686 = arith.cmpi eq, %iota3A, %all_reduce_ffs3A_1678 : vector<16xi32>
    %convert_element_type3A_1687 = arith.extui %eq3A_1686 : vector<16xi1> to vector<16xi32>
    %mul3A_1688 = arith.muli %add3A_1647, %convert_element_type3A_1687 : vector<16xi32>
    %reduce_sum3A_1689 = arith.constant true
    %reduce_sum3A_1690 = vector.broadcast %reduce_sum3A_1689 : i1 to vector<16xi1>
    %reduce_sum3A_1691 = tpu.scan <sum>, %mul3A_1688 masked %reduce_sum3A_1690 : vector<16xi32>, vector<16xi1> -> vector<16xi32>
    %reduce_sum3A_1692 = vector.extract %reduce_sum3A_1691[15] : i32 from vector<16xi32>
    %add3A_1693 = arith.addi %add3A_1647, %convert_element_type3A_1687 : vector<16xi32>
    %eq3A_1694 = arith.constant 0 : i32
    %eq3A_1695 = vector.broadcast %eq3A_1694 : i32 to vector<16xi32>
    %eq3A_1696 = arith.cmpi eq, %iota3A, %eq3A_1695 : vector<16xi32>
    %select_n3A_1697 = arith.select %eq3A_1696, %all_reduce_ffs3A_1678, %broadcast_in_dim3A_1663 : vector<16xi1>, vector<16xi32>
    %broadcast_in_dim3A_1698 = vector.broadcast %reduce_sum3A_1692 : i32 to vector<16xi32>
    %select_n3A_1699 = arith.select %eq3A_1696, %broadcast_in_dim3A_1698, %broadcast_in_dim3A_1665 : vector<16xi1>, vector<16xi32>
    %broadcast_in_dim3A_1700 = vector.broadcast %reduce_sum3A_1685 : f32 to vector<16xf32>
    %select_n3A_1701 = arith.select %eq3A_1696, %broadcast_in_dim3A_1700, %broadcast_in_dim3A_1667 : vector<16xi1>, vector<16xf32>
    %get3A_1702 = arith.constant 49 : i32
    %get3A_1703 = arith.index_cast %get3A_1702 : i32 to index
    %get3A_1704 = arith.constant 0 : index
    %get3A_1705 = tpu.vector_load %arg7[%get3A_1703, %get3A_1704] {strides = array<i32>} : memref<64x16xf32, #tpu.memory_space<vmem>>, vector<16xf32>,
    %reduce_max3A_1706 = arith.constant true
    %reduce_max3A_1707 = vector.broadcast %reduce_max3A_1706 : i1 to vector<16xi1>
    %reduce_max3A_1708 = tpu.scan <max>, %get3A_1705 masked %reduce_max3A_1707 : vector<16xf32>, vector<16xi1> -> vector<16xf32>
    %reduce_max3A_1709 = vector.extract %reduce_max3A_1708[15] : f32 from vector<16xf32>
    %eq3A_1710 = vector.broadcast %reduce_max3A_1709 : f32 to vector<16xf32>
    %eq3A_1711 = arith.cmpf oeq, %get3A_1705, %eq3A_1710 : vector<16xf32>
    %all_reduce_ffs3A_1712 = tpu.all_reduce %eq3A_1711 {dim = 0 : i64, kind = #tpu.reduction_kind<find_first_set>} : vector<16xi1> -> vector<16xi32>
    %sub3A_1713 = vector.broadcast %reduce_max3A_1709 : f32 to vector<16xf32>
    %sub3A_1714 = arith.subf %get3A_1705, %sub3A_1713 : vector<16xf32>
    %exp3A_1715 = math.exp %sub3A_1714 : vector<16xf32>
    %reduce_sum3A_1716 = arith.constant true
    %reduce_sum3A_1717 = vector.broadcast %reduce_sum3A_1716 : i1 to vector<16xi1>
    %reduce_sum3A_1718 = tpu.scan <sum>, %exp3A_1715 masked %reduce_sum3A_1717 : vector<16xf32>, vector<16xi1> -> vector<16xf32>
    %reduce_sum3A_1719 = vector.extract %reduce_sum3A_1718[15] : f32 from vector<16xf32>
    %eq3A_1720 = arith.cmpi eq, %iota3A, %all_reduce_ffs3A_1712 : vector<16xi32>
    %convert_element_type3A_1721 = arith.extui %eq3A_1720 : vector<16xi1> to vector<16xi32>
    %mul3A_1722 = arith.muli %add3A_1693, %convert_element_type3A_1721 : vector<16xi32>
    %reduce_sum3A_1723 = arith.constant true
    %reduce_sum3A_1724 = vector.broadcast %reduce_sum3A_1723 : i1 to vector<16xi1>
    %reduce_sum3A_1725 = tpu.scan <sum>, %mul3A_1722 masked %reduce_sum3A_1724 : vector<16xi32>, vector<16xi1> -> vector<16xi32>
    %reduce_sum3A_1726 = vector.extract %reduce_sum3A_1725[15] : i32 from vector<16xi32>
    %add3A_1727 = arith.addi %add3A_1693, %convert_element_type3A_1721 : vector<16xi32>
    %eq3A_1728 = arith.constant 1 : i32
    %eq3A_1729 = vector.broadcast %eq3A_1728 : i32 to vector<16xi32>
    %eq3A_1730 = arith.cmpi eq, %iota3A, %eq3A_1729 : vector<16xi32>
    %select_n3A_1731 = arith.select %eq3A_1730, %all_reduce_ffs3A_1712, %select_n3A_1697 : vector<16xi1>, vector<16xi32>
    %broadcast_in_dim3A_1732 = vector.broadcast %reduce_sum3A_1726 : i32 to vector<16xi32>
    %select_n3A_1733 = arith.select %eq3A_1730, %broadcast_in_dim3A_1732, %select_n3A_1699 : vector<16xi1>, vector<16xi32>
    %broadcast_in_dim3A_1734 = vector.broadcast %reduce_sum3A_1719 : f32 to vector<16xf32>
    %select_n3A_1735 = arith.select %eq3A_1730, %broadcast_in_dim3A_1734, %select_n3A_1701 : vector<16xi1>, vector<16xf32>
    %get3A_1736 = arith.constant 50 : i32
    %get3A_1737 = arith.index_cast %get3A_1736 : i32 to index
    %get3A_1738 = arith.constant 0 : index
    %get3A_1739 = tpu.vector_load %arg7[%get3A_1737, %get3A_1738] {strides = array<i32>} : memref<64x16xf32, #tpu.memory_space<vmem>>, vector<16xf32>,
    %reduce_max3A_1740 = arith.constant true
    %reduce_max3A_1741 = vector.broadcast %reduce_max3A_1740 : i1 to vector<16xi1>
    %reduce_max3A_1742 = tpu.scan <max>, %get3A_1739 masked %reduce_max3A_1741 : vector<16xf32>, vector<16xi1> -> vector<16xf32>
    %reduce_max3A_1743 = vector.extract %reduce_max3A_1742[15] : f32 from vector<16xf32>
    %eq3A_1744 = vector.broadcast %reduce_max3A_1743 : f32 to vector<16xf32>
    %eq3A_1745 = arith.cmpf oeq, %get3A_1739, %eq3A_1744 : vector<16xf32>
    %all_reduce_ffs3A_1746 = tpu.all_reduce %eq3A_1745 {dim = 0 : i64, kind = #tpu.reduction_kind<find_first_set>} : vector<16xi1> -> vector<16xi32>
    %sub3A_1747 = vector.broadcast %reduce_max3A_1743 : f32 to vector<16xf32>
    %sub3A_1748 = arith.subf %get3A_1739, %sub3A_1747 : vector<16xf32>
    %exp3A_1749 = math.exp %sub3A_1748 : vector<16xf32>
    %reduce_sum3A_1750 = arith.constant true
    %reduce_sum3A_1751 = vector.broadcast %reduce_sum3A_1750 : i1 to vector<16xi1>
    %reduce_sum3A_1752 = tpu.scan <sum>, %exp3A_1749 masked %reduce_sum3A_1751 : vector<16xf32>, vector<16xi1> -> vector<16xf32>
    %reduce_sum3A_1753 = vector.extract %reduce_sum3A_1752[15] : f32 from vector<16xf32>
    %eq3A_1754 = arith.cmpi eq, %iota3A, %all_reduce_ffs3A_1746 : vector<16xi32>
    %convert_element_type3A_1755 = arith.extui %eq3A_1754 : vector<16xi1> to vector<16xi32>
    %mul3A_1756 = arith.muli %add3A_1727, %convert_element_type3A_1755 : vector<16xi32>
    %reduce_sum3A_1757 = arith.constant true
    %reduce_sum3A_1758 = vector.broadcast %reduce_sum3A_1757 : i1 to vector<16xi1>
    %reduce_sum3A_1759 = tpu.scan <sum>, %mul3A_1756 masked %reduce_sum3A_1758 : vector<16xi32>, vector<16xi1> -> vector<16xi32>
    %reduce_sum3A_1760 = vector.extract %reduce_sum3A_1759[15] : i32 from vector<16xi32>
    %add3A_1761 = arith.addi %add3A_1727, %convert_element_type3A_1755 : vector<16xi32>
    %eq3A_1762 = arith.constant 2 : i32
    %eq3A_1763 = vector.broadcast %eq3A_1762 : i32 to vector<16xi32>
    %eq3A_1764 = arith.cmpi eq, %iota3A, %eq3A_1763 : vector<16xi32>
    %select_n3A_1765 = arith.select %eq3A_1764, %all_reduce_ffs3A_1746, %select_n3A_1731 : vector<16xi1>, vector<16xi32>
    %broadcast_in_dim3A_1766 = vector.broadcast %reduce_sum3A_1760 : i32 to vector<16xi32>
    %select_n3A_1767 = arith.select %eq3A_1764, %broadcast_in_dim3A_1766, %select_n3A_1733 : vector<16xi1>, vector<16xi32>
    %broadcast_in_dim3A_1768 = vector.broadcast %reduce_sum3A_1753 : f32 to vector<16xf32>
    %select_n3A_1769 = arith.select %eq3A_1764, %broadcast_in_dim3A_1768, %select_n3A_1735 : vector<16xi1>, vector<16xf32>
    %get3A_1770 = arith.constant 51 : i32
    %get3A_1771 = arith.index_cast %get3A_1770 : i32 to index
    %get3A_1772 = arith.constant 0 : index
    %get3A_1773 = tpu.vector_load %arg7[%get3A_1771, %get3A_1772] {strides = array<i32>} : memref<64x16xf32, #tpu.memory_space<vmem>>, vector<16xf32>,
    %reduce_max3A_1774 = arith.constant true
    %reduce_max3A_1775 = vector.broadcast %reduce_max3A_1774 : i1 to vector<16xi1>
    %reduce_max3A_1776 = tpu.scan <max>, %get3A_1773 masked %reduce_max3A_1775 : vector<16xf32>, vector<16xi1> -> vector<16xf32>
    %reduce_max3A_1777 = vector.extract %reduce_max3A_1776[15] : f32 from vector<16xf32>
    %eq3A_1778 = vector.broadcast %reduce_max3A_1777 : f32 to vector<16xf32>
    %eq3A_1779 = arith.cmpf oeq, %get3A_1773, %eq3A_1778 : vector<16xf32>
    %all_reduce_ffs3A_1780 = tpu.all_reduce %eq3A_1779 {dim = 0 : i64, kind = #tpu.reduction_kind<find_first_set>} : vector<16xi1> -> vector<16xi32>
    %sub3A_1781 = vector.broadcast %reduce_max3A_1777 : f32 to vector<16xf32>
    %sub3A_1782 = arith.subf %get3A_1773, %sub3A_1781 : vector<16xf32>
    %exp3A_1783 = math.exp %sub3A_1782 : vector<16xf32>
    %reduce_sum3A_1784 = arith.constant true
    %reduce_sum3A_1785 = vector.broadcast %reduce_sum3A_1784 : i1 to vector<16xi1>
    %reduce_sum3A_1786 = tpu.scan <sum>, %exp3A_1783 masked %reduce_sum3A_1785 : vector<16xf32>, vector<16xi1> -> vector<16xf32>
    %reduce_sum3A_1787 = vector.extract %reduce_sum3A_1786[15] : f32 from vector<16xf32>
    %eq3A_1788 = arith.cmpi eq, %iota3A, %all_reduce_ffs3A_1780 : vector<16xi32>
    %convert_element_type3A_1789 = arith.extui %eq3A_1788 : vector<16xi1> to vector<16xi32>
    %mul3A_1790 = arith.muli %add3A_1761, %convert_element_type3A_1789 : vector<16xi32>
    %reduce_sum3A_1791 = arith.constant true
    %reduce_sum3A_1792 = vector.broadcast %reduce_sum3A_1791 : i1 to vector<16xi1>
    %reduce_sum3A_1793 = tpu.scan <sum>, %mul3A_1790 masked %reduce_sum3A_1792 : vector<16xi32>, vector<16xi1> -> vector<16xi32>
    %reduce_sum3A_1794 = vector.extract %reduce_sum3A_1793[15] : i32 from vector<16xi32>
    %add3A_1795 = arith.addi %add3A_1761, %convert_element_type3A_1789 : vector<16xi32>
    %eq3A_1796 = arith.constant 3 : i32
    %eq3A_1797 = vector.broadcast %eq3A_1796 : i32 to vector<16xi32>
    %eq3A_1798 = arith.cmpi eq, %iota3A, %eq3A_1797 : vector<16xi32>
    %select_n3A_1799 = arith.select %eq3A_1798, %all_reduce_ffs3A_1780, %select_n3A_1765 : vector<16xi1>, vector<16xi32>
    %broadcast_in_dim3A_1800 = vector.broadcast %reduce_sum3A_1794 : i32 to vector<16xi32>
    %select_n3A_1801 = arith.select %eq3A_1798, %broadcast_in_dim3A_1800, %select_n3A_1767 : vector<16xi1>, vector<16xi32>
    %broadcast_in_dim3A_1802 = vector.broadcast %reduce_sum3A_1787 : f32 to vector<16xf32>
    %select_n3A_1803 = arith.select %eq3A_1798, %broadcast_in_dim3A_1802, %select_n3A_1769 : vector<16xi1>, vector<16xf32>
    %get3A_1804 = arith.constant 52 : i32
    %get3A_1805 = arith.index_cast %get3A_1804 : i32 to index
    %get3A_1806 = arith.constant 0 : index
    %get3A_1807 = tpu.vector_load %arg7[%get3A_1805, %get3A_1806] {strides = array<i32>} : memref<64x16xf32, #tpu.memory_space<vmem>>, vector<16xf32>,
    %reduce_max3A_1808 = arith.constant true
    %reduce_max3A_1809 = vector.broadcast %reduce_max3A_1808 : i1 to vector<16xi1>
    %reduce_max3A_1810 = tpu.scan <max>, %get3A_1807 masked %reduce_max3A_1809 : vector<16xf32>, vector<16xi1> -> vector<16xf32>
    %reduce_max3A_1811 = vector.extract %reduce_max3A_1810[15] : f32 from vector<16xf32>
    %eq3A_1812 = vector.broadcast %reduce_max3A_1811 : f32 to vector<16xf32>
    %eq3A_1813 = arith.cmpf oeq, %get3A_1807, %eq3A_1812 : vector<16xf32>
    %all_reduce_ffs3A_1814 = tpu.all_reduce %eq3A_1813 {dim = 0 : i64, kind = #tpu.reduction_kind<find_first_set>} : vector<16xi1> -> vector<16xi32>
    %sub3A_1815 = vector.broadcast %reduce_max3A_1811 : f32 to vector<16xf32>
    %sub3A_1816 = arith.subf %get3A_1807, %sub3A_1815 : vector<16xf32>
    %exp3A_1817 = math.exp %sub3A_1816 : vector<16xf32>
    %reduce_sum3A_1818 = arith.constant true
    %reduce_sum3A_1819 = vector.broadcast %reduce_sum3A_1818 : i1 to vector<16xi1>
    %reduce_sum3A_1820 = tpu.scan <sum>, %exp3A_1817 masked %reduce_sum3A_1819 : vector<16xf32>, vector<16xi1> -> vector<16xf32>
    %reduce_sum3A_1821 = vector.extract %reduce_sum3A_1820[15] : f32 from vector<16xf32>
    %eq3A_1822 = arith.cmpi eq, %iota3A, %all_reduce_ffs3A_1814 : vector<16xi32>
    %convert_element_type3A_1823 = arith.extui %eq3A_1822 : vector<16xi1> to vector<16xi32>
    %mul3A_1824 = arith.muli %add3A_1795, %convert_element_type3A_1823 : vector<16xi32>
    %reduce_sum3A_1825 = arith.constant true
    %reduce_sum3A_1826 = vector.broadcast %reduce_sum3A_1825 : i1 to vector<16xi1>
    %reduce_sum3A_1827 = tpu.scan <sum>, %mul3A_1824 masked %reduce_sum3A_1826 : vector<16xi32>, vector<16xi1> -> vector<16xi32>
    %reduce_sum3A_1828 = vector.extract %reduce_sum3A_1827[15] : i32 from vector<16xi32>
    %add3A_1829 = arith.addi %add3A_1795, %convert_element_type3A_1823 : vector<16xi32>
    %eq3A_1830 = arith.constant 4 : i32
    %eq3A_1831 = vector.broadcast %eq3A_1830 : i32 to vector<16xi32>
    %eq3A_1832 = arith.cmpi eq, %iota3A, %eq3A_1831 : vector<16xi32>
    %select_n3A_1833 = arith.select %eq3A_1832, %all_reduce_ffs3A_1814, %select_n3A_1799 : vector<16xi1>, vector<16xi32>
    %broadcast_in_dim3A_1834 = vector.broadcast %reduce_sum3A_1828 : i32 to vector<16xi32>
    %select_n3A_1835 = arith.select %eq3A_1832, %broadcast_in_dim3A_1834, %select_n3A_1801 : vector<16xi1>, vector<16xi32>
    %broadcast_in_dim3A_1836 = vector.broadcast %reduce_sum3A_1821 : f32 to vector<16xf32>
    %select_n3A_1837 = arith.select %eq3A_1832, %broadcast_in_dim3A_1836, %select_n3A_1803 : vector<16xi1>, vector<16xf32>
    %get3A_1838 = arith.constant 53 : i32
    %get3A_1839 = arith.index_cast %get3A_1838 : i32 to index
    %get3A_1840 = arith.constant 0 : index
    %get3A_1841 = tpu.vector_load %arg7[%get3A_1839, %get3A_1840] {strides = array<i32>} : memref<64x16xf32, #tpu.memory_space<vmem>>, vector<16xf32>,
    %reduce_max3A_1842 = arith.constant true
    %reduce_max3A_1843 = vector.broadcast %reduce_max3A_1842 : i1 to vector<16xi1>
    %reduce_max3A_1844 = tpu.scan <max>, %get3A_1841 masked %reduce_max3A_1843 : vector<16xf32>, vector<16xi1> -> vector<16xf32>
    %reduce_max3A_1845 = vector.extract %reduce_max3A_1844[15] : f32 from vector<16xf32>
    %eq3A_1846 = vector.broadcast %reduce_max3A_1845 : f32 to vector<16xf32>
    %eq3A_1847 = arith.cmpf oeq, %get3A_1841, %eq3A_1846 : vector<16xf32>
    %all_reduce_ffs3A_1848 = tpu.all_reduce %eq3A_1847 {dim = 0 : i64, kind = #tpu.reduction_kind<find_first_set>} : vector<16xi1> -> vector<16xi32>
    %sub3A_1849 = vector.broadcast %reduce_max3A_1845 : f32 to vector<16xf32>
    %sub3A_1850 = arith.subf %get3A_1841, %sub3A_1849 : vector<16xf32>
    %exp3A_1851 = math.exp %sub3A_1850 : vector<16xf32>
    %reduce_sum3A_1852 = arith.constant true
    %reduce_sum3A_1853 = vector.broadcast %reduce_sum3A_1852 : i1 to vector<16xi1>
    %reduce_sum3A_1854 = tpu.scan <sum>, %exp3A_1851 masked %reduce_sum3A_1853 : vector<16xf32>, vector<16xi1> -> vector<16xf32>
    %reduce_sum3A_1855 = vector.extract %reduce_sum3A_1854[15] : f32 from vector<16xf32>
    %eq3A_1856 = arith.cmpi eq, %iota3A, %all_reduce_ffs3A_1848 : vector<16xi32>
    %convert_element_type3A_1857 = arith.extui %eq3A_1856 : vector<16xi1> to vector<16xi32>
    %mul3A_1858 = arith.muli %add3A_1829, %convert_element_type3A_1857 : vector<16xi32>
    %reduce_sum3A_1859 = arith.constant true
    %reduce_sum3A_1860 = vector.broadcast %reduce_sum3A_1859 : i1 to vector<16xi1>
    %reduce_sum3A_1861 = tpu.scan <sum>, %mul3A_1858 masked %reduce_sum3A_1860 : vector<16xi32>, vector<16xi1> -> vector<16xi32>
    %reduce_sum3A_1862 = vector.extract %reduce_sum3A_1861[15] : i32 from vector<16xi32>
    %add3A_1863 = arith.addi %add3A_1829, %convert_element_type3A_1857 : vector<16xi32>
    %eq3A_1864 = arith.constant 5 : i32
    %eq3A_1865 = vector.broadcast %eq3A_1864 : i32 to vector<16xi32>
    %eq3A_1866 = arith.cmpi eq, %iota3A, %eq3A_1865 : vector<16xi32>
    %select_n3A_1867 = arith.select %eq3A_1866, %all_reduce_ffs3A_1848, %select_n3A_1833 : vector<16xi1>, vector<16xi32>
    %broadcast_in_dim3A_1868 = vector.broadcast %reduce_sum3A_1862 : i32 to vector<16xi32>
    %select_n3A_1869 = arith.select %eq3A_1866, %broadcast_in_dim3A_1868, %select_n3A_1835 : vector<16xi1>, vector<16xi32>
    %broadcast_in_dim3A_1870 = vector.broadcast %reduce_sum3A_1855 : f32 to vector<16xf32>
    %select_n3A_1871 = arith.select %eq3A_1866, %broadcast_in_dim3A_1870, %select_n3A_1837 : vector<16xi1>, vector<16xf32>
    %get3A_1872 = arith.constant 54 : i32
    %get3A_1873 = arith.index_cast %get3A_1872 : i32 to index
    %get3A_1874 = arith.constant 0 : index
    %get3A_1875 = tpu.vector_load %arg7[%get3A_1873, %get3A_1874] {strides = array<i32>} : memref<64x16xf32, #tpu.memory_space<vmem>>, vector<16xf32>,
    %reduce_max3A_1876 = arith.constant true
    %reduce_max3A_1877 = vector.broadcast %reduce_max3A_1876 : i1 to vector<16xi1>
    %reduce_max3A_1878 = tpu.scan <max>, %get3A_1875 masked %reduce_max3A_1877 : vector<16xf32>, vector<16xi1> -> vector<16xf32>
    %reduce_max3A_1879 = vector.extract %reduce_max3A_1878[15] : f32 from vector<16xf32>
    %eq3A_1880 = vector.broadcast %reduce_max3A_1879 : f32 to vector<16xf32>
    %eq3A_1881 = arith.cmpf oeq, %get3A_1875, %eq3A_1880 : vector<16xf32>
    %all_reduce_ffs3A_1882 = tpu.all_reduce %eq3A_1881 {dim = 0 : i64, kind = #tpu.reduction_kind<find_first_set>} : vector<16xi1> -> vector<16xi32>
    %sub3A_1883 = vector.broadcast %reduce_max3A_1879 : f32 to vector<16xf32>
    %sub3A_1884 = arith.subf %get3A_1875, %sub3A_1883 : vector<16xf32>
    %exp3A_1885 = math.exp %sub3A_1884 : vector<16xf32>
    %reduce_sum3A_1886 = arith.constant true
    %reduce_sum3A_1887 = vector.broadcast %reduce_sum3A_1886 : i1 to vector<16xi1>
    %reduce_sum3A_1888 = tpu.scan <sum>, %exp3A_1885 masked %reduce_sum3A_1887 : vector<16xf32>, vector<16xi1> -> vector<16xf32>
    %reduce_sum3A_1889 = vector.extract %reduce_sum3A_1888[15] : f32 from vector<16xf32>
    %eq3A_1890 = arith.cmpi eq, %iota3A, %all_reduce_ffs3A_1882 : vector<16xi32>
    %convert_element_type3A_1891 = arith.extui %eq3A_1890 : vector<16xi1> to vector<16xi32>
    %mul3A_1892 = arith.muli %add3A_1863, %convert_element_type3A_1891 : vector<16xi32>
    %reduce_sum3A_1893 = arith.constant true
    %reduce_sum3A_1894 = vector.broadcast %reduce_sum3A_1893 : i1 to vector<16xi1>
    %reduce_sum3A_1895 = tpu.scan <sum>, %mul3A_1892 masked %reduce_sum3A_1894 : vector<16xi32>, vector<16xi1> -> vector<16xi32>
    %reduce_sum3A_1896 = vector.extract %reduce_sum3A_1895[15] : i32 from vector<16xi32>
    %add3A_1897 = arith.addi %add3A_1863, %convert_element_type3A_1891 : vector<16xi32>
    %eq3A_1898 = arith.constant 6 : i32
    %eq3A_1899 = vector.broadcast %eq3A_1898 : i32 to vector<16xi32>
    %eq3A_1900 = arith.cmpi eq, %iota3A, %eq3A_1899 : vector<16xi32>
    %select_n3A_1901 = arith.select %eq3A_1900, %all_reduce_ffs3A_1882, %select_n3A_1867 : vector<16xi1>, vector<16xi32>
    %broadcast_in_dim3A_1902 = vector.broadcast %reduce_sum3A_1896 : i32 to vector<16xi32>
    %select_n3A_1903 = arith.select %eq3A_1900, %broadcast_in_dim3A_1902, %select_n3A_1869 : vector<16xi1>, vector<16xi32>
    %broadcast_in_dim3A_1904 = vector.broadcast %reduce_sum3A_1889 : f32 to vector<16xf32>
    %select_n3A_1905 = arith.select %eq3A_1900, %broadcast_in_dim3A_1904, %select_n3A_1871 : vector<16xi1>, vector<16xf32>
    %get3A_1906 = arith.constant 55 : i32
    %get3A_1907 = arith.index_cast %get3A_1906 : i32 to index
    %get3A_1908 = arith.constant 0 : index
    %get3A_1909 = tpu.vector_load %arg7[%get3A_1907, %get3A_1908] {strides = array<i32>} : memref<64x16xf32, #tpu.memory_space<vmem>>, vector<16xf32>,
    %reduce_max3A_1910 = arith.constant true
    %reduce_max3A_1911 = vector.broadcast %reduce_max3A_1910 : i1 to vector<16xi1>
    %reduce_max3A_1912 = tpu.scan <max>, %get3A_1909 masked %reduce_max3A_1911 : vector<16xf32>, vector<16xi1> -> vector<16xf32>
    %reduce_max3A_1913 = vector.extract %reduce_max3A_1912[15] : f32 from vector<16xf32>
    %eq3A_1914 = vector.broadcast %reduce_max3A_1913 : f32 to vector<16xf32>
    %eq3A_1915 = arith.cmpf oeq, %get3A_1909, %eq3A_1914 : vector<16xf32>
    %all_reduce_ffs3A_1916 = tpu.all_reduce %eq3A_1915 {dim = 0 : i64, kind = #tpu.reduction_kind<find_first_set>} : vector<16xi1> -> vector<16xi32>
    %sub3A_1917 = vector.broadcast %reduce_max3A_1913 : f32 to vector<16xf32>
    %sub3A_1918 = arith.subf %get3A_1909, %sub3A_1917 : vector<16xf32>
    %exp3A_1919 = math.exp %sub3A_1918 : vector<16xf32>
    %reduce_sum3A_1920 = arith.constant true
    %reduce_sum3A_1921 = vector.broadcast %reduce_sum3A_1920 : i1 to vector<16xi1>
    %reduce_sum3A_1922 = tpu.scan <sum>, %exp3A_1919 masked %reduce_sum3A_1921 : vector<16xf32>, vector<16xi1> -> vector<16xf32>
    %reduce_sum3A_1923 = vector.extract %reduce_sum3A_1922[15] : f32 from vector<16xf32>
    %eq3A_1924 = arith.cmpi eq, %iota3A, %all_reduce_ffs3A_1916 : vector<16xi32>
    %convert_element_type3A_1925 = arith.extui %eq3A_1924 : vector<16xi1> to vector<16xi32>
    %mul3A_1926 = arith.muli %add3A_1897, %convert_element_type3A_1925 : vector<16xi32>
    %reduce_sum3A_1927 = arith.constant true
    %reduce_sum3A_1928 = vector.broadcast %reduce_sum3A_1927 : i1 to vector<16xi1>
    %reduce_sum3A_1929 = tpu.scan <sum>, %mul3A_1926 masked %reduce_sum3A_1928 : vector<16xi32>, vector<16xi1> -> vector<16xi32>
    %reduce_sum3A_1930 = vector.extract %reduce_sum3A_1929[15] : i32 from vector<16xi32>
    %add3A_1931 = arith.addi %add3A_1897, %convert_element_type3A_1925 : vector<16xi32>
    %eq3A_1932 = arith.constant 7 : i32
    %eq3A_1933 = vector.broadcast %eq3A_1932 : i32 to vector<16xi32>
    %eq3A_1934 = arith.cmpi eq, %iota3A, %eq3A_1933 : vector<16xi32>
    %select_n3A_1935 = arith.select %eq3A_1934, %all_reduce_ffs3A_1916, %select_n3A_1901 : vector<16xi1>, vector<16xi32>
    %broadcast_in_dim3A_1936 = vector.broadcast %reduce_sum3A_1930 : i32 to vector<16xi32>
    %select_n3A_1937 = arith.select %eq3A_1934, %broadcast_in_dim3A_1936, %select_n3A_1903 : vector<16xi1>, vector<16xi32>
    %broadcast_in_dim3A_1938 = vector.broadcast %reduce_sum3A_1923 : f32 to vector<16xf32>
    %select_n3A_1939 = arith.select %eq3A_1934, %broadcast_in_dim3A_1938, %select_n3A_1905 : vector<16xi1>, vector<16xf32>
    %get3A_1940 = arith.constant 56 : i32
    %get3A_1941 = arith.index_cast %get3A_1940 : i32 to index
    %get3A_1942 = arith.constant 0 : index
    %get3A_1943 = tpu.vector_load %arg7[%get3A_1941, %get3A_1942] {strides = array<i32>} : memref<64x16xf32, #tpu.memory_space<vmem>>, vector<16xf32>,
    %reduce_max3A_1944 = arith.constant true
    %reduce_max3A_1945 = vector.broadcast %reduce_max3A_1944 : i1 to vector<16xi1>
    %reduce_max3A_1946 = tpu.scan <max>, %get3A_1943 masked %reduce_max3A_1945 : vector<16xf32>, vector<16xi1> -> vector<16xf32>
    %reduce_max3A_1947 = vector.extract %reduce_max3A_1946[15] : f32 from vector<16xf32>
    %eq3A_1948 = vector.broadcast %reduce_max3A_1947 : f32 to vector<16xf32>
    %eq3A_1949 = arith.cmpf oeq, %get3A_1943, %eq3A_1948 : vector<16xf32>
    %all_reduce_ffs3A_1950 = tpu.all_reduce %eq3A_1949 {dim = 0 : i64, kind = #tpu.reduction_kind<find_first_set>} : vector<16xi1> -> vector<16xi32>
    %sub3A_1951 = vector.broadcast %reduce_max3A_1947 : f32 to vector<16xf32>
    %sub3A_1952 = arith.subf %get3A_1943, %sub3A_1951 : vector<16xf32>
    %exp3A_1953 = math.exp %sub3A_1952 : vector<16xf32>
    %reduce_sum3A_1954 = arith.constant true
    %reduce_sum3A_1955 = vector.broadcast %reduce_sum3A_1954 : i1 to vector<16xi1>
    %reduce_sum3A_1956 = tpu.scan <sum>, %exp3A_1953 masked %reduce_sum3A_1955 : vector<16xf32>, vector<16xi1> -> vector<16xf32>
    %reduce_sum3A_1957 = vector.extract %reduce_sum3A_1956[15] : f32 from vector<16xf32>
    %eq3A_1958 = arith.cmpi eq, %iota3A, %all_reduce_ffs3A_1950 : vector<16xi32>
    %convert_element_type3A_1959 = arith.extui %eq3A_1958 : vector<16xi1> to vector<16xi32>
    %mul3A_1960 = arith.muli %add3A_1931, %convert_element_type3A_1959 : vector<16xi32>
    %reduce_sum3A_1961 = arith.constant true
    %reduce_sum3A_1962 = vector.broadcast %reduce_sum3A_1961 : i1 to vector<16xi1>
    %reduce_sum3A_1963 = tpu.scan <sum>, %mul3A_1960 masked %reduce_sum3A_1962 : vector<16xi32>, vector<16xi1> -> vector<16xi32>
    %reduce_sum3A_1964 = vector.extract %reduce_sum3A_1963[15] : i32 from vector<16xi32>
    %add3A_1965 = arith.addi %add3A_1931, %convert_element_type3A_1959 : vector<16xi32>
    %eq3A_1966 = arith.constant 8 : i32
    %eq3A_1967 = vector.broadcast %eq3A_1966 : i32 to vector<16xi32>
    %eq3A_1968 = arith.cmpi eq, %iota3A, %eq3A_1967 : vector<16xi32>
    %select_n3A_1969 = arith.select %eq3A_1968, %all_reduce_ffs3A_1950, %select_n3A_1935 : vector<16xi1>, vector<16xi32>
    %broadcast_in_dim3A_1970 = vector.broadcast %reduce_sum3A_1964 : i32 to vector<16xi32>
    %select_n3A_1971 = arith.select %eq3A_1968, %broadcast_in_dim3A_1970, %select_n3A_1937 : vector<16xi1>, vector<16xi32>
    %broadcast_in_dim3A_1972 = vector.broadcast %reduce_sum3A_1957 : f32 to vector<16xf32>
    %select_n3A_1973 = arith.select %eq3A_1968, %broadcast_in_dim3A_1972, %select_n3A_1939 : vector<16xi1>, vector<16xf32>
    %get3A_1974 = arith.constant 57 : i32
    %get3A_1975 = arith.index_cast %get3A_1974 : i32 to index
    %get3A_1976 = arith.constant 0 : index
    %get3A_1977 = tpu.vector_load %arg7[%get3A_1975, %get3A_1976] {strides = array<i32>} : memref<64x16xf32, #tpu.memory_space<vmem>>, vector<16xf32>,
    %reduce_max3A_1978 = arith.constant true
    %reduce_max3A_1979 = vector.broadcast %reduce_max3A_1978 : i1 to vector<16xi1>
    %reduce_max3A_1980 = tpu.scan <max>, %get3A_1977 masked %reduce_max3A_1979 : vector<16xf32>, vector<16xi1> -> vector<16xf32>
    %reduce_max3A_1981 = vector.extract %reduce_max3A_1980[15] : f32 from vector<16xf32>
    %eq3A_1982 = vector.broadcast %reduce_max3A_1981 : f32 to vector<16xf32>
    %eq3A_1983 = arith.cmpf oeq, %get3A_1977, %eq3A_1982 : vector<16xf32>
    %all_reduce_ffs3A_1984 = tpu.all_reduce %eq3A_1983 {dim = 0 : i64, kind = #tpu.reduction_kind<find_first_set>} : vector<16xi1> -> vector<16xi32>
    %sub3A_1985 = vector.broadcast %reduce_max3A_1981 : f32 to vector<16xf32>
    %sub3A_1986 = arith.subf %get3A_1977, %sub3A_1985 : vector<16xf32>
    %exp3A_1987 = math.exp %sub3A_1986 : vector<16xf32>
    %reduce_sum3A_1988 = arith.constant true
    %reduce_sum3A_1989 = vector.broadcast %reduce_sum3A_1988 : i1 to vector<16xi1>
    %reduce_sum3A_1990 = tpu.scan <sum>, %exp3A_1987 masked %reduce_sum3A_1989 : vector<16xf32>, vector<16xi1> -> vector<16xf32>
    %reduce_sum3A_1991 = vector.extract %reduce_sum3A_1990[15] : f32 from vector<16xf32>
    %eq3A_1992 = arith.cmpi eq, %iota3A, %all_reduce_ffs3A_1984 : vector<16xi32>
    %convert_element_type3A_1993 = arith.extui %eq3A_1992 : vector<16xi1> to vector<16xi32>
    %mul3A_1994 = arith.muli %add3A_1965, %convert_element_type3A_1993 : vector<16xi32>
    %reduce_sum3A_1995 = arith.constant true
    %reduce_sum3A_1996 = vector.broadcast %reduce_sum3A_1995 : i1 to vector<16xi1>
    %reduce_sum3A_1997 = tpu.scan <sum>, %mul3A_1994 masked %reduce_sum3A_1996 : vector<16xi32>, vector<16xi1> -> vector<16xi32>
    %reduce_sum3A_1998 = vector.extract %reduce_sum3A_1997[15] : i32 from vector<16xi32>
    %add3A_1999 = arith.addi %add3A_1965, %convert_element_type3A_1993 : vector<16xi32>
    %eq3A_2000 = arith.constant 9 : i32
    %eq3A_2001 = vector.broadcast %eq3A_2000 : i32 to vector<16xi32>
    %eq3A_2002 = arith.cmpi eq, %iota3A, %eq3A_2001 : vector<16xi32>
    %select_n3A_2003 = arith.select %eq3A_2002, %all_reduce_ffs3A_1984, %select_n3A_1969 : vector<16xi1>, vector<16xi32>
    %broadcast_in_dim3A_2004 = vector.broadcast %reduce_sum3A_1998 : i32 to vector<16xi32>
    %select_n3A_2005 = arith.select %eq3A_2002, %broadcast_in_dim3A_2004, %select_n3A_1971 : vector<16xi1>, vector<16xi32>
    %broadcast_in_dim3A_2006 = vector.broadcast %reduce_sum3A_1991 : f32 to vector<16xf32>
    %select_n3A_2007 = arith.select %eq3A_2002, %broadcast_in_dim3A_2006, %select_n3A_1973 : vector<16xi1>, vector<16xf32>
    %get3A_2008 = arith.constant 58 : i32
    %get3A_2009 = arith.index_cast %get3A_2008 : i32 to index
    %get3A_2010 = arith.constant 0 : index
    %get3A_2011 = tpu.vector_load %arg7[%get3A_2009, %get3A_2010] {strides = array<i32>} : memref<64x16xf32, #tpu.memory_space<vmem>>, vector<16xf32>,
    %reduce_max3A_2012 = arith.constant true
    %reduce_max3A_2013 = vector.broadcast %reduce_max3A_2012 : i1 to vector<16xi1>
    %reduce_max3A_2014 = tpu.scan <max>, %get3A_2011 masked %reduce_max3A_2013 : vector<16xf32>, vector<16xi1> -> vector<16xf32>
    %reduce_max3A_2015 = vector.extract %reduce_max3A_2014[15] : f32 from vector<16xf32>
    %eq3A_2016 = vector.broadcast %reduce_max3A_2015 : f32 to vector<16xf32>
    %eq3A_2017 = arith.cmpf oeq, %get3A_2011, %eq3A_2016 : vector<16xf32>
    %all_reduce_ffs3A_2018 = tpu.all_reduce %eq3A_2017 {dim = 0 : i64, kind = #tpu.reduction_kind<find_first_set>} : vector<16xi1> -> vector<16xi32>
    %sub3A_2019 = vector.broadcast %reduce_max3A_2015 : f32 to vector<16xf32>
    %sub3A_2020 = arith.subf %get3A_2011, %sub3A_2019 : vector<16xf32>
    %exp3A_2021 = math.exp %sub3A_2020 : vector<16xf32>
    %reduce_sum3A_2022 = arith.constant true
    %reduce_sum3A_2023 = vector.broadcast %reduce_sum3A_2022 : i1 to vector<16xi1>
    %reduce_sum3A_2024 = tpu.scan <sum>, %exp3A_2021 masked %reduce_sum3A_2023 : vector<16xf32>, vector<16xi1> -> vector<16xf32>
    %reduce_sum3A_2025 = vector.extract %reduce_sum3A_2024[15] : f32 from vector<16xf32>
    %eq3A_2026 = arith.cmpi eq, %iota3A, %all_reduce_ffs3A_2018 : vector<16xi32>
    %convert_element_type3A_2027 = arith.extui %eq3A_2026 : vector<16xi1> to vector<16xi32>
    %mul3A_2028 = arith.muli %add3A_1999, %convert_element_type3A_2027 : vector<16xi32>
    %reduce_sum3A_2029 = arith.constant true
    %reduce_sum3A_2030 = vector.broadcast %reduce_sum3A_2029 : i1 to vector<16xi1>
    %reduce_sum3A_2031 = tpu.scan <sum>, %mul3A_2028 masked %reduce_sum3A_2030 : vector<16xi32>, vector<16xi1> -> vector<16xi32>
    %reduce_sum3A_2032 = vector.extract %reduce_sum3A_2031[15] : i32 from vector<16xi32>
    %add3A_2033 = arith.addi %add3A_1999, %convert_element_type3A_2027 : vector<16xi32>
    %eq3A_2034 = arith.constant 10 : i32
    %eq3A_2035 = vector.broadcast %eq3A_2034 : i32 to vector<16xi32>
    %eq3A_2036 = arith.cmpi eq, %iota3A, %eq3A_2035 : vector<16xi32>
    %select_n3A_2037 = arith.select %eq3A_2036, %all_reduce_ffs3A_2018, %select_n3A_2003 : vector<16xi1>, vector<16xi32>
    %broadcast_in_dim3A_2038 = vector.broadcast %reduce_sum3A_2032 : i32 to vector<16xi32>
    %select_n3A_2039 = arith.select %eq3A_2036, %broadcast_in_dim3A_2038, %select_n3A_2005 : vector<16xi1>, vector<16xi32>
    %broadcast_in_dim3A_2040 = vector.broadcast %reduce_sum3A_2025 : f32 to vector<16xf32>
    %select_n3A_2041 = arith.select %eq3A_2036, %broadcast_in_dim3A_2040, %select_n3A_2007 : vector<16xi1>, vector<16xf32>
    %get3A_2042 = arith.constant 59 : i32
    %get3A_2043 = arith.index_cast %get3A_2042 : i32 to index
    %get3A_2044 = arith.constant 0 : index
    %get3A_2045 = tpu.vector_load %arg7[%get3A_2043, %get3A_2044] {strides = array<i32>} : memref<64x16xf32, #tpu.memory_space<vmem>>, vector<16xf32>,
    %reduce_max3A_2046 = arith.constant true
    %reduce_max3A_2047 = vector.broadcast %reduce_max3A_2046 : i1 to vector<16xi1>
    %reduce_max3A_2048 = tpu.scan <max>, %get3A_2045 masked %reduce_max3A_2047 : vector<16xf32>, vector<16xi1> -> vector<16xf32>
    %reduce_max3A_2049 = vector.extract %reduce_max3A_2048[15] : f32 from vector<16xf32>
    %eq3A_2050 = vector.broadcast %reduce_max3A_2049 : f32 to vector<16xf32>
    %eq3A_2051 = arith.cmpf oeq, %get3A_2045, %eq3A_2050 : vector<16xf32>
    %all_reduce_ffs3A_2052 = tpu.all_reduce %eq3A_2051 {dim = 0 : i64, kind = #tpu.reduction_kind<find_first_set>} : vector<16xi1> -> vector<16xi32>
    %sub3A_2053 = vector.broadcast %reduce_max3A_2049 : f32 to vector<16xf32>
    %sub3A_2054 = arith.subf %get3A_2045, %sub3A_2053 : vector<16xf32>
    %exp3A_2055 = math.exp %sub3A_2054 : vector<16xf32>
    %reduce_sum3A_2056 = arith.constant true
    %reduce_sum3A_2057 = vector.broadcast %reduce_sum3A_2056 : i1 to vector<16xi1>
    %reduce_sum3A_2058 = tpu.scan <sum>, %exp3A_2055 masked %reduce_sum3A_2057 : vector<16xf32>, vector<16xi1> -> vector<16xf32>
    %reduce_sum3A_2059 = vector.extract %reduce_sum3A_2058[15] : f32 from vector<16xf32>
    %eq3A_2060 = arith.cmpi eq, %iota3A, %all_reduce_ffs3A_2052 : vector<16xi32>
    %convert_element_type3A_2061 = arith.extui %eq3A_2060 : vector<16xi1> to vector<16xi32>
    %mul3A_2062 = arith.muli %add3A_2033, %convert_element_type3A_2061 : vector<16xi32>
    %reduce_sum3A_2063 = arith.constant true
    %reduce_sum3A_2064 = vector.broadcast %reduce_sum3A_2063 : i1 to vector<16xi1>
    %reduce_sum3A_2065 = tpu.scan <sum>, %mul3A_2062 masked %reduce_sum3A_2064 : vector<16xi32>, vector<16xi1> -> vector<16xi32>
    %reduce_sum3A_2066 = vector.extract %reduce_sum3A_2065[15] : i32 from vector<16xi32>
    %add3A_2067 = arith.addi %add3A_2033, %convert_element_type3A_2061 : vector<16xi32>
    %eq3A_2068 = arith.constant 11 : i32
    %eq3A_2069 = vector.broadcast %eq3A_2068 : i32 to vector<16xi32>
    %eq3A_2070 = arith.cmpi eq, %iota3A, %eq3A_2069 : vector<16xi32>
    %select_n3A_2071 = arith.select %eq3A_2070, %all_reduce_ffs3A_2052, %select_n3A_2037 : vector<16xi1>, vector<16xi32>
    %broadcast_in_dim3A_2072 = vector.broadcast %reduce_sum3A_2066 : i32 to vector<16xi32>
    %select_n3A_2073 = arith.select %eq3A_2070, %broadcast_in_dim3A_2072, %select_n3A_2039 : vector<16xi1>, vector<16xi32>
    %broadcast_in_dim3A_2074 = vector.broadcast %reduce_sum3A_2059 : f32 to vector<16xf32>
    %select_n3A_2075 = arith.select %eq3A_2070, %broadcast_in_dim3A_2074, %select_n3A_2041 : vector<16xi1>, vector<16xf32>
    %get3A_2076 = arith.constant 60 : i32
    %get3A_2077 = arith.index_cast %get3A_2076 : i32 to index
    %get3A_2078 = arith.constant 0 : index
    %get3A_2079 = tpu.vector_load %arg7[%get3A_2077, %get3A_2078] {strides = array<i32>} : memref<64x16xf32, #tpu.memory_space<vmem>>, vector<16xf32>,
    %reduce_max3A_2080 = arith.constant true
    %reduce_max3A_2081 = vector.broadcast %reduce_max3A_2080 : i1 to vector<16xi1>
    %reduce_max3A_2082 = tpu.scan <max>, %get3A_2079 masked %reduce_max3A_2081 : vector<16xf32>, vector<16xi1> -> vector<16xf32>
    %reduce_max3A_2083 = vector.extract %reduce_max3A_2082[15] : f32 from vector<16xf32>
    %eq3A_2084 = vector.broadcast %reduce_max3A_2083 : f32 to vector<16xf32>
    %eq3A_2085 = arith.cmpf oeq, %get3A_2079, %eq3A_2084 : vector<16xf32>
    %all_reduce_ffs3A_2086 = tpu.all_reduce %eq3A_2085 {dim = 0 : i64, kind = #tpu.reduction_kind<find_first_set>} : vector<16xi1> -> vector<16xi32>
    %sub3A_2087 = vector.broadcast %reduce_max3A_2083 : f32 to vector<16xf32>
    %sub3A_2088 = arith.subf %get3A_2079, %sub3A_2087 : vector<16xf32>
    %exp3A_2089 = math.exp %sub3A_2088 : vector<16xf32>
    %reduce_sum3A_2090 = arith.constant true
    %reduce_sum3A_2091 = vector.broadcast %reduce_sum3A_2090 : i1 to vector<16xi1>
    %reduce_sum3A_2092 = tpu.scan <sum>, %exp3A_2089 masked %reduce_sum3A_2091 : vector<16xf32>, vector<16xi1> -> vector<16xf32>
    %reduce_sum3A_2093 = vector.extract %reduce_sum3A_2092[15] : f32 from vector<16xf32>
    %eq3A_2094 = arith.cmpi eq, %iota3A, %all_reduce_ffs3A_2086 : vector<16xi32>
    %convert_element_type3A_2095 = arith.extui %eq3A_2094 : vector<16xi1> to vector<16xi32>
    %mul3A_2096 = arith.muli %add3A_2067, %convert_element_type3A_2095 : vector<16xi32>
    %reduce_sum3A_2097 = arith.constant true
    %reduce_sum3A_2098 = vector.broadcast %reduce_sum3A_2097 : i1 to vector<16xi1>
    %reduce_sum3A_2099 = tpu.scan <sum>, %mul3A_2096 masked %reduce_sum3A_2098 : vector<16xi32>, vector<16xi1> -> vector<16xi32>
    %reduce_sum3A_2100 = vector.extract %reduce_sum3A_2099[15] : i32 from vector<16xi32>
    %add3A_2101 = arith.addi %add3A_2067, %convert_element_type3A_2095 : vector<16xi32>
    %eq3A_2102 = arith.constant 12 : i32
    %eq3A_2103 = vector.broadcast %eq3A_2102 : i32 to vector<16xi32>
    %eq3A_2104 = arith.cmpi eq, %iota3A, %eq3A_2103 : vector<16xi32>
    %select_n3A_2105 = arith.select %eq3A_2104, %all_reduce_ffs3A_2086, %select_n3A_2071 : vector<16xi1>, vector<16xi32>
    %broadcast_in_dim3A_2106 = vector.broadcast %reduce_sum3A_2100 : i32 to vector<16xi32>
    %select_n3A_2107 = arith.select %eq3A_2104, %broadcast_in_dim3A_2106, %select_n3A_2073 : vector<16xi1>, vector<16xi32>
    %broadcast_in_dim3A_2108 = vector.broadcast %reduce_sum3A_2093 : f32 to vector<16xf32>
    %select_n3A_2109 = arith.select %eq3A_2104, %broadcast_in_dim3A_2108, %select_n3A_2075 : vector<16xi1>, vector<16xf32>
    %get3A_2110 = arith.constant 61 : i32
    %get3A_2111 = arith.index_cast %get3A_2110 : i32 to index
    %get3A_2112 = arith.constant 0 : index
    %get3A_2113 = tpu.vector_load %arg7[%get3A_2111, %get3A_2112] {strides = array<i32>} : memref<64x16xf32, #tpu.memory_space<vmem>>, vector<16xf32>,
    %reduce_max3A_2114 = arith.constant true
    %reduce_max3A_2115 = vector.broadcast %reduce_max3A_2114 : i1 to vector<16xi1>
    %reduce_max3A_2116 = tpu.scan <max>, %get3A_2113 masked %reduce_max3A_2115 : vector<16xf32>, vector<16xi1> -> vector<16xf32>
    %reduce_max3A_2117 = vector.extract %reduce_max3A_2116[15] : f32 from vector<16xf32>
    %eq3A_2118 = vector.broadcast %reduce_max3A_2117 : f32 to vector<16xf32>
    %eq3A_2119 = arith.cmpf oeq, %get3A_2113, %eq3A_2118 : vector<16xf32>
    %all_reduce_ffs3A_2120 = tpu.all_reduce %eq3A_2119 {dim = 0 : i64, kind = #tpu.reduction_kind<find_first_set>} : vector<16xi1> -> vector<16xi32>
    %sub3A_2121 = vector.broadcast %reduce_max3A_2117 : f32 to vector<16xf32>
    %sub3A_2122 = arith.subf %get3A_2113, %sub3A_2121 : vector<16xf32>
    %exp3A_2123 = math.exp %sub3A_2122 : vector<16xf32>
    %reduce_sum3A_2124 = arith.constant true
    %reduce_sum3A_2125 = vector.broadcast %reduce_sum3A_2124 : i1 to vector<16xi1>
    %reduce_sum3A_2126 = tpu.scan <sum>, %exp3A_2123 masked %reduce_sum3A_2125 : vector<16xf32>, vector<16xi1> -> vector<16xf32>
    %reduce_sum3A_2127 = vector.extract %reduce_sum3A_2126[15] : f32 from vector<16xf32>
    %eq3A_2128 = arith.cmpi eq, %iota3A, %all_reduce_ffs3A_2120 : vector<16xi32>
    %convert_element_type3A_2129 = arith.extui %eq3A_2128 : vector<16xi1> to vector<16xi32>
    %mul3A_2130 = arith.muli %add3A_2101, %convert_element_type3A_2129 : vector<16xi32>
    %reduce_sum3A_2131 = arith.constant true
    %reduce_sum3A_2132 = vector.broadcast %reduce_sum3A_2131 : i1 to vector<16xi1>
    %reduce_sum3A_2133 = tpu.scan <sum>, %mul3A_2130 masked %reduce_sum3A_2132 : vector<16xi32>, vector<16xi1> -> vector<16xi32>
    %reduce_sum3A_2134 = vector.extract %reduce_sum3A_2133[15] : i32 from vector<16xi32>
    %add3A_2135 = arith.addi %add3A_2101, %convert_element_type3A_2129 : vector<16xi32>
    %eq3A_2136 = arith.constant 13 : i32
    %eq3A_2137 = vector.broadcast %eq3A_2136 : i32 to vector<16xi32>
    %eq3A_2138 = arith.cmpi eq, %iota3A, %eq3A_2137 : vector<16xi32>
    %select_n3A_2139 = arith.select %eq3A_2138, %all_reduce_ffs3A_2120, %select_n3A_2105 : vector<16xi1>, vector<16xi32>
    %broadcast_in_dim3A_2140 = vector.broadcast %reduce_sum3A_2134 : i32 to vector<16xi32>
    %select_n3A_2141 = arith.select %eq3A_2138, %broadcast_in_dim3A_2140, %select_n3A_2107 : vector<16xi1>, vector<16xi32>
    %broadcast_in_dim3A_2142 = vector.broadcast %reduce_sum3A_2127 : f32 to vector<16xf32>
    %select_n3A_2143 = arith.select %eq3A_2138, %broadcast_in_dim3A_2142, %select_n3A_2109 : vector<16xi1>, vector<16xf32>
    %get3A_2144 = arith.constant 62 : i32
    %get3A_2145 = arith.index_cast %get3A_2144 : i32 to index
    %get3A_2146 = arith.constant 0 : index
    %get3A_2147 = tpu.vector_load %arg7[%get3A_2145, %get3A_2146] {strides = array<i32>} : memref<64x16xf32, #tpu.memory_space<vmem>>, vector<16xf32>,
    %reduce_max3A_2148 = arith.constant true
    %reduce_max3A_2149 = vector.broadcast %reduce_max3A_2148 : i1 to vector<16xi1>
    %reduce_max3A_2150 = tpu.scan <max>, %get3A_2147 masked %reduce_max3A_2149 : vector<16xf32>, vector<16xi1> -> vector<16xf32>
    %reduce_max3A_2151 = vector.extract %reduce_max3A_2150[15] : f32 from vector<16xf32>
    %eq3A_2152 = vector.broadcast %reduce_max3A_2151 : f32 to vector<16xf32>
    %eq3A_2153 = arith.cmpf oeq, %get3A_2147, %eq3A_2152 : vector<16xf32>
    %all_reduce_ffs3A_2154 = tpu.all_reduce %eq3A_2153 {dim = 0 : i64, kind = #tpu.reduction_kind<find_first_set>} : vector<16xi1> -> vector<16xi32>
    %sub3A_2155 = vector.broadcast %reduce_max3A_2151 : f32 to vector<16xf32>
    %sub3A_2156 = arith.subf %get3A_2147, %sub3A_2155 : vector<16xf32>
    %exp3A_2157 = math.exp %sub3A_2156 : vector<16xf32>
    %reduce_sum3A_2158 = arith.constant true
    %reduce_sum3A_2159 = vector.broadcast %reduce_sum3A_2158 : i1 to vector<16xi1>
    %reduce_sum3A_2160 = tpu.scan <sum>, %exp3A_2157 masked %reduce_sum3A_2159 : vector<16xf32>, vector<16xi1> -> vector<16xf32>
    %reduce_sum3A_2161 = vector.extract %reduce_sum3A_2160[15] : f32 from vector<16xf32>
    %eq3A_2162 = arith.cmpi eq, %iota3A, %all_reduce_ffs3A_2154 : vector<16xi32>
    %convert_element_type3A_2163 = arith.extui %eq3A_2162 : vector<16xi1> to vector<16xi32>
    %mul3A_2164 = arith.muli %add3A_2135, %convert_element_type3A_2163 : vector<16xi32>
    %reduce_sum3A_2165 = arith.constant true
    %reduce_sum3A_2166 = vector.broadcast %reduce_sum3A_2165 : i1 to vector<16xi1>
    %reduce_sum3A_2167 = tpu.scan <sum>, %mul3A_2164 masked %reduce_sum3A_2166 : vector<16xi32>, vector<16xi1> -> vector<16xi32>
    %reduce_sum3A_2168 = vector.extract %reduce_sum3A_2167[15] : i32 from vector<16xi32>
    %add3A_2169 = arith.addi %add3A_2135, %convert_element_type3A_2163 : vector<16xi32>
    %eq3A_2170 = arith.constant 14 : i32
    %eq3A_2171 = vector.broadcast %eq3A_2170 : i32 to vector<16xi32>
    %eq3A_2172 = arith.cmpi eq, %iota3A, %eq3A_2171 : vector<16xi32>
    %select_n3A_2173 = arith.select %eq3A_2172, %all_reduce_ffs3A_2154, %select_n3A_2139 : vector<16xi1>, vector<16xi32>
    %broadcast_in_dim3A_2174 = vector.broadcast %reduce_sum3A_2168 : i32 to vector<16xi32>
    %select_n3A_2175 = arith.select %eq3A_2172, %broadcast_in_dim3A_2174, %select_n3A_2141 : vector<16xi1>, vector<16xi32>
    %broadcast_in_dim3A_2176 = vector.broadcast %reduce_sum3A_2161 : f32 to vector<16xf32>
    %select_n3A_2177 = arith.select %eq3A_2172, %broadcast_in_dim3A_2176, %select_n3A_2143 : vector<16xi1>, vector<16xf32>
    %get3A_2178 = arith.constant 63 : i32
    %get3A_2179 = arith.index_cast %get3A_2178 : i32 to index
    %get3A_2180 = arith.constant 0 : index
    %get3A_2181 = tpu.vector_load %arg7[%get3A_2179, %get3A_2180] {strides = array<i32>} : memref<64x16xf32, #tpu.memory_space<vmem>>, vector<16xf32>,
    %reduce_max3A_2182 = arith.constant true
    %reduce_max3A_2183 = vector.broadcast %reduce_max3A_2182 : i1 to vector<16xi1>
    %reduce_max3A_2184 = tpu.scan <max>, %get3A_2181 masked %reduce_max3A_2183 : vector<16xf32>, vector<16xi1> -> vector<16xf32>
    %reduce_max3A_2185 = vector.extract %reduce_max3A_2184[15] : f32 from vector<16xf32>
    %eq3A_2186 = vector.broadcast %reduce_max3A_2185 : f32 to vector<16xf32>
    %eq3A_2187 = arith.cmpf oeq, %get3A_2181, %eq3A_2186 : vector<16xf32>
    %all_reduce_ffs3A_2188 = tpu.all_reduce %eq3A_2187 {dim = 0 : i64, kind = #tpu.reduction_kind<find_first_set>} : vector<16xi1> -> vector<16xi32>
    %sub3A_2189 = vector.broadcast %reduce_max3A_2185 : f32 to vector<16xf32>
    %sub3A_2190 = arith.subf %get3A_2181, %sub3A_2189 : vector<16xf32>
    %exp3A_2191 = math.exp %sub3A_2190 : vector<16xf32>
    %reduce_sum3A_2192 = arith.constant true
    %reduce_sum3A_2193 = vector.broadcast %reduce_sum3A_2192 : i1 to vector<16xi1>
    %reduce_sum3A_2194 = tpu.scan <sum>, %exp3A_2191 masked %reduce_sum3A_2193 : vector<16xf32>, vector<16xi1> -> vector<16xf32>
    %reduce_sum3A_2195 = vector.extract %reduce_sum3A_2194[15] : f32 from vector<16xf32>
    %eq3A_2196 = arith.cmpi eq, %iota3A, %all_reduce_ffs3A_2188 : vector<16xi32>
    %convert_element_type3A_2197 = arith.extui %eq3A_2196 : vector<16xi1> to vector<16xi32>
    %mul3A_2198 = arith.muli %add3A_2169, %convert_element_type3A_2197 : vector<16xi32>
    %reduce_sum3A_2199 = arith.constant true
    %reduce_sum3A_2200 = vector.broadcast %reduce_sum3A_2199 : i1 to vector<16xi1>
    %reduce_sum3A_2201 = tpu.scan <sum>, %mul3A_2198 masked %reduce_sum3A_2200 : vector<16xi32>, vector<16xi1> -> vector<16xi32>
    %reduce_sum3A_2202 = vector.extract %reduce_sum3A_2201[15] : i32 from vector<16xi32>
    %add3A_2203 = arith.addi %add3A_2169, %convert_element_type3A_2197 : vector<16xi32>
    %eq3A_2204 = arith.constant 15 : i32
    %eq3A_2205 = vector.broadcast %eq3A_2204 : i32 to vector<16xi32>
    %eq3A_2206 = arith.cmpi eq, %iota3A, %eq3A_2205 : vector<16xi32>
    %select_n3A_2207 = arith.select %eq3A_2206, %all_reduce_ffs3A_2188, %select_n3A_2173 : vector<16xi1>, vector<16xi32>
    %broadcast_in_dim3A_2208 = vector.broadcast %reduce_sum3A_2202 : i32 to vector<16xi32>
    %select_n3A_2209 = arith.select %eq3A_2206, %broadcast_in_dim3A_2208, %select_n3A_2175 : vector<16xi1>, vector<16xi32>
    %broadcast_in_dim3A_2210 = vector.broadcast %reduce_sum3A_2195 : f32 to vector<16xf32>
    %select_n3A_2211 = arith.select %eq3A_2206, %broadcast_in_dim3A_2210, %select_n3A_2177 : vector<16xi1>, vector<16xf32>
    %swap3A_2212 = arith.constant 48 : index
    %swap3A_2213 = tpu.vector_load %arg8[%swap3A_2212] {strides = array<i32>} : memref<64xi32, #tpu.memory_space<vmem>>, vector<16xi32>,
    tpu.vector_store %arg8[%swap3A_2212], %select_n3A_2207 {strides = array<i32>} : memref<64xi32, #tpu.memory_space<vmem>>, vector<16xi32>,
    %swap3A_2214 = arith.constant 48 : index
    %swap3A_2215 = tpu.vector_load %arg9[%swap3A_2214] {strides = array<i32>} : memref<64xi32, #tpu.memory_space<vmem>>, vector<16xi32>,
    tpu.vector_store %arg9[%swap3A_2214], %select_n3A_2209 {strides = array<i32>} : memref<64xi32, #tpu.memory_space<vmem>>, vector<16xi32>,
    %swap3A_2216 = arith.constant 48 : index
    %swap3A_2217 = tpu.vector_load %arg10[%swap3A_2216] {strides = array<i32>} : memref<64xf32, #tpu.memory_space<vmem>>, vector<16xf32>,
    tpu.vector_store %arg10[%swap3A_2216], %select_n3A_2211 {strides = array<i32>} : memref<64xf32, #tpu.memory_space<vmem>>, vector<16xf32>,
    %swap3A_2218 = arith.constant 0 : index
    %swap3A_2219 = tpu.vector_load %arg11[%swap3A_2218] {strides = array<i32>} : memref<16xi32, #tpu.memory_space<vmem>>, vector<16xi32>,
    tpu.vector_store %arg11[%swap3A_2218], %add3A_2203 {strides = array<i32>} : memref<16xi32, #tpu.memory_space<vmem>>, vector<16xi32>,
    "tpu.region"() ({
      %run_scoped3A = tpu.sem_alloc : memref<!tpu.dma_semaphore, #tpu.memory_space<semaphore_mem>>
      %dma_start3A = tpu.memref_slice %arg3[%mul3A_2] : memref<2048xi32, #tpu.memory_space<hbm>> -> memref<64xi32, #tpu.memory_space<hbm>>
      %dma_start3A_2220 = tpu.memref_slice %arg3[%mul3A_2] : memref<2048xi32, #tpu.memory_space<hbm>> -> memref<64xi32, #tpu.memory_space<hbm>>
      tpu.enqueue_dma source(%arg8 : memref<64xi32, #tpu.memory_space<vmem>>) target(%dma_start3A_2220 : memref<64xi32, #tpu.memory_space<hbm>>) target_semaphore(%run_scoped3A : memref<!tpu.dma_semaphore, #tpu.memory_space<semaphore_mem>>)
      %dma_wait3A = tpu.memref_slice %arg3[%mul3A_2] : memref<2048xi32, #tpu.memory_space<hbm>> -> memref<64xi32, #tpu.memory_space<hbm>>
      %dma_wait3A_2221 = tpu.memref_slice %arg3[%mul3A_2] : memref<2048xi32, #tpu.memory_space<hbm>> -> memref<64xi32, #tpu.memory_space<hbm>>
      tpu.wait_dma2 semaphore(%run_scoped3A : memref<!tpu.dma_semaphore, #tpu.memory_space<semaphore_mem>>) src(%arg8 : memref<64xi32, #tpu.memory_space<vmem>>) dst(%dma_wait3A_2221 : memref<64xi32, #tpu.memory_space<hbm>>)
      tpu.yield
    }) : () -> ()
    "tpu.region"() ({
      %run_scoped3A = tpu.sem_alloc : memref<!tpu.dma_semaphore, #tpu.memory_space<semaphore_mem>>
      %dma_start3A = tpu.memref_slice %arg4[%mul3A_2] : memref<2048xi32, #tpu.memory_space<hbm>> -> memref<64xi32, #tpu.memory_space<hbm>>
      %dma_start3A_2220 = tpu.memref_slice %arg4[%mul3A_2] : memref<2048xi32, #tpu.memory_space<hbm>> -> memref<64xi32, #tpu.memory_space<hbm>>
      tpu.enqueue_dma source(%arg9 : memref<64xi32, #tpu.memory_space<vmem>>) target(%dma_start3A_2220 : memref<64xi32, #tpu.memory_space<hbm>>) target_semaphore(%run_scoped3A : memref<!tpu.dma_semaphore, #tpu.memory_space<semaphore_mem>>)
      %dma_wait3A = tpu.memref_slice %arg4[%mul3A_2] : memref<2048xi32, #tpu.memory_space<hbm>> -> memref<64xi32, #tpu.memory_space<hbm>>
      %dma_wait3A_2221 = tpu.memref_slice %arg4[%mul3A_2] : memref<2048xi32, #tpu.memory_space<hbm>> -> memref<64xi32, #tpu.memory_space<hbm>>
      tpu.wait_dma2 semaphore(%run_scoped3A : memref<!tpu.dma_semaphore, #tpu.memory_space<semaphore_mem>>) src(%arg9 : memref<64xi32, #tpu.memory_space<vmem>>) dst(%dma_wait3A_2221 : memref<64xi32, #tpu.memory_space<hbm>>)
      tpu.yield
    }) : () -> ()
    "tpu.region"() ({
      %run_scoped3A = tpu.sem_alloc : memref<!tpu.dma_semaphore, #tpu.memory_space<semaphore_mem>>
      %dma_start3A = tpu.memref_slice %arg5[%mul3A_2] : memref<2048xf32, #tpu.memory_space<hbm>> -> memref<64xf32, #tpu.memory_space<hbm>>
      %dma_start3A_2220 = tpu.memref_slice %arg5[%mul3A_2] : memref<2048xf32, #tpu.memory_space<hbm>> -> memref<64xf32, #tpu.memory_space<hbm>>
      tpu.enqueue_dma source(%arg10 : memref<64xf32, #tpu.memory_space<vmem>>) target(%dma_start3A_2220 : memref<64xf32, #tpu.memory_space<hbm>>) target_semaphore(%run_scoped3A : memref<!tpu.dma_semaphore, #tpu.memory_space<semaphore_mem>>)
      %dma_wait3A = tpu.memref_slice %arg5[%mul3A_2] : memref<2048xf32, #tpu.memory_space<hbm>> -> memref<64xf32, #tpu.memory_space<hbm>>
      %dma_wait3A_2221 = tpu.memref_slice %arg5[%mul3A_2] : memref<2048xf32, #tpu.memory_space<hbm>> -> memref<64xf32, #tpu.memory_space<hbm>>
      tpu.wait_dma2 semaphore(%run_scoped3A : memref<!tpu.dma_semaphore, #tpu.memory_space<semaphore_mem>>) src(%arg10 : memref<64xf32, #tpu.memory_space<vmem>>) dst(%dma_wait3A_2221 : memref<64xf32, #tpu.memory_space<hbm>>)
      tpu.yield
    }) : () -> ()
    "tpu.region"() ({
      %run_scoped3A = tpu.sem_alloc : memref<!tpu.dma_semaphore, #tpu.memory_space<semaphore_mem>>
      %dma_start3A = arith.constant 0 : i32
      %dma_start3A_2220 = tpu.memref_slice %arg6[%add3A, %dma_start3A] : memref<32x16xi32, #tpu.memory_space<hbm>> -> memref<1x16xi32, #tpu.memory_space<hbm>>
      %dma_start3A_2221 = tpu.memref_squeeze %dma_start3A_2220 : memref<1x16xi32, #tpu.memory_space<hbm>> -> memref<16xi32, #tpu.memory_space<hbm>>
      %dma_start3A_2222 = arith.constant 0 : i32
      %dma_start3A_2223 = tpu.memref_slice %arg6[%add3A, %dma_start3A_2222] : memref<32x16xi32, #tpu.memory_space<hbm>> -> memref<1x16xi32, #tpu.memory_space<hbm>>
      %dma_start3A_2224 = tpu.memref_squeeze %dma_start3A_2223 : memref<1x16xi32, #tpu.memory_space<hbm>> -> memref<16xi32, #tpu.memory_space<hbm>>
      tpu.enqueue_dma source(%arg11 : memref<16xi32, #tpu.memory_space<vmem>>) target(%dma_start3A_2224 : memref<16xi32, #tpu.memory_space<hbm>>) target_semaphore(%run_scoped3A : memref<!tpu.dma_semaphore, #tpu.memory_space<semaphore_mem>>)
      %dma_wait3A = arith.constant 0 : i32
      %dma_wait3A_2225 = tpu.memref_slice %arg6[%add3A, %dma_wait3A] : memref<32x16xi32, #tpu.memory_space<hbm>> -> memref<1x16xi32, #tpu.memory_space<hbm>>
      %dma_wait3A_2226 = tpu.memref_squeeze %dma_wait3A_2225 : memref<1x16xi32, #tpu.memory_space<hbm>> -> memref<16xi32, #tpu.memory_space<hbm>>
      %dma_wait3A_2227 = arith.constant 0 : i32
      %dma_wait3A_2228 = tpu.memref_slice %arg6[%add3A, %dma_wait3A_2227] : memref<32x16xi32, #tpu.memory_space<hbm>> -> memref<1x16xi32, #tpu.memory_space<hbm>>
      %dma_wait3A_2229 = tpu.memref_squeeze %dma_wait3A_2228 : memref<1x16xi32, #tpu.memory_space<hbm>> -> memref<16xi32, #tpu.memory_space<hbm>>
      tpu.wait_dma2 semaphore(%run_scoped3A : memref<!tpu.dma_semaphore, #tpu.memory_space<semaphore_mem>>) src(%arg11 : memref<16xi32, #tpu.memory_space<vmem>>) dst(%dma_wait3A_2229 : memref<16xi32, #tpu.memory_space<hbm>>)
      tpu.yield
    }) : () -> ()
    return
  }
}

#map = affine_map<(d0, d1) -> (0, 0)>
#map1 = affine_map<(d0, d1) -> (0)>
module attributes {stable_mosaic.version = 14 : i64} {
  func.func @_scb_body(%arg0: i32, %arg1: i32, %arg2: memref<4096x768xf32, #tpu.memory_space<hbm>>, %arg3: memref<2048xi32, #tpu.memory_space<hbm>>, %arg4: memref<2048x768xf32, #tpu.memory_space<hbm>>, %arg5: memref<64xi32, #tpu.memory_space<vmem>>, %arg6: memref<64x768xf32, #tpu.memory_space<vmem>>, %arg7: memref<!tpu.dma_semaphore, #tpu.memory_space<semaphore_mem>>) attributes {dimension_semantics = [#tpu.dimension_semantics<core_parallel>, #tpu.dimension_semantics<subcore_parallel>], iteration_bounds = array<i64: 2, 16>, scalar_prefetch = 0 : i64, scratch_operands = 3 : i64, tpu.core_type = #tpu.core_type<sc_vector_subcore>, window_params = [{transform_indices = #map}, {transform_indices = #map1}, {transform_indices = #map}]} {
    %mul3A = arith.constant 2 : i32
    %mul3A_0 = arith.muli %arg1, %mul3A : i32
    %add3A = arith.addi %mul3A_0, %arg0 : i32
    %mul3A_1 = arith.constant 64 : i32
    %mul3A_2 = arith.muli %add3A, %mul3A_1 : i32
    "tpu.region"() ({
      %run_scoped3A = tpu.sem_alloc : memref<!tpu.dma_semaphore, #tpu.memory_space<semaphore_mem>>
      %dma_start3A_7 = tpu.memref_slice %arg3[%mul3A_2] : memref<2048xi32, #tpu.memory_space<hbm>> -> memref<64xi32, #tpu.memory_space<hbm>>
      %dma_start3A_8 = tpu.memref_slice %arg3[%mul3A_2] : memref<2048xi32, #tpu.memory_space<hbm>> -> memref<64xi32, #tpu.memory_space<hbm>>
      tpu.enqueue_dma source(%dma_start3A_8 : memref<64xi32, #tpu.memory_space<hbm>>) target(%arg5 : memref<64xi32, #tpu.memory_space<vmem>>) target_semaphore(%run_scoped3A : memref<!tpu.dma_semaphore, #tpu.memory_space<semaphore_mem>>)
      %dma_wait3A_9 = tpu.memref_slice %arg3[%mul3A_2] : memref<2048xi32, #tpu.memory_space<hbm>> -> memref<64xi32, #tpu.memory_space<hbm>>
      %dma_wait3A_10 = tpu.memref_slice %arg3[%mul3A_2] : memref<2048xi32, #tpu.memory_space<hbm>> -> memref<64xi32, #tpu.memory_space<hbm>>
      tpu.wait_dma2 semaphore(%run_scoped3A : memref<!tpu.dma_semaphore, #tpu.memory_space<semaphore_mem>>) src(%dma_wait3A_10 : memref<64xi32, #tpu.memory_space<hbm>>) dst(%arg5 : memref<64xi32, #tpu.memory_space<vmem>>)
      tpu.yield
    }) : () -> ()
    %dma_start3A = arith.constant 0 : i32
    %dma_start3A_3 = arith.constant 0 : i32
    %dma_start3A_4 = tpu.memref_slice %arg2[%dma_start3A, %dma_start3A_3] : memref<4096x768xf32, #tpu.memory_space<hbm>> -> memref<4096x768xf32, #tpu.memory_space<hbm>>
    tpu.enqueue_indirect_dma source(%dma_start3A_4 : memref<4096x768xf32, #tpu.memory_space<hbm>>) target(%arg6 : memref<64x768xf32, #tpu.memory_space<vmem>>) offsets(%arg5 : memref<64xi32, #tpu.memory_space<vmem>>) semaphore(%arg7 : memref<!tpu.dma_semaphore, #tpu.memory_space<semaphore_mem>>)
    %dma_wait3A = arith.constant 0 : i32
    %dma_wait3A_5 = arith.constant 0 : i32
    %dma_wait3A_6 = tpu.memref_slice %arg2[%dma_wait3A, %dma_wait3A_5] : memref<4096x768xf32, #tpu.memory_space<hbm>> -> memref<4096x768xf32, #tpu.memory_space<hbm>>
    tpu.wait_indirect_dma semaphore(%arg7 : memref<!tpu.dma_semaphore, #tpu.memory_space<semaphore_mem>>) src(%dma_wait3A_6 : memref<4096x768xf32, #tpu.memory_space<hbm>>) dst(%arg6 : memref<64x768xf32, #tpu.memory_space<vmem>>)
    "tpu.region"() ({
      %run_scoped3A = tpu.sem_alloc : memref<!tpu.dma_semaphore, #tpu.memory_space<semaphore_mem>>
      %dma_start3A_7 = arith.constant 0 : i32
      %dma_start3A_8 = tpu.memref_slice %arg4[%mul3A_2, %dma_start3A_7] : memref<2048x768xf32, #tpu.memory_space<hbm>> -> memref<64x768xf32, #tpu.memory_space<hbm>>
      %dma_start3A_9 = arith.constant 0 : i32
      %dma_start3A_10 = tpu.memref_slice %arg4[%mul3A_2, %dma_start3A_9] : memref<2048x768xf32, #tpu.memory_space<hbm>> -> memref<64x768xf32, #tpu.memory_space<hbm>>
      tpu.enqueue_dma source(%arg6 : memref<64x768xf32, #tpu.memory_space<vmem>>) target(%dma_start3A_10 : memref<64x768xf32, #tpu.memory_space<hbm>>) target_semaphore(%run_scoped3A : memref<!tpu.dma_semaphore, #tpu.memory_space<semaphore_mem>>)
      %dma_wait3A_11 = arith.constant 0 : i32
      %dma_wait3A_12 = tpu.memref_slice %arg4[%mul3A_2, %dma_wait3A_11] : memref<2048x768xf32, #tpu.memory_space<hbm>> -> memref<64x768xf32, #tpu.memory_space<hbm>>
      %dma_wait3A_13 = arith.constant 0 : i32
      %dma_wait3A_14 = tpu.memref_slice %arg4[%mul3A_2, %dma_wait3A_13] : memref<2048x768xf32, #tpu.memory_space<hbm>> -> memref<64x768xf32, #tpu.memory_space<hbm>>
      tpu.wait_dma2 semaphore(%run_scoped3A : memref<!tpu.dma_semaphore, #tpu.memory_space<semaphore_mem>>) src(%arg6 : memref<64x768xf32, #tpu.memory_space<vmem>>) dst(%dma_wait3A_14 : memref<64x768xf32, #tpu.memory_space<hbm>>)
      tpu.yield
    }) : () -> ()
    return
  }
}

#map = affine_map<(d0, d1) -> (0, 0)>
#map1 = affine_map<(d0, d1) -> (0)>
module attributes {stable_mosaic.version = 14 : i64} {
  func.func @_sca2_body(%arg0: i32, %arg1: i32, %arg2: memref<2048x768xf32, #tpu.memory_space<hbm>>, %arg3: memref<2048xi32, #tpu.memory_space<hbm>>, %arg4: memref<2048xi32, #tpu.memory_space<hbm>>, %arg5: memref<32x16xi32, #tpu.memory_space<hbm>>, %arg6: memref<4096x768xf32, #tpu.memory_space<hbm>>, %arg7: memref<2048xi32, #tpu.memory_space<hbm>>, %arg8: memref<64xi32, #tpu.memory_space<vmem>>, %arg9: memref<64xi32, #tpu.memory_space<vmem>>, %arg10: memref<64xi32, #tpu.memory_space<vmem>>, %arg11: memref<16xi32, #tpu.memory_space<vmem>>, %arg12: memref<64x768xf32, #tpu.memory_space<vmem>>, %arg13: memref<!tpu.dma_semaphore, #tpu.memory_space<semaphore_mem>>) attributes {dimension_semantics = [#tpu.dimension_semantics<core_parallel>, #tpu.dimension_semantics<subcore_parallel>], iteration_bounds = array<i64: 2, 16>, scalar_prefetch = 0 : i64, scratch_operands = 6 : i64, tpu.core_type = #tpu.core_type<sc_vector_subcore>, window_params = [{transform_indices = #map}, {transform_indices = #map1}, {transform_indices = #map1}, {transform_indices = #map}, {transform_indices = #map}, {transform_indices = #map1}]} {
    %mul3A = arith.constant 2 : i32
    %mul3A_0 = arith.muli %arg1, %mul3A : i32
    %add3A = arith.addi %mul3A_0, %arg0 : i32
    %mul3A_1 = arith.constant 64 : i32
    %mul3A_2 = arith.muli %add3A, %mul3A_1 : i32
    "tpu.region"() ({
      %run_scoped3A = tpu.sem_alloc : memref<!tpu.dma_semaphore, #tpu.memory_space<semaphore_mem>>
      %dma_start3A_36 = tpu.memref_slice %arg3[%mul3A_2] : memref<2048xi32, #tpu.memory_space<hbm>> -> memref<64xi32, #tpu.memory_space<hbm>>
      %dma_start3A_37 = tpu.memref_slice %arg3[%mul3A_2] : memref<2048xi32, #tpu.memory_space<hbm>> -> memref<64xi32, #tpu.memory_space<hbm>>
      tpu.enqueue_dma source(%dma_start3A_37 : memref<64xi32, #tpu.memory_space<hbm>>) target(%arg8 : memref<64xi32, #tpu.memory_space<vmem>>) target_semaphore(%run_scoped3A : memref<!tpu.dma_semaphore, #tpu.memory_space<semaphore_mem>>)
      %dma_wait3A_38 = tpu.memref_slice %arg3[%mul3A_2] : memref<2048xi32, #tpu.memory_space<hbm>> -> memref<64xi32, #tpu.memory_space<hbm>>
      %dma_wait3A_39 = tpu.memref_slice %arg3[%mul3A_2] : memref<2048xi32, #tpu.memory_space<hbm>> -> memref<64xi32, #tpu.memory_space<hbm>>
      tpu.wait_dma2 semaphore(%run_scoped3A : memref<!tpu.dma_semaphore, #tpu.memory_space<semaphore_mem>>) src(%dma_wait3A_39 : memref<64xi32, #tpu.memory_space<hbm>>) dst(%arg8 : memref<64xi32, #tpu.memory_space<vmem>>)
      tpu.yield
    }) : () -> ()
    "tpu.region"() ({
      %run_scoped3A = tpu.sem_alloc : memref<!tpu.dma_semaphore, #tpu.memory_space<semaphore_mem>>
      %dma_start3A_36 = tpu.memref_slice %arg4[%mul3A_2] : memref<2048xi32, #tpu.memory_space<hbm>> -> memref<64xi32, #tpu.memory_space<hbm>>
      %dma_start3A_37 = tpu.memref_slice %arg4[%mul3A_2] : memref<2048xi32, #tpu.memory_space<hbm>> -> memref<64xi32, #tpu.memory_space<hbm>>
      tpu.enqueue_dma source(%dma_start3A_37 : memref<64xi32, #tpu.memory_space<hbm>>) target(%arg9 : memref<64xi32, #tpu.memory_space<vmem>>) target_semaphore(%run_scoped3A : memref<!tpu.dma_semaphore, #tpu.memory_space<semaphore_mem>>)
      %dma_wait3A_38 = tpu.memref_slice %arg4[%mul3A_2] : memref<2048xi32, #tpu.memory_space<hbm>> -> memref<64xi32, #tpu.memory_space<hbm>>
      %dma_wait3A_39 = tpu.memref_slice %arg4[%mul3A_2] : memref<2048xi32, #tpu.memory_space<hbm>> -> memref<64xi32, #tpu.memory_space<hbm>>
      tpu.wait_dma2 semaphore(%run_scoped3A : memref<!tpu.dma_semaphore, #tpu.memory_space<semaphore_mem>>) src(%dma_wait3A_39 : memref<64xi32, #tpu.memory_space<hbm>>) dst(%arg9 : memref<64xi32, #tpu.memory_space<vmem>>)
      tpu.yield
    }) : () -> ()
    "tpu.region"() ({
      %run_scoped3A = tpu.sem_alloc : memref<!tpu.dma_semaphore, #tpu.memory_space<semaphore_mem>>
      %dma_start3A_36 = arith.constant 0 : i32
      %dma_start3A_37 = tpu.memref_slice %arg5[%add3A, %dma_start3A_36] : memref<32x16xi32, #tpu.memory_space<hbm>> -> memref<1x16xi32, #tpu.memory_space<hbm>>
      %dma_start3A_38 = tpu.memref_squeeze %dma_start3A_37 : memref<1x16xi32, #tpu.memory_space<hbm>> -> memref<16xi32, #tpu.memory_space<hbm>>
      %dma_start3A_39 = arith.constant 0 : i32
      %dma_start3A_40 = tpu.memref_slice %arg5[%add3A, %dma_start3A_39] : memref<32x16xi32, #tpu.memory_space<hbm>> -> memref<1x16xi32, #tpu.memory_space<hbm>>
      %dma_start3A_41 = tpu.memref_squeeze %dma_start3A_40 : memref<1x16xi32, #tpu.memory_space<hbm>> -> memref<16xi32, #tpu.memory_space<hbm>>
      tpu.enqueue_dma source(%dma_start3A_41 : memref<16xi32, #tpu.memory_space<hbm>>) target(%arg11 : memref<16xi32, #tpu.memory_space<vmem>>) target_semaphore(%run_scoped3A : memref<!tpu.dma_semaphore, #tpu.memory_space<semaphore_mem>>)
      %dma_wait3A_42 = arith.constant 0 : i32
      %dma_wait3A_43 = tpu.memref_slice %arg5[%add3A, %dma_wait3A_42] : memref<32x16xi32, #tpu.memory_space<hbm>> -> memref<1x16xi32, #tpu.memory_space<hbm>>
      %dma_wait3A_44 = tpu.memref_squeeze %dma_wait3A_43 : memref<1x16xi32, #tpu.memory_space<hbm>> -> memref<16xi32, #tpu.memory_space<hbm>>
      %dma_wait3A_45 = arith.constant 0 : i32
      %dma_wait3A_46 = tpu.memref_slice %arg5[%add3A, %dma_wait3A_45] : memref<32x16xi32, #tpu.memory_space<hbm>> -> memref<1x16xi32, #tpu.memory_space<hbm>>
      %dma_wait3A_47 = tpu.memref_squeeze %dma_wait3A_46 : memref<1x16xi32, #tpu.memory_space<hbm>> -> memref<16xi32, #tpu.memory_space<hbm>>
      tpu.wait_dma2 semaphore(%run_scoped3A : memref<!tpu.dma_semaphore, #tpu.memory_space<semaphore_mem>>) src(%dma_wait3A_47 : memref<16xi32, #tpu.memory_space<hbm>>) dst(%arg11 : memref<16xi32, #tpu.memory_space<vmem>>)
      tpu.yield
    }) : () -> ()
    %get3A = arith.constant 0 : index
    %get3A_3 = tpu.vector_load %arg8[%get3A] {strides = array<i32>} : memref<64xi32, #tpu.memory_space<vmem>>, vector<16xi32>,
    %gather3A = tpu.vector_load_idx %arg11[%get3A_3] : memref<16xi32, #tpu.memory_space<vmem>>[vector<16xi32>], vector<16xi32>,
    %get3A_4 = arith.constant 0 : index
    %get3A_5 = tpu.vector_load %arg9[%get3A_4] {strides = array<i32>} : memref<64xi32, #tpu.memory_space<vmem>>, vector<16xi32>,
    %add3A_6 = arith.addi %gather3A, %get3A_5 : vector<16xi32>
    %swap3A = arith.constant 0 : index
    %swap3A_7 = tpu.vector_load %arg10[%swap3A] {strides = array<i32>} : memref<64xi32, #tpu.memory_space<vmem>>, vector<16xi32>,
    tpu.vector_store %arg10[%swap3A], %add3A_6 {strides = array<i32>} : memref<64xi32, #tpu.memory_space<vmem>>, vector<16xi32>,
    %get3A_8 = arith.constant 16 : index
    %get3A_9 = tpu.vector_load %arg8[%get3A_8] {strides = array<i32>} : memref<64xi32, #tpu.memory_space<vmem>>, vector<16xi32>,
    %gather3A_10 = tpu.vector_load_idx %arg11[%get3A_9] : memref<16xi32, #tpu.memory_space<vmem>>[vector<16xi32>], vector<16xi32>,
    %get3A_11 = arith.constant 16 : index
    %get3A_12 = tpu.vector_load %arg9[%get3A_11] {strides = array<i32>} : memref<64xi32, #tpu.memory_space<vmem>>, vector<16xi32>,
    %add3A_13 = arith.addi %gather3A_10, %get3A_12 : vector<16xi32>
    %swap3A_14 = arith.constant 16 : index
    %swap3A_15 = tpu.vector_load %arg10[%swap3A_14] {strides = array<i32>} : memref<64xi32, #tpu.memory_space<vmem>>, vector<16xi32>,
    tpu.vector_store %arg10[%swap3A_14], %add3A_13 {strides = array<i32>} : memref<64xi32, #tpu.memory_space<vmem>>, vector<16xi32>,
    %get3A_16 = arith.constant 32 : index
    %get3A_17 = tpu.vector_load %arg8[%get3A_16] {strides = array<i32>} : memref<64xi32, #tpu.memory_space<vmem>>, vector<16xi32>,
    %gather3A_18 = tpu.vector_load_idx %arg11[%get3A_17] : memref<16xi32, #tpu.memory_space<vmem>>[vector<16xi32>], vector<16xi32>,
    %get3A_19 = arith.constant 32 : index
    %get3A_20 = tpu.vector_load %arg9[%get3A_19] {strides = array<i32>} : memref<64xi32, #tpu.memory_space<vmem>>, vector<16xi32>,
    %add3A_21 = arith.addi %gather3A_18, %get3A_20 : vector<16xi32>
    %swap3A_22 = arith.constant 32 : index
    %swap3A_23 = tpu.vector_load %arg10[%swap3A_22] {strides = array<i32>} : memref<64xi32, #tpu.memory_space<vmem>>, vector<16xi32>,
    tpu.vector_store %arg10[%swap3A_22], %add3A_21 {strides = array<i32>} : memref<64xi32, #tpu.memory_space<vmem>>, vector<16xi32>,
    %get3A_24 = arith.constant 48 : index
    %get3A_25 = tpu.vector_load %arg8[%get3A_24] {strides = array<i32>} : memref<64xi32, #tpu.memory_space<vmem>>, vector<16xi32>,
    %gather3A_26 = tpu.vector_load_idx %arg11[%get3A_25] : memref<16xi32, #tpu.memory_space<vmem>>[vector<16xi32>], vector<16xi32>,
    %get3A_27 = arith.constant 48 : index
    %get3A_28 = tpu.vector_load %arg9[%get3A_27] {strides = array<i32>} : memref<64xi32, #tpu.memory_space<vmem>>, vector<16xi32>,
    %add3A_29 = arith.addi %gather3A_26, %get3A_28 : vector<16xi32>
    %swap3A_30 = arith.constant 48 : index
    %swap3A_31 = tpu.vector_load %arg10[%swap3A_30] {strides = array<i32>} : memref<64xi32, #tpu.memory_space<vmem>>, vector<16xi32>,
    tpu.vector_store %arg10[%swap3A_30], %add3A_29 {strides = array<i32>} : memref<64xi32, #tpu.memory_space<vmem>>, vector<16xi32>,
    "tpu.region"() ({
      %run_scoped3A = tpu.sem_alloc : memref<!tpu.dma_semaphore, #tpu.memory_space<semaphore_mem>>
      %dma_start3A_36 = arith.constant 0 : i32
      %dma_start3A_37 = tpu.memref_slice %arg2[%mul3A_2, %dma_start3A_36] : memref<2048x768xf32, #tpu.memory_space<hbm>> -> memref<64x768xf32, #tpu.memory_space<hbm>>
      %dma_start3A_38 = arith.constant 0 : i32
      %dma_start3A_39 = tpu.memref_slice %arg2[%mul3A_2, %dma_start3A_38] : memref<2048x768xf32, #tpu.memory_space<hbm>> -> memref<64x768xf32, #tpu.memory_space<hbm>>
      tpu.enqueue_dma source(%dma_start3A_39 : memref<64x768xf32, #tpu.memory_space<hbm>>) target(%arg12 : memref<64x768xf32, #tpu.memory_space<vmem>>) target_semaphore(%run_scoped3A : memref<!tpu.dma_semaphore, #tpu.memory_space<semaphore_mem>>)
      %dma_wait3A_40 = arith.constant 0 : i32
      %dma_wait3A_41 = tpu.memref_slice %arg2[%mul3A_2, %dma_wait3A_40] : memref<2048x768xf32, #tpu.memory_space<hbm>> -> memref<64x768xf32, #tpu.memory_space<hbm>>
      %dma_wait3A_42 = arith.constant 0 : i32
      %dma_wait3A_43 = tpu.memref_slice %arg2[%mul3A_2, %dma_wait3A_42] : memref<2048x768xf32, #tpu.memory_space<hbm>> -> memref<64x768xf32, #tpu.memory_space<hbm>>
      tpu.wait_dma2 semaphore(%run_scoped3A : memref<!tpu.dma_semaphore, #tpu.memory_space<semaphore_mem>>) src(%dma_wait3A_43 : memref<64x768xf32, #tpu.memory_space<hbm>>) dst(%arg12 : memref<64x768xf32, #tpu.memory_space<vmem>>)
      tpu.yield
    }) : () -> ()
    %dma_start3A = arith.constant 0 : i32
    %dma_start3A_32 = arith.constant 0 : i32
    %dma_start3A_33 = tpu.memref_slice %arg6[%dma_start3A, %dma_start3A_32] : memref<4096x768xf32, #tpu.memory_space<hbm>> -> memref<4096x768xf32, #tpu.memory_space<hbm>>
    tpu.enqueue_indirect_dma source(%arg12 : memref<64x768xf32, #tpu.memory_space<vmem>>) target(%dma_start3A_33 : memref<4096x768xf32, #tpu.memory_space<hbm>>) offsets(%arg10 : memref<64xi32, #tpu.memory_space<vmem>>) semaphore(%arg13 : memref<!tpu.dma_semaphore, #tpu.memory_space<semaphore_mem>>)
    %dma_wait3A = arith.constant 0 : i32
    %dma_wait3A_34 = arith.constant 0 : i32
    %dma_wait3A_35 = tpu.memref_slice %arg6[%dma_wait3A, %dma_wait3A_34] : memref<4096x768xf32, #tpu.memory_space<hbm>> -> memref<4096x768xf32, #tpu.memory_space<hbm>>
    tpu.wait_indirect_dma semaphore(%arg13 : memref<!tpu.dma_semaphore, #tpu.memory_space<semaphore_mem>>) src(%arg12 : memref<64x768xf32, #tpu.memory_space<vmem>>) dst(%dma_wait3A_35 : memref<4096x768xf32, #tpu.memory_space<hbm>>)
    "tpu.region"() ({
      %run_scoped3A = tpu.sem_alloc : memref<!tpu.dma_semaphore, #tpu.memory_space<semaphore_mem>>
      %dma_start3A_36 = tpu.memref_slice %arg7[%mul3A_2] : memref<2048xi32, #tpu.memory_space<hbm>> -> memref<64xi32, #tpu.memory_space<hbm>>
      %dma_start3A_37 = tpu.memref_slice %arg7[%mul3A_2] : memref<2048xi32, #tpu.memory_space<hbm>> -> memref<64xi32, #tpu.memory_space<hbm>>
      tpu.enqueue_dma source(%arg10 : memref<64xi32, #tpu.memory_space<vmem>>) target(%dma_start3A_37 : memref<64xi32, #tpu.memory_space<hbm>>) target_semaphore(%run_scoped3A : memref<!tpu.dma_semaphore, #tpu.memory_space<semaphore_mem>>)
      %dma_wait3A_38 = tpu.memref_slice %arg7[%mul3A_2] : memref<2048xi32, #tpu.memory_space<hbm>> -> memref<64xi32, #tpu.memory_space<hbm>>
      %dma_wait3A_39 = tpu.memref_slice %arg7[%mul3A_2] : memref<2048xi32, #tpu.memory_space<hbm>> -> memref<64xi32, #tpu.memory_space<hbm>>
      tpu.wait_dma2 semaphore(%run_scoped3A : memref<!tpu.dma_semaphore, #tpu.memory_space<semaphore_mem>>) src(%arg10 : memref<64xi32, #tpu.memory_space<vmem>>) dst(%dma_wait3A_39 : memref<64xi32, #tpu.memory_space<hbm>>)
      tpu.yield
    }) : () -> ()
    return
  }
}

module attributes {stable_mosaic.version = 14 : i64} {
  func.func @_router_body(%arg0: memref<2048x768xf32, #tpu.memory_space<vmem>>, %arg1: memref<16x768xf32, #tpu.memory_space<vmem>>, %arg2: memref<2048x16xf32, #tpu.memory_space<vmem>>) attributes {dimension_semantics = [], scalar_prefetch = 0 : i64, scratch_operands = 0 : i64, tpu.core_type = #tpu.core_type<tc>} {
    %get3A = arith.constant 0 : index
    %get3A_0 = arith.constant 0 : index
    %get3A_1 = vector.load %arg0[%get3A, %get3A_0] : memref<2048x768xf32, #tpu.memory_space<vmem>>, vector<2048x768xf32>
    %get3A_2 = arith.constant 0 : index
    %get3A_3 = arith.constant 0 : index
    %get3A_4 = vector.load %arg1[%get3A_2, %get3A_3] : memref<16x768xf32, #tpu.memory_space<vmem>>, vector<16x768xf32>
    %dot_general3A = arith.constant dense<0.000000e+00> : vector<2048x16xf32>
    %dot_general3A_5 = tpu.matmul %get3A_1, %get3A_4, %dot_general3A {dimension_numbers = #tpu.dot_dimension_numbers<[1], [1], [0], [0], [0, 0, 1, 0], [], []>, transpose_lhs_hint = false} : vector<2048x768xf32>, vector<16x768xf32>, vector<2048x16xf32> -> vector<2048x16xf32>
    %swap3A = arith.constant 0 : index
    %swap3A_6 = arith.constant 0 : index
    %swap3A_7 = vector.load %arg2[%swap3A, %swap3A_6] : memref<2048x16xf32, #tpu.memory_space<vmem>>, vector<2048x16xf32>
    tpu.vector_store %arg2[%swap3A, %swap3A_6], %dot_general3A_5 {strides = array<i32>} : memref<2048x16xf32, #tpu.memory_space<vmem>>, vector<2048x16xf32>,
    return
  }
}

module attributes {stable_mosaic.version = 14 : i64} {
  func.func @_gemm_body(%arg0: i32, %arg1: memref<32xi32, #tpu.memory_space<smem>>, %arg2: memref<32xi32, #tpu.memory_space<smem>>, %arg3: memref<32xi32, #tpu.memory_space<smem>>, %arg4: memref<19xi32, #tpu.memory_space<smem>>, %arg5: memref<19xi32, #tpu.memory_space<smem>>, %arg6: memref<32xi32, #tpu.memory_space<smem>>, %arg7: memref<128x768xf32, #tpu.memory_space<vmem>>, %arg8: memref<16x2048x768xf32, #tpu.memory_space<hbm>>, %arg9: memref<16x2048x768xf32, #tpu.memory_space<hbm>>, %arg10: memref<16x768x2048xf32, #tpu.memory_space<hbm>>, %arg11: memref<128x768xf32, #tpu.memory_space<vmem>>, %arg12: memref<3x2048x768xf32, #tpu.memory_space<vmem>>, %arg13: memref<3x2048x768xf32, #tpu.memory_space<vmem>>, %arg14: memref<3x768x2048xf32, #tpu.memory_space<vmem>>, %arg15: memref<3x!tpu.dma_semaphore, #tpu.memory_space<semaphore_mem>>, %arg16: memref<3x!tpu.dma_semaphore, #tpu.memory_space<semaphore_mem>>, %arg17: memref<3x!tpu.dma_semaphore, #tpu.memory_space<semaphore_mem>>) attributes {dimension_semantics = [#tpu.dimension_semantics<arbitrary>], iteration_bounds = array<i64: 32>, scalar_prefetch = 6 : i64, scratch_operands = 6 : i64, tpu.core_type = #tpu.core_type<tc>, window_params = [{transform_indices = @transform_0, window_bounds = array<i64: 128, 768>}, {}, {}, {}, {transform_indices = @transform_4, window_bounds = array<i64: 128, 768>}]} {
    %get3A = arith.index_cast %arg0 : i32 to index
    %get3A_0 = memref.load %arg3[%get3A] : memref<32xi32, #tpu.memory_space<smem>>
    %rem3A = arith.constant 3 : i32
    %rem3A_1 = arith.remsi %get3A_0, %rem3A : i32
    %eq3A = arith.constant 0 : i32
    %eq3A_2 = arith.cmpi eq, %arg0, %eq3A : i32
    %convert_element_type3A = arith.extui %eq3A_2 : i1 to i32
    %cond3A = arith.constant 0 : i32
    %cond3A_3 = arith.cmpi ne, %convert_element_type3A, %cond3A : i32
    scf.if %cond3A_3 {
      %get3A_18 = arith.constant 0 : index
      %get3A_19 = memref.load %arg5[%get3A_18] : memref<19xi32, #tpu.memory_space<smem>>
      %eq3A_20 = arith.constant 1 : i32
      %eq3A_21 = arith.cmpi eq, %get3A_19, %eq3A_20 : i32
      %convert_element_type3A_22 = arith.extui %eq3A_21 : i1 to i32
      %cond3A_23 = arith.constant 0 : i32
      %cond3A_24 = arith.cmpi ne, %convert_element_type3A_22, %cond3A_23 : i32
      scf.if %cond3A_24 {
        %get3A_32 = arith.constant 0 : index
        %get3A_33 = memref.load %arg4[%get3A_32] : memref<19xi32, #tpu.memory_space<smem>>
        %dma_start3A = arith.constant 0 : i32
        %dma_start3A_34 = arith.constant 0 : i32
        %dma_start3A_35 = tpu.memref_slice %arg15[%dma_start3A_34] : memref<3x!tpu.dma_semaphore, #tpu.memory_space<semaphore_mem>> -> memref<1x!tpu.dma_semaphore, #tpu.memory_space<semaphore_mem>>
        %dma_start3A_36 = tpu.memref_squeeze %dma_start3A_35 : memref<1x!tpu.dma_semaphore, #tpu.memory_space<semaphore_mem>> -> memref<!tpu.dma_semaphore, #tpu.memory_space<semaphore_mem>>
        %dma_start3A_37 = arith.constant 0 : i32
        %dma_start3A_38 = arith.constant 0 : i32
        %dma_start3A_39 = tpu.memref_slice %arg12[%dma_start3A, %dma_start3A_37, %dma_start3A_38] : memref<3x2048x768xf32, #tpu.memory_space<vmem>> -> memref<1x2048x768xf32, #tpu.memory_space<vmem>>
        %dma_start3A_40 = tpu.memref_squeeze %dma_start3A_39 : memref<1x2048x768xf32, #tpu.memory_space<vmem>> -> memref<2048x768xf32, #tpu.memory_space<vmem>>
        %dma_start3A_41 = arith.constant 0 : i32
        %dma_start3A_42 = arith.constant 0 : i32
        %dma_start3A_43 = tpu.memref_slice %arg8[%get3A_33, %dma_start3A_41, %dma_start3A_42] : memref<16x2048x768xf32, #tpu.memory_space<hbm>> -> memref<1x2048x768xf32, #tpu.memory_space<hbm>>
        %dma_start3A_44 = tpu.memref_squeeze %dma_start3A_43 : memref<1x2048x768xf32, #tpu.memory_space<hbm>> -> memref<2048x768xf32, #tpu.memory_space<hbm>>
        tpu.enqueue_dma source(%dma_start3A_44 : memref<2048x768xf32, #tpu.memory_space<hbm>>) target(%dma_start3A_40 : memref<2048x768xf32, #tpu.memory_space<vmem>>) target_semaphore(%dma_start3A_36 : memref<!tpu.dma_semaphore, #tpu.memory_space<semaphore_mem>>)
        %dma_start3A_45 = arith.constant 0 : i32
        %dma_start3A_46 = arith.constant 0 : i32
        %dma_start3A_47 = tpu.memref_slice %arg16[%dma_start3A_46] : memref<3x!tpu.dma_semaphore, #tpu.memory_space<semaphore_mem>> -> memref<1x!tpu.dma_semaphore, #tpu.memory_space<semaphore_mem>>
        %dma_start3A_48 = tpu.memref_squeeze %dma_start3A_47 : memref<1x!tpu.dma_semaphore, #tpu.memory_space<semaphore_mem>> -> memref<!tpu.dma_semaphore, #tpu.memory_space<semaphore_mem>>
        %dma_start3A_49 = arith.constant 0 : i32
        %dma_start3A_50 = arith.constant 0 : i32
        %dma_start3A_51 = tpu.memref_slice %arg13[%dma_start3A_45, %dma_start3A_49, %dma_start3A_50] : memref<3x2048x768xf32, #tpu.memory_space<vmem>> -> memref<1x2048x768xf32, #tpu.memory_space<vmem>>
        %dma_start3A_52 = tpu.memref_squeeze %dma_start3A_51 : memref<1x2048x768xf32, #tpu.memory_space<vmem>> -> memref<2048x768xf32, #tpu.memory_space<vmem>>
        %dma_start3A_53 = arith.constant 0 : i32
        %dma_start3A_54 = arith.constant 0 : i32
        %dma_start3A_55 = tpu.memref_slice %arg9[%get3A_33, %dma_start3A_53, %dma_start3A_54] : memref<16x2048x768xf32, #tpu.memory_space<hbm>> -> memref<1x2048x768xf32, #tpu.memory_space<hbm>>
        %dma_start3A_56 = tpu.memref_squeeze %dma_start3A_55 : memref<1x2048x768xf32, #tpu.memory_space<hbm>> -> memref<2048x768xf32, #tpu.memory_space<hbm>>
        tpu.enqueue_dma source(%dma_start3A_56 : memref<2048x768xf32, #tpu.memory_space<hbm>>) target(%dma_start3A_52 : memref<2048x768xf32, #tpu.memory_space<vmem>>) target_semaphore(%dma_start3A_48 : memref<!tpu.dma_semaphore, #tpu.memory_space<semaphore_mem>>)
        %dma_start3A_57 = arith.constant 0 : i32
        %dma_start3A_58 = arith.constant 0 : i32
        %dma_start3A_59 = tpu.memref_slice %arg17[%dma_start3A_58] : memref<3x!tpu.dma_semaphore, #tpu.memory_space<semaphore_mem>> -> memref<1x!tpu.dma_semaphore, #tpu.memory_space<semaphore_mem>>
        %dma_start3A_60 = tpu.memref_squeeze %dma_start3A_59 : memref<1x!tpu.dma_semaphore, #tpu.memory_space<semaphore_mem>> -> memref<!tpu.dma_semaphore, #tpu.memory_space<semaphore_mem>>
        %dma_start3A_61 = arith.constant 0 : i32
        %dma_start3A_62 = arith.constant 0 : i32
        %dma_start3A_63 = tpu.memref_slice %arg14[%dma_start3A_57, %dma_start3A_61, %dma_start3A_62] : memref<3x768x2048xf32, #tpu.memory_space<vmem>> -> memref<1x768x2048xf32, #tpu.memory_space<vmem>>
        %dma_start3A_64 = tpu.memref_squeeze %dma_start3A_63 : memref<1x768x2048xf32, #tpu.memory_space<vmem>> -> memref<768x2048xf32, #tpu.memory_space<vmem>>
        %dma_start3A_65 = arith.constant 0 : i32
        %dma_start3A_66 = arith.constant 0 : i32
        %dma_start3A_67 = tpu.memref_slice %arg10[%get3A_33, %dma_start3A_65, %dma_start3A_66] : memref<16x768x2048xf32, #tpu.memory_space<hbm>> -> memref<1x768x2048xf32, #tpu.memory_space<hbm>>
        %dma_start3A_68 = tpu.memref_squeeze %dma_start3A_67 : memref<1x768x2048xf32, #tpu.memory_space<hbm>> -> memref<768x2048xf32, #tpu.memory_space<hbm>>
        tpu.enqueue_dma source(%dma_start3A_68 : memref<768x2048xf32, #tpu.memory_space<hbm>>) target(%dma_start3A_64 : memref<768x2048xf32, #tpu.memory_space<vmem>>) target_semaphore(%dma_start3A_60 : memref<!tpu.dma_semaphore, #tpu.memory_space<semaphore_mem>>)
      } else {
      }
      %get3A_25 = arith.constant 1 : index
      %get3A_26 = memref.load %arg5[%get3A_25] : memref<19xi32, #tpu.memory_space<smem>>
      %eq3A_27 = arith.constant 1 : i32
      %eq3A_28 = arith.cmpi eq, %get3A_26, %eq3A_27 : i32
      %convert_element_type3A_29 = arith.extui %eq3A_28 : i1 to i32
      %cond3A_30 = arith.constant 0 : i32
      %cond3A_31 = arith.cmpi ne, %convert_element_type3A_29, %cond3A_30 : i32
      scf.if %cond3A_31 {
        %get3A_32 = arith.constant 1 : index
        %get3A_33 = memref.load %arg4[%get3A_32] : memref<19xi32, #tpu.memory_space<smem>>
        %dma_start3A = arith.constant 1 : i32
        %dma_start3A_34 = arith.constant 1 : i32
        %dma_start3A_35 = tpu.memref_slice %arg15[%dma_start3A_34] : memref<3x!tpu.dma_semaphore, #tpu.memory_space<semaphore_mem>> -> memref<1x!tpu.dma_semaphore, #tpu.memory_space<semaphore_mem>>
        %dma_start3A_36 = tpu.memref_squeeze %dma_start3A_35 : memref<1x!tpu.dma_semaphore, #tpu.memory_space<semaphore_mem>> -> memref<!tpu.dma_semaphore, #tpu.memory_space<semaphore_mem>>
        %dma_start3A_37 = arith.constant 0 : i32
        %dma_start3A_38 = arith.constant 0 : i32
        %dma_start3A_39 = tpu.memref_slice %arg12[%dma_start3A, %dma_start3A_37, %dma_start3A_38] : memref<3x2048x768xf32, #tpu.memory_space<vmem>> -> memref<1x2048x768xf32, #tpu.memory_space<vmem>>
        %dma_start3A_40 = tpu.memref_squeeze %dma_start3A_39 : memref<1x2048x768xf32, #tpu.memory_space<vmem>> -> memref<2048x768xf32, #tpu.memory_space<vmem>>
        %dma_start3A_41 = arith.constant 0 : i32
        %dma_start3A_42 = arith.constant 0 : i32
        %dma_start3A_43 = tpu.memref_slice %arg8[%get3A_33, %dma_start3A_41, %dma_start3A_42] : memref<16x2048x768xf32, #tpu.memory_space<hbm>> -> memref<1x2048x768xf32, #tpu.memory_space<hbm>>
        %dma_start3A_44 = tpu.memref_squeeze %dma_start3A_43 : memref<1x2048x768xf32, #tpu.memory_space<hbm>> -> memref<2048x768xf32, #tpu.memory_space<hbm>>
        tpu.enqueue_dma source(%dma_start3A_44 : memref<2048x768xf32, #tpu.memory_space<hbm>>) target(%dma_start3A_40 : memref<2048x768xf32, #tpu.memory_space<vmem>>) target_semaphore(%dma_start3A_36 : memref<!tpu.dma_semaphore, #tpu.memory_space<semaphore_mem>>)
        %dma_start3A_45 = arith.constant 1 : i32
        %dma_start3A_46 = arith.constant 1 : i32
        %dma_start3A_47 = tpu.memref_slice %arg16[%dma_start3A_46] : memref<3x!tpu.dma_semaphore, #tpu.memory_space<semaphore_mem>> -> memref<1x!tpu.dma_semaphore, #tpu.memory_space<semaphore_mem>>
        %dma_start3A_48 = tpu.memref_squeeze %dma_start3A_47 : memref<1x!tpu.dma_semaphore, #tpu.memory_space<semaphore_mem>> -> memref<!tpu.dma_semaphore, #tpu.memory_space<semaphore_mem>>
        %dma_start3A_49 = arith.constant 0 : i32
        %dma_start3A_50 = arith.constant 0 : i32
        %dma_start3A_51 = tpu.memref_slice %arg13[%dma_start3A_45, %dma_start3A_49, %dma_start3A_50] : memref<3x2048x768xf32, #tpu.memory_space<vmem>> -> memref<1x2048x768xf32, #tpu.memory_space<vmem>>
        %dma_start3A_52 = tpu.memref_squeeze %dma_start3A_51 : memref<1x2048x768xf32, #tpu.memory_space<vmem>> -> memref<2048x768xf32, #tpu.memory_space<vmem>>
        %dma_start3A_53 = arith.constant 0 : i32
        %dma_start3A_54 = arith.constant 0 : i32
        %dma_start3A_55 = tpu.memref_slice %arg9[%get3A_33, %dma_start3A_53, %dma_start3A_54] : memref<16x2048x768xf32, #tpu.memory_space<hbm>> -> memref<1x2048x768xf32, #tpu.memory_space<hbm>>
        %dma_start3A_56 = tpu.memref_squeeze %dma_start3A_55 : memref<1x2048x768xf32, #tpu.memory_space<hbm>> -> memref<2048x768xf32, #tpu.memory_space<hbm>>
        tpu.enqueue_dma source(%dma_start3A_56 : memref<2048x768xf32, #tpu.memory_space<hbm>>) target(%dma_start3A_52 : memref<2048x768xf32, #tpu.memory_space<vmem>>) target_semaphore(%dma_start3A_48 : memref<!tpu.dma_semaphore, #tpu.memory_space<semaphore_mem>>)
        %dma_start3A_57 = arith.constant 1 : i32
        %dma_start3A_58 = arith.constant 1 : i32
        %dma_start3A_59 = tpu.memref_slice %arg17[%dma_start3A_58] : memref<3x!tpu.dma_semaphore, #tpu.memory_space<semaphore_mem>> -> memref<1x!tpu.dma_semaphore, #tpu.memory_space<semaphore_mem>>
        %dma_start3A_60 = tpu.memref_squeeze %dma_start3A_59 : memref<1x!tpu.dma_semaphore, #tpu.memory_space<semaphore_mem>> -> memref<!tpu.dma_semaphore, #tpu.memory_space<semaphore_mem>>
        %dma_start3A_61 = arith.constant 0 : i32
        %dma_start3A_62 = arith.constant 0 : i32
        %dma_start3A_63 = tpu.memref_slice %arg14[%dma_start3A_57, %dma_start3A_61, %dma_start3A_62] : memref<3x768x2048xf32, #tpu.memory_space<vmem>> -> memref<1x768x2048xf32, #tpu.memory_space<vmem>>
        %dma_start3A_64 = tpu.memref_squeeze %dma_start3A_63 : memref<1x768x2048xf32, #tpu.memory_space<vmem>> -> memref<768x2048xf32, #tpu.memory_space<vmem>>
        %dma_start3A_65 = arith.constant 0 : i32
        %dma_start3A_66 = arith.constant 0 : i32
        %dma_start3A_67 = tpu.memref_slice %arg10[%get3A_33, %dma_start3A_65, %dma_start3A_66] : memref<16x768x2048xf32, #tpu.memory_space<hbm>> -> memref<1x768x2048xf32, #tpu.memory_space<hbm>>
        %dma_start3A_68 = tpu.memref_squeeze %dma_start3A_67 : memref<1x768x2048xf32, #tpu.memory_space<hbm>> -> memref<768x2048xf32, #tpu.memory_space<hbm>>
        tpu.enqueue_dma source(%dma_start3A_68 : memref<768x2048xf32, #tpu.memory_space<hbm>>) target(%dma_start3A_64 : memref<768x2048xf32, #tpu.memory_space<vmem>>) target_semaphore(%dma_start3A_60 : memref<!tpu.dma_semaphore, #tpu.memory_space<semaphore_mem>>)
      } else {
      }
    } else {
    }
    %get3A_4 = arith.index_cast %arg0 : i32 to index
    %get3A_5 = memref.load %arg2[%get3A_4] : memref<32xi32, #tpu.memory_space<smem>>
    %eq3A_6 = arith.constant 1 : i32
    %eq3A_7 = arith.cmpi eq, %get3A_5, %eq3A_6 : i32
    %convert_element_type3A_8 = arith.extui %eq3A_7 : i1 to i32
    %cond3A_9 = arith.constant 0 : i32
    %cond3A_10 = arith.cmpi ne, %convert_element_type3A_8, %cond3A_9 : i32
    scf.if %cond3A_10 {
      %get3A_18 = arith.index_cast %arg0 : i32 to index
      %get3A_19 = memref.load %arg1[%get3A_18] : memref<32xi32, #tpu.memory_space<smem>>
      %dma_wait3A = tpu.memref_slice %arg15[%rem3A_1] : memref<3x!tpu.dma_semaphore, #tpu.memory_space<semaphore_mem>> -> memref<1x!tpu.dma_semaphore, #tpu.memory_space<semaphore_mem>>
      %dma_wait3A_20 = tpu.memref_squeeze %dma_wait3A : memref<1x!tpu.dma_semaphore, #tpu.memory_space<semaphore_mem>> -> memref<!tpu.dma_semaphore, #tpu.memory_space<semaphore_mem>>
      %dma_wait3A_21 = arith.constant 0 : i32
      %dma_wait3A_22 = arith.constant 0 : i32
      %dma_wait3A_23 = tpu.memref_slice %arg12[%rem3A_1, %dma_wait3A_21, %dma_wait3A_22] : memref<3x2048x768xf32, #tpu.memory_space<vmem>> -> memref<1x2048x768xf32, #tpu.memory_space<vmem>>
      %dma_wait3A_24 = tpu.memref_squeeze %dma_wait3A_23 : memref<1x2048x768xf32, #tpu.memory_space<vmem>> -> memref<2048x768xf32, #tpu.memory_space<vmem>>
      %dma_wait3A_25 = arith.constant 0 : i32
      %dma_wait3A_26 = arith.constant 0 : i32
      %dma_wait3A_27 = tpu.memref_slice %arg8[%get3A_19, %dma_wait3A_25, %dma_wait3A_26] : memref<16x2048x768xf32, #tpu.memory_space<hbm>> -> memref<1x2048x768xf32, #tpu.memory_space<hbm>>
      %dma_wait3A_28 = tpu.memref_squeeze %dma_wait3A_27 : memref<1x2048x768xf32, #tpu.memory_space<hbm>> -> memref<2048x768xf32, #tpu.memory_space<hbm>>
      tpu.wait_dma2 semaphore(%dma_wait3A_20 : memref<!tpu.dma_semaphore, #tpu.memory_space<semaphore_mem>>) src(%dma_wait3A_28 : memref<2048x768xf32, #tpu.memory_space<hbm>>) dst(%dma_wait3A_24 : memref<2048x768xf32, #tpu.memory_space<vmem>>)
      %dma_wait3A_29 = tpu.memref_slice %arg16[%rem3A_1] : memref<3x!tpu.dma_semaphore, #tpu.memory_space<semaphore_mem>> -> memref<1x!tpu.dma_semaphore, #tpu.memory_space<semaphore_mem>>
      %dma_wait3A_30 = tpu.memref_squeeze %dma_wait3A_29 : memref<1x!tpu.dma_semaphore, #tpu.memory_space<semaphore_mem>> -> memref<!tpu.dma_semaphore, #tpu.memory_space<semaphore_mem>>
      %dma_wait3A_31 = arith.constant 0 : i32
      %dma_wait3A_32 = arith.constant 0 : i32
      %dma_wait3A_33 = tpu.memref_slice %arg13[%rem3A_1, %dma_wait3A_31, %dma_wait3A_32] : memref<3x2048x768xf32, #tpu.memory_space<vmem>> -> memref<1x2048x768xf32, #tpu.memory_space<vmem>>
      %dma_wait3A_34 = tpu.memref_squeeze %dma_wait3A_33 : memref<1x2048x768xf32, #tpu.memory_space<vmem>> -> memref<2048x768xf32, #tpu.memory_space<vmem>>
      %dma_wait3A_35 = arith.constant 0 : i32
      %dma_wait3A_36 = arith.constant 0 : i32
      %dma_wait3A_37 = tpu.memref_slice %arg9[%get3A_19, %dma_wait3A_35, %dma_wait3A_36] : memref<16x2048x768xf32, #tpu.memory_space<hbm>> -> memref<1x2048x768xf32, #tpu.memory_space<hbm>>
      %dma_wait3A_38 = tpu.memref_squeeze %dma_wait3A_37 : memref<1x2048x768xf32, #tpu.memory_space<hbm>> -> memref<2048x768xf32, #tpu.memory_space<hbm>>
      tpu.wait_dma2 semaphore(%dma_wait3A_30 : memref<!tpu.dma_semaphore, #tpu.memory_space<semaphore_mem>>) src(%dma_wait3A_38 : memref<2048x768xf32, #tpu.memory_space<hbm>>) dst(%dma_wait3A_34 : memref<2048x768xf32, #tpu.memory_space<vmem>>)
      %dma_wait3A_39 = tpu.memref_slice %arg17[%rem3A_1] : memref<3x!tpu.dma_semaphore, #tpu.memory_space<semaphore_mem>> -> memref<1x!tpu.dma_semaphore, #tpu.memory_space<semaphore_mem>>
      %dma_wait3A_40 = tpu.memref_squeeze %dma_wait3A_39 : memref<1x!tpu.dma_semaphore, #tpu.memory_space<semaphore_mem>> -> memref<!tpu.dma_semaphore, #tpu.memory_space<semaphore_mem>>
      %dma_wait3A_41 = arith.constant 0 : i32
      %dma_wait3A_42 = arith.constant 0 : i32
      %dma_wait3A_43 = tpu.memref_slice %arg14[%rem3A_1, %dma_wait3A_41, %dma_wait3A_42] : memref<3x768x2048xf32, #tpu.memory_space<vmem>> -> memref<1x768x2048xf32, #tpu.memory_space<vmem>>
      %dma_wait3A_44 = tpu.memref_squeeze %dma_wait3A_43 : memref<1x768x2048xf32, #tpu.memory_space<vmem>> -> memref<768x2048xf32, #tpu.memory_space<vmem>>
      %dma_wait3A_45 = arith.constant 0 : i32
      %dma_wait3A_46 = arith.constant 0 : i32
      %dma_wait3A_47 = tpu.memref_slice %arg10[%get3A_19, %dma_wait3A_45, %dma_wait3A_46] : memref<16x768x2048xf32, #tpu.memory_space<hbm>> -> memref<1x768x2048xf32, #tpu.memory_space<hbm>>
      %dma_wait3A_48 = tpu.memref_squeeze %dma_wait3A_47 : memref<1x768x2048xf32, #tpu.memory_space<hbm>> -> memref<768x2048xf32, #tpu.memory_space<hbm>>
      tpu.wait_dma2 semaphore(%dma_wait3A_40 : memref<!tpu.dma_semaphore, #tpu.memory_space<semaphore_mem>>) src(%dma_wait3A_48 : memref<768x2048xf32, #tpu.memory_space<hbm>>) dst(%dma_wait3A_44 : memref<768x2048xf32, #tpu.memory_space<vmem>>)
      %add3A = arith.constant 3 : i32
      %add3A_49 = arith.addi %get3A_0, %add3A : i32
      %sub3A = arith.constant 1 : i32
      %sub3A_50 = arith.subi %add3A_49, %sub3A : i32
      %get3A_51 = arith.index_cast %sub3A_50 : i32 to index
      %get3A_52 = memref.load %arg5[%get3A_51] : memref<19xi32, #tpu.memory_space<smem>>
      %eq3A_53 = arith.constant 1 : i32
      %eq3A_54 = arith.cmpi eq, %get3A_52, %eq3A_53 : i32
      %convert_element_type3A_55 = arith.extui %eq3A_54 : i1 to i32
      %cond3A_56 = arith.constant 0 : i32
      %cond3A_57 = arith.cmpi ne, %convert_element_type3A_55, %cond3A_56 : i32
      scf.if %cond3A_57 {
        %rem3A_58 = arith.constant 3 : i32
        %rem3A_59 = arith.remsi %sub3A_50, %rem3A_58 : i32
        %get3A_60 = arith.index_cast %sub3A_50 : i32 to index
        %get3A_61 = memref.load %arg4[%get3A_60] : memref<19xi32, #tpu.memory_space<smem>>
        %dma_start3A = tpu.memref_slice %arg15[%rem3A_59] : memref<3x!tpu.dma_semaphore, #tpu.memory_space<semaphore_mem>> -> memref<1x!tpu.dma_semaphore, #tpu.memory_space<semaphore_mem>>
        %dma_start3A_62 = tpu.memref_squeeze %dma_start3A : memref<1x!tpu.dma_semaphore, #tpu.memory_space<semaphore_mem>> -> memref<!tpu.dma_semaphore, #tpu.memory_space<semaphore_mem>>
        %dma_start3A_63 = arith.constant 0 : i32
        %dma_start3A_64 = arith.constant 0 : i32
        %dma_start3A_65 = tpu.memref_slice %arg12[%rem3A_59, %dma_start3A_63, %dma_start3A_64] : memref<3x2048x768xf32, #tpu.memory_space<vmem>> -> memref<1x2048x768xf32, #tpu.memory_space<vmem>>
        %dma_start3A_66 = tpu.memref_squeeze %dma_start3A_65 : memref<1x2048x768xf32, #tpu.memory_space<vmem>> -> memref<2048x768xf32, #tpu.memory_space<vmem>>
        %dma_start3A_67 = arith.constant 0 : i32
        %dma_start3A_68 = arith.constant 0 : i32
        %dma_start3A_69 = tpu.memref_slice %arg8[%get3A_61, %dma_start3A_67, %dma_start3A_68] : memref<16x2048x768xf32, #tpu.memory_space<hbm>> -> memref<1x2048x768xf32, #tpu.memory_space<hbm>>
        %dma_start3A_70 = tpu.memref_squeeze %dma_start3A_69 : memref<1x2048x768xf32, #tpu.memory_space<hbm>> -> memref<2048x768xf32, #tpu.memory_space<hbm>>
        tpu.enqueue_dma source(%dma_start3A_70 : memref<2048x768xf32, #tpu.memory_space<hbm>>) target(%dma_start3A_66 : memref<2048x768xf32, #tpu.memory_space<vmem>>) target_semaphore(%dma_start3A_62 : memref<!tpu.dma_semaphore, #tpu.memory_space<semaphore_mem>>)
        %dma_start3A_71 = tpu.memref_slice %arg16[%rem3A_59] : memref<3x!tpu.dma_semaphore, #tpu.memory_space<semaphore_mem>> -> memref<1x!tpu.dma_semaphore, #tpu.memory_space<semaphore_mem>>
        %dma_start3A_72 = tpu.memref_squeeze %dma_start3A_71 : memref<1x!tpu.dma_semaphore, #tpu.memory_space<semaphore_mem>> -> memref<!tpu.dma_semaphore, #tpu.memory_space<semaphore_mem>>
        %dma_start3A_73 = arith.constant 0 : i32
        %dma_start3A_74 = arith.constant 0 : i32
        %dma_start3A_75 = tpu.memref_slice %arg13[%rem3A_59, %dma_start3A_73, %dma_start3A_74] : memref<3x2048x768xf32, #tpu.memory_space<vmem>> -> memref<1x2048x768xf32, #tpu.memory_space<vmem>>
        %dma_start3A_76 = tpu.memref_squeeze %dma_start3A_75 : memref<1x2048x768xf32, #tpu.memory_space<vmem>> -> memref<2048x768xf32, #tpu.memory_space<vmem>>
        %dma_start3A_77 = arith.constant 0 : i32
        %dma_start3A_78 = arith.constant 0 : i32
        %dma_start3A_79 = tpu.memref_slice %arg9[%get3A_61, %dma_start3A_77, %dma_start3A_78] : memref<16x2048x768xf32, #tpu.memory_space<hbm>> -> memref<1x2048x768xf32, #tpu.memory_space<hbm>>
        %dma_start3A_80 = tpu.memref_squeeze %dma_start3A_79 : memref<1x2048x768xf32, #tpu.memory_space<hbm>> -> memref<2048x768xf32, #tpu.memory_space<hbm>>
        tpu.enqueue_dma source(%dma_start3A_80 : memref<2048x768xf32, #tpu.memory_space<hbm>>) target(%dma_start3A_76 : memref<2048x768xf32, #tpu.memory_space<vmem>>) target_semaphore(%dma_start3A_72 : memref<!tpu.dma_semaphore, #tpu.memory_space<semaphore_mem>>)
        %dma_start3A_81 = tpu.memref_slice %arg17[%rem3A_59] : memref<3x!tpu.dma_semaphore, #tpu.memory_space<semaphore_mem>> -> memref<1x!tpu.dma_semaphore, #tpu.memory_space<semaphore_mem>>
        %dma_start3A_82 = tpu.memref_squeeze %dma_start3A_81 : memref<1x!tpu.dma_semaphore, #tpu.memory_space<semaphore_mem>> -> memref<!tpu.dma_semaphore, #tpu.memory_space<semaphore_mem>>
        %dma_start3A_83 = arith.constant 0 : i32
        %dma_start3A_84 = arith.constant 0 : i32
        %dma_start3A_85 = tpu.memref_slice %arg14[%rem3A_59, %dma_start3A_83, %dma_start3A_84] : memref<3x768x2048xf32, #tpu.memory_space<vmem>> -> memref<1x768x2048xf32, #tpu.memory_space<vmem>>
        %dma_start3A_86 = tpu.memref_squeeze %dma_start3A_85 : memref<1x768x2048xf32, #tpu.memory_space<vmem>> -> memref<768x2048xf32, #tpu.memory_space<vmem>>
        %dma_start3A_87 = arith.constant 0 : i32
        %dma_start3A_88 = arith.constant 0 : i32
        %dma_start3A_89 = tpu.memref_slice %arg10[%get3A_61, %dma_start3A_87, %dma_start3A_88] : memref<16x768x2048xf32, #tpu.memory_space<hbm>> -> memref<1x768x2048xf32, #tpu.memory_space<hbm>>
        %dma_start3A_90 = tpu.memref_squeeze %dma_start3A_89 : memref<1x768x2048xf32, #tpu.memory_space<hbm>> -> memref<768x2048xf32, #tpu.memory_space<hbm>>
        tpu.enqueue_dma source(%dma_start3A_90 : memref<768x2048xf32, #tpu.memory_space<hbm>>) target(%dma_start3A_86 : memref<768x2048xf32, #tpu.memory_space<vmem>>) target_semaphore(%dma_start3A_82 : memref<!tpu.dma_semaphore, #tpu.memory_space<semaphore_mem>>)
      } else {
      }
    } else {
    }
    %get3A_11 = arith.index_cast %arg0 : i32 to index
    %get3A_12 = memref.load %arg6[%get3A_11] : memref<32xi32, #tpu.memory_space<smem>>
    %eq3A_13 = arith.constant 1 : i32
    %eq3A_14 = arith.cmpi eq, %get3A_12, %eq3A_13 : i32
    %convert_element_type3A_15 = arith.extui %eq3A_14 : i1 to i32
    %cond3A_16 = arith.constant 0 : i32
    %cond3A_17 = arith.cmpi ne, %convert_element_type3A_15, %cond3A_16 : i32
    scf.if %cond3A_17 {
      %get3A_18 = arith.constant 0 : index
      %get3A_19 = arith.constant 0 : index
      %get3A_20 = vector.load %arg7[%get3A_18, %get3A_19] : memref<128x768xf32, #tpu.memory_space<vmem>>, vector<128x768xf32>
      %convert_element_type3A_21 = arith.truncf %get3A_20 : vector<128x768xf32> to vector<128x768xbf16>
      %get3A_22 = arith.index_cast %rem3A_1 : i32 to index
      %get3A_23 = arith.constant 0 : index
      %get3A_24 = arith.constant 0 : index
      %get3A_25 = vector.load %arg12[%get3A_22, %get3A_23, %get3A_24] : memref<3x2048x768xf32, #tpu.memory_space<vmem>>, vector<1x2048x768xf32>
      %get3A_26 = vector.shape_cast %get3A_25 : vector<1x2048x768xf32> to vector<2048x768xf32>
      %convert_element_type3A_27 = arith.truncf %get3A_26 : vector<2048x768xf32> to vector<2048x768xbf16>
      %dot_general3A = arith.constant dense<0.000000e+00> : vector<128x2048xf32>
      %dot_general3A_28 = tpu.matmul %convert_element_type3A_21, %convert_element_type3A_27, %dot_general3A {dimension_numbers = #tpu.dot_dimension_numbers<[1], [1], [0], [0], [0, 0, 1, 0], [], []>, transpose_lhs_hint = false} : vector<128x768xbf16>, vector<2048x768xbf16>, vector<128x2048xf32> -> vector<128x2048xf32>
      %get3A_29 = arith.index_cast %rem3A_1 : i32 to index
      %get3A_30 = arith.constant 0 : index
      %get3A_31 = arith.constant 0 : index
      %get3A_32 = vector.load %arg13[%get3A_29, %get3A_30, %get3A_31] : memref<3x2048x768xf32, #tpu.memory_space<vmem>>, vector<1x2048x768xf32>
      %get3A_33 = vector.shape_cast %get3A_32 : vector<1x2048x768xf32> to vector<2048x768xf32>
      %convert_element_type3A_34 = arith.truncf %get3A_33 : vector<2048x768xf32> to vector<2048x768xbf16>
      %dot_general3A_35 = arith.constant dense<0.000000e+00> : vector<128x2048xf32>
      %dot_general3A_36 = tpu.matmul %convert_element_type3A_21, %convert_element_type3A_34, %dot_general3A_35 {dimension_numbers = #tpu.dot_dimension_numbers<[1], [1], [0], [0], [0, 0, 1, 0], [], []>, transpose_lhs_hint = false} : vector<128x768xbf16>, vector<2048x768xbf16>, vector<128x2048xf32> -> vector<128x2048xf32>
      %logistic3A = arith.negf %dot_general3A_28 : vector<128x2048xf32>
      %logistic3A_37 = math.exp %logistic3A : vector<128x2048xf32>
      %logistic3A_38 = arith.constant 1.000000e+00 : f32
      %logistic3A_39 = vector.broadcast %logistic3A_38 : f32 to vector<128x2048xf32>
      %logistic3A_40 = arith.addf %logistic3A_39, %logistic3A_37 : vector<128x2048xf32>
      %logistic3A_41 = arith.divf %logistic3A_39, %logistic3A_40 : vector<128x2048xf32>
      %mul3A = arith.mulf %dot_general3A_28, %logistic3A_41 : vector<128x2048xf32>
      %mul3A_42 = arith.mulf %mul3A, %dot_general3A_36 : vector<128x2048xf32>
      %convert_element_type3A_43 = arith.truncf %mul3A_42 : vector<128x2048xf32> to vector<128x2048xbf16>
      %get3A_44 = arith.index_cast %rem3A_1 : i32 to index
      %get3A_45 = arith.constant 0 : index
      %get3A_46 = arith.constant 0 : index
      %get3A_47 = vector.load %arg14[%get3A_44, %get3A_45, %get3A_46] : memref<3x768x2048xf32, #tpu.memory_space<vmem>>, vector<1x768x2048xf32>
      %get3A_48 = vector.shape_cast %get3A_47 : vector<1x768x2048xf32> to vector<768x2048xf32>
      %convert_element_type3A_49 = arith.truncf %get3A_48 : vector<768x2048xf32> to vector<768x2048xbf16>
      %dot_general3A_50 = arith.constant dense<0.000000e+00> : vector<128x768xf32>
      %dot_general3A_51 = tpu.matmul %convert_element_type3A_43, %convert_element_type3A_49, %dot_general3A_50 {dimension_numbers = #tpu.dot_dimension_numbers<[1], [1], [0], [0], [0, 0, 1, 0], [], []>, transpose_lhs_hint = false} : vector<128x2048xbf16>, vector<768x2048xbf16>, vector<128x768xf32> -> vector<128x768xf32>
      %swap3A = arith.constant 0 : index
      %swap3A_52 = arith.constant 0 : index
      %swap3A_53 = vector.load %arg11[%swap3A, %swap3A_52] : memref<128x768xf32, #tpu.memory_space<vmem>>, vector<128x768xf32>
      tpu.vector_store %arg11[%swap3A, %swap3A_52], %dot_general3A_51 {strides = array<i32>} : memref<128x768xf32, #tpu.memory_space<vmem>>, vector<128x768xf32>,
    } else {
    }
    return
  }
  func.func @transform_0(%arg0: i32, %arg1: memref<32xi32, #tpu.memory_space<smem>>, %arg2: memref<32xi32, #tpu.memory_space<smem>>, %arg3: memref<32xi32, #tpu.memory_space<smem>>, %arg4: memref<19xi32, #tpu.memory_space<smem>>, %arg5: memref<19xi32, #tpu.memory_space<smem>>, %arg6: memref<32xi32, #tpu.memory_space<smem>>) -> (i32, i32) {
    %c0_i32 = arith.constant 0 : i32
    %c0_i32_0 = arith.constant 0 : i32
    return %arg0, %c0_i32 : i32, i32
  }
  func.func @transform_4(%arg0: i32, %arg1: memref<32xi32, #tpu.memory_space<smem>>, %arg2: memref<32xi32, #tpu.memory_space<smem>>, %arg3: memref<32xi32, #tpu.memory_space<smem>>, %arg4: memref<19xi32, #tpu.memory_space<smem>>, %arg5: memref<19xi32, #tpu.memory_space<smem>>, %arg6: memref<32xi32, #tpu.memory_space<smem>>) -> (i32, i32) {
    %c0_i32 = arith.constant 0 : i32
    %c0_i32_0 = arith.constant 0 : i32
    return %arg0, %c0_i32 : i32, i32
  }
}

</mosaic_0001>

<sc_bundles>
// kernel: kernel.10.cloned.1.call-start
scs
__scs_entry_jumppad:
0x0: {  	(pc) =	sbr.rel $0x88, $3  }
0x1: {  	(tag) =	ssettag $0x0;
	lr =	simm.s32 $0x1  }
0x2: {  	[smem:$0x3F9C] =	sst lr;
	_ =	strace $0xD0000000  }
0x3: {  	_ = 	snop  }
0x4: {  	_ = 	snop  }
0x5: {  	_ = 	snop  }
0x6: {  	_ = 	snop  }
0x7: {  	_ = 	snop  }
__scs_overlays_trampoline_lowered:
0x8: {  	[smem:$0x3FAB] =	sst s0  }
0x9: {  	[smem:$0x3FAC] =	sst s1  }
0xa: {  	[smem:$0x3FAD] =	sst s2  }
0xb: {  	[smem:$0x3FAE] =	sst s3  }
0xc: {  	[smem:$0x3FAF] =	sst s4  }
0xd: {  	[smem:$0x3FB0] =	sst s5  }
0xe: {  	[smem:$0x3FB1] =	sst s6  }
0xf: {  	[smem:$0x3FB2] =	sst s7  }
0x10: {  	[smem:$0x3FB3] =	sst s8  }
0x11: {  	[smem:$0x3FB4] =	sst s9;
	s0 =	simm.s32 @!p0 $0x0  }
0x12: {  	s1 =	sld [smem:$0x3F9A];
	s0 =	simm.s32 @p0 $0x1  }
0x13: {  	[smem:$0x3FB5] =	sst s0;
	s0 =	simm.s32 @!p1 $0x0  }
0x14: {  	s2 =	sld [smem:$0x3F99];
	s0 =	simm.s32 @p1 $0x1  }
0x15: {  	[smem:$0x3FB6] =	sst s0;
	s0 =	simm.s32 @!p2 $0x0  }
0x16: {  	s3 =	sld [smem:$0x3FDB];
	s0 =	simm.s32 @p2 $0x1  }
0x17: {  	s4 =	simm.s32 $0x1BF5;
	[smem:$0x3FB8] =	sst s0  }
0x18: {  	s0 =	sld [smem:$0x3F9B];
	_ =	swait.ge [sflag:s4], $0x0  }
0x19: {  	s7 =	sld [smem:$0x3F9C]  }
0x1a: {  	s8 =	sadd.s32 $0xFFFFE003, lr  }
0x1b: {  	s9 =	sadd.s32 $0xFFFFFEF7, lr;
	s5 =	simm.s32 $0xFFFFFFFF;
	p2 =	slt.u32 s8, $0xFFFFF086  }
0x1c: {  	p1 =	slt.u32 s9, $0xF7A;
	s5 =	simm.s32 @!p2 $0x0  }
0x1d: {  	s5 =	simm.s32 @p1 $0x1;
	p0 =	seq.s32 s7, s2  }
0x1e: {  	s7 =	smul.u32 @!p0 $0xF7A, s2;
	p2 =	seq.s32 @!p0 s5, $0x0  }
0x1f: {  	s9 =	smul.u32 $0xF7A, s1;
	s8 =	simm.s32 @!p0 $0x1BF5;
	p2 =	por !p2, p0  }
0x20: {  	[sflag:s8] =	ssyncset.s32 @!p0 $0xFFFFF086;
	s6 =	sadd.s32 @!p0 s3, s7;
	s7 =	simm.s32 @!p0 $0x108  }
0x21: {  	s3 =	sadd.s32 s3, s9;
	s6 =	sadd.s32 @!p0 $0x88, s6;
	s7 =	simm.s32 @p2 $0x1082  }
0x22: {  	[simem:s7], [sflag:s8] =	dma.local @!p0 [hbm:s6], $0xF7A  }
0x23: {  	s9 =	sor.u32 $0xD0000000, s2;
	s6 =	simm.s32 $0x108;
	_ =	swait.ge @!p0 [sflag:s8], $0x0  }
0x24: {  	s3 =	sadd.s32 $0x88, s3;
	s6 =	simm.s32 @!p1 $0x1082;
	[sflag:s4] =	ssyncset.s32 $0xFFFFF086  }
0x25: {  	[simem:s6], [sflag:s4] =	dma.local [hbm:s3], $0xF7A  }
0x26: {  	[smem:$0x3F9C] =	sst s1;
	(tag) =	ssettag s2;
	_ =	strace s9  }
0x27: {  	s1 =	sld [smem:$0x3FAC]  }
0x28: {  	s2 =	sld [smem:$0x3FAD]  }
0x29: {  	s4 =	sld [smem:$0x3FAF]  }
0x2a: {  	p0 =	seq.s32 s5, $0x0;
	s5 =	sld [smem:$0x3FB0]  }
0x2b: {  	s6 =	sld [smem:$0x3FB1]  }
0x2c: {  	s7 =	sld [smem:$0x3FB2]  }
0x2d: {  	s3 =	simm.s32 $0x108;
	s8 =	sld [smem:$0x3FB3]  }
0x2e: {  	s3 =	simm.s32 @!p0 $0x1082;
	s9 =	sld [smem:$0x3FB4]  }
0x2f: {  	lr =	sadd.s32 s0, s3;
	s0 =	sld [smem:$0x3FAB]  }
0x30: {  	s3 =	sld [smem:$0x3FAE]  }
0x31: {  	[smem:$0x3FB7] =	sst s10  }
0x32: {  	s10 =	sld [smem:$0x3FB5];
	_ =	sdelay $0x3  }
0x33: {  	p0 =	seq.s32 s10, $0x1;
	s10 =	sld [smem:$0x3FB7];
	_ =	sdelay $0x3  }
0x34: {  	[smem:$0x3FB7] =	sst s10  }
0x35: {  	s10 =	sld [smem:$0x3FB6];
	_ =	sdelay $0x3  }
0x36: {  	p1 =	seq.s32 s10, $0x1;
	s10 =	sld [smem:$0x3FB7];
	_ =	sdelay $0x3  }
0x37: {  	[smem:$0x3FB7] =	sst s10  }
0x38: {  	s10 =	sld [smem:$0x3FB8]  }
0x39: {  	_ = 	snop;
	(pc) =	sbr.ind lr, $3  }
0x3a: {  	_ = 	snop  }
0x3b: {  	_ = 	snop  }
0x3c: {  	p2 =	seq.s32 s10, $0x1;
	s10 =	sld [smem:$0x3FB7]  }
0x3d: {  	_ =	shalt  }
0x3e: {  	_ =	shalt  }
0x3f: {  	_ =	shalt  }
0x40: {  	_ =	shalt  }
0x41: {  	_ =	shalt  }
0x42: {  	_ =	shalt  }
0x43: {  	_ =	shalt  }
0x44: {  	_ =	shalt  }
0x45: {  	_ =	shalt  }
0x46: {  	_ =	shalt  }
0x47: {  	_ =	shalt  }
0x48: {  	_ =	shalt  }
0x49: {  	_ =	shalt  }
0x4a: {  	_ =	shalt  }
0x4b: {  	_ =	shalt  }
0x4c: {  	_ =	shalt  }
0x4d: {  	_ =	shalt  }
0x4e: {  	_ =	shalt  }
0x4f: {  	_ =	shalt  }
0x50: {  	_ =	shalt  }
0x51: {  	_ =	shalt  }
0x52: {  	_ =	shalt  }
0x53: {  	_ =	shalt  }
0x54: {  	_ =	shalt  }
0x55: {  	_ =	shalt  }
0x56: {  	_ =	shalt  }
0x57: {  	_ =	shalt  }
0x58: {  	_ =	shalt  }
0x59: {  	_ =	shalt  }
0x5a: {  	_ =	shalt  }
0x5b: {  	_ =	shalt  }
0x5c: {  	_ =	shalt  }
0x5d: {  	_ =	shalt  }
0x5e: {  	_ =	shalt  }
0x5f: {  	_ =	shalt  }
0x60: {  	_ =	shalt  }
0x61: {  	_ =	shalt  }
0x62: {  	_ =	shalt  }
0x63: {  	_ =	shalt  }
0x64: {  	_ =	shalt  }
0x65: {  	_ =	shalt  }
0x66: {  	_ =	shalt  }
0x67: {  	_ =	shalt  }
0x68: {  	_ =	shalt  }
0x69: {  	_ =	shalt  }
0x6a: {  	_ =	shalt  }
0x6b: {  	_ =	shalt  }
0x6c: {  	_ =	shalt  }
0x6d: {  	_ =	shalt  }
0x6e: {  	_ =	shalt  }
0x6f: {  	_ =	shalt  }
0x70: {  	_ =	shalt  }
0x71: {  	_ =	shalt  }
0x72: {  	_ =	shalt  }
0x73: {  	_ =	shalt  }
0x74: {  	_ =	shalt  }
0x75: {  	_ =	shalt  }
0x76: {  	_ =	shalt  }
0x77: {  	_ =	shalt  }
0x78: {  	_ =	shalt  }
0x79: {  	_ =	shalt  }
0x7a: {  	_ =	shalt  }
0x7b: {  	_ =	shalt  }
0x7c: {  	_ =	shalt  }
0x7d: {  	_ =	shalt  }
0x7e: {  	_ =	shalt  }
0x7f: {  	_ =	shalt  }
0x80: {  	_ =	shalt  }
0x81: {  	_ =	shalt  }
0x82: {  	_ =	shalt  }
0x83: {  	_ =	shalt  }
0x84: {  	_ =	shalt  }
0x85: {  	_ =	shalt  }
0x86: {  	_ =	shalt  }
0x87: {  	_ =	shalt  }
.Lfunc_end0:
.L_simem_size_0:
called_computation.1_lowered:
.L_overlay_start_0:
0x88: {  	s2 =	sld [smem:$0x3FD9]  }
0x89: {  	s3 =	sld [smem:$0x3FFE];
	_ =	sdelay $0x1  }
0x8a: {  	s1 =	srdreg.scid  }
0x8b: {  	s0 =	sand.u32 $0x1, s1  }
0x8c: {  	s17 =	sshll.u32 s0, $0xA;
	s2 =	sadd.s32 s3, s2  }
0x8d: {  	s2 =	sadd.s32 s2, s17  }
0x8e: {  	[smem:$0x3FC3] =	sst s2  }
0x8f: {  	_ = 	snop  }
0x90: {  	s2 =	sld [smem:$0x3FC9]  }
0x91: {  	s18 =	sld [smem:$0x3FD0];
	(tm) =	ssettm $0x1  }
0x92: {  	s4 =	sld [smem:$0x3FFB];
	_ =	sdelay $0x3  }
0x93: {  	_ =	strace s4  }
0x94: {  	s4 =	sld [smem:$0x3FFC];
	_ =	sdelay $0x3  }
0x95: {  	_ =	strace s4  }
0x96: {  	s4 =	sld [smem:$0x3FFD];
	_ =	sdelay $0x3  }
0x97: {  	_ =	strace s4  }
0x98: {  	_ =	strace $0x8FFFFFFF  }
0x99: {  	s19 =	sld [smem:$0x3FDB];
	_ =	sdelay $0x1  }
0x9a: {  	s5 =	simm.s32 $_scs_section_size  }
0x9b: {  	s6 =	simm.s32 $_size__tile_overlayer_lowered;
	s7 =	simm.s32 $_tile_overlayer_lowered  }
0x9c: {  	s22 =	simm.s32 $0x1BFF;
	s21 =	sshll.u32 s7, $0x1;
	s4 =	sadd.s32 s5, s19  }
0x9d: {  	s8 =	simm.s32 $0x0;
	s20 =	sshll.u32 s6, $0x1;
	s6 =	sadd.s32 s21, s4  }
0x9e: {  	[timem:s8], [sflag:s22] =	dma.local [hbm:s6], s20  }
0x9f: {  	_ =	swait.ge [sflag:s22], s20  }
0xa0: {  	s5 =	ssub.s32 $0x0, s20;
	[sflag:s22] =	ssyncset.done $0x0  }
0xa1: {  	[sflag:s22] =	ssyncadd.s32 s5;
	_ =	sdelay $0x1  }
0xa2: {  	s23 =	simm.s32 $0x1B8B  }
0xa3: {  	_ =	swait.ge [sflag:s23], $0x1  }
0xa4: {  	[sflag:s23] =	ssyncset.done $0x0  }
0xa5: {  	s25 =	simm.s32 $0x1B8E;
	s24 =	sld [smem:$0x3FFE];
	[sflag:s23] =	ssyncadd.s32 $0xFFFFFFFF  }
0xa6: {  	s26 =	simm.s32 $execute0_lowered;
	[smem:$0x3FD2] =	sst s25  }
0xa7: {  	s6 =	sshll.u32 s26, $0x1;
	_ =	strace $0x80000049;
	[dreg:$0x1] =	wrdreg $0xFFFFFFFF  }
0xa8: {  	s28 =	simm.s32 $_size_execute0_lowered;
	s4 =	sadd.s32 s4, s6;
	[dreg:$0x0] =	wrdreg $0x0  }
0xa9: {  	s6 =	sshll.u32 s28, $0x1;
	[dreg:$0x2] =	wrdreg s4  }
0xaa: {  	[dreg:$0x3] =	wrdreg s6  }
0xab: {  	[dreg:$0x4] =	wrdreg $0xC0  }
0xac: {  	_ =	task [dreg:s8], $0x5FFFF  }
0xad: {  	[dreg:$0x1] =	wrdreg $0xFFFFFFFF  }
0xae: {  	[dreg:$0x0] =	wrdreg $0x60  }
0xaf: {  	[dreg:$0x2] =	wrdreg s2  }
0xb0: {  	[dreg:$0x3] =	wrdreg s24  }
0xb1: {  	[dreg:$0x4] =	wrdreg s18  }
0xb2: {  	[dreg:$0x5] =	wrdreg $0x9  }
0xb3: {  	_ =	task.clear_ibuf [dreg:s8], $0x6FFFF;
	_ =	strace $0x90000049  }
0xb4: {  	s29 =	simm.s32 $0x9;
	_ =	strace $0x8000004B  }
0xb5: {  	_ =	swait.ge [sflag:s29], $0x1  }
0xb6: {  	[sflag:s29] =	ssyncadd.s32 $0xFFFFFFFF  }
0xb7: {  	_ =	strace $0x9000004B  }
0xb8: {  	_ =	sfence  }
0xb9: {  	s30 =	sld [smem:$0x0];
	_ =	sdelay $0x2  }
0xba: {  	s31 =	sshll.u32 s1, $0xD;
	s1 =	sshrl.u32 s1, $0x2  }
0xbb: {  	s3 =	sand.u32 $0x4000, s31;
	s1 =	sadd.s32 s1, s30  }
0xbc: {  	s0 =	sor.u32 s3, s0;
	s1 =	sshll.u32 s1, $0x11  }
0xbd: {  	s0 =	sor.u32 s1, s0  }
0xbe: {  	s0 =	sadd.s32 $0x8F2B, s0  }
0xbf: {  	[sflag:s0] =	ssyncadd.remote.s32 $0x1  }
0xc0: {  	_ =	sfence.sel $0xFFFF  }
0xc1: {  	[dreg:$0x0] =	wrdreg $0xFFFFFFFF;
	(pc) =	sbr.abs _section_cstart, $3  }
0xc2: {  	[dreg:$0x1] =	wrdreg $0xFFFFFFFF  }
0xc3: {  	_ =	task.clear_ibuf [dreg:s8], $0x2FFFF;
	_ =	strace $0x9FFFFFFF  }
0xc4: {  	(tm) =	ssettm $0x7FFFFFFF  }
0xc5: {  	_ =	shalt  }
tec
execute0_lowered:
.L_overlay_start_1:
0x0: {  	(tag) =	ssettag $0x1  }
0x1: {  	s1 =	rddreg [dreg:$0x0]  }
0x2: {  	s2 =	srdreg.scid;
	s6 =	rddreg [dreg:$0x1]  }
0x3: {  	s0 =	stileid.u32;
	s7 =	rddreg [dreg:$0x2];
	s22 =	simm.s32 $0x80  }
0x4: {  	s23 =	simm.s32 $0xA00;
	s24 =	simm.s32 $0x1200;
	s25 =	simm.s32 $0x1A00  }
0x5: {  	s26 =	simm.s32 $0x2200;
	s12 =	simm.s32 $0x3200;
	s13 =	simm.s32 $0x3A00  }
0x6: {  	s14 =	simm.s32 $0x4200;
	s15 =	simm.s32 $0x4A00;
	s16 =	simm.s32 $0x5200  }
0x7: {  	s17 =	simm.s32 $0x5A00;
	s28 =	simm.s32 $0xAA00;
	s29 =	simm.s32 $0xB200  }
0x8: {  	s30 =	simm.s32 $0xBA00;
	s5 =	sand.u32 $0x1, s2;
	s2 =	simm.s32 $0x0  }
0x9: {  	s31 =	simm.s32 $0x1;
	s18 =	sshll.u32 s0, $0x1;
	[smem:$0x7FF] =	sst s2  }
0xa: {  	s4 =	sadd.s32 $0xA00, s6;
	_ =	strace $0x8000004A;
	[dreg:$0x8] =	wrdreg s22  }
0xb: {  	s8 =	sor.u32 s5, s18;
	s5 =	ssub.s32 $0x2, s5;
	[dreg:$0x9] =	wrdreg s23  }
0xc: {  	s18 =	simm.s32 $0x6200;
	s3 =	sshll.u32 s8, $0x3;
	[dreg:$0xa] =	wrdreg s24  }
0xd: {  	s10 =	sshll.u32 s8, $0x4;
	s8 =	smul.u32 $0x1800, s8;
	[dreg:$0xb] =	wrdreg s25  }
0xe: {  	s20 =	sshrl.u32 s5, $0x1;
	[dreg:$0xc] =	wrdreg s26;
	s22 =	simm.s32 $0x8200  }
0xf: {  	s23 =	simm.s32 $0x8A00;
	s24 =	simm.s32 $0x9200;
	s25 =	simm.s32 $0x9A00  }
0x10: {  	s26 =	simm.s32 $0xA200;
	s3 =	sadd.s32 s6, s3;
	s7 =	sadd.s32 s7, s10  }
0x11: {  	s21 =	ssub.s32 s5, s20;
	s5 =	sadd.s32 $0xB00, s6;
	s6 =	sadd.s32 $0xC00, s6  }
0x12: {  	s10 =	simm.s32 $0x200;
	s9 =	sadd.s32 $0x200, s3;
	[dreg:$0x6] =	wrdreg s7  }
0x13: {  	s20 =	simm.s32 $0x7200;
	s19 =	sadd.s32 $0x400, s3;
	[dreg:$0x4] =	wrdreg s9  }
0x14: {  	v2 =	vlaneseq.u32;
	s1 =	sadd.s32 s1, s8;
	s7 =	smax.u32 s21, $0x1;
	[dreg:$0x5] =	wrdreg s19  }
0x15: {  	vm0 =	vmmov $0xffff;
	v1 =	vshrl.u32 v2, $0x3;
	s8 =	simm.s32 $0x2;
	s21 =	simm.s32 $0x7A00;
	[dreg:$0x7] =	wrdreg s1  }
0x16: {  	v0 =	vand.u32 $0x7, v2;
	v2 =	vor.u32 $0x8, v2;
	v1 =	vmul.u32 $0x8, v1;
	s9 =	simm.s32 $0x180;
	s19 =	simm.s32 $0x6A00;
	s1 =	simm.s32 $0x100  }
.LBB2_1:
0x17: {  	s0 =	rddreg [dreg:$0x4]  }
0x18: {  	[tilespmem:s2], [sflag:$0x2] =	stream.linear.gather [hbm4b:s0+s2], $0x40, $0x38;
	[tilespmem:$0xC200] =	vst v63  }
0x19: {  	_ =	swait.ge [sflag:s8], $0x40  }
0x1a: {  	s0 =	rddreg [dreg:$0x5];
	[sflag:s8] =	ssyncset.done $0x0  }
0x1b: {  	s11 =	rddreg [dreg:$0x8];
	[sflag:s8] =	ssyncadd.s32 $0xFFFFFFC0  }
0x1c: {  	[tilespmem:s11], [sflag:$0x2] =	stream.linear.gather [hbm4b:s0+s2], $0x40, $0x38;
	[tilespmem:$0xC200] =	vst v63  }
0x1d: {  	_ =	swait.ge [sflag:s8], $0x40  }
0x1e: {  	[sflag:s8] =	ssyncset.done $0x0  }
0x1f: {  	s11 =	rddreg [dreg:$0x6];
	[sflag:s8] =	ssyncadd.s32 $0xFFFFFFC0  }
0x20: {  	[tilespmem:s9], [sflag:$0x2] =	stream.linear.gather [hbm4b:s11+s2], $0x80, $0x38;
	[tilespmem:$0xC200] =	vst v63  }
0x21: {  	_ =	swait.ge [sflag:s8], $0x80  }
0x22: {  	[sflag:s8] =	ssyncset.done $0x0  }
0x23: {  	[sflag:s8] =	ssyncadd.s32 $0xFFFFFF80  }
0x24: {  	v3 =	vld [tilespmem:$0x0];
	_ =	sdelay $0x5  }
0x25: {  	v4 =	vld [tilespmem:$0x10]  }
0x26: {  	v5 =	vld [tilespmem:$0x80]  }
0x27: {  	v3 =	vld.idx.msk [tilespmem:v3+s9+$0x0], $0xffff;
	_ =	sdelay $0x4  }
0x28: {  	v55 =	vld [tilespmem:$0x20];
	v3 =	vadd.s32 v3, v5  }
0x29: {  	v56 =	vld [tilespmem:$0x90];
	[tilespmem:$0x100] =	vst v3  }
0x2a: {  	v3 =	vld.idx.msk [tilespmem:v4+s9+$0x0], $0xffff;
	_ =	sdelay $0x4  }
0x2b: {  	v57 =	vld [tilespmem:$0x30];
	v3 =	vadd.s32 v3, v56  }
0x2c: {  	v58 =	vld [tilespmem:$0xA0];
	[tilespmem:$0x110] =	vst v3  }
0x2d: {  	v3 =	vld.idx.msk [tilespmem:v55+s9+$0x0], $0xffff;
	_ =	sdelay $0x4  }
0x2e: {  	v3 =	vadd.s32 v3, v58  }
0x2f: {  	v59 =	vld [tilespmem:$0xB0];
	[tilespmem:$0x120] =	vst v3  }
0x30: {  	v3 =	vld.idx.msk [tilespmem:v57+s9+$0x0], $0xffff;
	_ =	sdelay $0x4  }
0x31: {  	v3 =	vadd.s32 v3, v59  }
0x32: {  	s11 =	rddreg [dreg:$0x7];
	[tilespmem:$0x130] =	vst v3  }
0x33: {  	[tilespmem:s10], [sflag:$0x2] =	stream.linear.gather [hbm4b:s11+s2], $0xC000, $0x38;
	[tilespmem:$0xC200] =	vst v63  }
0x34: {  	_ =	swait.ge [sflag:s8], $0xC000  }
0x35: {  	[sflag:s8] =	ssyncset.done $0x0  }
0x36: {  	[sflag:s8] =	ssyncadd.s32 $0xFFFF4000  }
0x37: {  	v3 =	vld [tilespmem:$0x100];
	_ =	sdelay $0x4  }
0x38: {  	v60 =	vshrl.u32 v3, $0x3  }
0x39: {  	v4 =	vmul.u32 $0x30, v60  }
0x3a: {  	v3 =	vand.u32 $0x7, v3  }
0x3b: {  	v3 =	vor.u32 v3, v4  }
0x3c: {  	v4 =	vperm.xlane v3, v0;
	_ =	sdelay $0x1  }
0x3d: {  	v4 =	vadd.s32 v1, v4;
	_ =	sdelay $0x3  }
0x3e: {  	v3 =	vperm.xlane v3, v2  }
0x3f: {  	[hbm4b:s4+s2] =	stream.indirect_vreg.scatter [tilespmem:s10], [sflag:$0x1], $0x80, v4, vm0, $0xb8;
	[tilespmem:$0xC200] =	vst v63  }
0x40: {  	s0 =	rddreg [dreg:$0x9];
	v3 =	vadd.s32 v1, v3  }
0x41: {  	[hbm4b:s5+s2] =	stream.indirect_vreg.scatter [tilespmem:s0], [sflag:$0x1], $0x80, v4, vm0, $0xb8;
	[tilespmem:$0xC200] =	vst v63  }
0x42: {  	s11 =	rddreg [dreg:$0xa]  }
0x43: {  	[hbm4b:s6+s2] =	stream.indirect_vreg.scatter [tilespmem:s11], [sflag:$0x1], $0x80, v4, vm0, $0xb8;
	[tilespmem:$0xC200] =	vst v63  }
0x44: {  	s0 =	rddreg [dreg:$0xb]  }
0x45: {  	[hbm4b:s4+s2] =	stream.indirect_vreg.scatter [tilespmem:s0], [sflag:$0x1], $0x80, v3, vm0, $0xb8;
	[tilespmem:$0xC200] =	vst v63  }
0x46: {  	s11 =	rddreg [dreg:$0xc]  }
0x47: {  	[hbm4b:s5+s2] =	stream.indirect_vreg.scatter [tilespmem:s11], [sflag:$0x1], $0x80, v3, vm0, $0xb8;
	[tilespmem:$0xC200] =	vst v63  }
0x48: {  	s11 =	simm.s32 $0x2A00  }
0x49: {  	[hbm4b:s6+s2] =	stream.indirect_vreg.scatter [tilespmem:s11], [sflag:$0x1], $0x80, v3, vm0, $0xb8;
	[tilespmem:$0xC200] =	vst v63  }
0x4a: {  	v3 =	vld [tilespmem:$0x110];
	_ =	sdelay $0x4  }
0x4b: {  	v61 =	vshrl.u32 v3, $0x3  }
0x4c: {  	v4 =	vmul.u32 $0x30, v61  }
0x4d: {  	v3 =	vand.u32 $0x7, v3  }
0x4e: {  	v3 =	vor.u32 v3, v4  }
0x4f: {  	v4 =	vperm.xlane v3, v0;
	_ =	sdelay $0x1  }
0x50: {  	v4 =	vadd.s32 v1, v4;
	_ =	sdelay $0x3  }
0x51: {  	v3 =	vperm.xlane v3, v2  }
0x52: {  	[hbm4b:s4+s2] =	stream.indirect_vreg.scatter [tilespmem:s12], [sflag:$0x1], $0x80, v4, vm0, $0xb8;
	[tilespmem:$0xC200] =	vst v63  }
0x53: {  	v3 =	vadd.s32 v1, v3  }
0x54: {  	[hbm4b:s5+s2] =	stream.indirect_vreg.scatter [tilespmem:s13], [sflag:$0x1], $0x80, v4, vm0, $0xb8;
	[tilespmem:$0xC200] =	vst v63  }
0x55: {  	_ = 	snop  }
0x56: {  	[hbm4b:s6+s2] =	stream.indirect_vreg.scatter [tilespmem:s14], [sflag:$0x1], $0x80, v4, vm0, $0xb8;
	[tilespmem:$0xC200] =	vst v63  }
0x57: {  	_ = 	snop  }
0x58: {  	[hbm4b:s4+s2] =	stream.indirect_vreg.scatter [tilespmem:s15], [sflag:$0x1], $0x80, v3, vm0, $0xb8;
	[tilespmem:$0xC200] =	vst v63  }
0x59: {  	_ = 	snop  }
0x5a: {  	[hbm4b:s5+s2] =	stream.indirect_vreg.scatter [tilespmem:s16], [sflag:$0x1], $0x80, v3, vm0, $0xb8;
	[tilespmem:$0xC200] =	vst v63  }
0x5b: {  	_ = 	snop  }
0x5c: {  	[hbm4b:s6+s2] =	stream.indirect_vreg.scatter [tilespmem:s17], [sflag:$0x1], $0x80, v3, vm0, $0xb8;
	[tilespmem:$0xC200] =	vst v63  }
0x5d: {  	v3 =	vld [tilespmem:$0x120];
	_ =	sdelay $0x4  }
0x5e: {  	v62 =	vshrl.u32 v3, $0x3  }
0x5f: {  	v4 =	vmul.u32 $0x30, v62  }
0x60: {  	v3 =	vand.u32 $0x7, v3  }
0x61: {  	v3 =	vor.u32 v3, v4  }
0x62: {  	v4 =	vperm.xlane v3, v0;
	_ =	sdelay $0x1  }
0x63: {  	v4 =	vadd.s32 v1, v4;
	_ =	sdelay $0x3  }
0x64: {  	v3 =	vperm.xlane v3, v2  }
0x65: {  	[hbm4b:s4+s2] =	stream.indirect_vreg.scatter [tilespmem:s18], [sflag:$0x1], $0x80, v4, vm0, $0xb8;
	[tilespmem:$0xC200] =	vst v63  }
0x66: {  	v3 =	vadd.s32 v1, v3  }
0x67: {  	[hbm4b:s5+s2] =	stream.indirect_vreg.scatter [tilespmem:s19], [sflag:$0x1], $0x80, v4, vm0, $0xb8;
	[tilespmem:$0xC200] =	vst v63  }
0x68: {  	_ = 	snop  }
0x69: {  	[hbm4b:s6+s2] =	stream.indirect_vreg.scatter [tilespmem:s20], [sflag:$0x1], $0x80, v4, vm0, $0xb8;
	[tilespmem:$0xC200] =	vst v63  }
0x6a: {  	_ = 	snop  }
0x6b: {  	[hbm4b:s4+s2] =	stream.indirect_vreg.scatter [tilespmem:s21], [sflag:$0x1], $0x80, v3, vm0, $0xb8;
	[tilespmem:$0xC200] =	vst v63  }
0x6c: {  	_ = 	snop  }
0x6d: {  	[hbm4b:s5+s2] =	stream.indirect_vreg.scatter [tilespmem:s22], [sflag:$0x1], $0x80, v3, vm0, $0xb8;
	[tilespmem:$0xC200] =	vst v63  }
0x6e: {  	_ = 	snop  }
0x6f: {  	[hbm4b:s6+s2] =	stream.indirect_vreg.scatter [tilespmem:s23], [sflag:$0x1], $0x80, v3, vm0, $0xb8;
	[tilespmem:$0xC200] =	vst v63  }
0x70: {  	v3 =	vld [tilespmem:$0x130];
	_ =	sdelay $0x4  }
0x71: {  	v63 =	vshrl.u32 v3, $0x3  }
0x72: {  	v4 =	vmul.u32 $0x30, v63  }
0x73: {  	v3 =	vand.u32 $0x7, v3  }
0x74: {  	v3 =	vor.u32 v3, v4  }
0x75: {  	v4 =	vperm.xlane v3, v0;
	_ =	sdelay $0x1  }
0x76: {  	v4 =	vadd.s32 v1, v4;
	_ =	sdelay $0x3  }
0x77: {  	v3 =	vperm.xlane v3, v2  }
0x78: {  	[hbm4b:s4+s2] =	stream.indirect_vreg.scatter [tilespmem:s24], [sflag:$0x1], $0x80, v4, vm0, $0xb8;
	[tilespmem:$0xC200] =	vst v63  }
0x79: {  	v3 =	vadd.s32 v1, v3  }
0x7a: {  	[hbm4b:s5+s2] =	stream.indirect_vreg.scatter [tilespmem:s25], [sflag:$0x1], $0x80, v4, vm0, $0xb8;
	[tilespmem:$0xC200] =	vst v63  }
0x7b: {  	_ = 	snop  }
0x7c: {  	[hbm4b:s6+s2] =	stream.indirect_vreg.scatter [tilespmem:s26], [sflag:$0x1], $0x80, v4, vm0, $0xb8;
	[tilespmem:$0xC200] =	vst v63  }
0x7d: {  	_ = 	snop  }
0x7e: {  	[hbm4b:s4+s2] =	stream.indirect_vreg.scatter [tilespmem:s28], [sflag:$0x1], $0x80, v3, vm0, $0xb8;
	[tilespmem:$0xC200] =	vst v63  }
0x7f: {  	_ = 	snop  }
0x80: {  	[hbm4b:s5+s2] =	stream.indirect_vreg.scatter [tilespmem:s29], [sflag:$0x1], $0x80, v3, vm0, $0xb8;
	[tilespmem:$0xC200] =	vst v63  }
0x81: {  	_ = 	snop  }
0x82: {  	[hbm4b:s6+s2] =	stream.indirect_vreg.scatter [tilespmem:s30], [sflag:$0x1], $0x80, v3, vm0, $0xb8;
	[tilespmem:$0xC200] =	vst v63  }
0x83: {  	_ =	swait.ge [sflag:s31], $0xC000  }
0x84: {  	p0 =	sne.s32 s7, $0x1;
	[sflag:s31] =	ssyncset.done $0x0  }
.Ltmp0:
0x85: {  	[sflag:s31] =	ssyncadd.s32 $0xFFFF4000;
	(pc) =	sbr.rel @p0 .LBB2_1-.Ltmp0, $4  }
0x86: {  	[hbm4b:s3+s2] =	stream.linear.scatter [tilespmem:s1], [sflag:$0x2], $0x40, $0x38;
	[tilespmem:$0xC200] =	vst v63  }
0x87: {  	_ =	swait.ge [sflag:s8], $0x40  }
0x88: {  	[sflag:s8] =	ssyncset.done $0x0  }
0x89: {  	s7 =	sadd.s32 $0xFFFFFFFF, s7;
	[sflag:s8] =	ssyncadd.s32 $0xFFFFFFC0  }
0x8a: {  	_ =	sfence.sel $0x180000  }
0x8b: {  	[bflag:$0x0] =	sbarrier.arrive $0xFFFF  }
0x8c: {  	_ =	strace $0x9000004A  }
0x8d: {  	s0 =	stileid.u32;
	[bflag:$0x2] =	sbarrier.arrive $0xFFFF  }
0x8e: {  	p0 =	sne.s32 s0, $0x0;
	s0 =	rddreg [dreg:$0x3]  }
0x8f: {  	s0 =	sadd.s32 @!p0 $0x100000, s0  }
0x90: {  	[sflag:s0] =	ssyncadd.tile.s32 @!p0 $0x1;
	_ =	shalt  }
.Lfunc_end2:
_tile_overlayer_lowered:
.L_overlay_start_2:
0x91: {  	(tag) =	ssettag $0x2  }
0x92: {  	s0 =	rddreg [dreg:$0x0];
	s2 =	stileid.u32  }
0x93: {  	s1 =	rddreg [dreg:$0x1];
	p0 =	sne.s32 s2, $0x0  }
0x94: {  	s3 =	rddreg [dreg:$0x2];
	[bflag:$0x3] =	sbarrier.arrive $0xFFFF;
	s2 =	simm.s32 @!p0 $0x1C02  }
0x95: {  	[timem:s3], [sflag:s2] =	dma.local @!p0 [hbm:s0], s1  }
0x96: {  	s0 =	simm.s32 @!p0 $0x2  }
0x97: {  	_ =	swait.ge @!p0 [sflag:s0], s1  }
0x98: {  	s1 =	ssub.s32 @!p0 $0x0, s1;
	[sflag:s0] =	ssyncset.done @!p0 $0x0  }
0x99: {  	[sflag:s0] =	ssyncadd.s32 @!p0 s1  }
0x9a: {  	[bflag:$0x3] =	sbarrier.arrive $0xFFFF  }
0x9b: {  	_ =	shalt  }

// kernel: kernel.13.cloned.1.call-start
scs
__scs_entry_jumppad:
0x0: {  	(pc) =	sbr.rel $0x88, $3  }
0x1: {  	(tag) =	ssettag $0x0;
	lr =	simm.s32 $0x1  }
0x2: {  	[smem:$0x3F9C] =	sst lr;
	_ =	strace $0xD0000000  }
0x3: {  	_ = 	snop  }
0x4: {  	_ = 	snop  }
0x5: {  	_ = 	snop  }
0x6: {  	_ = 	snop  }
0x7: {  	_ = 	snop  }
__scs_overlays_trampoline_lowered:
0x8: {  	[smem:$0x3FAB] =	sst s0  }
0x9: {  	[smem:$0x3FAC] =	sst s1  }
0xa: {  	[smem:$0x3FAD] =	sst s2  }
0xb: {  	[smem:$0x3FAE] =	sst s3  }
0xc: {  	[smem:$0x3FAF] =	sst s4  }
0xd: {  	[smem:$0x3FB0] =	sst s5  }
0xe: {  	[smem:$0x3FB1] =	sst s6  }
0xf: {  	[smem:$0x3FB2] =	sst s7  }
0x10: {  	[smem:$0x3FB3] =	sst s8  }
0x11: {  	[smem:$0x3FB4] =	sst s9;
	s0 =	simm.s32 @!p0 $0x0  }
0x12: {  	s1 =	sld [smem:$0x3F9A];
	s0 =	simm.s32 @p0 $0x1  }
0x13: {  	[smem:$0x3FB5] =	sst s0;
	s0 =	simm.s32 @!p1 $0x0  }
0x14: {  	s2 =	sld [smem:$0x3F99];
	s0 =	simm.s32 @p1 $0x1  }
0x15: {  	[smem:$0x3FB6] =	sst s0;
	s0 =	simm.s32 @!p2 $0x0  }
0x16: {  	s3 =	sld [smem:$0x3FDB];
	s0 =	simm.s32 @p2 $0x1  }
0x17: {  	s4 =	simm.s32 $0x1BF5;
	[smem:$0x3FB8] =	sst s0  }
0x18: {  	s0 =	sld [smem:$0x3F9B];
	_ =	swait.ge [sflag:s4], $0x0  }
0x19: {  	s7 =	sld [smem:$0x3F9C]  }
0x1a: {  	s8 =	sadd.s32 $0xFFFFE003, lr  }
0x1b: {  	s9 =	sadd.s32 $0xFFFFFEF7, lr;
	s5 =	simm.s32 $0xFFFFFFFF;
	p2 =	slt.u32 s8, $0xFFFFF086  }
0x1c: {  	p1 =	slt.u32 s9, $0xF7A;
	s5 =	simm.s32 @!p2 $0x0  }
0x1d: {  	s5 =	simm.s32 @p1 $0x1;
	p0 =	seq.s32 s7, s2  }
0x1e: {  	s7 =	smul.u32 @!p0 $0xF7A, s2;
	p2 =	seq.s32 @!p0 s5, $0x0  }
0x1f: {  	s9 =	smul.u32 $0xF7A, s1;
	s8 =	simm.s32 @!p0 $0x1BF5;
	p2 =	por !p2, p0  }
0x20: {  	[sflag:s8] =	ssyncset.s32 @!p0 $0xFFFFF086;
	s6 =	sadd.s32 @!p0 s3, s7;
	s7 =	simm.s32 @!p0 $0x108  }
0x21: {  	s3 =	sadd.s32 s3, s9;
	s6 =	sadd.s32 @!p0 $0x88, s6;
	s7 =	simm.s32 @p2 $0x1082  }
0x22: {  	[simem:s7], [sflag:s8] =	dma.local @!p0 [hbm:s6], $0xF7A  }
0x23: {  	s9 =	sor.u32 $0xD0000000, s2;
	s6 =	simm.s32 $0x108;
	_ =	swait.ge @!p0 [sflag:s8], $0x0  }
0x24: {  	s3 =	sadd.s32 $0x88, s3;
	s6 =	simm.s32 @!p1 $0x1082;
	[sflag:s4] =	ssyncset.s32 $0xFFFFF086  }
0x25: {  	[simem:s6], [sflag:s4] =	dma.local [hbm:s3], $0xF7A  }
0x26: {  	[smem:$0x3F9C] =	sst s1;
	(tag) =	ssettag s2;
	_ =	strace s9  }
0x27: {  	s1 =	sld [smem:$0x3FAC]  }
0x28: {  	s2 =	sld [smem:$0x3FAD]  }
0x29: {  	s4 =	sld [smem:$0x3FAF]  }
0x2a: {  	p0 =	seq.s32 s5, $0x0;
	s5 =	sld [smem:$0x3FB0]  }
0x2b: {  	s6 =	sld [smem:$0x3FB1]  }
0x2c: {  	s7 =	sld [smem:$0x3FB2]  }
0x2d: {  	s3 =	simm.s32 $0x108;
	s8 =	sld [smem:$0x3FB3]  }
0x2e: {  	s3 =	simm.s32 @!p0 $0x1082;
	s9 =	sld [smem:$0x3FB4]  }
0x2f: {  	lr =	sadd.s32 s0, s3;
	s0 =	sld [smem:$0x3FAB]  }
0x30: {  	s3 =	sld [smem:$0x3FAE]  }
0x31: {  	[smem:$0x3FB7] =	sst s10  }
0x32: {  	s10 =	sld [smem:$0x3FB5];
	_ =	sdelay $0x3  }
0x33: {  	p0 =	seq.s32 s10, $0x1;
	s10 =	sld [smem:$0x3FB7];
	_ =	sdelay $0x3  }
0x34: {  	[smem:$0x3FB7] =	sst s10  }
0x35: {  	s10 =	sld [smem:$0x3FB6];
	_ =	sdelay $0x3  }
0x36: {  	p1 =	seq.s32 s10, $0x1;
	s10 =	sld [smem:$0x3FB7];
	_ =	sdelay $0x3  }
0x37: {  	[smem:$0x3FB7] =	sst s10  }
0x38: {  	s10 =	sld [smem:$0x3FB8]  }
0x39: {  	_ = 	snop;
	(pc) =	sbr.ind lr, $3  }
0x3a: {  	_ = 	snop  }
0x3b: {  	_ = 	snop  }
0x3c: {  	p2 =	seq.s32 s10, $0x1;
	s10 =	sld [smem:$0x3FB7]  }
0x3d: {  	_ =	shalt  }
0x3e: {  	_ =	shalt  }
0x3f: {  	_ =	shalt  }
0x40: {  	_ =	shalt  }
0x41: {  	_ =	shalt  }
0x42: {  	_ =	shalt  }
0x43: {  	_ =	shalt  }
0x44: {  	_ =	shalt  }
0x45: {  	_ =	shalt  }
0x46: {  	_ =	shalt  }
0x47: {  	_ =	shalt  }
0x48: {  	_ =	shalt  }
0x49: {  	_ =	shalt  }
0x4a: {  	_ =	shalt  }
0x4b: {  	_ =	shalt  }
0x4c: {  	_ =	shalt  }
0x4d: {  	_ =	shalt  }
0x4e: {  	_ =	shalt  }
0x4f: {  	_ =	shalt  }
0x50: {  	_ =	shalt  }
0x51: {  	_ =	shalt  }
0x52: {  	_ =	shalt  }
0x53: {  	_ =	shalt  }
0x54: {  	_ =	shalt  }
0x55: {  	_ =	shalt  }
0x56: {  	_ =	shalt  }
0x57: {  	_ =	shalt  }
0x58: {  	_ =	shalt  }
0x59: {  	_ =	shalt  }
0x5a: {  	_ =	shalt  }
0x5b: {  	_ =	shalt  }
0x5c: {  	_ =	shalt  }
0x5d: {  	_ =	shalt  }
0x5e: {  	_ =	shalt  }
0x5f: {  	_ =	shalt  }
0x60: {  	_ =	shalt  }
0x61: {  	_ =	shalt  }
0x62: {  	_ =	shalt  }
0x63: {  	_ =	shalt  }
0x64: {  	_ =	shalt  }
0x65: {  	_ =	shalt  }
0x66: {  	_ =	shalt  }
0x67: {  	_ =	shalt  }
0x68: {  	_ =	shalt  }
0x69: {  	_ =	shalt  }
0x6a: {  	_ =	shalt  }
0x6b: {  	_ =	shalt  }
0x6c: {  	_ =	shalt  }
0x6d: {  	_ =	shalt  }
0x6e: {  	_ =	shalt  }
0x6f: {  	_ =	shalt  }
0x70: {  	_ =	shalt  }
0x71: {  	_ =	shalt  }
0x72: {  	_ =	shalt  }
0x73: {  	_ =	shalt  }
0x74: {  	_ =	shalt  }
0x75: {  	_ =	shalt  }
0x76: {  	_ =	shalt  }
0x77: {  	_ =	shalt  }
0x78: {  	_ =	shalt  }
0x79: {  	_ =	shalt  }
0x7a: {  	_ =	shalt  }
0x7b: {  	_ =	shalt  }
0x7c: {  	_ =	shalt  }
0x7d: {  	_ =	shalt  }
0x7e: {  	_ =	shalt  }
0x7f: {  	_ =	shalt  }
0x80: {  	_ =	shalt  }
0x81: {  	_ =	shalt  }
0x82: {  	_ =	shalt  }
0x83: {  	_ =	shalt  }
0x84: {  	_ =	shalt  }
0x85: {  	_ =	shalt  }
0x86: {  	_ =	shalt  }
0x87: {  	_ =	shalt  }
.Lfunc_end0:
.L_simem_size_0:
called_computation.2_lowered:
.L_overlay_start_0:
0x88: {  	s2 =	sld [smem:$0x3FD9]  }
0x89: {  	s3 =	sld [smem:$0x3FFE];
	_ =	sdelay $0x1  }
0x8a: {  	s1 =	srdreg.scid  }
0x8b: {  	s0 =	sand.u32 $0x1, s1  }
0x8c: {  	s17 =	sshll.u32 s0, $0xA;
	s2 =	sadd.s32 s3, s2  }
0x8d: {  	s2 =	sadd.s32 s2, s17  }
0x8e: {  	[smem:$0x3FC3] =	sst s2  }
0x8f: {  	_ = 	snop  }
0x90: {  	s2 =	sld [smem:$0x3FD0];
	(tm) =	ssettm $0x1  }
0x91: {  	s18 =	sld [smem:$0x3FFB];
	_ =	sdelay $0x3  }
0x92: {  	_ =	strace s18  }
0x93: {  	s3 =	sld [smem:$0x3FFC];
	_ =	sdelay $0x3  }
0x94: {  	_ =	strace s3  }
0x95: {  	s3 =	sld [smem:$0x3FFD];
	_ =	sdelay $0x3  }
0x96: {  	_ =	strace s3  }
0x97: {  	_ =	strace $0x8FFFFFFF  }
0x98: {  	s19 =	sld [smem:$0x3FDB];
	_ =	sdelay $0x1  }
0x99: {  	s4 =	simm.s32 $_scs_section_size  }
0x9a: {  	s5 =	simm.s32 $_size__tile_overlayer_lowered;
	s6 =	simm.s32 $_tile_overlayer_lowered  }
0x9b: {  	s22 =	simm.s32 $0x1BFF;
	s21 =	sshll.u32 s6, $0x1;
	s3 =	sadd.s32 s4, s19  }
0x9c: {  	s7 =	simm.s32 $0x0;
	s20 =	sshll.u32 s5, $0x1;
	s5 =	sadd.s32 s21, s3  }
0x9d: {  	[timem:s7], [sflag:s22] =	dma.local [hbm:s5], s20  }
0x9e: {  	_ =	swait.ge [sflag:s22], s20  }
0x9f: {  	s4 =	ssub.s32 $0x0, s20;
	[sflag:s22] =	ssyncset.done $0x0  }
0xa0: {  	[sflag:s22] =	ssyncadd.s32 s4;
	_ =	sdelay $0x1  }
0xa1: {  	s23 =	simm.s32 $0x1B8B  }
0xa2: {  	_ =	swait.ge [sflag:s23], $0x1  }
0xa3: {  	[sflag:s23] =	ssyncset.done $0x0  }
0xa4: {  	s25 =	simm.s32 $0x1B8E;
	s24 =	sld [smem:$0x3FFE];
	[sflag:s23] =	ssyncadd.s32 $0xFFFFFFFF  }
0xa5: {  	s26 =	simm.s32 $execute0_lowered;
	[smem:$0x3FD2] =	sst s25  }
0xa6: {  	s5 =	sshll.u32 s26, $0x1;
	_ =	strace $0x8000004C;
	[dreg:$0x1] =	wrdreg $0xFFFFFFFF  }
0xa7: {  	s28 =	simm.s32 $_size_execute0_lowered;
	s3 =	sadd.s32 s3, s5;
	[dreg:$0x0] =	wrdreg $0x0  }
0xa8: {  	s5 =	sshll.u32 s28, $0x1;
	[dreg:$0x2] =	wrdreg s3  }
0xa9: {  	[dreg:$0x3] =	wrdreg s5  }
0xaa: {  	[dreg:$0x4] =	wrdreg $0xC0  }
0xab: {  	_ =	task [dreg:s7], $0x5FFFF  }
0xac: {  	[dreg:$0x1] =	wrdreg $0xFFFFFFFF  }
0xad: {  	[dreg:$0x0] =	wrdreg $0x60  }
0xae: {  	[dreg:$0x2] =	wrdreg s24  }
0xaf: {  	[dreg:$0x3] =	wrdreg s2  }
0xb0: {  	[dreg:$0x4] =	wrdreg $0x9  }
0xb1: {  	_ =	task.clear_ibuf [dreg:s7], $0x5FFFF;
	_ =	strace $0x9000004C  }
0xb2: {  	s29 =	simm.s32 $0x9;
	_ =	strace $0x8000004E  }
0xb3: {  	_ =	swait.ge [sflag:s29], $0x1  }
0xb4: {  	[sflag:s29] =	ssyncadd.s32 $0xFFFFFFFF  }
0xb5: {  	_ =	strace $0x9000004E  }
0xb6: {  	_ =	sfence  }
0xb7: {  	s30 =	sld [smem:$0x0];
	_ =	sdelay $0x2  }
0xb8: {  	s31 =	sshll.u32 s1, $0xD;
	s1 =	sshrl.u32 s1, $0x2  }
0xb9: {  	s3 =	sand.u32 $0x4000, s31;
	s1 =	sadd.s32 s1, s30  }
0xba: {  	s0 =	sor.u32 s3, s0;
	s1 =	sshll.u32 s1, $0x11  }
0xbb: {  	s0 =	sor.u32 s1, s0  }
0xbc: {  	s0 =	sadd.s32 $0x8F2B, s0  }
0xbd: {  	[sflag:s0] =	ssyncadd.remote.s32 $0x1  }
0xbe: {  	_ =	sfence.sel $0xFFFF  }
0xbf: {  	[dreg:$0x0] =	wrdreg $0xFFFFFFFF;
	(pc) =	sbr.abs _section_cstart, $3  }
0xc0: {  	[dreg:$0x1] =	wrdreg $0xFFFFFFFF  }
0xc1: {  	_ =	task.clear_ibuf [dreg:s7], $0x2FFFF;
	_ =	strace $0x9FFFFFFF  }
0xc2: {  	(tm) =	ssettm $0x7FFFFFFF  }
0xc3: {  	_ =	shalt  }
tec
execute0_lowered:
.L_overlay_start_1:
0x0: {  	(tag) =	ssettag $0x1  }
0x1: {  	s0 =	rddreg [dreg:$0x0]  }
0x2: {  	s5 =	rddreg [dreg:$0x1]  }
0x3: {  	s2 =	srdreg.scid;
	s1 =	stileid.u32;
	s26 =	simm.s32 $0x880  }
0x4: {  	s9 =	simm.s32 $0x1080;
	s10 =	simm.s32 $0x1880;
	s11 =	simm.s32 $0x2080  }
0x5: {  	s12 =	simm.s32 $0x2880;
	s13 =	simm.s32 $0x3080;
	s14 =	simm.s32 $0x3880  }
0x6: {  	s15 =	simm.s32 $0x4080;
	s16 =	simm.s32 $0x4880;
	s17 =	simm.s32 $0x5080  }
0x7: {  	s18 =	simm.s32 $0x5880;
	s19 =	simm.s32 $0x6080;
	s20 =	simm.s32 $0x6880  }
0x8: {  	s21 =	simm.s32 $0x7080;
	s22 =	simm.s32 $0x7880;
	s23 =	simm.s32 $0x8080  }
0x9: {  	s28 =	simm.s32 $0xA080;
	s29 =	simm.s32 $0xA880;
	s30 =	simm.s32 $0xB080  }
0xa: {  	s31 =	simm.s32 $0xB880;
	s3 =	sand.u32 $0x1, s2;
	s2 =	simm.s32 $0x0  }
0xb: {  	s4 =	sshll.u32 s1, $0x4;
	s6 =	sshll.u32 s3, $0x3;
	[smem:$0x7FF] =	sst s2  }
0xc: {  	s7 =	ssub.s32 $0x2, s3;
	s3 =	sadd.s32 $0x61400, s0;
	s4 =	sor.u32 s6, s4  }
0xd: {  	_ =	strace $0x8000004D;
	s24 =	sshrl.u32 s7, $0x1;
	[dreg:$0x5] =	wrdreg s26  }
0xe: {  	s26 =	simm.s32 $0x9880;
	s8 =	smul.u32 $0x300, s4;
	s6 =	ssub.s32 s7, s24  }
0xf: {  	s4 =	sadd.s32 s0, s4;
	s7 =	simm.s32 $0x2;
	s24 =	simm.s32 $0x8880  }
0x10: {  	v2 =	vlaneseq.u32;
	[dreg:$0x3] =	wrdreg s4;
	s4 =	sadd.s32 $0x61500, s0;
	s6 =	smax.u32 s6, $0x1  }
0x11: {  	vm0 =	vmmov $0xffff;
	v1 =	vshrl.u32 v2, $0x3;
	s25 =	sadd.s32 s5, s8;
	s5 =	sadd.s32 $0x61600, s0;
	s8 =	simm.s32 $0x80  }
0x12: {  	v0 =	vand.u32 $0x7, v2;
	v2 =	vor.u32 $0x8, v2;
	v1 =	vmul.u32 $0x8, v1;
	s0 =	simm.s32 $0x1;
	[dreg:$0x4] =	wrdreg s25;
	s25 =	simm.s32 $0x9080  }
.LBB2_1:
0x13: {  	s1 =	rddreg [dreg:$0x3]  }
0x14: {  	[tilespmem:s2], [sflag:$0x2] =	stream.linear.gather [hbm4b:s1+s2], $0x40, $0x38;
	[tilespmem:$0xC080] =	vst v63  }
0x15: {  	_ =	swait.ge [sflag:s7], $0x40  }
0x16: {  	[sflag:s7] =	ssyncset.done $0x0  }
0x17: {  	[sflag:s7] =	ssyncadd.s32 $0xFFFFFFC0  }
0x18: {  	v3 =	vld [tilespmem:$0x0];
	_ =	sdelay $0x4  }
0x19: {  	v4 =	vshrl.u32 v3, $0x3  }
0x1a: {  	v4 =	vmul.u32 $0x30, v4  }
0x1b: {  	v3 =	vand.u32 $0x7, v3  }
0x1c: {  	v3 =	vor.u32 v3, v4  }
0x1d: {  	v4 =	vperm.xlane v3, v0;
	_ =	sdelay $0x1  }
0x1e: {  	v4 =	vadd.s32 v1, v4;
	_ =	sdelay $0x3  }
0x1f: {  	v3 =	vperm.xlane v3, v2  }
0x20: {  	[tilespmem:s8], [sflag:$0x1] =	stream.indirect_vreg.gather [hbm4b:s3+s2], $0x80, v4, vm0, $0xb8;
	[tilespmem:$0xC080] =	vst v63  }
0x21: {  	s1 =	rddreg [dreg:$0x5];
	v3 =	vadd.s32 v1, v3  }
0x22: {  	[tilespmem:s1], [sflag:$0x1] =	stream.indirect_vreg.gather [hbm4b:s4+s2], $0x80, v4, vm0, $0xb8;
	[tilespmem:$0xC080] =	vst v63  }
0x23: {  	_ = 	snop  }
0x24: {  	[tilespmem:s9], [sflag:$0x1] =	stream.indirect_vreg.gather [hbm4b:s5+s2], $0x80, v4, vm0, $0xb8;
	[tilespmem:$0xC080] =	vst v63  }
0x25: {  	_ = 	snop  }
0x26: {  	[tilespmem:s10], [sflag:$0x1] =	stream.indirect_vreg.gather [hbm4b:s3+s2], $0x80, v3, vm0, $0xb8;
	[tilespmem:$0xC080] =	vst v63  }
0x27: {  	_ = 	snop  }
0x28: {  	[tilespmem:s11], [sflag:$0x1] =	stream.indirect_vreg.gather [hbm4b:s4+s2], $0x80, v3, vm0, $0xb8;
	[tilespmem:$0xC080] =	vst v63  }
0x29: {  	_ = 	snop  }
0x2a: {  	[tilespmem:s12], [sflag:$0x1] =	stream.indirect_vreg.gather [hbm4b:s5+s2], $0x80, v3, vm0, $0xb8;
	[tilespmem:$0xC080] =	vst v63  }
0x2b: {  	v3 =	vld [tilespmem:$0x10];
	_ =	sdelay $0x4  }
0x2c: {  	v61 =	vshrl.u32 v3, $0x3  }
0x2d: {  	v4 =	vmul.u32 $0x30, v61  }
0x2e: {  	v3 =	vand.u32 $0x7, v3  }
0x2f: {  	v3 =	vor.u32 v3, v4  }
0x30: {  	v4 =	vperm.xlane v3, v0;
	_ =	sdelay $0x1  }
0x31: {  	v4 =	vadd.s32 v1, v4;
	_ =	sdelay $0x3  }
0x32: {  	v3 =	vperm.xlane v3, v2  }
0x33: {  	[tilespmem:s13], [sflag:$0x1] =	stream.indirect_vreg.gather [hbm4b:s3+s2], $0x80, v4, vm0, $0xb8;
	[tilespmem:$0xC080] =	vst v63  }
0x34: {  	v3 =	vadd.s32 v1, v3  }
0x35: {  	[tilespmem:s14], [sflag:$0x1] =	stream.indirect_vreg.gather [hbm4b:s4+s2], $0x80, v4, vm0, $0xb8;
	[tilespmem:$0xC080] =	vst v63  }
0x36: {  	_ = 	snop  }
0x37: {  	[tilespmem:s15], [sflag:$0x1] =	stream.indirect_vreg.gather [hbm4b:s5+s2], $0x80, v4, vm0, $0xb8;
	[tilespmem:$0xC080] =	vst v63  }
0x38: {  	_ = 	snop  }
0x39: {  	[tilespmem:s16], [sflag:$0x1] =	stream.indirect_vreg.gather [hbm4b:s3+s2], $0x80, v3, vm0, $0xb8;
	[tilespmem:$0xC080] =	vst v63  }
0x3a: {  	_ = 	snop  }
0x3b: {  	[tilespmem:s17], [sflag:$0x1] =	stream.indirect_vreg.gather [hbm4b:s4+s2], $0x80, v3, vm0, $0xb8;
	[tilespmem:$0xC080] =	vst v63  }
0x3c: {  	_ = 	snop  }
0x3d: {  	[tilespmem:s18], [sflag:$0x1] =	stream.indirect_vreg.gather [hbm4b:s5+s2], $0x80, v3, vm0, $0xb8;
	[tilespmem:$0xC080] =	vst v63  }
0x3e: {  	v3 =	vld [tilespmem:$0x20];
	_ =	sdelay $0x4  }
0x3f: {  	v62 =	vshrl.u32 v3, $0x3  }
0x40: {  	v4 =	vmul.u32 $0x30, v62  }
0x41: {  	v3 =	vand.u32 $0x7, v3  }
0x42: {  	v3 =	vor.u32 v3, v4  }
0x43: {  	v4 =	vperm.xlane v3, v0;
	_ =	sdelay $0x1  }
0x44: {  	v4 =	vadd.s32 v1, v4;
	_ =	sdelay $0x3  }
0x45: {  	v3 =	vperm.xlane v3, v2  }
0x46: {  	[tilespmem:s19], [sflag:$0x1] =	stream.indirect_vreg.gather [hbm4b:s3+s2], $0x80, v4, vm0, $0xb8;
	[tilespmem:$0xC080] =	vst v63  }
0x47: {  	v3 =	vadd.s32 v1, v3  }
0x48: {  	[tilespmem:s20], [sflag:$0x1] =	stream.indirect_vreg.gather [hbm4b:s4+s2], $0x80, v4, vm0, $0xb8;
	[tilespmem:$0xC080] =	vst v63  }
0x49: {  	_ = 	snop  }
0x4a: {  	[tilespmem:s21], [sflag:$0x1] =	stream.indirect_vreg.gather [hbm4b:s5+s2], $0x80, v4, vm0, $0xb8;
	[tilespmem:$0xC080] =	vst v63  }
0x4b: {  	_ = 	snop  }
0x4c: {  	[tilespmem:s22], [sflag:$0x1] =	stream.indirect_vreg.gather [hbm4b:s3+s2], $0x80, v3, vm0, $0xb8;
	[tilespmem:$0xC080] =	vst v63  }
0x4d: {  	_ = 	snop  }
0x4e: {  	[tilespmem:s23], [sflag:$0x1] =	stream.indirect_vreg.gather [hbm4b:s4+s2], $0x80, v3, vm0, $0xb8;
	[tilespmem:$0xC080] =	vst v63  }
0x4f: {  	_ = 	snop  }
0x50: {  	[tilespmem:s24], [sflag:$0x1] =	stream.indirect_vreg.gather [hbm4b:s5+s2], $0x80, v3, vm0, $0xb8;
	[tilespmem:$0xC080] =	vst v63  }
0x51: {  	v3 =	vld [tilespmem:$0x30];
	_ =	sdelay $0x4  }
0x52: {  	v63 =	vshrl.u32 v3, $0x3  }
0x53: {  	v4 =	vmul.u32 $0x30, v63  }
0x54: {  	v3 =	vand.u32 $0x7, v3  }
0x55: {  	v3 =	vor.u32 v3, v4  }
0x56: {  	v4 =	vperm.xlane v3, v0;
	_ =	sdelay $0x1  }
0x57: {  	v4 =	vadd.s32 v1, v4;
	_ =	sdelay $0x3  }
0x58: {  	v3 =	vperm.xlane v3, v2  }
0x59: {  	[tilespmem:s25], [sflag:$0x1] =	stream.indirect_vreg.gather [hbm4b:s3+s2], $0x80, v4, vm0, $0xb8;
	[tilespmem:$0xC080] =	vst v63  }
0x5a: {  	v3 =	vadd.s32 v1, v3  }
0x5b: {  	[tilespmem:s26], [sflag:$0x1] =	stream.indirect_vreg.gather [hbm4b:s4+s2], $0x80, v4, vm0, $0xb8;
	[tilespmem:$0xC080] =	vst v63  }
0x5c: {  	_ = 	snop  }
0x5d: {  	[tilespmem:s28], [sflag:$0x1] =	stream.indirect_vreg.gather [hbm4b:s5+s2], $0x80, v4, vm0, $0xb8;
	[tilespmem:$0xC080] =	vst v63  }
0x5e: {  	_ = 	snop  }
0x5f: {  	[tilespmem:s29], [sflag:$0x1] =	stream.indirect_vreg.gather [hbm4b:s3+s2], $0x80, v3, vm0, $0xb8;
	[tilespmem:$0xC080] =	vst v63  }
0x60: {  	_ = 	snop  }
0x61: {  	[tilespmem:s30], [sflag:$0x1] =	stream.indirect_vreg.gather [hbm4b:s4+s2], $0x80, v3, vm0, $0xb8;
	[tilespmem:$0xC080] =	vst v63  }
0x62: {  	_ = 	snop  }
0x63: {  	[tilespmem:s31], [sflag:$0x1] =	stream.indirect_vreg.gather [hbm4b:s5+s2], $0x80, v3, vm0, $0xb8;
	[tilespmem:$0xC080] =	vst v63  }
0x64: {  	_ =	swait.ge [sflag:s0], $0xC000  }
0x65: {  	p0 =	sne.s32 s6, $0x1;
	[sflag:s0] =	ssyncset.done $0x0  }
.Ltmp0:
0x66: {  	s1 =	rddreg [dreg:$0x4];
	[sflag:s0] =	ssyncadd.s32 $0xFFFF4000;
	(pc) =	sbr.rel @p0 .LBB2_1-.Ltmp0, $4  }
0x67: {  	[hbm4b:s1+s2] =	stream.linear.scatter [tilespmem:s8], [sflag:$0x2], $0xC000, $0x38;
	[tilespmem:$0xC080] =	vst v63  }
0x68: {  	_ =	swait.ge [sflag:s7], $0xC000  }
0x69: {  	[sflag:s7] =	ssyncset.done $0x0  }
0x6a: {  	s6 =	sadd.s32 $0xFFFFFFFF, s6;
	[sflag:s7] =	ssyncadd.s32 $0xFFFF4000  }
0x6b: {  	_ =	sfence.sel $0x180000  }
0x6c: {  	[bflag:$0x0] =	sbarrier.arrive $0xFFFF  }
0x6d: {  	_ =	strace $0x9000004D  }
0x6e: {  	s0 =	stileid.u32;
	[bflag:$0x2] =	sbarrier.arrive $0xFFFF  }
0x6f: {  	p0 =	sne.s32 s0, $0x0;
	s0 =	rddreg [dreg:$0x2]  }
0x70: {  	s0 =	sadd.s32 @!p0 $0x100000, s0  }
0x71: {  	[sflag:s0] =	ssyncadd.tile.s32 @!p0 $0x1;
	_ =	shalt  }
.Lfunc_end2:
_tile_overlayer_lowered:
.L_overlay_start_2:
0x72: {  	(tag) =	ssettag $0x2  }
0x73: {  	s0 =	rddreg [dreg:$0x0];
	s2 =	stileid.u32  }
0x74: {  	s1 =	rddreg [dreg:$0x1];
	p0 =	sne.s32 s2, $0x0  }
0x75: {  	s3 =	rddreg [dreg:$0x2];
	[bflag:$0x3] =	sbarrier.arrive $0xFFFF;
	s2 =	simm.s32 @!p0 $0x1C02  }
0x76: {  	[timem:s3], [sflag:s2] =	dma.local @!p0 [hbm:s0], s1  }
0x77: {  	s0 =	simm.s32 @!p0 $0x2  }
0x78: {  	_ =	swait.ge @!p0 [sflag:s0], s1  }
0x79: {  	s1 =	ssub.s32 @!p0 $0x0, s1;
	[sflag:s0] =	ssyncset.done @!p0 $0x0  }
0x7a: {  	[sflag:s0] =	ssyncadd.s32 @!p0 s1  }
0x7b: {  	[bflag:$0x3] =	sbarrier.arrive $0xFFFF  }
0x7c: {  	_ =	shalt  }

// kernel: kernel.7.cloned.1.call-start
scs
__scs_entry_jumppad:
0x0: {  	(pc) =	sbr.rel $0x88, $3  }
0x1: {  	(tag) =	ssettag $0x0;
	lr =	simm.s32 $0x1  }
0x2: {  	[smem:$0x3F9C] =	sst lr;
	_ =	strace $0xD0000000  }
0x3: {  	_ = 	snop  }
0x4: {  	_ = 	snop  }
0x5: {  	_ = 	snop  }
0x6: {  	_ = 	snop  }
0x7: {  	_ = 	snop  }
__scs_overlays_trampoline_lowered:
0x8: {  	[smem:$0x3FAB] =	sst s0  }
0x9: {  	[smem:$0x3FAC] =	sst s1  }
0xa: {  	[smem:$0x3FAD] =	sst s2  }
0xb: {  	[smem:$0x3FAE] =	sst s3  }
0xc: {  	[smem:$0x3FAF] =	sst s4  }
0xd: {  	[smem:$0x3FB0] =	sst s5  }
0xe: {  	[smem:$0x3FB1] =	sst s6  }
0xf: {  	[smem:$0x3FB2] =	sst s7  }
0x10: {  	[smem:$0x3FB3] =	sst s8  }
0x11: {  	[smem:$0x3FB4] =	sst s9;
	s0 =	simm.s32 @!p0 $0x0  }
0x12: {  	s1 =	sld [smem:$0x3F9A];
	s0 =	simm.s32 @p0 $0x1  }
0x13: {  	[smem:$0x3FB5] =	sst s0;
	s0 =	simm.s32 @!p1 $0x0  }
0x14: {  	s2 =	sld [smem:$0x3F99];
	s0 =	simm.s32 @p1 $0x1  }
0x15: {  	[smem:$0x3FB6] =	sst s0;
	s0 =	simm.s32 @!p2 $0x0  }
0x16: {  	s3 =	sld [smem:$0x3FDB];
	s0 =	simm.s32 @p2 $0x1  }
0x17: {  	s4 =	simm.s32 $0x1BF5;
	[smem:$0x3FB8] =	sst s0  }
0x18: {  	s0 =	sld [smem:$0x3F9B];
	_ =	swait.ge [sflag:s4], $0x0  }
0x19: {  	s7 =	sld [smem:$0x3F9C]  }
0x1a: {  	s8 =	sadd.s32 $0xFFFFE003, lr  }
0x1b: {  	s9 =	sadd.s32 $0xFFFFFEF7, lr;
	s5 =	simm.s32 $0xFFFFFFFF;
	p2 =	slt.u32 s8, $0xFFFFF086  }
0x1c: {  	p1 =	slt.u32 s9, $0xF7A;
	s5 =	simm.s32 @!p2 $0x0  }
0x1d: {  	s5 =	simm.s32 @p1 $0x1;
	p0 =	seq.s32 s7, s2  }
0x1e: {  	s7 =	smul.u32 @!p0 $0xF7A, s2;
	p2 =	seq.s32 @!p0 s5, $0x0  }
0x1f: {  	s9 =	smul.u32 $0xF7A, s1;
	s8 =	simm.s32 @!p0 $0x1BF5;
	p2 =	por !p2, p0  }
0x20: {  	[sflag:s8] =	ssyncset.s32 @!p0 $0xFFFFF086;
	s6 =	sadd.s32 @!p0 s3, s7;
	s7 =	simm.s32 @!p0 $0x108  }
0x21: {  	s3 =	sadd.s32 s3, s9;
	s6 =	sadd.s32 @!p0 $0x88, s6;
	s7 =	simm.s32 @p2 $0x1082  }
0x22: {  	[simem:s7], [sflag:s8] =	dma.local @!p0 [hbm:s6], $0xF7A  }
0x23: {  	s9 =	sor.u32 $0xD0000000, s2;
	s6 =	simm.s32 $0x108;
	_ =	swait.ge @!p0 [sflag:s8], $0x0  }
0x24: {  	s3 =	sadd.s32 $0x88, s3;
	s6 =	simm.s32 @!p1 $0x1082;
	[sflag:s4] =	ssyncset.s32 $0xFFFFF086  }
0x25: {  	[simem:s6], [sflag:s4] =	dma.local [hbm:s3], $0xF7A  }
0x26: {  	[smem:$0x3F9C] =	sst s1;
	(tag) =	ssettag s2;
	_ =	strace s9  }
0x27: {  	s1 =	sld [smem:$0x3FAC]  }
0x28: {  	s2 =	sld [smem:$0x3FAD]  }
0x29: {  	s4 =	sld [smem:$0x3FAF]  }
0x2a: {  	p0 =	seq.s32 s5, $0x0;
	s5 =	sld [smem:$0x3FB0]  }
0x2b: {  	s6 =	sld [smem:$0x3FB1]  }
0x2c: {  	s7 =	sld [smem:$0x3FB2]  }
0x2d: {  	s3 =	simm.s32 $0x108;
	s8 =	sld [smem:$0x3FB3]  }
0x2e: {  	s3 =	simm.s32 @!p0 $0x1082;
	s9 =	sld [smem:$0x3FB4]  }
0x2f: {  	lr =	sadd.s32 s0, s3;
	s0 =	sld [smem:$0x3FAB]  }
0x30: {  	s3 =	sld [smem:$0x3FAE]  }
0x31: {  	[smem:$0x3FB7] =	sst s10  }
0x32: {  	s10 =	sld [smem:$0x3FB5];
	_ =	sdelay $0x3  }
0x33: {  	p0 =	seq.s32 s10, $0x1;
	s10 =	sld [smem:$0x3FB7];
	_ =	sdelay $0x3  }
0x34: {  	[smem:$0x3FB7] =	sst s10  }
0x35: {  	s10 =	sld [smem:$0x3FB6];
	_ =	sdelay $0x3  }
0x36: {  	p1 =	seq.s32 s10, $0x1;
	s10 =	sld [smem:$0x3FB7];
	_ =	sdelay $0x3  }
0x37: {  	[smem:$0x3FB7] =	sst s10  }
0x38: {  	s10 =	sld [smem:$0x3FB8]  }
0x39: {  	_ = 	snop;
	(pc) =	sbr.ind lr, $3  }
0x3a: {  	_ = 	snop  }
0x3b: {  	_ = 	snop  }
0x3c: {  	p2 =	seq.s32 s10, $0x1;
	s10 =	sld [smem:$0x3FB7]  }
0x3d: {  	_ =	shalt  }
0x3e: {  	_ =	shalt  }
0x3f: {  	_ =	shalt  }
0x40: {  	_ =	shalt  }
0x41: {  	_ =	shalt  }
0x42: {  	_ =	shalt  }
0x43: {  	_ =	shalt  }
0x44: {  	_ =	shalt  }
0x45: {  	_ =	shalt  }
0x46: {  	_ =	shalt  }
0x47: {  	_ =	shalt  }
0x48: {  	_ =	shalt  }
0x49: {  	_ =	shalt  }
0x4a: {  	_ =	shalt  }
0x4b: {  	_ =	shalt  }
0x4c: {  	_ =	shalt  }
0x4d: {  	_ =	shalt  }
0x4e: {  	_ =	shalt  }
0x4f: {  	_ =	shalt  }
0x50: {  	_ =	shalt  }
0x51: {  	_ =	shalt  }
0x52: {  	_ =	shalt  }
0x53: {  	_ =	shalt  }
0x54: {  	_ =	shalt  }
0x55: {  	_ =	shalt  }
0x56: {  	_ =	shalt  }
0x57: {  	_ =	shalt  }
0x58: {  	_ =	shalt  }
0x59: {  	_ =	shalt  }
0x5a: {  	_ =	shalt  }
0x5b: {  	_ =	shalt  }
0x5c: {  	_ =	shalt  }
0x5d: {  	_ =	shalt  }
0x5e: {  	_ =	shalt  }
0x5f: {  	_ =	shalt  }
0x60: {  	_ =	shalt  }
0x61: {  	_ =	shalt  }
0x62: {  	_ =	shalt  }
0x63: {  	_ =	shalt  }
0x64: {  	_ =	shalt  }
0x65: {  	_ =	shalt  }
0x66: {  	_ =	shalt  }
0x67: {  	_ =	shalt  }
0x68: {  	_ =	shalt  }
0x69: {  	_ =	shalt  }
0x6a: {  	_ =	shalt  }
0x6b: {  	_ =	shalt  }
0x6c: {  	_ =	shalt  }
0x6d: {  	_ =	shalt  }
0x6e: {  	_ =	shalt  }
0x6f: {  	_ =	shalt  }
0x70: {  	_ =	shalt  }
0x71: {  	_ =	shalt  }
0x72: {  	_ =	shalt  }
0x73: {  	_ =	shalt  }
0x74: {  	_ =	shalt  }
0x75: {  	_ =	shalt  }
0x76: {  	_ =	shalt  }
0x77: {  	_ =	shalt  }
0x78: {  	_ =	shalt  }
0x79: {  	_ =	shalt  }
0x7a: {  	_ =	shalt  }
0x7b: {  	_ =	shalt  }
0x7c: {  	_ =	shalt  }
0x7d: {  	_ =	shalt  }
0x7e: {  	_ =	shalt  }
0x7f: {  	_ =	shalt  }
0x80: {  	_ =	shalt  }
0x81: {  	_ =	shalt  }
0x82: {  	_ =	shalt  }
0x83: {  	_ =	shalt  }
0x84: {  	_ =	shalt  }
0x85: {  	_ =	shalt  }
0x86: {  	_ =	shalt  }
0x87: {  	_ =	shalt  }
.Lfunc_end0:
.L_simem_size_0:
called_computation_lowered:
.L_overlay_start_0:
0x88: {  	s2 =	sld [smem:$0x3FD9]  }
0x89: {  	s3 =	sld [smem:$0x3FFE];
	_ =	sdelay $0x1  }
0x8a: {  	s1 =	srdreg.scid  }
0x8b: {  	s0 =	sand.u32 $0x1, s1  }
0x8c: {  	s17 =	sshll.u32 s0, $0xA;
	s2 =	sadd.s32 s3, s2  }
0x8d: {  	s2 =	sadd.s32 s2, s17  }
0x8e: {  	[smem:$0x3FC3] =	sst s2  }
0x8f: {  	_ = 	snop  }
0x90: {  	s2 =	sld [smem:$0x3FD0];
	(tm) =	ssettm $0x1  }
0x91: {  	s18 =	sld [smem:$0x3FFB];
	_ =	sdelay $0x3  }
0x92: {  	_ =	strace s18  }
0x93: {  	s3 =	sld [smem:$0x3FFC];
	_ =	sdelay $0x3  }
0x94: {  	_ =	strace s3  }
0x95: {  	s3 =	sld [smem:$0x3FFD];
	_ =	sdelay $0x3  }
0x96: {  	_ =	strace s3  }
0x97: {  	_ =	strace $0x8FFFFFFF  }
0x98: {  	s19 =	sld [smem:$0x3FDB];
	_ =	sdelay $0x1  }
0x99: {  	s4 =	simm.s32 $_scs_section_size  }
0x9a: {  	s5 =	simm.s32 $_size__tile_overlayer_lowered;
	s6 =	simm.s32 $_tile_overlayer_lowered  }
0x9b: {  	s22 =	simm.s32 $0x1BFF;
	s21 =	sshll.u32 s6, $0x1;
	s3 =	sadd.s32 s4, s19  }
0x9c: {  	s7 =	simm.s32 $0x0;
	s20 =	sshll.u32 s5, $0x1;
	s5 =	sadd.s32 s21, s3  }
0x9d: {  	[timem:s7], [sflag:s22] =	dma.local [hbm:s5], s20  }
0x9e: {  	_ =	swait.ge [sflag:s22], s20  }
0x9f: {  	s4 =	ssub.s32 $0x0, s20;
	[sflag:s22] =	ssyncset.done $0x0  }
0xa0: {  	[sflag:s22] =	ssyncadd.s32 s4;
	_ =	sdelay $0x1  }
0xa1: {  	s23 =	simm.s32 $0x1B8B  }
0xa2: {  	_ =	swait.ge [sflag:s23], $0x1  }
0xa3: {  	[sflag:s23] =	ssyncset.done $0x0  }
0xa4: {  	s25 =	simm.s32 $0x1B8E;
	s24 =	sld [smem:$0x3FFE];
	[sflag:s23] =	ssyncadd.s32 $0xFFFFFFFF  }
0xa5: {  	s26 =	simm.s32 $execute0_lowered;
	[smem:$0x3FD2] =	sst s25  }
0xa6: {  	s5 =	sshll.u32 s26, $0x1;
	_ =	strace $0x80000046;
	[dreg:$0x1] =	wrdreg $0xFFFFFFFF  }
0xa7: {  	s28 =	simm.s32 $_size_execute0_lowered;
	s3 =	sadd.s32 s3, s5;
	[dreg:$0x0] =	wrdreg $0x0  }
0xa8: {  	s5 =	sshll.u32 s28, $0x1;
	[dreg:$0x2] =	wrdreg s3  }
0xa9: {  	[dreg:$0x3] =	wrdreg s5  }
0xaa: {  	[dreg:$0x4] =	wrdreg $0xC0  }
0xab: {  	_ =	task [dreg:s7], $0x5FFFF  }
0xac: {  	[dreg:$0x1] =	wrdreg $0xFFFFFFFF  }
0xad: {  	[dreg:$0x0] =	wrdreg $0x60  }
0xae: {  	[dreg:$0x2] =	wrdreg s2  }
0xaf: {  	[dreg:$0x3] =	wrdreg s24  }
0xb0: {  	[dreg:$0x4] =	wrdreg $0x9  }
0xb1: {  	_ =	task.clear_ibuf [dreg:s7], $0x5FFFF;
	_ =	strace $0x90000046  }
0xb2: {  	s29 =	simm.s32 $0x9;
	_ =	strace $0x80000048  }
0xb3: {  	_ =	swait.ge [sflag:s29], $0x1  }
0xb4: {  	[sflag:s29] =	ssyncadd.s32 $0xFFFFFFFF  }
0xb5: {  	_ =	strace $0x90000048  }
0xb6: {  	_ =	sfence  }
0xb7: {  	s30 =	sld [smem:$0x0];
	_ =	sdelay $0x2  }
0xb8: {  	s31 =	sshll.u32 s1, $0xD;
	s1 =	sshrl.u32 s1, $0x2  }
0xb9: {  	s3 =	sand.u32 $0x4000, s31;
	s1 =	sadd.s32 s1, s30  }
0xba: {  	s0 =	sor.u32 s3, s0;
	s1 =	sshll.u32 s1, $0x11  }
0xbb: {  	s0 =	sor.u32 s1, s0  }
0xbc: {  	s0 =	sadd.s32 $0x8F2B, s0  }
0xbd: {  	[sflag:s0] =	ssyncadd.remote.s32 $0x1  }
0xbe: {  	_ =	sfence.sel $0xFFFF  }
0xbf: {  	[dreg:$0x0] =	wrdreg $0xFFFFFFFF;
	(pc) =	sbr.abs _section_cstart, $3  }
0xc0: {  	[dreg:$0x1] =	wrdreg $0xFFFFFFFF  }
0xc1: {  	_ =	task.clear_ibuf [dreg:s7], $0x2FFFF;
	_ =	strace $0x9FFFFFFF  }
0xc2: {  	(tm) =	ssettm $0x7FFFFFFF  }
0xc3: {  	_ =	shalt  }
tec
execute0_lowered:
.L_overlay_start_1:
0x0: {  	(tag) =	ssettag $0x1  }
0x1: {  	s3 =	rddreg [dreg:$0x0]  }
0x2: {  	s7 =	rddreg [dreg:$0x1];
	s1 =	simm.s32 $0x0  }
0x3: {  	[smem:$0x7FF] =	sst s1  }
0x4: {  	s0 =	rddreg [dreg:$0x2];
	v56 =	vimm.s32 $0x0;
	_ =	strace $0x80000047  }
0x5: {  	(xrf0) =	vadd.scan.msk.s32 $0xffff, v56;
	_ =	sdelay $0x5  }
0x6: {  	v1, _, _ =	vpop (xrf0)  }
0x7: {  	v0 =	vbroadcast v1, $0xF;
	_ =	sdelay $0x1  }
0x8: {  	vm0 =	vmmov $0x1;
	[tilespmem:$0x1FF00] =	vst v0;
	v0 =	vimm.s32 $0x0  }
0x9: {  	v0 =	vsel vm0, $0xFFFFFFFF, v0  }
0xa: {  	vm14 =	vmmov $0x3;
	[tilespmem:$0x1FF10] =	vst v0;
	v0 =	vimm.s32 $0x0  }
0xb: {  	v0 =	vsel vm14, $0xFFFFFFFF, v0  }
0xc: {  	vm15 =	vmmov $0x7;
	[tilespmem:$0x1FF20] =	vst v0;
	v0 =	vimm.s32 $0x0  }
0xd: {  	v0 =	vsel vm15, $0xFFFFFFFF, v0  }
0xe: {  	vm4 =	vmmov $0xf;
	[tilespmem:$0x1FF30] =	vst v0;
	v0 =	vimm.s32 $0x0  }
0xf: {  	v0 =	vsel vm4, $0xFFFFFFFF, v0  }
0x10: {  	vm5 =	vmmov $0x1f;
	[tilespmem:$0x1FF40] =	vst v0;
	v0 =	vimm.s32 $0x0  }
0x11: {  	v0 =	vsel vm5, $0xFFFFFFFF, v0  }
0x12: {  	vm6 =	vmmov $0x3f;
	[tilespmem:$0x1FF50] =	vst v0;
	v0 =	vimm.s32 $0x0  }
0x13: {  	v0 =	vsel vm6, $0xFFFFFFFF, v0  }
0x14: {  	vm7 =	vmmov $0x7f;
	[tilespmem:$0x1FF60] =	vst v0;
	v0 =	vimm.s32 $0x0  }
0x15: {  	v0 =	vsel vm7, $0xFFFFFFFF, v0  }
0x16: {  	vm8 =	vmmov $0xff;
	[tilespmem:$0x1FF70] =	vst v0;
	v0 =	vimm.s32 $0x0  }
0x17: {  	v0 =	vsel vm8, $0xFFFFFFFF, v0  }
0x18: {  	vm9 =	vmmov $0x1ff;
	[tilespmem:$0x1FF80] =	vst v0;
	v0 =	vimm.s32 $0x0  }
0x19: {  	v0 =	vsel vm9, $0xFFFFFFFF, v0  }
0x1a: {  	vm10 =	vmmov $0x3ff;
	[tilespmem:$0x1FF90] =	vst v0;
	v0 =	vimm.s32 $0x0  }
0x1b: {  	v0 =	vsel vm10, $0xFFFFFFFF, v0  }
0x1c: {  	vm11 =	vmmov $0x7ff;
	[tilespmem:$0x1FFA0] =	vst v0;
	v0 =	vimm.s32 $0x0  }
0x1d: {  	v0 =	vsel vm11, $0xFFFFFFFF, v0  }
0x1e: {  	vm12 =	vmmov $0xfff;
	[tilespmem:$0x1FFB0] =	vst v0;
	v0 =	vimm.s32 $0x0  }
0x1f: {  	s4 =	srdreg.scid;
	s2 =	stileid.u32;
	v0 =	vsel vm12, $0xFFFFFFFF, v0  }
0x20: {  	s10 =	simm.s32 $0x2000;
	vm13 =	vmmov $0x1fff;
	s4 =	sand.u32 $0x1, s4;
	s5 =	sshll.u32 s2, $0x1;
	[tilespmem:$0x1FFC0] =	vst v0;
	v0 =	vimm.s32 $0x0  }
0x21: {  	s11 =	simm.s32 $0x2080;
	s12 =	simm.s32 $0x2100;
	s5 =	sor.u32 s4, s5;
	v0 =	vsel vm13, $0xFFFFFFFF, v0  }
0x22: {  	s13 =	simm.s32 $0x2180;
	s4 =	ssub.s32 $0x2, s4;
	s6 =	sshll.u32 s5, $0x3;
	vm14 =	vmmov $0x3fff;
	[tilespmem:$0x1FFD0] =	vst v0;
	v0 =	vimm.s32 $0x0  }
0x23: {  	s8 =	sshrl.u32 s4, $0x1;
	s31 =	sshll.u32 s5, $0xA;
	s9 =	sshll.u32 s5, $0x4;
	v0 =	vsel vm14, $0xFFFFFFFF, v0  }
0x24: {  	s6 =	sadd.s32 s6, s7;
	s8 =	ssub.s32 s4, s8;
	s3 =	sadd.s32 s3, s31;
	vm15 =	vmmov $0x7fff;
	[tilespmem:$0x1FFE0] =	vst v0;
	v0 =	vimm.s32 $0x0  }
0x25: {  	s7 =	sadd.s32 s7, s9;
	s9 =	simm.s32 $0x1;
	s4 =	sadd.s32 $0x200, s6;
	v0 =	vsel vm15, $0xFFFFFFFF, v0  }
0x26: {  	v2 =	vlaneseq.u32;
	s5 =	sadd.s32 $0x400, s6;
	s6 =	sadd.s32 $0x600, s6;
	s8 =	smax.u32 s8, $0x1;
	[tilespmem:$0x1FFF0] =	vst v0  }
.LBB2_1:
0x27: {  	[tilespmem:s1], [sflag:$0x1] =	stream.linear.gather [hbm4b:s3+s1], $0x2000, $0x38;
	[tilespmem:$0x2200] =	vst v63  }
0x28: {  	_ =	swait.ge [sflag:s9], $0x2000  }
0x29: {  	[sflag:s9] =	ssyncset.done $0x0  }
0x2a: {  	[sflag:s9] =	ssyncadd.s32 $0xFFFFE000  }
0x2b: {  	v1 =	vld [tilespmem:$0x0]  }
0x2c: {  	v3 =	vld [tilespmem:$0x80];
	_ =	sdelay $0x3  }
0x2d: {  	(xrf0) =	vmax.scan.msk.f32 $0xffff, v1  }
0x2e: {  	(xrf0) =	vmax.scan.msk.f32 $0xffff, v3;
	_ =	sdelay $0x4  }
0x2f: {  	v4, _, _ =	vpop (xrf0)  }
0x30: {  	v5, _, _ =	vpop (xrf0)  }
0x31: {  	v5 =	vbroadcast v5, $0xF  }
0x32: {  	v4 =	vbroadcast v4, $0xF  }
0x33: {  	vm1 =	veq.f32 v3, v5  }
0x34: {  	vm0 =	veq.f32 v1, v4;
	v57 =	vmctz.xlane vm1  }
0x35: {  	v6 =	vld [tilespmem:$0x100];
	v58 =	vmctz.xlane vm0  }
0x36: {  	vm15 =	veq.s32 v57, v2  }
0x37: {  	vm4 =	veq.s32 v58, v2;
	v7 =	vsel vm15, $0x1, v56  }
0x38: {  	v8 =	vnsel vm4, $0x0, v7  }
0x39: {  	(xrf0) =	vadd.scan.msk.s32 $0xffff, v8  }
0x3a: {  	(xrf0) =	vmax.scan.msk.f32 $0xffff, v6;
	_ =	sdelay $0x4  }
0x3b: {  	v0, _, _ =	vpop (xrf0)  }
0x3c: {  	v52, _, _ =	vpop (xrf0)  }
0x3d: {  	v8 =	vbroadcast v52, $0xF;
	_ =	sdelay $0x1  }
0x3e: {  	vm5 =	veq.f32 v6, v8  }
0x3f: {  	v9 =	vld [tilespmem:$0x180];
	[tilespmem:$0x1F5C0] =	vst v0;
	v0 =	vmctz.xlane vm5  }
0x40: {  	v10 =	vsel vm4, $0x1, v56  }
0x41: {  	v7 =	vadd.s32 v10, v7;
	vm0 =	veq.s32 v0, v2  }
0x42: {  	v10 =	vnsel vm0, $0x0, v7  }
0x43: {  	(xrf0) =	vadd.scan.msk.s32 $0xffff, v10  }
0x44: {  	(xrf0) =	vmax.scan.msk.f32 $0xffff, v9;
	_ =	sdelay $0x4  }
0x45: {  	[tilespmem:$0x1F5F0] =	vst v0;
	v0, _, _ =	vpop (xrf0)  }
0x46: {  	v53, _, _ =	vpop (xrf0)  }
0x47: {  	v10 =	vbroadcast v53, $0xF;
	_ =	sdelay $0x1  }
0x48: {  	vm6 =	veq.f32 v9, v10  }
0x49: {  	v11 =	vld [tilespmem:$0x200];
	[tilespmem:$0x1F5D0] =	vst v0;
	v0 =	vmctz.xlane vm6  }
0x4a: {  	v12 =	vsel vm0, $0x1, v56  }
0x4b: {  	v7 =	vadd.s32 v12, v7;
	vm7 =	veq.s32 v0, v2  }
0x4c: {  	v12 =	vnsel vm7, $0x0, v7  }
0x4d: {  	(xrf0) =	vadd.scan.msk.s32 $0xffff, v12  }
0x4e: {  	(xrf0) =	vmax.scan.msk.f32 $0xffff, v11;
	_ =	sdelay $0x4  }
0x4f: {  	[tilespmem:$0x1F610] =	vst v0;
	v0, _, _ =	vpop (xrf0)  }
0x50: {  	v54, _, _ =	vpop (xrf0)  }
0x51: {  	v12 =	vbroadcast v54, $0xF;
	_ =	sdelay $0x1  }
0x52: {  	vm8 =	veq.f32 v11, v12  }
0x53: {  	v13 =	vld [tilespmem:$0x280];
	[tilespmem:$0x1F620] =	vst v0;
	v0 =	vmctz.xlane vm8  }
0x54: {  	v14 =	vsel vm7, $0x1, v56  }
0x55: {  	v7 =	vadd.s32 v14, v7;
	vm9 =	veq.s32 v0, v2  }
0x56: {  	v14 =	vnsel vm9, $0x0, v7  }
0x57: {  	(xrf0) =	vadd.scan.msk.s32 $0xffff, v14  }
0x58: {  	(xrf0) =	vmax.scan.msk.f32 $0xffff, v13;
	_ =	sdelay $0x4  }
0x59: {  	[tilespmem:$0x1F640] =	vst v0;
	v0, _, _ =	vpop (xrf0)  }
0x5a: {  	v55, _, _ =	vpop (xrf0)  }
0x5b: {  	v14 =	vbroadcast v55, $0xF;
	_ =	sdelay $0x1  }
0x5c: {  	vm10 =	veq.f32 v13, v14  }
0x5d: {  	v15 =	vld [tilespmem:$0x300];
	[tilespmem:$0x1F650] =	vst v0;
	v0 =	vmctz.xlane vm10  }
0x5e: {  	v16 =	vsel vm9, $0x1, v56  }
0x5f: {  	v7 =	vadd.s32 v16, v7;
	vm11 =	veq.s32 v0, v2  }
0x60: {  	v16 =	vnsel vm11, $0x0, v7  }
0x61: {  	(xrf0) =	vadd.scan.msk.s32 $0xffff, v16  }
0x62: {  	(xrf0) =	vmax.scan.msk.f32 $0xffff, v15;
	_ =	sdelay $0x4  }
0x63: {  	[tilespmem:$0x1F680] =	vst v0;
	v0, _, _ =	vpop (xrf0)  }
0x64: {  	v59, _, _ =	vpop (xrf0)  }
0x65: {  	v16 =	vbroadcast v59, $0xF;
	_ =	sdelay $0x1  }
0x66: {  	vm12 =	veq.f32 v15, v16  }
0x67: {  	v17 =	vld [tilespmem:$0x380];
	[tilespmem:$0x1F670] =	vst v0;
	v0 =	vmctz.xlane vm12  }
0x68: {  	v18 =	vsel vm11, $0x1, v56  }
0x69: {  	v7 =	vadd.s32 v18, v7;
	vm13 =	veq.s32 v0, v2  }
0x6a: {  	v18 =	vnsel vm13, $0x0, v7  }
0x6b: {  	(xrf0) =	vadd.scan.msk.s32 $0xffff, v18  }
0x6c: {  	(xrf0) =	vmax.scan.msk.f32 $0xffff, v17;
	_ =	sdelay $0x4  }
0x6d: {  	[tilespmem:$0x1F6D0] =	vst v0;
	v0, _, _ =	vpop (xrf0)  }
0x6e: {  	v60, _, _ =	vpop (xrf0)  }
0x6f: {  	v18 =	vbroadcast v60, $0xF;
	_ =	sdelay $0x1  }
0x70: {  	vm14 =	veq.f32 v17, v18  }
0x71: {  	v19 =	vld [tilespmem:$0x400];
	[tilespmem:$0x1F6B0] =	vst v0;
	v0 =	vmctz.xlane vm14  }
0x72: {  	v20 =	vsel vm13, $0x1, v56  }
0x73: {  	v7 =	vadd.s32 v20, v7;
	vm15 =	veq.s32 v0, v2  }
0x74: {  	v20 =	vnsel vm15, $0x0, v7  }
0x75: {  	(xrf0) =	vadd.scan.msk.s32 $0xffff, v20  }
0x76: {  	(xrf0) =	vmax.scan.msk.f32 $0xffff, v19;
	_ =	sdelay $0x4  }
0x77: {  	[tilespmem:$0x1F6E0] =	vst v0;
	v0, _, _ =	vpop (xrf0)  }
0x78: {  	v61, _, _ =	vpop (xrf0)  }
0x79: {  	v20 =	vbroadcast v61, $0xF;
	_ =	sdelay $0x1  }
0x7a: {  	vm4 =	veq.f32 v19, v20  }
0x7b: {  	v21 =	vld [tilespmem:$0x480];
	[tilespmem:$0x1F6F0] =	vst v0;
	v0 =	vmctz.xlane vm4  }
0x7c: {  	v22 =	vsel vm15, $0x1, v56  }
0x7d: {  	v7 =	vadd.s32 v22, v7;
	vm5 =	veq.s32 v0, v2  }
0x7e: {  	v22 =	vnsel vm5, $0x0, v7  }
0x7f: {  	(xrf0) =	vadd.scan.msk.s32 $0xffff, v22  }
0x80: {  	v1 =	vsub.f32 v1, v4;
	(xrf0) =	vmax.scan.msk.f32 $0xffff, v21  }
0x81: {  	v3 =	vsub.f32 v3, v5  }
0x82: {  	v1 =	vmul.f32 $1.442695020e+00, v1;
	v8 =	vsub.f32 v6, v8  }
0x83: {  	v3 =	vmul.f32 $1.442695020e+00, v3  }
0x84: {  	(erf) = vpow2.f32 v1;
	v1 =	vmul.f32 $1.442695020e+00, v8;
	v10 =	vsub.f32 v9, v10  }
0x85: {  	(erf) = vpow2.f32 v3;
	v12 =	vsub.f32 v11, v12;
	[tilespmem:$0x1F720] =	vst v0;
	v0, _, _ =	vpop (xrf0)  }
0x86: {  	(erf) = vpow2.f32 v1;
	v3 =	vmul.f32 $1.442695020e+00, v10;
	v62, _, _ =	vpop (xrf0)  }
0x87: {  	v1 =	vmul.f32 $1.442695020e+00, v12;
	v14 =	vsub.f32 v13, v14;
	v22 =	vbroadcast v62, $0xF  }
0x88: {  	(erf) = vpow2.f32 v3  }
0x89: {  	(erf) = vpow2.f32 v1;
	v1 =	vmul.f32 $1.442695020e+00, v14;
	vm6 =	veq.f32 v21, v22  }
0x8a: {  	v23 =	vld [tilespmem:$0x500];
	v3 =	vsub.f32 v15, v16;
	[tilespmem:$0x1F710] =	vst v0;
	v0 =	vmctz.xlane vm6  }
0x8b: {  	(erf) = vpow2.f32 v1;
	v17 =	vsub.f32 v17, v18;
	v24 =	vsel vm5, $0x1, v56  }
0x8c: {  	v3 =	vmul.f32 $1.442695020e+00, v3;
	v7 =	vadd.s32 v24, v7;
	vm1 =	veq.s32 v0, v2  }
0x8d: {  	v1 =	vmul.f32 $1.442695020e+00, v17;
	v25 =	vsub.f32 v21, v22;
	v63 =	vnsel vm1, $0x0, v7  }
0x8e: {  	(erf) = vpow2.f32 v3;
	v24 =	vsub.f32 v19, v20;
	(xrf0) =	vadd.scan.msk.s32 $0xffff, v63  }
0x8f: {  	(erf) = vpow2.f32 v1;
	v1 =	vmul.f32 $1.442695020e+00, v25;
	(xrf0) =	vmax.scan.msk.f32 $0xffff, v23  }
0x90: {  	v3 =	vmul.f32 $1.442695020e+00, v24;
	_ =	sdelay $0x1  }
0x91: {  	v27 =	vpop (erf);
	(erf) = vpow2.f32 v3  }
0x92: {  	(xrf2) =	vadd.scan.msk.f32 $0xffff, v27;
	(erf) = vpow2.f32 v1;
	v1 =	vpop (erf)  }
0x93: {  	[tilespmem:$0x1F740] =	vst v0;
	v0, _, _ =	vpop (xrf0)  }
0x94: {  	(xrf2) =	vadd.scan.msk.f32 $0xffff, v1;
	v18, _, _ =	vpop (xrf0)  }
0x95: {  	v5 =	vbroadcast v18, $0xF;
	_ =	sdelay $0x1  }
0x96: {  	v26 =	vsub.f32 v23, v5;
	_ =	sdelay $0x1  }
0x97: {  	v3 =	vmul.f32 $1.442695020e+00, v26;
	_ =	sdelay $0x2  }
0x98: {  	v60, _, _ =	vpop (xrf2)  }
0x99: {  	(erf) = vpow2.f32 v3;
	v3 =	vpop (erf)  }
0x9a: {  	[tilespmem:$0x1F750] =	vst v0;
	v0, _, _ =	vpop (xrf2);
	(xrf2) =	vadd.scan.msk.f32 $0xffff, v3  }
0x9b: {  	v1 =	vpop (erf)  }
0x9c: {  	v3 =	vpop (erf);
	(xrf2) =	vadd.scan.msk.f32 $0xffff, v1  }
0x9d: {  	(xrf2) =	vadd.scan.msk.f32 $0xffff, v3;
	v1 =	vpop (erf)  }
0x9e: {  	(xrf2) =	vadd.scan.msk.f32 $0xffff, v1;
	v1 =	vpop (erf)  }
0x9f: {  	(xrf2) =	vadd.scan.msk.f32 $0xffff, v1;
	v1 =	vpop (erf)  }
0xa0: {  	(xrf2) =	vadd.scan.msk.f32 $0xffff, v1;
	v1 =	vpop (erf)  }
0xa1: {  	(xrf2) =	vadd.scan.msk.f32 $0xffff, v1;
	v1 =	vpop (erf)  }
0xa2: {  	vm7 =	veq.f32 v23, v5;
	(xrf2) =	vadd.scan.msk.f32 $0xffff, v1;
	v1 =	vpop (erf)  }
0xa3: {  	[tilespmem:$0x1F5B0] =	vst v0;
	v0 =	vmctz.xlane vm7;
	(xrf2) =	vadd.scan.msk.f32 $0xffff, v1  }
0xa4: {  	v59 =	vld [tilespmem:$0x580];
	v1, _, _ =	vpop (xrf2)  }
0xa5: {  	[tilespmem:$0x1F5E0] =	vst v1;
	v1 =	vsel vm1, $0x1, v56  }
0xa6: {  	[tilespmem:$0x1F790] =	vst v0;
	vm0 =	veq.s32 v0, v2;
	v3, _, _ =	vpop (xrf2);
	v1 =	vadd.s32 v1, v7  }
0xa7: {  	[tilespmem:$0x1F630] =	vst v3;
	v0, _, _ =	vpop (xrf2);
	v3 =	vnsel vm0, $0x0, v1  }
0xa8: {  	[tilespmem:$0x1F660] =	vst v0;
	v0, _, _ =	vpop (xrf2);
	(xrf0) =	vadd.scan.msk.s32 $0xffff, v3  }
0xa9: {  	[tilespmem:$0x1F690] =	vst v0;
	v0, _, _ =	vpop (xrf2);
	(xrf0) =	vmax.scan.msk.f32 $0xffff, v59  }
0xaa: {  	[tilespmem:$0x1F6C0] =	vst v0;
	v0, _, _ =	vpop (xrf2)  }
0xab: {  	[tilespmem:$0x1F700] =	vst v0;
	v0, _, _ =	vpop (xrf2)  }
0xac: {  	[tilespmem:$0x1F730] =	vst v0;
	v0, _, _ =	vpop (xrf2)  }
0xad: {  	[tilespmem:$0x1F760] =	vst v0;
	v0, _, _ =	vpop (xrf2)  }
0xae: {  	[tilespmem:$0x1F7A0] =	vst v0;
	v0, _, _ =	vpop (xrf0)  }
0xaf: {  	v3, _, _ =	vpop (xrf0)  }
0xb0: {  	v61 =	vbroadcast v3, $0xF;
	_ =	sdelay $0x1  }
0xb1: {  	vm8 =	veq.f32 v59, v61  }
0xb2: {  	v13 =	vld [tilespmem:$0x600];
	[tilespmem:$0x1F780] =	vst v0;
	v0 =	vmctz.xlane vm8  }
0xb3: {  	v3 =	vsel vm0, $0x1, v56  }
0xb4: {  	v1 =	vadd.s32 v3, v1;
	vm9 =	veq.s32 v0, v2  }
0xb5: {  	v3 =	vnsel vm9, $0x0, v1  }
0xb6: {  	(xrf0) =	vadd.scan.msk.s32 $0xffff, v3  }
0xb7: {  	(xrf0) =	vmax.scan.msk.f32 $0xffff, v13;
	_ =	sdelay $0x4  }
0xb8: {  	[tilespmem:$0x1F7C0] =	vst v0;
	v0, _, _ =	vpop (xrf0)  }
0xb9: {  	v3, _, _ =	vpop (xrf0)  }
0xba: {  	[tilespmem:$0x1F7B0] =	vst v0;
	v0 =	vbroadcast v3, $0xF;
	_ =	sdelay $0x1  }
0xbb: {  	vm10 =	veq.f32 v13, v0  }
0xbc: {  	v11 =	vld [tilespmem:$0x680];
	[tilespmem:$0x1F600] =	vst v0;
	v0 =	vmctz.xlane vm10  }
0xbd: {  	v3 =	vsel vm9, $0x1, v56  }
0xbe: {  	v1 =	vadd.s32 v3, v1;
	vm11 =	veq.s32 v0, v2  }
0xbf: {  	v3 =	vnsel vm11, $0x0, v1  }
0xc0: {  	(xrf0) =	vadd.scan.msk.s32 $0xffff, v3  }
0xc1: {  	(xrf0) =	vmax.scan.msk.f32 $0xffff, v11;
	_ =	sdelay $0x4  }
0xc2: {  	[tilespmem:$0x1F7E0] =	vst v0;
	v0, _, _ =	vpop (xrf0)  }
0xc3: {  	v3, _, _ =	vpop (xrf0)  }
0xc4: {  	v53 =	vbroadcast v3, $0xF;
	_ =	sdelay $0x1  }
0xc5: {  	vm12 =	veq.f32 v11, v53  }
0xc6: {  	v4 =	vld [tilespmem:$0x700];
	[tilespmem:$0x1F7D0] =	vst v0;
	v0 =	vmctz.xlane vm12  }
0xc7: {  	v3 =	vsel vm11, $0x1, v56  }
0xc8: {  	v1 =	vadd.s32 v3, v1;
	vm13 =	veq.s32 v0, v2  }
0xc9: {  	v3 =	vnsel vm13, $0x0, v1  }
0xca: {  	(xrf0) =	vadd.scan.msk.s32 $0xffff, v3  }
0xcb: {  	(xrf0) =	vmax.scan.msk.f32 $0xffff, v4;
	_ =	sdelay $0x4  }
0xcc: {  	[tilespmem:$0x1F800] =	vst v0;
	v0, _, _ =	vpop (xrf0)  }
0xcd: {  	v3, _, _ =	vpop (xrf0)  }
0xce: {  	v48 =	vbroadcast v3, $0xF;
	_ =	sdelay $0x1  }
0xcf: {  	vm14 =	veq.f32 v4, v48  }
0xd0: {  	v40 =	vld [tilespmem:$0x780];
	[tilespmem:$0x1F7F0] =	vst v0;
	v0 =	vmctz.xlane vm14  }
0xd1: {  	v3 =	vsel vm13, $0x1, v56  }
0xd2: {  	v1 =	vadd.s32 v3, v1;
	vm15 =	veq.s32 v0, v2  }
0xd3: {  	v3 =	vnsel vm15, $0x0, v1  }
0xd4: {  	(xrf0) =	vadd.scan.msk.s32 $0xffff, v3  }
0xd5: {  	(xrf0) =	vmax.scan.msk.f32 $0xffff, v40;
	_ =	sdelay $0x4  }
0xd6: {  	[tilespmem:$0x1F840] =	vst v0;
	v0, _, _ =	vpop (xrf0)  }
0xd7: {  	v3, _, _ =	vpop (xrf0)  }
0xd8: {  	[tilespmem:$0x1F830] =	vst v0;
	v0 =	vbroadcast v3, $0xF;
	_ =	sdelay $0x1  }
0xd9: {  	vm4 =	veq.f32 v40, v0  }
0xda: {  	v8 =	vld [tilespmem:$0x800];
	[tilespmem:$0x1F6A0] =	vst v0;
	v0 =	vmctz.xlane vm4  }
0xdb: {  	v3 =	vsel vm15, $0x1, v56  }
0xdc: {  	v1 =	vadd.s32 v3, v1;
	vm5 =	veq.s32 v0, v2  }
0xdd: {  	v3 =	vnsel vm5, $0x0, v1  }
0xde: {  	(xrf0) =	vadd.scan.msk.s32 $0xffff, v3  }
0xdf: {  	(xrf0) =	vmax.scan.msk.f32 $0xffff, v8;
	_ =	sdelay $0x4  }
0xe0: {  	[tilespmem:$0x1F850] =	vst v0;
	v0, _, _ =	vpop (xrf0)  }
0xe1: {  	v3, _, _ =	vpop (xrf0)  }
0xe2: {  	v51 =	vbroadcast v3, $0xF;
	_ =	sdelay $0x1  }
0xe3: {  	vm6 =	veq.f32 v8, v51  }
0xe4: {  	v7 =	vld [tilespmem:$0x880];
	[tilespmem:$0x1F870] =	vst v0;
	v0 =	vmctz.xlane vm6  }
0xe5: {  	v3 =	vsel vm5, $0x1, v56  }
0xe6: {  	v1 =	vadd.s32 v3, v1;
	vm7 =	veq.s32 v0, v2  }
0xe7: {  	v3 =	vnsel vm7, $0x0, v1  }
0xe8: {  	(xrf0) =	vadd.scan.msk.s32 $0xffff, v3  }
0xe9: {  	(xrf0) =	vmax.scan.msk.f32 $0xffff, v7;
	_ =	sdelay $0x4  }
0xea: {  	[tilespmem:$0x1F8A0] =	vst v0;
	v0, _, _ =	vpop (xrf0)  }
0xeb: {  	v3, _, _ =	vpop (xrf0)  }
0xec: {  	v52 =	vbroadcast v3, $0xF;
	_ =	sdelay $0x1  }
0xed: {  	vm8 =	veq.f32 v7, v52  }
0xee: {  	v5 =	vld [tilespmem:$0x900];
	[tilespmem:$0x1F8C0] =	vst v0;
	v0 =	vmctz.xlane vm8  }
0xef: {  	v3 =	vsel vm7, $0x1, v56  }
0xf0: {  	v1 =	vadd.s32 v3, v1;
	vm9 =	veq.s32 v0, v2  }
0xf1: {  	v3 =	vnsel vm9, $0x0, v1  }
0xf2: {  	(xrf0) =	vadd.scan.msk.s32 $0xffff, v3  }
0xf3: {  	(xrf0) =	vmax.scan.msk.f32 $0xffff, v5;
	_ =	sdelay $0x4  }
0xf4: {  	[tilespmem:$0x1F8B0] =	vst v0;
	v0, _, _ =	vpop (xrf0)  }
0xf5: {  	v3, _, _ =	vpop (xrf0)  }
0xf6: {  	v49 =	vbroadcast v3, $0xF;
	_ =	sdelay $0x1  }
0xf7: {  	vm10 =	veq.f32 v5, v49  }
0xf8: {  	v14 =	vld [tilespmem:$0x980];
	[tilespmem:$0x1F8E0] =	vst v0;
	v0 =	vmctz.xlane vm10  }
0xf9: {  	v3 =	vsel vm9, $0x1, v56  }
0xfa: {  	v1 =	vadd.s32 v3, v1;
	vm11 =	veq.s32 v0, v2  }
0xfb: {  	v3 =	vnsel vm11, $0x0, v1  }
0xfc: {  	(xrf0) =	vadd.scan.msk.s32 $0xffff, v3  }
0xfd: {  	(xrf0) =	vmax.scan.msk.f32 $0xffff, v14;
	_ =	sdelay $0x4  }
0xfe: {  	[tilespmem:$0x1F920] =	vst v0;
	v0, _, _ =	vpop (xrf0)  }
0xff: {  	v3, _, _ =	vpop (xrf0)  }
0x100: {  	[tilespmem:$0x1F900] =	vst v0;
	v0 =	vbroadcast v3, $0xF;
	_ =	sdelay $0x1  }
0x101: {  	vm12 =	veq.f32 v14, v0  }
0x102: {  	v32 =	vld [tilespmem:$0xA00];
	[tilespmem:$0x1F770] =	vst v0;
	v0 =	vmctz.xlane vm12  }
0x103: {  	v3 =	vsel vm11, $0x1, v56  }
0x104: {  	v1 =	vadd.s32 v3, v1;
	vm13 =	veq.s32 v0, v2  }
0x105: {  	v3 =	vnsel vm13, $0x0, v1  }
0x106: {  	(xrf0) =	vadd.scan.msk.s32 $0xffff, v3  }
0x107: {  	(xrf0) =	vmax.scan.msk.f32 $0xffff, v32;
	_ =	sdelay $0x4  }
0x108: {  	[tilespmem:$0x1F950] =	vst v0;
	v0, _, _ =	vpop (xrf0)  }
0x109: {  	v3, _, _ =	vpop (xrf0)  }
0x10a: {  	[tilespmem:$0x1F930] =	vst v0;
	v0 =	vbroadcast v3, $0xF;
	_ =	sdelay $0x1  }
0x10b: {  	vm14 =	veq.f32 v32, v0  }
0x10c: {  	v27 =	vld [tilespmem:$0xA80];
	[tilespmem:$0x1F810] =	vst v0;
	v0 =	vmctz.xlane vm14  }
0x10d: {  	v3 =	vsel vm13, $0x1, v56  }
0x10e: {  	v1 =	vadd.s32 v3, v1;
	vm15 =	veq.s32 v0, v2  }
0x10f: {  	v3 =	vnsel vm15, $0x0, v1  }
0x110: {  	(xrf0) =	vadd.scan.msk.s32 $0xffff, v3  }
0x111: {  	(xrf0) =	vmax.scan.msk.f32 $0xffff, v27;
	_ =	sdelay $0x4  }
0x112: {  	[tilespmem:$0x1F960] =	vst v0;
	v0, _, _ =	vpop (xrf0)  }
0x113: {  	v3, _, _ =	vpop (xrf0)  }
0x114: {  	[tilespmem:$0x1F980] =	vst v0;
	v0 =	vbroadcast v3, $0xF;
	_ =	sdelay $0x1  }
0x115: {  	vm4 =	veq.f32 v27, v0  }
0x116: {  	v30 =	vld [tilespmem:$0xB00];
	[tilespmem:$0x1F820] =	vst v0;
	v0 =	vmctz.xlane vm4  }
0x117: {  	v3 =	vsel vm15, $0x1, v56  }
0x118: {  	v1 =	vadd.s32 v3, v1;
	vm5 =	veq.s32 v0, v2  }
0x119: {  	v3 =	vnsel vm5, $0x0, v1  }
0x11a: {  	(xrf0) =	vadd.scan.msk.s32 $0xffff, v3  }
0x11b: {  	(xrf0) =	vmax.scan.msk.f32 $0xffff, v30;
	_ =	sdelay $0x4  }
0x11c: {  	[tilespmem:$0x1F9B0] =	vst v0;
	v0, _, _ =	vpop (xrf0)  }
0x11d: {  	v3, _, _ =	vpop (xrf0)  }
0x11e: {  	[tilespmem:$0x1F9A0] =	vst v0;
	v0 =	vbroadcast v3, $0xF;
	_ =	sdelay $0x1  }
0x11f: {  	vm6 =	veq.f32 v30, v0  }
0x120: {  	v25 =	vld [tilespmem:$0xB80];
	[tilespmem:$0x1F860] =	vst v0;
	v0 =	vmctz.xlane vm6  }
0x121: {  	v3 =	vsel vm5, $0x1, v56  }
0x122: {  	v1 =	vadd.s32 v3, v1;
	vm7 =	veq.s32 v0, v2  }
0x123: {  	v3 =	vnsel vm7, $0x0, v1  }
0x124: {  	(xrf0) =	vadd.scan.msk.s32 $0xffff, v3  }
0x125: {  	(xrf0) =	vmax.scan.msk.f32 $0xffff, v25;
	_ =	sdelay $0x4  }
0x126: {  	[tilespmem:$0x1F9C0] =	vst v0;
	v0, _, _ =	vpop (xrf0)  }
0x127: {  	v3, _, _ =	vpop (xrf0)  }
0x128: {  	[tilespmem:$0x1F9D0] =	vst v0;
	v0 =	vbroadcast v3, $0xF;
	_ =	sdelay $0x1  }
0x129: {  	vm8 =	veq.f32 v25, v0  }
0x12a: {  	v23 =	vld [tilespmem:$0xC00];
	[tilespmem:$0x1F880] =	vst v0;
	v0 =	vmctz.xlane vm8  }
0x12b: {  	v3 =	vsel vm7, $0x1, v56  }
0x12c: {  	v1 =	vadd.s32 v3, v1;
	vm9 =	veq.s32 v0, v2  }
0x12d: {  	v3 =	vnsel vm9, $0x0, v1  }
0x12e: {  	(xrf0) =	vadd.scan.msk.s32 $0xffff, v3  }
0x12f: {  	(xrf0) =	vmax.scan.msk.f32 $0xffff, v23;
	_ =	sdelay $0x4  }
0x130: {  	[tilespmem:$0x1F9F0] =	vst v0;
	v0, _, _ =	vpop (xrf0)  }
0x131: {  	v3, _, _ =	vpop (xrf0)  }
0x132: {  	[tilespmem:$0x1F9E0] =	vst v0;
	v0 =	vbroadcast v3, $0xF;
	_ =	sdelay $0x1  }
0x133: {  	vm10 =	veq.f32 v23, v0  }
0x134: {  	v20 =	vld [tilespmem:$0xC80];
	[tilespmem:$0x1F890] =	vst v0;
	v0 =	vmctz.xlane vm10  }
0x135: {  	v3 =	vsel vm9, $0x1, v56  }
0x136: {  	v1 =	vadd.s32 v3, v1;
	vm11 =	veq.s32 v0, v2  }
0x137: {  	v3 =	vnsel vm11, $0x0, v1  }
0x138: {  	(xrf0) =	vadd.scan.msk.s32 $0xffff, v3  }
0x139: {  	(xrf0) =	vmax.scan.msk.f32 $0xffff, v20;
	_ =	sdelay $0x4  }
0x13a: {  	[tilespmem:$0x1FA10] =	vst v0;
	v0, _, _ =	vpop (xrf0)  }
0x13b: {  	v3, _, _ =	vpop (xrf0)  }
0x13c: {  	[tilespmem:$0x1FA00] =	vst v0;
	v0 =	vbroadcast v3, $0xF;
	_ =	sdelay $0x1  }
0x13d: {  	vm12 =	veq.f32 v20, v0  }
0x13e: {  	v15 =	vld [tilespmem:$0xD00];
	[tilespmem:$0x1F8D0] =	vst v0;
	v0 =	vmctz.xlane vm12  }
0x13f: {  	v3 =	vsel vm11, $0x1, v56  }
0x140: {  	v1 =	vadd.s32 v3, v1;
	vm13 =	veq.s32 v0, v2  }
0x141: {  	v3 =	vnsel vm13, $0x0, v1  }
0x142: {  	(xrf0) =	vadd.scan.msk.s32 $0xffff, v3  }
0x143: {  	(xrf0) =	vmax.scan.msk.f32 $0xffff, v15;
	_ =	sdelay $0x4  }
0x144: {  	[tilespmem:$0x1FA30] =	vst v0;
	v0, _, _ =	vpop (xrf0)  }
0x145: {  	v3, _, _ =	vpop (xrf0)  }
0x146: {  	[tilespmem:$0x1FA20] =	vst v0;
	v0 =	vbroadcast v3, $0xF;
	_ =	sdelay $0x1  }
0x147: {  	vm14 =	veq.f32 v15, v0  }
0x148: {  	v18 =	vld [tilespmem:$0xD80];
	[tilespmem:$0x1F8F0] =	vst v0;
	v0 =	vmctz.xlane vm14  }
0x149: {  	v3 =	vsel vm13, $0x1, v56  }
0x14a: {  	v1 =	vadd.s32 v3, v1;
	vm15 =	veq.s32 v0, v2  }
0x14b: {  	v3 =	vnsel vm15, $0x0, v1  }
0x14c: {  	(xrf0) =	vadd.scan.msk.s32 $0xffff, v3  }
0x14d: {  	(xrf0) =	vmax.scan.msk.f32 $0xffff, v18;
	_ =	sdelay $0x4  }
0x14e: {  	[tilespmem:$0x1FA50] =	vst v0;
	v0, _, _ =	vpop (xrf0)  }
0x14f: {  	v3, _, _ =	vpop (xrf0)  }
0x150: {  	[tilespmem:$0x1FA40] =	vst v0;
	v0 =	vbroadcast v3, $0xF;
	_ =	sdelay $0x1  }
0x151: {  	vm4 =	veq.f32 v18, v0  }
0x152: {  	v16 =	vld [tilespmem:$0xE00];
	[tilespmem:$0x1F910] =	vst v0;
	v0 =	vmctz.xlane vm4  }
0x153: {  	v3 =	vsel vm15, $0x1, v56  }
0x154: {  	v1 =	vadd.s32 v3, v1;
	vm5 =	veq.s32 v0, v2  }
0x155: {  	v3 =	vnsel vm5, $0x0, v1  }
0x156: {  	(xrf0) =	vadd.scan.msk.s32 $0xffff, v3  }
0x157: {  	(xrf0) =	vmax.scan.msk.f32 $0xffff, v16;
	_ =	sdelay $0x4  }
0x158: {  	[tilespmem:$0x1FA80] =	vst v0;
	v0, _, _ =	vpop (xrf0)  }
0x159: {  	v3, _, _ =	vpop (xrf0)  }
0x15a: {  	[tilespmem:$0x1FA60] =	vst v0;
	v0 =	vbroadcast v3, $0xF;
	_ =	sdelay $0x1  }
0x15b: {  	vm6 =	veq.f32 v16, v0  }
0x15c: {  	v17 =	vld [tilespmem:$0xE80];
	[tilespmem:$0x1F940] =	vst v0;
	v0 =	vmctz.xlane vm6  }
0x15d: {  	v3 =	vsel vm5, $0x1, v56  }
0x15e: {  	v1 =	vadd.s32 v3, v1;
	vm7 =	veq.s32 v0, v2  }
0x15f: {  	v3 =	vnsel vm7, $0x0, v1  }
0x160: {  	(xrf0) =	vadd.scan.msk.s32 $0xffff, v3  }
0x161: {  	(xrf0) =	vmax.scan.msk.f32 $0xffff, v17;
	_ =	sdelay $0x4  }
0x162: {  	[tilespmem:$0x1FAA0] =	vst v0;
	v0, _, _ =	vpop (xrf0)  }
0x163: {  	v3, _, _ =	vpop (xrf0)  }
0x164: {  	[tilespmem:$0x1FAC0] =	vst v0;
	v0 =	vbroadcast v3, $0xF;
	_ =	sdelay $0x1  }
0x165: {  	vm8 =	veq.f32 v17, v0  }
0x166: {  	v9 =	vld [tilespmem:$0xF00];
	[tilespmem:$0x1F970] =	vst v0;
	v0 =	vmctz.xlane vm8  }
0x167: {  	v3 =	vsel vm7, $0x1, v56  }
0x168: {  	v1 =	vadd.s32 v3, v1;
	vm9 =	veq.s32 v0, v2  }
0x169: {  	v3 =	vnsel vm9, $0x0, v1  }
0x16a: {  	(xrf0) =	vadd.scan.msk.s32 $0xffff, v3  }
0x16b: {  	(xrf0) =	vmax.scan.msk.f32 $0xffff, v9;
	_ =	sdelay $0x4  }
0x16c: {  	[tilespmem:$0x1FB00] =	vst v0;
	v0, _, _ =	vpop (xrf0)  }
0x16d: {  	v3, _, _ =	vpop (xrf0)  }
0x16e: {  	v54 =	vbroadcast v3, $0xF;
	_ =	sdelay $0x1  }
0x16f: {  	vm10 =	veq.f32 v9, v54  }
0x170: {  	v12 =	vld [tilespmem:$0xF80];
	[tilespmem:$0x1FAE0] =	vst v0;
	v0 =	vmctz.xlane vm10  }
0x171: {  	v3 =	vsel vm9, $0x1, v56  }
0x172: {  	v1 =	vadd.s32 v3, v1;
	vm11 =	veq.s32 v0, v2  }
0x173: {  	v3 =	vnsel vm11, $0x0, v1  }
0x174: {  	(xrf0) =	vadd.scan.msk.s32 $0xffff, v3  }
0x175: {  	(xrf0) =	vmax.scan.msk.f32 $0xffff, v12;
	_ =	sdelay $0x4  }
0x176: {  	[tilespmem:$0x1FB10] =	vst v0;
	v0, _, _ =	vpop (xrf0)  }
0x177: {  	v3, _, _ =	vpop (xrf0)  }
0x178: {  	[tilespmem:$0x1FAF0] =	vst v0;
	v0 =	vbroadcast v3, $0xF;
	_ =	sdelay $0x1  }
0x179: {  	vm12 =	veq.f32 v12, v0  }
0x17a: {  	v6 =	vld [tilespmem:$0x1000];
	[tilespmem:$0x1F990] =	vst v0;
	v0 =	vmctz.xlane vm12  }
0x17b: {  	v3 =	vsel vm11, $0x1, v56  }
0x17c: {  	v1 =	vadd.s32 v3, v1;
	vm13 =	veq.s32 v0, v2  }
0x17d: {  	v3 =	vnsel vm13, $0x0, v1  }
0x17e: {  	(xrf0) =	vadd.scan.msk.s32 $0xffff, v3  }
0x17f: {  	(xrf0) =	vmax.scan.msk.f32 $0xffff, v6;
	_ =	sdelay $0x4  }
0x180: {  	[tilespmem:$0x1FB40] =	vst v0;
	v0, _, _ =	vpop (xrf0)  }
0x181: {  	v3, _, _ =	vpop (xrf0)  }
0x182: {  	v50 =	vbroadcast v3, $0xF;
	_ =	sdelay $0x1  }
0x183: {  	vm14 =	veq.f32 v6, v50  }
0x184: {  	v10 =	vld [tilespmem:$0x1080];
	[tilespmem:$0x1FB60] =	vst v0;
	v0 =	vmctz.xlane vm14  }
0x185: {  	v3 =	vsel vm13, $0x1, v56  }
0x186: {  	v1 =	vadd.s32 v3, v1;
	vm15 =	veq.s32 v0, v2  }
0x187: {  	v3 =	vnsel vm15, $0x0, v1  }
0x188: {  	(xrf0) =	vadd.scan.msk.s32 $0xffff, v3  }
0x189: {  	(xrf0) =	vmax.scan.msk.f32 $0xffff, v10;
	_ =	sdelay $0x4  }
0x18a: {  	[tilespmem:$0x1FB70] =	vst v0;
	v0, _, _ =	vpop (xrf0)  }
0x18b: {  	v3, _, _ =	vpop (xrf0)  }
0x18c: {  	v55 =	vbroadcast v3, $0xF;
	_ =	sdelay $0x1  }
0x18d: {  	vm4 =	veq.f32 v10, v55  }
0x18e: {  	[tilespmem:$0x1FB30] =	vst v0;
	v3 =	vld [tilespmem:$0x1100];
	v0 =	vmctz.xlane vm4  }
0x18f: {  	v28 =	vsel vm15, $0x1, v56  }
0x190: {  	v19 =	vadd.s32 v28, v1;
	vm5 =	veq.s32 v0, v2  }
0x191: {  	v1 =	vnsel vm5, $0x0, v19  }
0x192: {  	(xrf0) =	vadd.scan.msk.s32 $0xffff, v1  }
0x193: {  	(xrf0) =	vmax.scan.msk.f32 $0xffff, v3;
	_ =	sdelay $0x4  }
0x194: {  	[tilespmem:$0x1FB80] =	vst v0;
	v0, _, _ =	vpop (xrf0)  }
0x195: {  	v1, _, _ =	vpop (xrf0)  }
0x196: {  	v47 =	vbroadcast v1, $0xF;
	_ =	sdelay $0x1  }
0x197: {  	vm6 =	veq.f32 v3, v47  }
0x198: {  	[tilespmem:$0x1FB50] =	vst v0;
	v1 =	vld [tilespmem:$0x1180];
	v0 =	vmctz.xlane vm6  }
0x199: {  	v29 =	vsel vm5, $0x1, v56  }
0x19a: {  	v19 =	vadd.s32 v29, v19;
	vm7 =	veq.s32 v0, v2  }
0x19b: {  	v21 =	vnsel vm7, $0x0, v19  }
0x19c: {  	(xrf0) =	vadd.scan.msk.s32 $0xffff, v21  }
0x19d: {  	(xrf0) =	vmax.scan.msk.f32 $0xffff, v1;
	_ =	sdelay $0x4  }
0x19e: {  	[tilespmem:$0x1FB90] =	vst v0;
	v0, _, _ =	vpop (xrf0)  }
0x19f: {  	v31, _, _ =	vpop (xrf0)  }
0x1a0: {  	v46 =	vbroadcast v31, $0xF;
	_ =	sdelay $0x1  }
0x1a1: {  	vm8 =	veq.f32 v1, v46  }
0x1a2: {  	[tilespmem:$0x1FBA0] =	vst v0;
	v31 =	vld [tilespmem:$0x1200];
	v0 =	vmctz.xlane vm8  }
0x1a3: {  	v33 =	vsel vm7, $0x1, v56  }
0x1a4: {  	v19 =	vadd.s32 v33, v19;
	vm9 =	veq.s32 v0, v2  }
0x1a5: {  	v21 =	vnsel vm9, $0x0, v19  }
0x1a6: {  	(xrf0) =	vadd.scan.msk.s32 $0xffff, v21  }
0x1a7: {  	(xrf0) =	vmax.scan.msk.f32 $0xffff, v31;
	_ =	sdelay $0x4  }
0x1a8: {  	[tilespmem:$0x1FBD0] =	vst v0;
	v0, _, _ =	vpop (xrf0)  }
0x1a9: {  	v34, _, _ =	vpop (xrf0)  }
0x1aa: {  	[tilespmem:$0x1FBC0] =	vst v0;
	v0 =	vbroadcast v34, $0xF;
	_ =	sdelay $0x1  }
0x1ab: {  	vm10 =	veq.f32 v31, v0  }
0x1ac: {  	v28 =	vld [tilespmem:$0x1280];
	[tilespmem:$0x1FA70] =	vst v0;
	v0 =	vmctz.xlane vm10  }
0x1ad: {  	v35 =	vsel vm9, $0x1, v56  }
0x1ae: {  	v19 =	vadd.s32 v35, v19;
	vm11 =	veq.s32 v0, v2  }
0x1af: {  	v21 =	vnsel vm11, $0x0, v19  }
0x1b0: {  	(xrf0) =	vadd.scan.msk.s32 $0xffff, v21  }
0x1b1: {  	(xrf0) =	vmax.scan.msk.f32 $0xffff, v28;
	_ =	sdelay $0x4  }
0x1b2: {  	[tilespmem:$0x1FBF0] =	vst v0;
	v0, _, _ =	vpop (xrf0)  }
0x1b3: {  	v36, _, _ =	vpop (xrf0)  }
0x1b4: {  	[tilespmem:$0x1FC00] =	vst v0;
	v0 =	vbroadcast v36, $0xF;
	_ =	sdelay $0x1  }
0x1b5: {  	vm12 =	veq.f32 v28, v0  }
0x1b6: {  	v24 =	vld [tilespmem:$0x1300];
	[tilespmem:$0x1FA90] =	vst v0;
	v0 =	vmctz.xlane vm12  }
0x1b7: {  	v37 =	vsel vm11, $0x1, v56  }
0x1b8: {  	v19 =	vadd.s32 v37, v19;
	vm13 =	veq.s32 v0, v2  }
0x1b9: {  	v21 =	vnsel vm13, $0x0, v19  }
0x1ba: {  	(xrf0) =	vadd.scan.msk.s32 $0xffff, v21  }
0x1bb: {  	(xrf0) =	vmax.scan.msk.f32 $0xffff, v24;
	_ =	sdelay $0x4  }
0x1bc: {  	[tilespmem:$0x1FC30] =	vst v0;
	v0, _, _ =	vpop (xrf0)  }
0x1bd: {  	v38, _, _ =	vpop (xrf0)  }
0x1be: {  	[tilespmem:$0x1FC20] =	vst v0;
	v0 =	vbroadcast v38, $0xF;
	_ =	sdelay $0x1  }
0x1bf: {  	vm14 =	veq.f32 v24, v0  }
0x1c0: {  	v21 =	vld [tilespmem:$0x1380];
	[tilespmem:$0x1FAB0] =	vst v0;
	v0 =	vmctz.xlane vm14  }
0x1c1: {  	v39 =	vsel vm13, $0x1, v56  }
0x1c2: {  	v19 =	vadd.s32 v39, v19;
	vm15 =	veq.s32 v0, v2  }
0x1c3: {  	v22 =	vnsel vm15, $0x0, v19  }
0x1c4: {  	(xrf0) =	vadd.scan.msk.s32 $0xffff, v22  }
0x1c5: {  	(xrf0) =	vmax.scan.msk.f32 $0xffff, v21;
	_ =	sdelay $0x4  }
0x1c6: {  	[tilespmem:$0x1FC60] =	vst v0;
	v0, _, _ =	vpop (xrf0)  }
0x1c7: {  	v41, _, _ =	vpop (xrf0)  }
0x1c8: {  	[tilespmem:$0x1FC50] =	vst v0;
	v0 =	vbroadcast v41, $0xF;
	_ =	sdelay $0x1  }
0x1c9: {  	vm4 =	veq.f32 v21, v0  }
0x1ca: {  	v35 =	vld [tilespmem:$0x1400];
	[tilespmem:$0x1FAD0] =	vst v0;
	v0 =	vmctz.xlane vm4  }
0x1cb: {  	v42 =	vsel vm15, $0x1, v56  }
0x1cc: {  	v19 =	vadd.s32 v42, v19;
	vm5 =	veq.s32 v0, v2  }
0x1cd: {  	v22 =	vnsel vm5, $0x0, v19  }
0x1ce: {  	(xrf0) =	vadd.scan.msk.s32 $0xffff, v22  }
0x1cf: {  	(xrf0) =	vmax.scan.msk.f32 $0xffff, v35;
	_ =	sdelay $0x4  }
0x1d0: {  	[tilespmem:$0x1FCA0] =	vst v0;
	v0, _, _ =	vpop (xrf0)  }
0x1d1: {  	v43, _, _ =	vpop (xrf0)  }
0x1d2: {  	[tilespmem:$0x1FC90] =	vst v0;
	v0 =	vbroadcast v43, $0xF;
	_ =	sdelay $0x1  }
0x1d3: {  	vm6 =	veq.f32 v35, v0  }
0x1d4: {  	v41 =	vld [tilespmem:$0x1480];
	[tilespmem:$0x1FB20] =	vst v0;
	v0 =	vmctz.xlane vm6  }
0x1d5: {  	v44 =	vsel vm5, $0x1, v56  }
0x1d6: {  	v19 =	vadd.s32 v44, v19;
	vm7 =	veq.s32 v0, v2  }
0x1d7: {  	v22 =	vnsel vm7, $0x0, v19  }
0x1d8: {  	(xrf0) =	vadd.scan.msk.s32 $0xffff, v22  }
0x1d9: {  	(xrf0) =	vmax.scan.msk.f32 $0xffff, v41;
	_ =	sdelay $0x4  }
0x1da: {  	[tilespmem:$0x1FCD0] =	vst v0;
	v0, _, _ =	vpop (xrf0)  }
0x1db: {  	v45, _, _ =	vpop (xrf0)  }
0x1dc: {  	[tilespmem:$0x1FCE0] =	vst v0;
	v0 =	vbroadcast v45, $0xF;
	_ =	sdelay $0x1  }
0x1dd: {  	vm8 =	veq.f32 v41, v0  }
0x1de: {  	v42 =	vld [tilespmem:$0x1500];
	[tilespmem:$0x1FBB0] =	vst v0;
	v0 =	vmctz.xlane vm8  }
0x1df: {  	v62 =	vsel vm7, $0x1, v56  }
0x1e0: {  	v19 =	vadd.s32 v62, v19;
	vm9 =	veq.s32 v0, v2  }
0x1e1: {  	v22 =	vnsel vm9, $0x0, v19  }
0x1e2: {  	(xrf0) =	vadd.scan.msk.s32 $0xffff, v22  }
0x1e3: {  	(xrf0) =	vmax.scan.msk.f32 $0xffff, v42;
	_ =	sdelay $0x4  }
0x1e4: {  	[tilespmem:$0x1FD20] =	vst v0;
	v0, _, _ =	vpop (xrf0)  }
0x1e5: {  	v63, _, _ =	vpop (xrf0)  }
0x1e6: {  	[tilespmem:$0x1FD10] =	vst v0;
	v0 =	vbroadcast v63, $0xF;
	_ =	sdelay $0x1  }
0x1e7: {  	vm10 =	veq.f32 v42, v0  }
0x1e8: {  	v45 =	vld [tilespmem:$0x1580];
	[tilespmem:$0x1FBE0] =	vst v0;
	v0 =	vmctz.xlane vm10  }
0x1e9: {  	v26 =	vsel vm9, $0x1, v56  }
0x1ea: {  	v19 =	vadd.s32 v26, v19;
	vm11 =	veq.s32 v0, v2  }
0x1eb: {  	v22 =	vnsel vm11, $0x0, v19  }
0x1ec: {  	(xrf0) =	vadd.scan.msk.s32 $0xffff, v22  }
0x1ed: {  	(xrf0) =	vmax.scan.msk.f32 $0xffff, v45;
	_ =	sdelay $0x4  }
0x1ee: {  	[tilespmem:$0x1FD70] =	vst v0;
	v0, _, _ =	vpop (xrf0)  }
0x1ef: {  	v29, _, _ =	vpop (xrf0)  }
0x1f0: {  	[tilespmem:$0x1FD60] =	vst v0;
	v0 =	vbroadcast v29, $0xF;
	_ =	sdelay $0x1  }
0x1f1: {  	vm12 =	veq.f32 v45, v0  }
0x1f2: {  	v43 =	vld [tilespmem:$0x1600];
	[tilespmem:$0x1FC10] =	vst v0;
	v0 =	vmctz.xlane vm12  }
0x1f3: {  	v33 =	vsel vm11, $0x1, v56  }
0x1f4: {  	v19 =	vadd.s32 v33, v19;
	vm13 =	veq.s32 v0, v2  }
0x1f5: {  	v22 =	vnsel vm13, $0x0, v19  }
0x1f6: {  	(xrf0) =	vadd.scan.msk.s32 $0xffff, v22  }
0x1f7: {  	(xrf0) =	vmax.scan.msk.f32 $0xffff, v43;
	_ =	sdelay $0x4  }
0x1f8: {  	[tilespmem:$0x1FDA0] =	vst v0;
	v0, _, _ =	vpop (xrf0)  }
0x1f9: {  	v34, _, _ =	vpop (xrf0)  }
0x1fa: {  	[tilespmem:$0x1FD90] =	vst v0;
	v0 =	vbroadcast v34, $0xF;
	_ =	sdelay $0x1  }
0x1fb: {  	vm14 =	veq.f32 v43, v0  }
0x1fc: {  	v44 =	vld [tilespmem:$0x1680];
	[tilespmem:$0x1FC40] =	vst v0;
	v0 =	vmctz.xlane vm14  }
0x1fd: {  	v36 =	vsel vm13, $0x1, v56  }
0x1fe: {  	v19 =	vadd.s32 v36, v19;
	vm15 =	veq.s32 v0, v2  }
0x1ff: {  	v22 =	vnsel vm15, $0x0, v19  }
0x200: {  	(xrf0) =	vadd.scan.msk.s32 $0xffff, v22  }
0x201: {  	(xrf0) =	vmax.scan.msk.f32 $0xffff, v44;
	_ =	sdelay $0x4  }
0x202: {  	[tilespmem:$0x1FDC0] =	vst v0;
	v0, _, _ =	vpop (xrf0)  }
0x203: {  	v37, _, _ =	vpop (xrf0)  }
0x204: {  	[tilespmem:$0x1FDB0] =	vst v0;
	v0 =	vbroadcast v37, $0xF;
	_ =	sdelay $0x1  }
0x205: {  	vm4 =	veq.f32 v44, v0  }
0x206: {  	v39 =	vld [tilespmem:$0x1700];
	[tilespmem:$0x1FC70] =	vst v0;
	v0 =	vmctz.xlane vm4  }
0x207: {  	v38 =	vsel vm15, $0x1, v56  }
0x208: {  	v19 =	vadd.s32 v38, v19;
	vm5 =	veq.s32 v0, v2  }
0x209: {  	v22 =	vnsel vm5, $0x0, v19  }
0x20a: {  	(xrf0) =	vadd.scan.msk.s32 $0xffff, v22  }
0x20b: {  	(xrf0) =	vmax.scan.msk.f32 $0xffff, v39;
	_ =	sdelay $0x4  }
0x20c: {  	[tilespmem:$0x1FDE0] =	vst v0;
	v0, _, _ =	vpop (xrf0)  }
0x20d: {  	v62, _, _ =	vpop (xrf0)  }
0x20e: {  	[tilespmem:$0x1FDD0] =	vst v0;
	v0 =	vbroadcast v62, $0xF;
	_ =	sdelay $0x1  }
0x20f: {  	vm6 =	veq.f32 v39, v0  }
0x210: {  	v38 =	vld [tilespmem:$0x1780];
	[tilespmem:$0x1FC80] =	vst v0;
	v0 =	vmctz.xlane vm6  }
0x211: {  	v63 =	vsel vm5, $0x1, v56  }
0x212: {  	v19 =	vadd.s32 v63, v19;
	vm7 =	veq.s32 v0, v2  }
0x213: {  	v22 =	vnsel vm7, $0x0, v19  }
0x214: {  	(xrf0) =	vadd.scan.msk.s32 $0xffff, v22  }
0x215: {  	(xrf0) =	vmax.scan.msk.f32 $0xffff, v38;
	_ =	sdelay $0x4  }
0x216: {  	[tilespmem:$0x1FE00] =	vst v0;
	v0, _, _ =	vpop (xrf0)  }
0x217: {  	v26, _, _ =	vpop (xrf0)  }
0x218: {  	[tilespmem:$0x1FDF0] =	vst v0;
	v0 =	vbroadcast v26, $0xF;
	_ =	sdelay $0x1  }
0x219: {  	vm8 =	veq.f32 v38, v0  }
0x21a: {  	v36 =	vld [tilespmem:$0x1800];
	[tilespmem:$0x1FCB0] =	vst v0;
	v0 =	vmctz.xlane vm8  }
0x21b: {  	v29 =	vsel vm7, $0x1, v56  }
0x21c: {  	v19 =	vadd.s32 v29, v19;
	vm9 =	veq.s32 v0, v2  }
0x21d: {  	v22 =	vnsel vm9, $0x0, v19  }
0x21e: {  	(xrf0) =	vadd.scan.msk.s32 $0xffff, v22  }
0x21f: {  	(xrf0) =	vmax.scan.msk.f32 $0xffff, v36;
	_ =	sdelay $0x4  }
0x220: {  	[tilespmem:$0x1FE10] =	vst v0;
	v0, _, _ =	vpop (xrf0)  }
0x221: {  	v33, _, _ =	vpop (xrf0)  }
0x222: {  	[tilespmem:$0x1FE20] =	vst v0;
	v0 =	vbroadcast v33, $0xF;
	_ =	sdelay $0x1  }
0x223: {  	vm10 =	veq.f32 v36, v0  }
0x224: {  	[tilespmem:$0x1FCC0] =	vst v0;
	v0 =	vmctz.xlane vm10;
	_ =	sdelay $0x1  }
0x225: {  	[tilespmem:$0x1FE50] =	vst v0  }
0x226: {  	v37 =	vld [tilespmem:$0x1880]  }
0x227: {  	v34 =	vsel vm9, $0x1, v56  }
0x228: {  	v19 =	vadd.s32 v34, v19;
	vm11 =	veq.s32 v0, v2  }
0x229: {  	v22 =	vnsel vm11, $0x0, v19  }
0x22a: {  	(xrf0) =	vadd.scan.msk.s32 $0xffff, v22  }
0x22b: {  	(xrf0) =	vmax.scan.msk.f32 $0xffff, v37;
	_ =	sdelay $0x4  }
0x22c: {  	v0, _, _ =	vpop (xrf0)  }
0x22d: {  	v62, _, _ =	vpop (xrf0)  }
0x22e: {  	[tilespmem:$0x1FE30] =	vst v0;
	v0 =	vbroadcast v62, $0xF;
	_ =	sdelay $0x1  }
0x22f: {  	vm12 =	veq.f32 v37, v0  }
0x230: {  	v33 =	vld [tilespmem:$0x1900];
	[tilespmem:$0x1FCF0] =	vst v0;
	v0 =	vmctz.xlane vm12  }
0x231: {  	v63 =	vsel vm11, $0x1, v56  }
0x232: {  	v19 =	vadd.s32 v63, v19;
	vm13 =	veq.s32 v0, v2  }
0x233: {  	v22 =	vnsel vm13, $0x0, v19  }
0x234: {  	(xrf0) =	vadd.scan.msk.s32 $0xffff, v22  }
0x235: {  	(xrf0) =	vmax.scan.msk.f32 $0xffff, v33;
	_ =	sdelay $0x4  }
0x236: {  	[tilespmem:$0x1FE60] =	vst v0;
	v0, _, _ =	vpop (xrf0)  }
0x237: {  	v26, _, _ =	vpop (xrf0)  }
0x238: {  	[tilespmem:$0x1FE40] =	vst v0;
	v0 =	vbroadcast v26, $0xF;
	_ =	sdelay $0x1  }
0x239: {  	vm14 =	veq.f32 v33, v0  }
0x23a: {  	v34 =	vld [tilespmem:$0x1980];
	[tilespmem:$0x1FD00] =	vst v0;
	v0 =	vmctz.xlane vm14  }
0x23b: {  	v29 =	vsel vm13, $0x1, v56  }
0x23c: {  	v19 =	vadd.s32 v29, v19;
	vm15 =	veq.s32 v0, v2  }
0x23d: {  	v22 =	vnsel vm15, $0x0, v19  }
0x23e: {  	(xrf0) =	vadd.scan.msk.s32 $0xffff, v22  }
0x23f: {  	(xrf0) =	vmax.scan.msk.f32 $0xffff, v34;
	_ =	sdelay $0x4  }
0x240: {  	[tilespmem:$0x1FE80] =	vst v0;
	v0, _, _ =	vpop (xrf0)  }
0x241: {  	v62, _, _ =	vpop (xrf0)  }
0x242: {  	[tilespmem:$0x1FE70] =	vst v0;
	v0 =	vbroadcast v62, $0xF;
	_ =	sdelay $0x1  }
0x243: {  	vm4 =	veq.f32 v34, v0  }
0x244: {  	v29 =	vld [tilespmem:$0x1A00];
	[tilespmem:$0x1FD30] =	vst v0;
	v0 =	vmctz.xlane vm4  }
0x245: {  	v63 =	vsel vm15, $0x1, v56  }
0x246: {  	v19 =	vadd.s32 v63, v19;
	vm5 =	veq.s32 v0, v2  }
0x247: {  	v22 =	vnsel vm5, $0x0, v19  }
0x248: {  	(xrf0) =	vadd.scan.msk.s32 $0xffff, v22  }
0x249: {  	(xrf0) =	vmax.scan.msk.f32 $0xffff, v29;
	_ =	sdelay $0x4  }
0x24a: {  	[tilespmem:$0x1FEA0] =	vst v0;
	v0, _, _ =	vpop (xrf0)  }
0x24b: {  	v26, _, _ =	vpop (xrf0)  }
0x24c: {  	[tilespmem:$0x1FE90] =	vst v0;
	v0 =	vbroadcast v26, $0xF;
	_ =	sdelay $0x1  }
0x24d: {  	vm6 =	veq.f32 v29, v0  }
0x24e: {  	v22 =	vld [tilespmem:$0x1A80];
	[tilespmem:$0x1FD40] =	vst v0;
	v0 =	vmctz.xlane vm6  }
0x24f: {  	v26 =	vsel vm5, $0x1, v56  }
0x250: {  	v19 =	vadd.s32 v26, v19;
	vm7 =	veq.s32 v0, v2  }
0x251: {  	v26 =	vnsel vm7, $0x0, v19  }
0x252: {  	(xrf0) =	vadd.scan.msk.s32 $0xffff, v26  }
0x253: {  	(xrf0) =	vmax.scan.msk.f32 $0xffff, v22;
	_ =	sdelay $0x4  }
0x254: {  	[tilespmem:$0x1FEC0] =	vst v0;
	v0, _, _ =	vpop (xrf0)  }
0x255: {  	v62, _, _ =	vpop (xrf0)  }
0x256: {  	[tilespmem:$0x1FEB0] =	vst v0;
	v0 =	vbroadcast v62, $0xF;
	_ =	sdelay $0x1  }
0x257: {  	vm8 =	veq.f32 v22, v0  }
0x258: {  	v26 =	vld [tilespmem:$0x1B00];
	[tilespmem:$0x1FD50] =	vst v0;
	v0 =	vmctz.xlane vm8  }
0x259: {  	v62 =	vsel vm7, $0x1, v56  }
0x25a: {  	v62 =	vadd.s32 v62, v19;
	vm9 =	veq.s32 v0, v2  }
0x25b: {  	v19 =	vnsel vm9, $0x0, v62  }
0x25c: {  	(xrf0) =	vadd.scan.msk.s32 $0xffff, v19  }
0x25d: {  	(xrf0) =	vmax.scan.msk.f32 $0xffff, v26;
	_ =	sdelay $0x4  }
0x25e: {  	[tilespmem:$0x1FEE0] =	vst v0;
	v0, _, _ =	vpop (xrf0)  }
0x25f: {  	v63, _, _ =	vpop (xrf0)  }
0x260: {  	[tilespmem:$0x1FED0] =	vst v0;
	v0 =	vbroadcast v63, $0xF;
	_ =	sdelay $0x1  }
0x261: {  	vm10 =	veq.f32 v26, v0  }
0x262: {  	[tilespmem:$0x1FD80] =	vst v0;
	v0 =	vmctz.xlane vm10  }
0x263: {  	v63 =	vsel vm9, $0x1, v56  }
0x264: {  	v62 =	vadd.s32 v63, v62;
	vm1 =	veq.s32 v0, v2  }
0x265: {  	v63 =	vbroadcast v60, $0xF;
	v60 =	vnsel vm1, $0x0, v62  }
0x266: {  	(xrf0) =	vadd.scan.msk.s32 $0xffff, v60;
	v60 =	vld [tilespmem:$0x1FF10];
	_ =	sdelay $0x4  }
0x267: {  	vm11 =	vnez.u8 v60  }
0x268: {  	v60 =	vsel vm11, v58, v57;
	v57 =	vld [tilespmem:$0x1F5E0];
	_ =	sdelay $0x4  }
0x269: {  	v58 =	vbroadcast v57, $0xF;
	v57 =	vld [tilespmem:$0x1FF20];
	_ =	sdelay $0x4  }
0x26a: {  	vm3 =	vnez.u8 v57;
	v57 =	vld [tilespmem:$0x1F5F0]  }
0x26b: {  	[tilespmem:$0x1FEF0] =	vst v0;
	v0 =	vld [tilespmem:$0x1F5B0];
	_ =	sdelay $0x3  }
0x26c: {  	v60 =	vsel vm3, v60, v57;
	v57 =	vld [tilespmem:$0x1F600]  }
0x26d: {  	v0 =	vbroadcast v0, $0xF;
	_ =	sdelay $0x1  }
0x26e: {  	v0 =	vsel vm11, v63, v0;
	v63 =	vld [tilespmem:$0x1F5C0]  }
0x26f: {  	v59 =	vsub.f32 v59, v61;
	v61 =	vld [tilespmem:$0x1F5D0]  }
0x270: {  	v13 =	vsub.f32 v13, v57;
	v57 =	vld [tilespmem:$0x1FF00];
	_ =	sdelay $0x2  }
0x271: {  	v63 =	vbroadcast v63, $0xF  }
0x272: {  	v61 =	vbroadcast v61, $0xF;
	vm12 =	vcmask $0x704  }
0x273: {  	v63 =	vsel vm12, v63, v57  }
0x274: {  	v61 =	vsel vm3, v63, v61;
	v63 =	vld [tilespmem:$0x1FF30];
	_ =	sdelay $0x4  }
0x275: {  	vm4 =	vnez.u8 v63;
	v63 =	vld [tilespmem:$0x1F610];
	_ =	sdelay $0x3  }
0x276: {  	v0 =	vsel vm3, v0, v58;
	v58 =	vmul.f32 $1.442695020e+00, v59  }
0x277: {  	v59 =	vsel vm4, v60, v63;
	v63 =	vld [tilespmem:$0x1F620]  }
0x278: {  	(erf) = vpow2.f32 v58;
	v58 =	vld [tilespmem:$0x1F630];
	_ =	sdelay $0x1  }
0x279: {  	v19 =	vld [tilespmem:$0x1B80];
	_ =	sdelay $0x1  }
0x27a: {  	v57 =	vbroadcast v63, $0xF  }
0x27b: {  	v11 =	vsub.f32 v11, v53;
	v53 =	vbroadcast v58, $0xF  }
0x27c: {  	v58 =	vsel vm4, v61, v57;
	v61 =	vld [tilespmem:$0x1FF40]  }
0x27d: {  	(xrf0) =	vmax.scan.msk.f32 $0xffff, v19;
	v0 =	vsel vm4, v0, v53;
	v53 =	vld [tilespmem:$0x1F640];
	_ =	sdelay $0x3  }
0x27e: {  	vm5 =	vnez.u8 v61  }
0x27f: {  	v63, _, _ =	vpop (xrf0);
	v53 =	vsel vm5, v59, v53;
	v59 =	vld [tilespmem:$0x1F660]  }
0x280: {  	v60, _, _ =	vpop (xrf0)  }
0x281: {  	v4 =	vsub.f32 v4, v48;
	v13 =	vmul.f32 $1.442695020e+00, v13;
	v48 =	vbroadcast v60, $0xF;
	v60 =	vld [tilespmem:$0x1F670]  }
0x282: {  	v11 =	vmul.f32 $1.442695020e+00, v11  }
0x283: {  	v4 =	vmul.f32 $1.442695020e+00, v4;
	(erf) = vpow2.f32 v13  }
0x284: {  	(erf) = vpow2.f32 v11;
	v61 =	vld [tilespmem:$0x1FF50];
	v11 =	vbroadcast v59, $0xF  }
0x285: {  	(erf) = vpow2.f32 v4;
	v57 =	vld [tilespmem:$0x1F650]  }
0x286: {  	v4 =	vbroadcast v60, $0xF;
	v60 =	vld [tilespmem:$0x1F680];
	v0 =	vsel vm5, v0, v11;
	v11 =	vsel vm1, $0x1, v56  }
0x287: {  	v11 =	vadd.s32 v11, v62;
	v62 =	vld [tilespmem:$0x1F6A0]  }
0x288: {  	vm13 =	veq.f32 v19, v48  }
0x289: {  	vm6 =	vnez.u8 v61;
	v61 =	vld [tilespmem:$0x1F690];
	v59 =	vmctz.xlane vm13;
	_ =	sdelay $0x1  }
0x28a: {  	v13 =	vbroadcast v57, $0xF;
	vm14 =	veq.s32 v59, v2  }
0x28b: {  	v53 =	vsel vm6, v53, v60;
	v60 =	vnsel vm14, $0x0, v11;
	v40 =	vsub.f32 v40, v62;
	v62 =	vld [tilespmem:$0x1FF60]  }
0x28c: {  	v58 =	vsel vm5, v58, v13;
	(xrf0) =	vadd.scan.msk.s32 $0xffff, v60;
	v60 =	vld [tilespmem:$0x1F6B0]  }
0x28d: {  	v4 =	vsel vm6, v58, v4;
	v58 =	vbroadcast v61, $0xF;
	v61 =	vld [tilespmem:$0x1F6C0];
	_ =	sdelay $0x2  }
0x28e: {  	vm7 =	vnez.u8 v62;
	v62 =	vld [tilespmem:$0x1F6D0]  }
0x28f: {  	v60 =	vbroadcast v60, $0xF  }
0x290: {  	v61 =	vbroadcast v61, $0xF  }
0x291: {  	v0 =	vsel vm6, v0, v58;
	v4 =	vsel vm7, v4, v60;
	v60 =	vld [tilespmem:$0x1FF70]  }
0x292: {  	v0 =	vsel vm7, v0, v61;
	v61 =	vld [tilespmem:$0x1F6E0]  }
0x293: {  	v53 =	vsel vm7, v53, v62;
	v62 =	vld [tilespmem:$0x1F6F0];
	_ =	sdelay $0x1  }
0x294: {  	v7 =	vsub.f32 v7, v52;
	v52 =	vld [tilespmem:$0x1F700]  }
0x295: {  	vm8 =	vnez.u8 v60  }
0x296: {  	v53 =	vsel vm8, v53, v61;
	v61 =	vld [tilespmem:$0x1F710]  }
0x297: {  	v8 =	vsub.f32 v8, v51;
	v51 =	vpop (erf);
	v40 =	vmul.f32 $1.442695020e+00, v40;
	v58 =	vbroadcast v62, $0xF;
	v62 =	vld [tilespmem:$0x1FF80]  }
0x298: {  	(xrf2) =	vadd.scan.msk.f32 $0xffff, v51;
	v13 =	vld [tilespmem:$0x1C00];
	v60 =	vpop (erf)  }
0x299: {  	(erf) = vpow2.f32 v40;
	v40 =	vbroadcast v52, $0xF;
	v52 =	vld [tilespmem:$0x1F720];
	v57 =	vpop (erf);
	(xrf2) =	vadd.scan.msk.f32 $0xffff, v60  }
0x29a: {  	v60 =	vpop (erf);
	(xrf2) =	vadd.scan.msk.f32 $0xffff, v57  }
0x29b: {  	v0 =	vsel vm8, v0, v40;
	(xrf2) =	vadd.scan.msk.f32 $0xffff, v60;
	v60 =	vld [tilespmem:$0x1F730];
	v40 =	vbroadcast v61, $0xF  }
0x29c: {  	v4 =	vsel vm8, v4, v58;
	vm9 =	vnez.u8 v62;
	v62 =	vld [tilespmem:$0x1FF90]  }
0x29d: {  	v4 =	vsel vm9, v4, v40;
	v40 =	vld [tilespmem:$0x1F740]  }
0x29e: {  	(xrf0) =	vmax.scan.msk.f32 $0xffff, v13;
	v58 =	vsel vm9, v53, v52;
	v53 =	vld [tilespmem:$0x1F770]  }
0x29f: {  	v8 =	vmul.f32 $1.442695020e+00, v8;
	v52 =	vld [tilespmem:$0x1F760]  }
0x2a0: {  	v7 =	vmul.f32 $1.442695020e+00, v7  }
0x2a1: {  	v5 =	vsub.f32 v5, v49;
	v51 =	vld [tilespmem:$0x1F750];
	(erf) = vpow2.f32 v8  }
0x2a2: {  	(erf) = vpow2.f32 v7;
	v8 =	vbroadcast v60, $0xF;
	vm10 =	vnez.u8 v62;
	v62 =	vld [tilespmem:$0x1FFA0]  }
0x2a3: {  	v57, _, _ =	vpop (xrf0);
	v7 =	vsel vm10, v58, v40;
	v14 =	vsub.f32 v14, v53;
	v58 =	vsel vm14, $0x1, v56;
	v53 =	vld [tilespmem:$0x1F790]  }
0x2a4: {  	v61, _, _ =	vpop (xrf0);
	v0 =	vsel vm9, v0, v8;
	v8 =	vbroadcast v52, $0xF;
	v52 =	vadd.s32 v58, v11;
	v58 =	vld [tilespmem:$0x1F7A0]  }
0x2a5: {  	v5 =	vmul.f32 $1.442695020e+00, v5;
	v49 =	vbroadcast v61, $0xF;
	v60 =	vld [tilespmem:$0x1F780]  }
0x2a6: {  	v61 =	vpop (erf)  }
0x2a7: {  	(erf) = vpow2.f32 v5;
	(xrf2) =	vadd.scan.msk.f32 $0xffff, v61;
	v61 =	vld [tilespmem:$0x1F7B0];
	vm15 =	veq.f32 v13, v49;
	vm11 =	vnez.u8 v62  }
0x2a8: {  	v5 =	vbroadcast v51, $0xF;
	v40 =	vmctz.xlane vm15;
	v7 =	vsel vm11, v7, v53;
	v53 =	vld [tilespmem:$0x1FFB0]  }
0x2a9: {  	v0 =	vsel vm10, v0, v8;
	v8 =	vmul.f32 $1.442695020e+00, v14;
	v14, _, _ =	vpop (xrf2);
	v11 =	vbroadcast v58, $0xF;
	v58 =	vld [tilespmem:$0x1F7C0]  }
0x2aa: {  	v4 =	vsel vm10, v4, v5;
	v5 =	vbroadcast v60, $0xF;
	v62, _, _ =	vpop (xrf2)  }
0x2ab: {  	vm1 =	veq.s32 v40, v2;
	(erf) = vpow2.f32 v8;
	v8 =	vbroadcast v62, $0xF;
	v62 =	vld [tilespmem:$0x1FFC0]  }
0x2ac: {  	v60 =	vnsel vm1, $0x0, v52;
	v4 =	vsel vm11, v4, v5  }
0x2ad: {  	(xrf0) =	vadd.scan.msk.s32 $0xffff, v60;
	v5 =	vbroadcast v61, $0xF;
	v60 =	vbroadcast v14, $0xF;
	v61 =	vld [tilespmem:$0x1F7D0];
	vm12 =	vnez.u8 v53  }
0x2ae: {  	v0 =	vsel vm11, v0, v11;
	v7 =	vsel vm12, v7, v58;
	v58 =	vld [tilespmem:$0x1F7E0]  }
0x2af: {  	v0 =	vsel vm12, v0, v60;
	v60 =	vld [tilespmem:$0x1F7F0]  }
0x2b0: {  	vm13 =	vnez.u8 v62;
	v62 =	vld [tilespmem:$0x1FFD0];
	_ =	sdelay $0x1  }
0x2b1: {  	v51 =	vld [tilespmem:$0x1C80];
	v4 =	vsel vm12, v4, v5;
	v5 =	vbroadcast v61, $0xF;
	v61 =	vpop (erf)  }
0x2b2: {  	(xrf2) =	vadd.scan.msk.f32 $0xffff, v61;
	v61 =	vld [tilespmem:$0x1F810]  }
0x2b3: {  	v7 =	vsel vm13, v7, v58;
	v11 =	vbroadcast v60, $0xF;
	v58 =	vld [tilespmem:$0x1FFE0]  }
0x2b4: {  	v4 =	vsel vm13, v4, v5;
	vm14 =	vnez.u8 v62  }
0x2b5: {  	v14, _, _ =	vpop (xrf2);
	v4 =	vsel vm14, v4, v11;
	v11 =	vld [tilespmem:$0x1F820]  }
0x2b6: {  	v53, _, _ =	vpop (xrf2);
	v5 =	vbroadcast v14, $0xF  }
0x2b7: {  	v0 =	vsel vm13, v0, v8;
	v60 =	vld [tilespmem:$0x1F800];
	v14 =	vsub.f32 v32, v61;
	v61 =	vbroadcast v53, $0xF  }
0x2b8: {  	(xrf0) =	vmax.scan.msk.f32 $0xffff, v51;
	v0 =	vsel vm14, v0, v5;
	vm15 =	vnez.u8 v58  }
0x2b9: {  	v0 =	vsel vm15, v0, v61;
	v61 =	vld [tilespmem:$0x1F860]  }
0x2ba: {  	v5 =	vsub.f32 v27, v11;
	v27 =	vld [tilespmem:$0x1F830]  }
0x2bb: {  	v8 =	vpop (erf);
	v53 =	vld [tilespmem:$0x1FFF0]  }
0x2bc: {  	v62 =	vpop (erf);
	v7 =	vsel vm14, v7, v60;
	v60 =	vld [tilespmem:$0x1F840]  }
0x2bd: {  	(xrf2) =	vadd.scan.msk.f32 $0xffff, v8;
	v32 =	vld [tilespmem:$0x1F880];
	v11, _, _ =	vpop (xrf0)  }
0x2be: {  	(xrf2) =	vadd.scan.msk.f32 $0xffff, v62;
	v58 =	vld [tilespmem:$0x1F850];
	v62, _, _ =	vpop (xrf0)  }
0x2bf: {  	v8 =	vbroadcast v27, $0xF;
	v27 =	vbroadcast v62, $0xF;
	v62 =	vsub.f32 v30, v61;
	v30 =	vld [tilespmem:$0x1F870];
	_ =	sdelay $0x1  }
0x2c0: {  	v14 =	vmul.f32 $1.442695020e+00, v14;
	v7 =	vsel vm15, v7, v60;
	v60 =	vpop (erf)  }
0x2c1: {  	vm2 =	vnez.u8 v53;
	v53 =	vsub.f32 v25, v32;
	(xrf2) =	vadd.scan.msk.f32 $0xffff, v60;
	v60 =	vsel vm1, $0x1, v56  }
0x2c2: {  	v32 =	vadd.s32 v60, v52;
	v60 =	vld [tilespmem:$0x1FF10];
	v4 =	vsel vm15, v4, v8;
	v8 =	vsel vm2, v7, v58;
	v58, _, _ =	vpop (xrf2)  }
0x2c3: {  	v7 =	vsel vm2, v4, v30;
	v4 =	vsel vm2, v0, v58;
	v0 =	vmul.f32 $1.442695020e+00, v62;
	v62 =	vld [tilespmem:$0x1F8A0]  }
0x2c4: {  	v5 =	vmul.f32 $1.442695020e+00, v5;
	v58 =	vld [tilespmem:$0x1F8B0]  }
0x2c5: {  	(erf) = vpow2.f32 v14;
	vm0 =	veq.f32 v51, v27  }
0x2c6: {  	(erf) = vpow2.f32 v5;
	v5 =	vmctz.xlane vm0  }
0x2c7: {  	(erf) = vpow2.f32 v0;
	v0 =	vld [tilespmem:$0x1F890]  }
0x2c8: {  	vm1 =	veq.s32 v5, v2;
	vm0 =	vnez.u8 v60  }
0x2c9: {  	v61 =	vnsel vm1, $0x0, v32;
	v30 =	vsel vm0, v62, v58;
	v62 =	vld [tilespmem:$0x1F8D0]  }
0x2ca: {  	(xrf0) =	vadd.scan.msk.s32 $0xffff, v61;
	v61 =	vld [tilespmem:$0x1F8C0];
	_ =	sdelay $0x1  }
0x2cb: {  	v0 =	vsub.f32 v23, v0  }
0x2cc: {  	v14 =	vmul.f32 $1.442695020e+00, v53  }
0x2cd: {  	v0 =	vmul.f32 $1.442695020e+00, v0;
	v20 =	vsub.f32 v20, v62  }
0x2ce: {  	(erf) = vpow2.f32 v14;
	v14 =	vbroadcast v61, $0xF  }
0x2cf: {  	v23, _, _ =	vpop (xrf2);
	v61 =	vld [tilespmem:$0x1F8F0];
	(erf) = vpow2.f32 v0;
	v0 =	vmul.f32 $1.442695020e+00, v20  }
0x2d0: {  	v58 =	vld [tilespmem:$0x1F8E0];
	v60, _, _ =	vpop (xrf2);
	v23 =	vbroadcast v23, $0xF  }
0x2d1: {  	v53 =	vbroadcast v60, $0xF;
	(erf) = vpow2.f32 v0;
	v0 =	vld [tilespmem:$0x1F910]  }
0x2d2: {  	v25 =	vld [tilespmem:$0x1D00]  }
0x2d3: {  	v62, _, _ =	vpop (xrf2);
	v23 =	vsel vm0, v23, v53;
	v53 =	vld [tilespmem:$0x1F900]  }
0x2d4: {  	v15 =	vsub.f32 v15, v61;
	v61 =	vbroadcast v62, $0xF  }
0x2d5: {  	v52 =	vbroadcast v58, $0xF;
	v58 =	vld [tilespmem:$0x1F930]  }
0x2d6: {  	v0 =	vsub.f32 v18, v0;
	v18 =	vsel vm3, v23, v61;
	v61 =	vld [tilespmem:$0x1F940]  }
0x2d7: {  	v62 =	vld [tilespmem:$0x1F920];
	v15 =	vmul.f32 $1.442695020e+00, v15  }
0x2d8: {  	(xrf0) =	vmax.scan.msk.f32 $0xffff, v25;
	v20 =	vbroadcast v53, $0xF;
	v0 =	vmul.f32 $1.442695020e+00, v0  }
0x2d9: {  	v14 =	vsel vm0, v14, v52;
	v52 =	vpop (erf)  }
0x2da: {  	(xrf2) =	vadd.scan.msk.f32 $0xffff, v52;
	v60 =	vpop (erf);
	v14 =	vsel vm3, v14, v20;
	v20 =	vbroadcast v58, $0xF;
	v58 =	vld [tilespmem:$0x1F970]  }
0x2db: {  	(erf) = vpow2.f32 v15;
	v15, _, _ =	vpop (xrf0);
	v53 =	vsub.f32 v16, v61  }
0x2dc: {  	(xrf2) =	vadd.scan.msk.f32 $0xffff, v60;
	v30 =	vsel vm3, v30, v62;
	v62 =	vld [tilespmem:$0x1F950];
	(erf) = vpow2.f32 v0;
	v0 =	vpop (erf)  }
0x2dd: {  	(xrf2) =	vadd.scan.msk.f32 $0xffff, v0;
	v0 =	vmul.f32 $1.442695020e+00, v53;
	v53 =	vld [tilespmem:$0x1F960];
	v61 =	vpop (erf)  }
0x2de: {  	v60, _, _ =	vpop (xrf0);
	(xrf2) =	vadd.scan.msk.f32 $0xffff, v61;
	v61 =	vld [tilespmem:$0x1F990]  }
0x2df: {  	v16 =	vbroadcast v60, $0xF;
	v60 =	vsub.f32 v17, v58  }
0x2e0: {  	v52, _, _ =	vpop (xrf2);
	(erf) = vpow2.f32 v0;
	v0 =	vsub.f32 v9, v54  }
0x2e1: {  	v52 =	vbroadcast v52, $0xF;
	v23 =	vsel vm4, v30, v62;
	v30 =	vmul.f32 $1.442695020e+00, v60  }
0x2e2: {  	v20 =	vsel vm4, v14, v20;
	v62 =	vsel vm1, $0x1, v56;
	v0 =	vmul.f32 $1.442695020e+00, v0  }
0x2e3: {  	v23 =	vsel vm5, v23, v53;
	v53 =	vpop (erf);
	(erf) = vpow2.f32 v30;
	v12 =	vsub.f32 v12, v61  }
0x2e4: {  	v58, _, _ =	vpop (xrf2);
	vm0 =	veq.f32 v25, v16;
	(erf) = vpow2.f32 v0;
	v0 =	vsub.f32 v6, v50  }
0x2e5: {  	v9 =	vadd.s32 v62, v32;
	v62 =	vbroadcast v58, $0xF;
	v12 =	vmul.f32 $1.442695020e+00, v12  }
0x2e6: {  	v18 =	vsel vm4, v18, v52;
	v17 =	vld [tilespmem:$0x1D80];
	v14 =	vmctz.xlane vm0;
	v58 =	vpop (erf);
	v0 =	vmul.f32 $1.442695020e+00, v0  }
0x2e7: {  	v18 =	vsel vm5, v18, v62;
	v62 =	vld [tilespmem:$0x1F9B0];
	v61 =	vpop (erf);
	(erf) = vpow2.f32 v12  }
0x2e8: {  	vm1 =	veq.s32 v14, v2;
	(erf) = vpow2.f32 v0;
	v0 =	vsub.f32 v3, v47;
	v3 =	vld [tilespmem:$0x1F9C0]  }
0x2e9: {  	v54 =	vld [tilespmem:$0x1F980];
	v60 =	vnsel vm1, $0x0, v9  }
0x2ea: {  	(xrf0) =	vadd.scan.msk.s32 $0xffff, v60;
	v60 =	vld [tilespmem:$0x1F9A0]  }
0x2eb: {  	v10 =	vsub.f32 v10, v55;
	(xrf2) =	vadd.scan.msk.f32 $0xffff, v53  }
0x2ec: {  	v1 =	vsub.f32 v1, v46;
	v52, _, _ =	vpop (xrf2);
	(xrf2) =	vadd.scan.msk.f32 $0xffff, v58;
	v23 =	vsel vm6, v23, v62  }
0x2ed: {  	v10 =	vmul.f32 $1.442695020e+00, v10;
	(xrf0) =	vmax.scan.msk.f32 $0xffff, v17;
	v50 =	vbroadcast v52, $0xF;
	v52 =	vpop (erf);
	v23 =	vsel vm7, v23, v3;
	v3 =	vld [tilespmem:$0x1F9D0]  }
0x2ee: {  	v32 =	vbroadcast v54, $0xF;
	v54, _, _ =	vpop (xrf2);
	v0 =	vmul.f32 $1.442695020e+00, v0  }
0x2ef: {  	(xrf2) =	vadd.scan.msk.f32 $0xffff, v61;
	v61 =	vld [tilespmem:$0x1F9E0];
	v6 =	vbroadcast v60, $0xF;
	v60 =	vpop (erf);
	(erf) = vpow2.f32 v10  }
0x2f0: {  	(erf) = vpow2.f32 v0;
	v0 =	vmul.f32 $1.442695020e+00, v1;
	v1, _, _ =	vpop (xrf2)  }
0x2f1: {  	v53 =	vsel vm6, v18, v50;
	(xrf2) =	vadd.scan.msk.f32 $0xffff, v52;
	v18 =	vbroadcast v54, $0xF;
	v62 =	vbroadcast v1, $0xF;
	v1 =	vld [tilespmem:$0x1F9F0]  }
0x2f2: {  	v30 =	vld [tilespmem:$0x1E00];
	v20 =	vsel vm5, v20, v32;
	v55 =	vbroadcast v3, $0xF;
	v3, _, _ =	vpop (xrf0)  }
0x2f3: {  	v54 =	vld [tilespmem:$0x1FA00];
	v6 =	vsel vm6, v20, v6;
	v12 =	vsel vm7, v53, v18;
	v58, _, _ =	vpop (xrf0)  }
0x2f4: {  	v18 =	vbroadcast v61, $0xF;
	v53 =	vsel vm1, $0x1, v56;
	v61 =	vld [tilespmem:$0x1FA20];
	v50 =	vpop (erf);
	v20 =	vbroadcast v58, $0xF  }
0x2f5: {  	v10 =	vadd.s32 v53, v9;
	v53 =	vld [tilespmem:$0x1FA40];
	(erf) = vpow2.f32 v0;
	v12 =	vsel vm8, v12, v62;
	v0, _, _ =	vpop (xrf2)  }
0x2f6: {  	(xrf2) =	vadd.scan.msk.f32 $0xffff, v60;
	v52, _, _ =	vpop (xrf2);
	v23 =	vsel vm8, v23, v1;
	v6 =	vsel vm7, v6, v55;
	v58 =	vld [tilespmem:$0x1FA10];
	vm0 =	veq.f32 v17, v20  }
0x2f7: {  	(xrf2) =	vadd.scan.msk.f32 $0xffff, v50;
	v62 =	vpop (erf);
	v6 =	vsel vm8, v6, v18;
	v18 =	vbroadcast v52, $0xF;
	v52 =	vld [tilespmem:$0x1FA30];
	v1 =	vmctz.xlane vm0  }
0x2f8: {  	v47 =	vld [tilespmem:$0x1FA70];
	v9 =	vbroadcast v54, $0xF;
	v54 =	vpop (erf);
	(xrf2) =	vadd.scan.msk.f32 $0xffff, v62  }
0x2f9: {  	v0 =	vbroadcast v0, $0xF;
	(xrf2) =	vadd.scan.msk.f32 $0xffff, v54;
	v54 =	vld [tilespmem:$0x1FA90];
	vm1 =	veq.s32 v1, v2  }
0x2fa: {  	v55, _, _ =	vpop (xrf2);
	v6 =	vsel vm9, v6, v9;
	v9 =	vbroadcast v61, $0xF;
	v61 =	vld [tilespmem:$0x1FA60];
	v60 =	vnsel vm1, $0x0, v10  }
0x2fb: {  	v0 =	vsel vm9, v12, v0;
	v46, _, _ =	vpop (xrf2);
	v23 =	vsel vm9, v23, v58;
	(xrf0) =	vadd.scan.msk.s32 $0xffff, v60;
	v60 =	vld [tilespmem:$0x1FA50]  }
0x2fc: {  	v50 =	vbroadcast v46, $0xF;
	v46 =	vld [tilespmem:$0x1FAD0];
	v12 =	vsel vm10, v23, v52;
	v23 =	vbroadcast v53, $0xF;
	(xrf0) =	vmax.scan.msk.f32 $0xffff, v30  }
0x2fd: {  	v6 =	vsel vm10, v6, v9;
	v58 =	vpop (erf);
	v53 =	vld [tilespmem:$0x1FA80]  }
0x2fe: {  	(xrf2) =	vadd.scan.msk.f32 $0xffff, v58;
	v58 =	vld [tilespmem:$0x1FAA0];
	v6 =	vsel vm11, v6, v23  }
0x2ff: {  	v55 =	vbroadcast v55, $0xF;
	v9 =	vsub.f32 v31, v47;
	v62 =	vpop (erf);
	v23 =	vbroadcast v61, $0xF;
	v61 =	vld [tilespmem:$0x1FAC0]  }
0x300: {  	v52 =	vpop (erf);
	v12 =	vsel vm11, v12, v60;
	v60 =	vld [tilespmem:$0x1FAB0]  }
0x301: {  	v0 =	vsel vm10, v0, v18;
	v9 =	vmul.f32 $1.442695020e+00, v9;
	v23 =	vsel vm12, v6, v23;
	v6, _, _ =	vpop (xrf0)  }
0x302: {  	v28 =	vsub.f32 v28, v54;
	v0 =	vsel vm11, v0, v55;
	(xrf2) =	vadd.scan.msk.f32 $0xffff, v62;
	v62, _, _ =	vpop (xrf0)  }
0x303: {  	v55 =	vpop (erf);
	(xrf2) =	vadd.scan.msk.f32 $0xffff, v52;
	(erf) = vpow2.f32 v9;
	v12 =	vsel vm12, v12, v53;
	v32 =	vbroadcast v62, $0xF  }
0x304: {  	v0 =	vsel vm12, v0, v50;
	(xrf2) =	vadd.scan.msk.f32 $0xffff, v55;
	v9 =	vsub.f32 v21, v46;
	v55 =	vld [tilespmem:$0x1FAE0];
	v12 =	vsel vm13, v12, v58  }
0x305: {  	v47, _, _ =	vpop (xrf2);
	v58 =	vld [tilespmem:$0x1FAF0];
	v18 =	vsub.f32 v24, v60;
	v24 =	vbroadcast v61, $0xF;
	vm0 =	veq.f32 v30, v32  }
0x306: {  	v52, _, _ =	vpop (xrf2);
	v50 =	vmul.f32 $1.442695020e+00, v9;
	v53 =	vsel vm1, $0x1, v56;
	v62 =	vld [tilespmem:$0x1FB00];
	v9 =	vmctz.xlane vm0  }
0x307: {  	v54, _, _ =	vpop (xrf2);
	v21 =	vsel vm13, v23, v24;
	v23 =	vbroadcast v47, $0xF;
	v24 =	vadd.s32 v53, v10;
	v53 =	vld [tilespmem:$0x1FB10]  }
0x308: {  	v28 =	vmul.f32 $1.442695020e+00, v28;
	v10 =	vbroadcast v54, $0xF;
	v54 =	vld [tilespmem:$0x1FB20];
	vm1 =	veq.s32 v9, v2  }
0x309: {  	v31, _, _ =	vpop (xrf2);
	v0 =	vsel vm13, v0, v23;
	v23 =	vbroadcast v55, $0xF;
	v61 =	vnsel vm1, $0x0, v24;
	v55 =	vld [tilespmem:$0x1FB30]  }
0x30a: {  	(erf) = vpow2.f32 v28;
	v60, _, _ =	vpop (xrf2);
	v18 =	vmul.f32 $1.442695020e+00, v18;
	(xrf0) =	vadd.scan.msk.s32 $0xffff, v61;
	v61 =	vld [tilespmem:$0x1FB50]  }
0x30b: {  	v46 =	vbroadcast v58, $0xF;
	v47 =	vbroadcast v60, $0xF;
	v60 =	vld [tilespmem:$0x1FB40]  }
0x30c: {  	v28 =	vld [tilespmem:$0x1E80];
	v58 =	vpop (erf);
	(erf) = vpow2.f32 v18;
	v18 =	vbroadcast v52, $0xF  }
0x30d: {  	v12 =	vsel vm14, v12, v62;
	(xrf2) =	vadd.scan.msk.f32 $0xffff, v58;
	v58 =	vld [tilespmem:$0x1FB70];
	v21 =	vsel vm14, v21, v23  }
0x30e: {  	v0 =	vsel vm14, v0, v18;
	v21 =	vsel vm15, v21, v46;
	v46 =	vbroadcast v55, $0xF;
	v55 =	vld [tilespmem:$0x1FB60]  }
0x30f: {  	v12 =	vsel vm15, v12, v53;
	v35 =	vsub.f32 v35, v54;
	v62 =	vbroadcast v61, $0xF;
	v61 =	vld [tilespmem:$0x1FF10]  }
0x310: {  	v0 =	vsel vm15, v0, v10;
	v12 =	vsel vm2, v12, v60;
	v60 =	vld [tilespmem:$0x1FB80]  }
0x311: {  	(erf) = vpow2.f32 v50;
	v10 =	vsel vm2, v0, v31;
	v0 =	vmul.f32 $1.442695020e+00, v35  }
0x312: {  	v52, _, _ =	vpop (xrf2);
	(xrf0) =	vmax.scan.msk.f32 $0xffff, v28;
	v54 =	vld [tilespmem:$0x1FB90]  }
0x313: {  	v18 =	vsel vm2, v21, v55;
	v21 =	vpop (erf);
	(erf) = vpow2.f32 v0;
	v0 =	vld [tilespmem:$0x1FBA0]  }
0x314: {  	v23, _, _ =	vpop (xrf2);
	v55 =	vld [tilespmem:$0x1FBB0];
	vm0 =	vnez.u8 v61  }
0x315: {  	v52 =	vbroadcast v52, $0xF;
	v53, _, _ =	vpop (xrf2);
	v31 =	vsel vm0, v58, v60;
	v58 =	vld [tilespmem:$0x1FBC0]  }
0x316: {  	v23 =	vbroadcast v23, $0xF;
	(xrf2) =	vadd.scan.msk.f32 $0xffff, v21;
	v21, _, _ =	vpop (xrf0)  }
0x317: {  	v62 =	vsel vm0, v46, v62;
	v46 =	vsel vm0, v47, v52;
	v31 =	vsel vm3, v31, v54;
	v54, _, _ =	vpop (xrf2)  }
0x318: {  	v60, _, _ =	vpop (xrf0);
	v23 =	vsel vm3, v46, v23;
	v46 =	vbroadcast v54, $0xF;
	v54 =	vld [tilespmem:$0x1FC40];
	v0 =	vbroadcast v0, $0xF  }
0x319: {  	v52 =	vpop (erf);
	v47 =	vsub.f32 v41, v55;
	v41 =	vbroadcast v60, $0xF;
	v60 =	vld [tilespmem:$0x1FBE0]  }
0x31a: {  	(xrf2) =	vadd.scan.msk.f32 $0xffff, v52;
	v55 =	vld [tilespmem:$0x1FBD0];
	v50 =	vbroadcast v58, $0xF;
	v0 =	vsel vm3, v62, v0;
	v62 =	vpop (erf)  }
0x31b: {  	v58 =	vmul.f32 $1.442695020e+00, v47;
	(xrf2) =	vadd.scan.msk.f32 $0xffff, v62;
	v62 =	vld [tilespmem:$0x1FBF0]  }
0x31c: {  	v61 =	vbroadcast v53, $0xF;
	v0 =	vsel vm4, v0, v50;
	v50 =	vld [tilespmem:$0x1FC00]  }
0x31d: {  	(erf) = vpow2.f32 v58;
	v58 =	vld [tilespmem:$0x1FC10]  }
0x31e: {  	v35 =	vsel vm4, v23, v61;
	vm0 =	veq.f32 v28, v41;
	v61 =	vsub.f32 v42, v60;
	v60 =	vld [tilespmem:$0x1FC20]  }
0x31f: {  	v52 =	vsel vm1, $0x1, v56;
	v23 =	vmctz.xlane vm0  }
0x320: {  	v43 =	vsub.f32 v43, v54;
	v31 =	vsel vm4, v31, v55;
	v42 =	vld [tilespmem:$0x1F00];
	v53 =	vmul.f32 $1.442695020e+00, v61  }
0x321: {  	v54 =	vld [tilespmem:$0x1FC80];
	vm1 =	veq.s32 v23, v2;
	v47 =	vbroadcast v50, $0xF;
	v50 =	vadd.s32 v52, v24  }
0x322: {  	v31 =	vsel vm5, v31, v62;
	v62 =	vld [tilespmem:$0x1FC30];
	v61, _, _ =	vpop (xrf2);
	v55 =	vnsel vm1, $0x0, v50  }
0x323: {  	v24 =	vsub.f32 v45, v58;
	v45 =	vbroadcast v60, $0xF;
	v52 =	vbroadcast v61, $0xF;
	v60 =	vld [tilespmem:$0x1FC60]  }
0x324: {  	v35 =	vsel vm5, v35, v46;
	(erf) = vpow2.f32 v53;
	v58 =	vld [tilespmem:$0x1FC50];
	(xrf0) =	vadd.scan.msk.s32 $0xffff, v55;
	v53 =	vpop (erf)  }
0x325: {  	v0 =	vsel vm5, v0, v47;
	(xrf0) =	vmax.scan.msk.f32 $0xffff, v42;
	v35 =	vsel vm6, v35, v52;
	v52 =	vld [tilespmem:$0x1FC70];
	v55, _, _ =	vpop (xrf2)  }
0x326: {  	v0 =	vsel vm6, v0, v45;
	(xrf2) =	vadd.scan.msk.f32 $0xffff, v53;
	v53 =	vpop (erf);
	v45 =	vbroadcast v55, $0xF;
	v55 =	vld [tilespmem:$0x1FC90]  }
0x327: {  	v39 =	vsub.f32 v39, v54;
	v24 =	vmul.f32 $1.442695020e+00, v24;
	v31 =	vsel vm6, v31, v62;
	(xrf2) =	vadd.scan.msk.f32 $0xffff, v53;
	v53 =	vld [tilespmem:$0x1FCB0]  }
0x328: {  	v61 =	vmul.f32 $1.442695020e+00, v43;
	v31 =	vsel vm7, v31, v60;
	v60 =	vld [tilespmem:$0x1FCA0]  }
0x329: {  	v19 =	vsub.f32 v19, v48;
	v39 =	vmul.f32 $1.442695020e+00, v39;
	(erf) = vpow2.f32 v24;
	v62, _, _ =	vpop (xrf2)  }
0x32a: {  	(erf) = vpow2.f32 v61;
	v61 =	vbroadcast v62, $0xF;
	v44 =	vsub.f32 v44, v52  }
0x32b: {  	v46 =	vbroadcast v58, $0xF;
	v35 =	vsel vm7, v35, v45;
	v58 =	vbroadcast v55, $0xF  }
0x32c: {  	v24, _, _ =	vpop (xrf0);
	v62 =	vmul.f32 $1.442695020e+00, v44;
	v47 =	vsub.f32 v38, v53;
	v44 =	vsel vm8, v35, v61;
	v61 =	vld [tilespmem:$0x1FCD0]  }
0x32d: {  	v0 =	vsel vm7, v0, v46;
	v52, _, _ =	vpop (xrf0);
	v53 =	vld [tilespmem:$0x1FCF0];
	v46 =	vsel vm8, v31, v60;
	v60 =	vsel vm1, $0x1, v56  }
0x32e: {  	v54 =	vpop (erf);
	v0 =	vsel vm8, v0, v58;
	(erf) = vpow2.f32 v62;
	v55 =	vmul.f32 $1.442695020e+00, v47;
	v58 =	vld [tilespmem:$0x1FCC0]  }
0x32f: {  	v38 =	vbroadcast v52, $0xF;
	(xrf2) =	vadd.scan.msk.f32 $0xffff, v54;
	v35 =	vadd.s32 v60, v50;
	v50 =	vld [tilespmem:$0x1FCE0];
	(erf) = vpow2.f32 v39  }
0x330: {  	v19 =	vmul.f32 $1.442695020e+00, v19;
	(erf) = vpow2.f32 v55;
	v55 =	vld [tilespmem:$0x1FD00]  }
0x331: {  	v27 =	vsub.f32 v51, v27;
	vm0 =	veq.f32 v42, v38;
	v43 =	vsel vm9, v46, v61;
	v61 =	vld [tilespmem:$0x1FD20]  }
0x332: {  	v11 =	vbroadcast v11, $0xF;
	v31 =	vmctz.xlane vm0;
	v52 =	vpop (erf);
	v37 =	vsub.f32 v37, v53;
	v53 =	vld [tilespmem:$0x1FD40]  }
0x333: {  	v27 =	vmul.f32 $1.442695020e+00, v27;
	v16 =	vsub.f32 v25, v16;
	v62, _, _ =	vpop (xrf2);
	v36 =	vsub.f32 v36, v58;
	v58 =	vld [tilespmem:$0x1FD10]  }
0x334: {  	(xrf2) =	vadd.scan.msk.f32 $0xffff, v52;
	vm1 =	veq.s32 v31, v2;
	v39 =	vbroadcast v62, $0xF;
	v45 =	vbroadcast v50, $0xF;
	v50 =	vld [tilespmem:$0x1FD30]  }
0x335: {  	v54 =	vnsel vm1, $0x0, v35;
	v36 =	vmul.f32 $1.442695020e+00, v36;
	v33 =	vsub.f32 v33, v55;
	v55 =	vld [tilespmem:$0x1FD60]  }
0x336: {  	v49 =	vsub.f32 v13, v49;
	v15 =	vbroadcast v15, $0xF;
	v16 =	vmul.f32 $1.442695020e+00, v16;
	v62 =	vpop (erf);
	(xrf0) =	vadd.scan.msk.s32 $0xffff, v54;
	v54 =	vld [tilespmem:$0x1FD50]  }
0x337: {  	v60, _, _ =	vpop (xrf2);
	(xrf2) =	vadd.scan.msk.f32 $0xffff, v62;
	v39 =	vsel vm9, v44, v39;
	v37 =	vmul.f32 $1.442695020e+00, v37;
	(erf) = vpow2.f32 v36  }
0x338: {  	v0 =	vsel vm9, v0, v45;
	v45 =	vbroadcast v60, $0xF;
	v43 =	vsel vm10, v43, v61;
	v36 =	vld [tilespmem:$0x1F80]  }
0x339: {  	v29 =	vsub.f32 v29, v53;
	v60, _, _ =	vpop (xrf2);
	v53 =	vld [tilespmem:$0x1FD80];
	v33 =	vmul.f32 $1.442695020e+00, v33;
	(erf) = vpow2.f32 v37  }
0x33a: {  	v61 =	vld [tilespmem:$0x1FD70];
	v52 =	vpop (erf);
	v44 =	vbroadcast v58, $0xF;
	v34 =	vsub.f32 v34, v50;
	v58 =	vbroadcast v55, $0xF  }
0x33b: {  	v62 =	vbroadcast v60, $0xF;
	v60 =	vld [tilespmem:$0x1FDA0];
	(xrf2) =	vadd.scan.msk.f32 $0xffff, v52;
	v50 =	vpop (erf);
	(erf) = vpow2.f32 v33;
	v33 =	vsub.f32 v22, v54  }
0x33c: {  	v3 =	vbroadcast v3, $0xF;
	v39 =	vsel vm10, v39, v45;
	(xrf2) =	vadd.scan.msk.f32 $0xffff, v50;
	v34 =	vmul.f32 $1.442695020e+00, v34;
	v55 =	vld [tilespmem:$0x1FD90]  }
0x33d: {  	v47 =	vld [tilespmem:$0x1FDC0];
	v29 =	vmul.f32 $1.442695020e+00, v29;
	v54 =	vpop (erf);
	v0 =	vsel vm10, v0, v44;
	v33 =	vmul.f32 $1.442695020e+00, v33;
	(xrf0) =	vmax.scan.msk.f32 $0xffff, v36  }
0x33e: {  	v44 =	vld [tilespmem:$0x1FDB0];
	v26 =	vsub.f32 v26, v53;
	v0 =	vsel vm11, v0, v58;
	(erf) = vpow2.f32 v34;
	v58, _, _ =	vpop (xrf2)  }
0x33f: {  	v22, _, _ =	vpop (xrf0);
	(xrf2) =	vadd.scan.msk.f32 $0xffff, v54;
	v43 =	vsel vm11, v43, v61;
	(erf) = vpow2.f32 v29;
	v61 =	vbroadcast v58, $0xF  }
0x340: {  	v52 =	vsel vm11, v39, v62;
	v54 =	vld [tilespmem:$0x1FDE0];
	v39 =	vsel vm12, v43, v60;
	v26 =	vmul.f32 $1.442695020e+00, v26;
	v62 =	vpop (erf)  }
0x341: {  	(erf) = vpow2.f32 v33;
	v33 =	vbroadcast v55, $0xF;
	v48, _, _ =	vpop (xrf2);
	v29 =	vsel vm12, v52, v61;
	(xrf2) =	vadd.scan.msk.f32 $0xffff, v62;
	v52 =	vld [tilespmem:$0x1FDD0]  }
0x342: {  	v17 =	vsub.f32 v17, v20;
	v28 =	vsub.f32 v28, v41;
	v37 =	vsel vm13, v39, v47;
	v46 =	vpop (erf)  }
0x343: {  	v39 =	vld [tilespmem:$0x1FE00];
	(erf) = vpow2.f32 v26;
	v0 =	vsel vm12, v0, v33;
	v33 =	vbroadcast v44, $0xF;
	v45, _, _ =	vpop (xrf0)  }
0x344: {  	v17 =	vmul.f32 $1.442695020e+00, v17;
	v41 =	vld [tilespmem:$0x1FE90];
	(erf) = vpow2.f32 v19;
	v50 =	vpop (erf);
	(xrf2) =	vadd.scan.msk.f32 $0xffff, v46  }
0x345: {  	v28 =	vmul.f32 $1.442695020e+00, v28;
	v47 =	vld [tilespmem:$0x1FE20];
	v51, _, _ =	vpop (xrf2);
	v0 =	vsel vm13, v0, v33;
	(xrf2) =	vadd.scan.msk.f32 $0xffff, v50;
	v33 =	vmul.f32 $1.442695020e+00, v49  }
0x346: {  	v34 =	vsel vm14, v37, v54;
	v19 =	vbroadcast v48, $0xF;
	v61 =	vld [tilespmem:$0x1FDF0];
	v58, _, _ =	vpop (xrf2);
	v43 =	vbroadcast v52, $0xF  }
0x347: {  	v37 =	vsub.f32 v30, v32;
	v46 =	vld [tilespmem:$0x1FE10];
	v26 =	vbroadcast v45, $0xF;
	v55 =	vpop (erf);
	(erf) = vpow2.f32 v33  }
0x348: {  	v30 =	vsel vm15, v34, v39;
	v53 =	vbroadcast v51, $0xF;
	v50 =	vld [tilespmem:$0x1FE30];
	(xrf2) =	vadd.scan.msk.f32 $0xffff, v55;
	v60 =	vpop (erf);
	(erf) = vpow2.f32 v27  }
0x349: {  	v19 =	vsel vm13, v29, v19;
	v45 =	vmul.f32 $1.442695020e+00, v37;
	v62, _, _ =	vpop (xrf2);
	v29 =	vbroadcast v58, $0xF;
	v58 =	vld [tilespmem:$0x1FE50];
	(xrf2) =	vadd.scan.msk.f32 $0xffff, v60  }
0x34a: {  	vm0 =	veq.f32 v36, v26;
	v19 =	vsel vm14, v19, v53;
	v53 =	vld [tilespmem:$0x1FE40];
	v0 =	vsel vm14, v0, v43;
	v43 =	vpop (erf)  }
0x34b: {  	v26 =	vsub.f32 v36, v26;
	v27 =	vbroadcast v61, $0xF;
	v61 =	vld [tilespmem:$0x1FF10];
	(erf) = vpow2.f32 v16;
	v44, _, _ =	vpop (xrf2)  }
0x34c: {  	v13 =	vmctz.xlane vm0;
	v19 =	vsel vm15, v19, v29;
	v60 =	vld [tilespmem:$0x1FE60];
	(xrf2) =	vadd.scan.msk.f32 $0xffff, v43;
	v48 =	vpop (erf);
	(erf) = vpow2.f32 v17  }
0x34d: {  	v34 =	vld [tilespmem:$0x1FE70];
	v52 =	vsub.f32 v42, v38;
	v25 =	vsel vm2, v30, v46;
	v19 =	vsel vm2, v19, v62;
	v49 =	vpop (erf)  }
0x34e: {  	v26 =	vmul.f32 $1.442695020e+00, v26;
	v46 =	vld [tilespmem:$0x1FEB0];
	v0 =	vsel vm15, v0, v27;
	(erf) = vpow2.f32 v45;
	v51, _, _ =	vpop (xrf2);
	(xrf2) =	vadd.scan.msk.f32 $0xffff, v48  }
0x34f: {  	v39 =	vld [tilespmem:$0x1FE80];
	v27 =	vmul.f32 $1.442695020e+00, v52;
	v0 =	vsel vm2, v0, v47;
	v16 =	vbroadcast v50, $0xF;
	v54, _, _ =	vpop (xrf2);
	(xrf2) =	vadd.scan.msk.f32 $0xffff, v49  }
0x350: {  	v52 =	vld [tilespmem:$0x1FED0];
	v32 =	vbroadcast v53, $0xF;
	vm0 =	vnez.u8 v61;
	v29 =	vbroadcast v44, $0xF;
	v62 =	vpop (erf)  }
0x351: {  	v30 =	vsel vm0, v58, v60;
	v45 =	vld [tilespmem:$0x1FEA0];
	v55 =	vbroadcast v51, $0xF;
	(erf) = vpow2.f32 v28;
	v38 =	vpop (erf)  }
0x352: {  	v16 =	vsel vm0, v16, v32;
	v51 =	vld [tilespmem:$0x1FEC0];
	v20 =	vbroadcast v54, $0xF;
	(erf) = vpow2.f32 v27;
	v37, _, _ =	vpop (xrf2);
	(xrf2) =	vadd.scan.msk.f32 $0xffff, v62  }
0x353: {  	v53 =	vld [tilespmem:$0x1FEE0];
	v28 =	vbroadcast v46, $0xF;
	v17 =	vsel vm0, v29, v55;
	v29 =	vbroadcast v34, $0xF;
	v42, _, _ =	vpop (xrf2);
	(xrf2) =	vadd.scan.msk.f32 $0xffff, v38  }
0x354: {  	v61 =	vld [tilespmem:$0x1FEF0];
	v27 =	vsel vm3, v30, v39;
	v55 =	vbroadcast v63, $0xF;
	v17 =	vsel vm3, v17, v20;
	v43 =	vpop (erf)  }
0x355: {  	v62 =	vbroadcast v57, $0xF;
	v16 =	vsel vm3, v16, v29;
	v29 =	vbroadcast v41, $0xF;
	v49 =	vpop (erf)  }
0x356: {  	v44 =	vbroadcast v37, $0xF;
	v27 =	vsel vm4, v27, v45;
	(erf) = vpow2.f32 v26;
	v47, _, _ =	vpop (xrf2);
	(xrf2) =	vadd.scan.msk.f32 $0xffff, v43  }
0x357: {  	v45 =	vsel vm1, $0x1, v56;
	v48 =	vbroadcast v42, $0xF;
	v27 =	vsel vm5, v27, v51;
	v50 =	vpop (erf)  }
0x358: {  	v16 =	vsel vm4, v16, v29;
	v17 =	vsel vm4, v17, v44;
	v20 =	vsel vm6, v27, v53;
	v54, _, _ =	vpop (xrf2)  }
0x359: {  	v16 =	vsel vm5, v16, v28;
	v28 =	vbroadcast v52, $0xF;
	v20 =	vsel vm7, v20, v61;
	v58, _, _ =	vpop (xrf2)  }
0x35a: {  	v17 =	vsel vm5, v17, v48;
	v20 =	vsel vm8, v20, v59;
	(xrf2) =	vadd.scan.msk.f32 $0xffff, v49;
	v29 =	vbroadcast v47, $0xF;
	v60 =	vpop (erf)  }
0x35b: {  	v16 =	vsel vm6, v16, v28;
	v20 =	vsel vm9, v20, v40;
	v27 =	vbroadcast v54, $0xF;
	(xrf2) =	vadd.scan.msk.f32 $0xffff, v50;
	v63 =	vpop (erf)  }
0x35c: {  	v16 =	vsel vm7, v16, v55;
	v17 =	vsel vm6, v17, v29;
	v36 =	vbroadcast v58, $0xF;
	v37, _, _ =	vpop (xrf2);
	(xrf2) =	vadd.scan.msk.f32 $0xffff, v60  }
0x35d: {  	v16 =	vsel vm8, v16, v62;
	v17 =	vsel vm7, v17, v27;
	v38, _, _ =	vpop (xrf2);
	(xrf2) =	vadd.scan.msk.f32 $0xffff, v63;
	v39 =	vbroadcast v37, $0xF  }
0x35e: {  	[tilespmem:$0x2000] =	vst v8;
	v11 =	vsel vm9, v16, v11;
	v17 =	vsel vm8, v17, v36;
	v41 =	vbroadcast v38, $0xF  }
0x35f: {  	[tilespmem:$0x2080] =	vst v7;
	v5 =	vsel vm10, v20, v5;
	v11 =	vsel vm10, v11, v15;
	v43 =	vpop (erf);
	v42 =	vsel vm9, v17, v39  }
0x360: {  	v15 =	vadd.s32 v45, v35;
	v8 =	vsel vm10, v42, v41;
	vm10 =	veq.s32 v13, v2;
	v44, _, _ =	vpop (xrf2);
	(xrf2) =	vadd.scan.msk.f32 $0xffff, v43  }
0x361: {  	[tilespmem:$0x2100] =	vst v4;
	v51 =	vbroadcast v6, $0xF;
	v48 =	vsel vm11, v5, v14;
	v49 =	vnsel vm10, $0x0, v15  }
0x362: {  	v53 =	vbroadcast v21, $0xF;
	v61 =	vbroadcast v22, $0xF;
	v1 =	vsel vm12, v48, v1;
	(xrf0) =	vadd.scan.msk.s32 $0xffff, v49  }
0x363: {  	[tilespmem:$0x2010] =	vst v12;
	v59 =	vbroadcast v24, $0xF;
	v1 =	vsel vm13, v1, v9;
	v3 =	vsel vm11, v11, v3  }
0x364: {  	[tilespmem:$0x2110] =	vst v10;
	v1 =	vsel vm14, v1, v23;
	v3 =	vsel vm12, v3, v51;
	v46 =	vbroadcast v44, $0xF;
	v47, _, _ =	vpop (xrf2)  }
0x365: {  	[tilespmem:$0x2090] =	vst v18;
	v1 =	vsel vm15, v1, v31;
	v3 =	vsel vm13, v3, v53;
	v50, _, _ =	vpop (xrf2);
	v52 =	vbroadcast v47, $0xF  }
0x366: {  	[tilespmem:$0x2020] =	vst v25;
	v1 =	vsel vm2, v1, v13;
	v7 =	vsel vm11, v8, v46;
	v54 =	vbroadcast v50, $0xF;
	v57, _, _ =	vpop (xrf2)  }
0x367: {  	[tilespmem:$0x20A0] =	vst v0;
	v0 =	vsel vm14, v3, v59;
	v55 =	vsel vm12, v7, v52;
	v60, _, _ =	vpop (xrf2);
	v6 =	vbroadcast v57, $0xF  }
0x368: {  	[tilespmem:$0x2120] =	vst v19;
	v0 =	vsel vm15, v0, v61;
	v58 =	vsel vm13, v55, v54;
	v3 =	vbroadcast v60, $0xF;
	v62, _, _ =	vpop (xrf0)  }
0x369: {  	[tilespmem:$0x2030] =	vst v1;
	v1 =	vsel vm10, $0x1, v56;
	v4 =	vsel vm14, v58, v6;
	v0 =	vsel vm2, v0, v62  }
0x36a: {  	v3 =	vsel vm15, v4, v3;
	[tilespmem:$0x20B0] =	vst v0;
	v0 =	vadd.s32 v1, v15;
	v63, _, _ =	vpop (xrf2)  }
0x36b: {  	[tilespmem:$0x2180] =	vst v0;
	v3 =	vsel vm2, v3, v63  }
0x36c: {  	[tilespmem:$0x2130] =	vst v3  }
0x36d: {  	[hbm4b:s4+s1] =	stream.linear.scatter [tilespmem:s10], [sflag:$0x1], $0x40, $0x38;
	[tilespmem:$0x2200] =	vst v63  }
0x36e: {  	_ =	swait.ge [sflag:s9], $0x40  }
0x36f: {  	[sflag:s9] =	ssyncset.done $0x0  }
0x370: {  	[sflag:s9] =	ssyncadd.s32 $0xFFFFFFC0  }
0x371: {  	[hbm4b:s5+s1] =	stream.linear.scatter [tilespmem:s11], [sflag:$0x1], $0x40, $0x38;
	[tilespmem:$0x2200] =	vst v63  }
0x372: {  	_ =	swait.ge [sflag:s9], $0x40  }
0x373: {  	[sflag:s9] =	ssyncset.done $0x0  }
0x374: {  	[sflag:s9] =	ssyncadd.s32 $0xFFFFFFC0  }
0x375: {  	[hbm4b:s6+s1] =	stream.linear.scatter [tilespmem:s12], [sflag:$0x1], $0x40, $0x38;
	[tilespmem:$0x2200] =	vst v63  }
0x376: {  	_ =	swait.ge [sflag:s9], $0x40  }
0x377: {  	p0 =	sne.s32 s8, $0x1;
	[sflag:s9] =	ssyncset.done $0x0  }
.Ltmp0:
0x378: {  	[sflag:s9] =	ssyncadd.s32 $0xFFFFFFC0;
	(pc) =	sbr.rel @p0 .LBB2_1-.Ltmp0, $4  }
0x379: {  	[hbm4b:s7+s1] =	stream.linear.scatter [tilespmem:s13], [sflag:$0x1], $0x80, $0x38;
	[tilespmem:$0x2200] =	vst v63  }
0x37a: {  	_ =	swait.ge [sflag:s9], $0x80  }
0x37b: {  	[sflag:s9] =	ssyncset.done $0x0  }
0x37c: {  	s8 =	sadd.s32 $0xFFFFFFFF, s8;
	[sflag:s9] =	ssyncadd.s32 $0xFFFFFF80  }
0x37d: {  	_ =	sfence.sel $0x180000  }
0x37e: {  	[bflag:$0x0] =	sbarrier.arrive $0xFFFF  }
0x37f: {  	p0 =	sne.s32 s2, $0x0;
	_ =	strace $0x90000047  }
0x380: {  	s0 =	sadd.s32 @!p0 $0x100000, s0;
	[bflag:$0x2] =	sbarrier.arrive $0xFFFF  }
0x381: {  	[sflag:s0] =	ssyncadd.tile.s32 @!p0 $0x1;
	_ =	shalt  }
.Lfunc_end2:
_tile_overlayer_lowered:
.L_overlay_start_2:
0x382: {  	(tag) =	ssettag $0x2  }
0x383: {  	s0 =	rddreg [dreg:$0x0];
	s2 =	stileid.u32  }
0x384: {  	s1 =	rddreg [dreg:$0x1];
	p0 =	sne.s32 s2, $0x0  }
0x385: {  	s3 =	rddreg [dreg:$0x2];
	[bflag:$0x3] =	sbarrier.arrive $0xFFFF;
	s2 =	simm.s32 @!p0 $0x1C01  }
0x386: {  	[timem:s3], [sflag:s2] =	dma.local @!p0 [hbm:s0], s1  }
0x387: {  	s0 =	simm.s32 @!p0 $0x1  }
0x388: {  	_ =	swait.ge @!p0 [sflag:s0], s1  }
0x389: {  	s1 =	ssub.s32 @!p0 $0x0, s1;
	[sflag:s0] =	ssyncset.done @!p0 $0x0  }
0x38a: {  	[sflag:s0] =	ssyncadd.s32 @!p0 s1  }
0x38b: {  	[bflag:$0x3] =	sbarrier.arrive $0xFFFF  }
0x38c: {  	_ =	shalt  }

</sc_bundles>
